<compile_context>
chip_gen: v7x
topology: tpu7x:2x2x1
jax: 0.10.2.dev20260603
libtpu: 0.0.44.dev20260713+nightly
codegen_flags: <defaults>
</compile_context>

<pallas_src>
import functools

import jax
import jax.numpy as jnp
from jax import lax
from jax.experimental import pallas as pl
from jax.experimental.pallas import tpu as pltpu
from jax.experimental.pallas import tpu_sc as plsc

BATCH = 16384
FACTORS = 64
NC = 2
NS = 16
NW = NC * NS
PER_W = BATCH // NW
CHUNK = 128
NCHUNK = PER_W // CHUNK
GROUPS = CHUNK // 16


def _bpr_body(user_hbm, item_i_hbm, item_j_hbm, ue_hbm, ie_hbm, ib_hbm,
              out_hbm,
              idx_u, idx_i, idx_j, rows_u, rows_i, rows_j,
              bias_i, bias_j, tr, out_v, sem):
    wid = lax.axis_index("s") * NC + lax.axis_index("c")
    base = wid * PER_W
    iota = lax.iota(jnp.int32, 16)

    for c in range(NCHUNK):
        off = base + c * CHUNK
        pltpu.sync_copy(user_hbm.at[pl.ds(off, CHUNK)], idx_u.at[c])
        pltpu.sync_copy(item_i_hbm.at[pl.ds(off, CHUNK)], idx_i.at[c])
        pltpu.sync_copy(item_j_hbm.at[pl.ds(off, CHUNK)], idx_j.at[c])

    for c in range(NCHUNK):
        d1 = pltpu.async_copy(ue_hbm.at[idx_u.at[c]], rows_u, sem)
        d2 = pltpu.async_copy(ie_hbm.at[idx_i.at[c]], rows_i, sem)
        d3 = pltpu.async_copy(ie_hbm.at[idx_j.at[c]], rows_j, sem)
        d4 = pltpu.async_copy(ib_hbm.at[idx_i.at[c]], bias_i, sem)
        d5 = pltpu.async_copy(ib_hbm.at[idx_j.at[c]], bias_j, sem)
        d1.wait()
        d2.wait()
        d3.wait()
        d4.wait()
        d5.wait()

        def group_body(g, carry):
            for b16 in range(16):
                b = g * 16 + b16
                acc = None
                for k in range(4):
                    sl = pl.ds(k * 16, 16)
                    p = rows_u[b, sl] * (rows_i[b, sl] - rows_j[b, sl])
                    acc = p if acc is None else acc + p
                tr[pl.ds(b16 * 16, 16)] = acc
            iota16 = iota * 16
            tot = plsc.load_gather(tr, [iota16])
            for cc in range(1, 16):
                tot = tot + plsc.load_gather(tr, [iota16 + cc])
            bi = bias_i[pl.ds(g * 16, 16)]
            bj = bias_j[pl.ds(g * 16, 16)]
            out_v[pl.ds(c * CHUNK + g * 16, 16)] = tot + bi - bj
            return carry

        lax.fori_loop(0, GROUPS, group_body, 0)

    pltpu.sync_copy(out_v, out_hbm.at[pl.ds(base, PER_W)])


_bpr_sc = functools.partial(
    pl.kernel,
    out_type=jax.ShapeDtypeStruct((BATCH,), jnp.float32),
    mesh=plsc.VectorSubcoreMesh(core_axis_name="c", subcore_axis_name="s"),
    compiler_params=pltpu.CompilerParams(needs_layout_passes=False,
                                         use_tc_tiling_on_sc=True),
    scratch_types=[
        pltpu.VMEM((NCHUNK, CHUNK), jnp.int32),
        pltpu.VMEM((NCHUNK, CHUNK), jnp.int32),
        pltpu.VMEM((NCHUNK, CHUNK), jnp.int32),
        pltpu.VMEM((CHUNK, 2 * FACTORS), jnp.float32),
        pltpu.VMEM((CHUNK, 2 * FACTORS), jnp.float32),
        pltpu.VMEM((CHUNK, 2 * FACTORS), jnp.float32),
        pltpu.VMEM((CHUNK,), jnp.float32),
        pltpu.VMEM((CHUNK,), jnp.float32),
        pltpu.VMEM((256,), jnp.float32),
        pltpu.VMEM((PER_W,), jnp.float32),
        pltpu.SemaphoreType.DMA,
    ],
)(_bpr_body)


def kernel(user, item_i, item_j, user_embedding, item_embedding, item_bias):
    pad = ((0, 0), (0, FACTORS))
    return _bpr_sc(user.astype(jnp.int32), item_i.astype(jnp.int32),
                   item_j.astype(jnp.int32),
                   jnp.pad(user_embedding, pad),
                   jnp.pad(item_embedding, pad),
                   item_bias.reshape(-1))

# --- scband reference (transcript-rebuilt; emitter-appended) ---
"""Pipeline reference for scband-bpr-5437428596806 (READ-ONLY COPY).

The authoritative reference and input builder live on the scoring server;
editing this copy changes nothing except your own understanding.
"""

import jax, jax.numpy as jnp
import numpy as np

NUM_USERS = 1000000
NUM_ITEMS = 1000000
FACTORS = 64
BATCH = 16384

def setup_inputs(seed: int = 0) -> dict:
    key = jax.random.key(seed)
    k1, k2, k3, k4, k5 = jax.random.split(key, 5)
    user = jax.random.randint(k1, (BATCH,), 0, NUM_USERS, dtype=jnp.int64) if jax.config.jax_enable_x64 else jax.random.randint(k1, (BATCH,), 0, NUM_USERS, dtype=jnp.int32)
    item_i = jax.random.randint(k2, (BATCH,), 0, NUM_ITEMS, dtype=user.dtype)
    item_j = jax.random.randint(k3, (BATCH,), 0, NUM_ITEMS, dtype=user.dtype)
    user_embedding = jax.random.normal(k4, (NUM_USERS, FACTORS), dtype=jnp.float32) * 0.01
    item_embedding = jax.random.normal(k5, (NUM_ITEMS, FACTORS), dtype=jnp.float32) * 0.01
    item_bias = jnp.zeros((NUM_ITEMS, 1), dtype=jnp.float32)
    return {
        "user": user,
        "item_i": item_i,
        "item_j": item_j,
        "user_embedding": user_embedding,
        "item_embedding": item_embedding,
        "item_bias": item_bias,
    }

def reference(user, item_i, item_j, user_embedding, item_embedding, item_bias):
    user_emb = jnp.take(user_embedding, user, axis=0)
    item_i_emb = jnp.take(item_embedding, item_i, axis=0)
    item_j_emb = jnp.take(item_embedding, item_j, axis=0)
    prediction_i = jnp.sum(user_emb * item_i_emb, axis=1) + jnp.take(item_bias, item_i, axis=0).squeeze(-1)
    prediction_j = jnp.sum(user_emb * item_j_emb, axis=1) + jnp.take(item_bias, item_j, axis=0).squeeze(-1)
    return prediction_i - prediction_j

if __name__ == "__main__":
    import jax
    _d = setup_inputs()
    print(jax.jit(kernel)(*tuple(_d.values())))

</pallas_src>

<mosaic_0001>
#map = affine_map<(d0, d1) -> (0)>
#map1 = affine_map<(d0, d1) -> (0, 0)>
module attributes {stable_mosaic.version = 14 : i64} {
  func.func @_bpr_body(%arg0: i32, %arg1: i32, %arg2: memref<16384xi32, #tpu.memory_space<hbm>>, %arg3: memref<16384xi32, #tpu.memory_space<hbm>>, %arg4: memref<16384xi32, #tpu.memory_space<hbm>>, %arg5: memref<1000000x128xf32, #tpu.memory_space<hbm>>, %arg6: memref<1000000x128xf32, #tpu.memory_space<hbm>>, %arg7: memref<1000000xf32, #tpu.memory_space<hbm>>, %arg8: memref<16384xf32, #tpu.memory_space<hbm>>, %arg9: memref<4x128xi32, #tpu.memory_space<vmem>>, %arg10: memref<4x128xi32, #tpu.memory_space<vmem>>, %arg11: memref<4x128xi32, #tpu.memory_space<vmem>>, %arg12: memref<128x128xf32, #tpu.memory_space<vmem>>, %arg13: memref<128x128xf32, #tpu.memory_space<vmem>>, %arg14: memref<128x128xf32, #tpu.memory_space<vmem>>, %arg15: memref<128xf32, #tpu.memory_space<vmem>>, %arg16: memref<128xf32, #tpu.memory_space<vmem>>, %arg17: memref<256xf32, #tpu.memory_space<vmem>>, %arg18: memref<512xf32, #tpu.memory_space<vmem>>, %arg19: memref<!tpu.dma_semaphore, #tpu.memory_space<semaphore_mem>>) attributes {dimension_semantics = [#tpu.dimension_semantics<core_parallel>, #tpu.dimension_semantics<subcore_parallel>], iteration_bounds = array<i64: 2, 16>, scalar_prefetch = 0 : i64, scratch_operands = 11 : i64, tpu.core_type = #tpu.core_type<sc_vector_subcore>, window_params = [{transform_indices = #map}, {transform_indices = #map}, {transform_indices = #map}, {transform_indices = #map1}, {transform_indices = #map1}, {transform_indices = #map}, {transform_indices = #map}]} {
    %mul3A = arith.constant 2 : i32
    %mul3A_0 = arith.muli %arg1, %mul3A : i32
    %add3A = arith.addi %mul3A_0, %arg0 : i32
    %mul3A_1 = arith.constant 512 : i32
    %mul3A_2 = arith.muli %add3A, %mul3A_1 : i32
    %iota3A = tpu.iota {dimensions = array<i32: 0>} : vector<16xi32>
    %add3A_3 = arith.constant 0 : i32
    %add3A_4 = arith.addi %mul3A_2, %add3A_3 : i32
    %run_scoped3A = arith.constant 0 : i32
    "tpu.region"() ({
      %run_scoped3A_307 = tpu.sem_alloc : memref<!tpu.dma_semaphore, #tpu.memory_space<semaphore_mem>>
      %dma_start3A_308 = arith.constant 0 : i32
      %dma_start3A_309 = tpu.memref_slice %arg9[%run_scoped3A, %dma_start3A_308] : memref<4x128xi32, #tpu.memory_space<vmem>> -> memref<1x128xi32, #tpu.memory_space<vmem>>
      %dma_start3A_310 = tpu.memref_squeeze %dma_start3A_309 : memref<1x128xi32, #tpu.memory_space<vmem>> -> memref<128xi32, #tpu.memory_space<vmem>>
      %dma_start3A_311 = tpu.memref_slice %arg2[%add3A_4] : memref<16384xi32, #tpu.memory_space<hbm>> -> memref<128xi32, #tpu.memory_space<hbm>>
      %dma_start3A_312 = arith.constant 0 : i32
      %dma_start3A_313 = tpu.memref_slice %arg9[%run_scoped3A, %dma_start3A_312] : memref<4x128xi32, #tpu.memory_space<vmem>> -> memref<1x128xi32, #tpu.memory_space<vmem>>
      %dma_start3A_314 = tpu.memref_squeeze %dma_start3A_313 : memref<1x128xi32, #tpu.memory_space<vmem>> -> memref<128xi32, #tpu.memory_space<vmem>>
      %dma_start3A_315 = tpu.memref_slice %arg2[%add3A_4] : memref<16384xi32, #tpu.memory_space<hbm>> -> memref<128xi32, #tpu.memory_space<hbm>>
      tpu.enqueue_dma source(%dma_start3A_315 : memref<128xi32, #tpu.memory_space<hbm>>) target(%dma_start3A_314 : memref<128xi32, #tpu.memory_space<vmem>>) target_semaphore(%run_scoped3A_307 : memref<!tpu.dma_semaphore, #tpu.memory_space<semaphore_mem>>)
      %dma_wait3A_316 = arith.constant 0 : i32
      %dma_wait3A_317 = tpu.memref_slice %arg9[%run_scoped3A, %dma_wait3A_316] : memref<4x128xi32, #tpu.memory_space<vmem>> -> memref<1x128xi32, #tpu.memory_space<vmem>>
      %dma_wait3A_318 = tpu.memref_squeeze %dma_wait3A_317 : memref<1x128xi32, #tpu.memory_space<vmem>> -> memref<128xi32, #tpu.memory_space<vmem>>
      %dma_wait3A_319 = tpu.memref_slice %arg2[%add3A_4] : memref<16384xi32, #tpu.memory_space<hbm>> -> memref<128xi32, #tpu.memory_space<hbm>>
      %dma_wait3A_320 = arith.constant 0 : i32
      %dma_wait3A_321 = tpu.memref_slice %arg9[%run_scoped3A, %dma_wait3A_320] : memref<4x128xi32, #tpu.memory_space<vmem>> -> memref<1x128xi32, #tpu.memory_space<vmem>>
      %dma_wait3A_322 = tpu.memref_squeeze %dma_wait3A_321 : memref<1x128xi32, #tpu.memory_space<vmem>> -> memref<128xi32, #tpu.memory_space<vmem>>
      %dma_wait3A_323 = tpu.memref_slice %arg2[%add3A_4] : memref<16384xi32, #tpu.memory_space<hbm>> -> memref<128xi32, #tpu.memory_space<hbm>>
      tpu.wait_dma2 semaphore(%run_scoped3A_307 : memref<!tpu.dma_semaphore, #tpu.memory_space<semaphore_mem>>) src(%dma_wait3A_323 : memref<128xi32, #tpu.memory_space<hbm>>) dst(%dma_wait3A_322 : memref<128xi32, #tpu.memory_space<vmem>>)
      tpu.yield
    }) : () -> ()
    %run_scoped3A_5 = arith.constant 0 : i32
    "tpu.region"() ({
      %run_scoped3A_307 = tpu.sem_alloc : memref<!tpu.dma_semaphore, #tpu.memory_space<semaphore_mem>>
      %dma_start3A_308 = arith.constant 0 : i32
      %dma_start3A_309 = tpu.memref_slice %arg10[%run_scoped3A_5, %dma_start3A_308] : memref<4x128xi32, #tpu.memory_space<vmem>> -> memref<1x128xi32, #tpu.memory_space<vmem>>
      %dma_start3A_310 = tpu.memref_squeeze %dma_start3A_309 : memref<1x128xi32, #tpu.memory_space<vmem>> -> memref<128xi32, #tpu.memory_space<vmem>>
      %dma_start3A_311 = tpu.memref_slice %arg3[%add3A_4] : memref<16384xi32, #tpu.memory_space<hbm>> -> memref<128xi32, #tpu.memory_space<hbm>>
      %dma_start3A_312 = arith.constant 0 : i32
      %dma_start3A_313 = tpu.memref_slice %arg10[%run_scoped3A_5, %dma_start3A_312] : memref<4x128xi32, #tpu.memory_space<vmem>> -> memref<1x128xi32, #tpu.memory_space<vmem>>
      %dma_start3A_314 = tpu.memref_squeeze %dma_start3A_313 : memref<1x128xi32, #tpu.memory_space<vmem>> -> memref<128xi32, #tpu.memory_space<vmem>>
      %dma_start3A_315 = tpu.memref_slice %arg3[%add3A_4] : memref<16384xi32, #tpu.memory_space<hbm>> -> memref<128xi32, #tpu.memory_space<hbm>>
      tpu.enqueue_dma source(%dma_start3A_315 : memref<128xi32, #tpu.memory_space<hbm>>) target(%dma_start3A_314 : memref<128xi32, #tpu.memory_space<vmem>>) target_semaphore(%run_scoped3A_307 : memref<!tpu.dma_semaphore, #tpu.memory_space<semaphore_mem>>)
      %dma_wait3A_316 = arith.constant 0 : i32
      %dma_wait3A_317 = tpu.memref_slice %arg10[%run_scoped3A_5, %dma_wait3A_316] : memref<4x128xi32, #tpu.memory_space<vmem>> -> memref<1x128xi32, #tpu.memory_space<vmem>>
      %dma_wait3A_318 = tpu.memref_squeeze %dma_wait3A_317 : memref<1x128xi32, #tpu.memory_space<vmem>> -> memref<128xi32, #tpu.memory_space<vmem>>
      %dma_wait3A_319 = tpu.memref_slice %arg3[%add3A_4] : memref<16384xi32, #tpu.memory_space<hbm>> -> memref<128xi32, #tpu.memory_space<hbm>>
      %dma_wait3A_320 = arith.constant 0 : i32
      %dma_wait3A_321 = tpu.memref_slice %arg10[%run_scoped3A_5, %dma_wait3A_320] : memref<4x128xi32, #tpu.memory_space<vmem>> -> memref<1x128xi32, #tpu.memory_space<vmem>>
      %dma_wait3A_322 = tpu.memref_squeeze %dma_wait3A_321 : memref<1x128xi32, #tpu.memory_space<vmem>> -> memref<128xi32, #tpu.memory_space<vmem>>
      %dma_wait3A_323 = tpu.memref_slice %arg3[%add3A_4] : memref<16384xi32, #tpu.memory_space<hbm>> -> memref<128xi32, #tpu.memory_space<hbm>>
      tpu.wait_dma2 semaphore(%run_scoped3A_307 : memref<!tpu.dma_semaphore, #tpu.memory_space<semaphore_mem>>) src(%dma_wait3A_323 : memref<128xi32, #tpu.memory_space<hbm>>) dst(%dma_wait3A_322 : memref<128xi32, #tpu.memory_space<vmem>>)
      tpu.yield
    }) : () -> ()
    %run_scoped3A_6 = arith.constant 0 : i32
    "tpu.region"() ({
      %run_scoped3A_307 = tpu.sem_alloc : memref<!tpu.dma_semaphore, #tpu.memory_space<semaphore_mem>>
      %dma_start3A_308 = arith.constant 0 : i32
      %dma_start3A_309 = tpu.memref_slice %arg11[%run_scoped3A_6, %dma_start3A_308] : memref<4x128xi32, #tpu.memory_space<vmem>> -> memref<1x128xi32, #tpu.memory_space<vmem>>
      %dma_start3A_310 = tpu.memref_squeeze %dma_start3A_309 : memref<1x128xi32, #tpu.memory_space<vmem>> -> memref<128xi32, #tpu.memory_space<vmem>>
      %dma_start3A_311 = tpu.memref_slice %arg4[%add3A_4] : memref<16384xi32, #tpu.memory_space<hbm>> -> memref<128xi32, #tpu.memory_space<hbm>>
      %dma_start3A_312 = arith.constant 0 : i32
      %dma_start3A_313 = tpu.memref_slice %arg11[%run_scoped3A_6, %dma_start3A_312] : memref<4x128xi32, #tpu.memory_space<vmem>> -> memref<1x128xi32, #tpu.memory_space<vmem>>
      %dma_start3A_314 = tpu.memref_squeeze %dma_start3A_313 : memref<1x128xi32, #tpu.memory_space<vmem>> -> memref<128xi32, #tpu.memory_space<vmem>>
      %dma_start3A_315 = tpu.memref_slice %arg4[%add3A_4] : memref<16384xi32, #tpu.memory_space<hbm>> -> memref<128xi32, #tpu.memory_space<hbm>>
      tpu.enqueue_dma source(%dma_start3A_315 : memref<128xi32, #tpu.memory_space<hbm>>) target(%dma_start3A_314 : memref<128xi32, #tpu.memory_space<vmem>>) target_semaphore(%run_scoped3A_307 : memref<!tpu.dma_semaphore, #tpu.memory_space<semaphore_mem>>)
      %dma_wait3A_316 = arith.constant 0 : i32
      %dma_wait3A_317 = tpu.memref_slice %arg11[%run_scoped3A_6, %dma_wait3A_316] : memref<4x128xi32, #tpu.memory_space<vmem>> -> memref<1x128xi32, #tpu.memory_space<vmem>>
      %dma_wait3A_318 = tpu.memref_squeeze %dma_wait3A_317 : memref<1x128xi32, #tpu.memory_space<vmem>> -> memref<128xi32, #tpu.memory_space<vmem>>
      %dma_wait3A_319 = tpu.memref_slice %arg4[%add3A_4] : memref<16384xi32, #tpu.memory_space<hbm>> -> memref<128xi32, #tpu.memory_space<hbm>>
      %dma_wait3A_320 = arith.constant 0 : i32
      %dma_wait3A_321 = tpu.memref_slice %arg11[%run_scoped3A_6, %dma_wait3A_320] : memref<4x128xi32, #tpu.memory_space<vmem>> -> memref<1x128xi32, #tpu.memory_space<vmem>>
      %dma_wait3A_322 = tpu.memref_squeeze %dma_wait3A_321 : memref<1x128xi32, #tpu.memory_space<vmem>> -> memref<128xi32, #tpu.memory_space<vmem>>
      %dma_wait3A_323 = tpu.memref_slice %arg4[%add3A_4] : memref<16384xi32, #tpu.memory_space<hbm>> -> memref<128xi32, #tpu.memory_space<hbm>>
      tpu.wait_dma2 semaphore(%run_scoped3A_307 : memref<!tpu.dma_semaphore, #tpu.memory_space<semaphore_mem>>) src(%dma_wait3A_323 : memref<128xi32, #tpu.memory_space<hbm>>) dst(%dma_wait3A_322 : memref<128xi32, #tpu.memory_space<vmem>>)
      tpu.yield
    }) : () -> ()
    %add3A_7 = arith.constant 128 : i32
    %add3A_8 = arith.addi %mul3A_2, %add3A_7 : i32
    %run_scoped3A_9 = arith.constant 1 : i32
    "tpu.region"() ({
      %run_scoped3A_307 = tpu.sem_alloc : memref<!tpu.dma_semaphore, #tpu.memory_space<semaphore_mem>>
      %dma_start3A_308 = arith.constant 0 : i32
      %dma_start3A_309 = tpu.memref_slice %arg9[%run_scoped3A_9, %dma_start3A_308] : memref<4x128xi32, #tpu.memory_space<vmem>> -> memref<1x128xi32, #tpu.memory_space<vmem>>
      %dma_start3A_310 = tpu.memref_squeeze %dma_start3A_309 : memref<1x128xi32, #tpu.memory_space<vmem>> -> memref<128xi32, #tpu.memory_space<vmem>>
      %dma_start3A_311 = tpu.memref_slice %arg2[%add3A_8] : memref<16384xi32, #tpu.memory_space<hbm>> -> memref<128xi32, #tpu.memory_space<hbm>>
      %dma_start3A_312 = arith.constant 0 : i32
      %dma_start3A_313 = tpu.memref_slice %arg9[%run_scoped3A_9, %dma_start3A_312] : memref<4x128xi32, #tpu.memory_space<vmem>> -> memref<1x128xi32, #tpu.memory_space<vmem>>
      %dma_start3A_314 = tpu.memref_squeeze %dma_start3A_313 : memref<1x128xi32, #tpu.memory_space<vmem>> -> memref<128xi32, #tpu.memory_space<vmem>>
      %dma_start3A_315 = tpu.memref_slice %arg2[%add3A_8] : memref<16384xi32, #tpu.memory_space<hbm>> -> memref<128xi32, #tpu.memory_space<hbm>>
      tpu.enqueue_dma source(%dma_start3A_315 : memref<128xi32, #tpu.memory_space<hbm>>) target(%dma_start3A_314 : memref<128xi32, #tpu.memory_space<vmem>>) target_semaphore(%run_scoped3A_307 : memref<!tpu.dma_semaphore, #tpu.memory_space<semaphore_mem>>)
      %dma_wait3A_316 = arith.constant 0 : i32
      %dma_wait3A_317 = tpu.memref_slice %arg9[%run_scoped3A_9, %dma_wait3A_316] : memref<4x128xi32, #tpu.memory_space<vmem>> -> memref<1x128xi32, #tpu.memory_space<vmem>>
      %dma_wait3A_318 = tpu.memref_squeeze %dma_wait3A_317 : memref<1x128xi32, #tpu.memory_space<vmem>> -> memref<128xi32, #tpu.memory_space<vmem>>
      %dma_wait3A_319 = tpu.memref_slice %arg2[%add3A_8] : memref<16384xi32, #tpu.memory_space<hbm>> -> memref<128xi32, #tpu.memory_space<hbm>>
      %dma_wait3A_320 = arith.constant 0 : i32
      %dma_wait3A_321 = tpu.memref_slice %arg9[%run_scoped3A_9, %dma_wait3A_320] : memref<4x128xi32, #tpu.memory_space<vmem>> -> memref<1x128xi32, #tpu.memory_space<vmem>>
      %dma_wait3A_322 = tpu.memref_squeeze %dma_wait3A_321 : memref<1x128xi32, #tpu.memory_space<vmem>> -> memref<128xi32, #tpu.memory_space<vmem>>
      %dma_wait3A_323 = tpu.memref_slice %arg2[%add3A_8] : memref<16384xi32, #tpu.memory_space<hbm>> -> memref<128xi32, #tpu.memory_space<hbm>>
      tpu.wait_dma2 semaphore(%run_scoped3A_307 : memref<!tpu.dma_semaphore, #tpu.memory_space<semaphore_mem>>) src(%dma_wait3A_323 : memref<128xi32, #tpu.memory_space<hbm>>) dst(%dma_wait3A_322 : memref<128xi32, #tpu.memory_space<vmem>>)
      tpu.yield
    }) : () -> ()
    %run_scoped3A_10 = arith.constant 1 : i32
    "tpu.region"() ({
      %run_scoped3A_307 = tpu.sem_alloc : memref<!tpu.dma_semaphore, #tpu.memory_space<semaphore_mem>>
      %dma_start3A_308 = arith.constant 0 : i32
      %dma_start3A_309 = tpu.memref_slice %arg10[%run_scoped3A_10, %dma_start3A_308] : memref<4x128xi32, #tpu.memory_space<vmem>> -> memref<1x128xi32, #tpu.memory_space<vmem>>
      %dma_start3A_310 = tpu.memref_squeeze %dma_start3A_309 : memref<1x128xi32, #tpu.memory_space<vmem>> -> memref<128xi32, #tpu.memory_space<vmem>>
      %dma_start3A_311 = tpu.memref_slice %arg3[%add3A_8] : memref<16384xi32, #tpu.memory_space<hbm>> -> memref<128xi32, #tpu.memory_space<hbm>>
      %dma_start3A_312 = arith.constant 0 : i32
      %dma_start3A_313 = tpu.memref_slice %arg10[%run_scoped3A_10, %dma_start3A_312] : memref<4x128xi32, #tpu.memory_space<vmem>> -> memref<1x128xi32, #tpu.memory_space<vmem>>
      %dma_start3A_314 = tpu.memref_squeeze %dma_start3A_313 : memref<1x128xi32, #tpu.memory_space<vmem>> -> memref<128xi32, #tpu.memory_space<vmem>>
      %dma_start3A_315 = tpu.memref_slice %arg3[%add3A_8] : memref<16384xi32, #tpu.memory_space<hbm>> -> memref<128xi32, #tpu.memory_space<hbm>>
      tpu.enqueue_dma source(%dma_start3A_315 : memref<128xi32, #tpu.memory_space<hbm>>) target(%dma_start3A_314 : memref<128xi32, #tpu.memory_space<vmem>>) target_semaphore(%run_scoped3A_307 : memref<!tpu.dma_semaphore, #tpu.memory_space<semaphore_mem>>)
      %dma_wait3A_316 = arith.constant 0 : i32
      %dma_wait3A_317 = tpu.memref_slice %arg10[%run_scoped3A_10, %dma_wait3A_316] : memref<4x128xi32, #tpu.memory_space<vmem>> -> memref<1x128xi32, #tpu.memory_space<vmem>>
      %dma_wait3A_318 = tpu.memref_squeeze %dma_wait3A_317 : memref<1x128xi32, #tpu.memory_space<vmem>> -> memref<128xi32, #tpu.memory_space<vmem>>
      %dma_wait3A_319 = tpu.memref_slice %arg3[%add3A_8] : memref<16384xi32, #tpu.memory_space<hbm>> -> memref<128xi32, #tpu.memory_space<hbm>>
      %dma_wait3A_320 = arith.constant 0 : i32
      %dma_wait3A_321 = tpu.memref_slice %arg10[%run_scoped3A_10, %dma_wait3A_320] : memref<4x128xi32, #tpu.memory_space<vmem>> -> memref<1x128xi32, #tpu.memory_space<vmem>>
      %dma_wait3A_322 = tpu.memref_squeeze %dma_wait3A_321 : memref<1x128xi32, #tpu.memory_space<vmem>> -> memref<128xi32, #tpu.memory_space<vmem>>
      %dma_wait3A_323 = tpu.memref_slice %arg3[%add3A_8] : memref<16384xi32, #tpu.memory_space<hbm>> -> memref<128xi32, #tpu.memory_space<hbm>>
      tpu.wait_dma2 semaphore(%run_scoped3A_307 : memref<!tpu.dma_semaphore, #tpu.memory_space<semaphore_mem>>) src(%dma_wait3A_323 : memref<128xi32, #tpu.memory_space<hbm>>) dst(%dma_wait3A_322 : memref<128xi32, #tpu.memory_space<vmem>>)
      tpu.yield
    }) : () -> ()
    %run_scoped3A_11 = arith.constant 1 : i32
    "tpu.region"() ({
      %run_scoped3A_307 = tpu.sem_alloc : memref<!tpu.dma_semaphore, #tpu.memory_space<semaphore_mem>>
      %dma_start3A_308 = arith.constant 0 : i32
      %dma_start3A_309 = tpu.memref_slice %arg11[%run_scoped3A_11, %dma_start3A_308] : memref<4x128xi32, #tpu.memory_space<vmem>> -> memref<1x128xi32, #tpu.memory_space<vmem>>
      %dma_start3A_310 = tpu.memref_squeeze %dma_start3A_309 : memref<1x128xi32, #tpu.memory_space<vmem>> -> memref<128xi32, #tpu.memory_space<vmem>>
      %dma_start3A_311 = tpu.memref_slice %arg4[%add3A_8] : memref<16384xi32, #tpu.memory_space<hbm>> -> memref<128xi32, #tpu.memory_space<hbm>>
      %dma_start3A_312 = arith.constant 0 : i32
      %dma_start3A_313 = tpu.memref_slice %arg11[%run_scoped3A_11, %dma_start3A_312] : memref<4x128xi32, #tpu.memory_space<vmem>> -> memref<1x128xi32, #tpu.memory_space<vmem>>
      %dma_start3A_314 = tpu.memref_squeeze %dma_start3A_313 : memref<1x128xi32, #tpu.memory_space<vmem>> -> memref<128xi32, #tpu.memory_space<vmem>>
      %dma_start3A_315 = tpu.memref_slice %arg4[%add3A_8] : memref<16384xi32, #tpu.memory_space<hbm>> -> memref<128xi32, #tpu.memory_space<hbm>>
      tpu.enqueue_dma source(%dma_start3A_315 : memref<128xi32, #tpu.memory_space<hbm>>) target(%dma_start3A_314 : memref<128xi32, #tpu.memory_space<vmem>>) target_semaphore(%run_scoped3A_307 : memref<!tpu.dma_semaphore, #tpu.memory_space<semaphore_mem>>)
      %dma_wait3A_316 = arith.constant 0 : i32
      %dma_wait3A_317 = tpu.memref_slice %arg11[%run_scoped3A_11, %dma_wait3A_316] : memref<4x128xi32, #tpu.memory_space<vmem>> -> memref<1x128xi32, #tpu.memory_space<vmem>>
      %dma_wait3A_318 = tpu.memref_squeeze %dma_wait3A_317 : memref<1x128xi32, #tpu.memory_space<vmem>> -> memref<128xi32, #tpu.memory_space<vmem>>
      %dma_wait3A_319 = tpu.memref_slice %arg4[%add3A_8] : memref<16384xi32, #tpu.memory_space<hbm>> -> memref<128xi32, #tpu.memory_space<hbm>>
      %dma_wait3A_320 = arith.constant 0 : i32
      %dma_wait3A_321 = tpu.memref_slice %arg11[%run_scoped3A_11, %dma_wait3A_320] : memref<4x128xi32, #tpu.memory_space<vmem>> -> memref<1x128xi32, #tpu.memory_space<vmem>>
      %dma_wait3A_322 = tpu.memref_squeeze %dma_wait3A_321 : memref<1x128xi32, #tpu.memory_space<vmem>> -> memref<128xi32, #tpu.memory_space<vmem>>
      %dma_wait3A_323 = tpu.memref_slice %arg4[%add3A_8] : memref<16384xi32, #tpu.memory_space<hbm>> -> memref<128xi32, #tpu.memory_space<hbm>>
      tpu.wait_dma2 semaphore(%run_scoped3A_307 : memref<!tpu.dma_semaphore, #tpu.memory_space<semaphore_mem>>) src(%dma_wait3A_323 : memref<128xi32, #tpu.memory_space<hbm>>) dst(%dma_wait3A_322 : memref<128xi32, #tpu.memory_space<vmem>>)
      tpu.yield
    }) : () -> ()
    %add3A_12 = arith.constant 256 : i32
    %add3A_13 = arith.addi %mul3A_2, %add3A_12 : i32
    %run_scoped3A_14 = arith.constant 2 : i32
    "tpu.region"() ({
      %run_scoped3A_307 = tpu.sem_alloc : memref<!tpu.dma_semaphore, #tpu.memory_space<semaphore_mem>>
      %dma_start3A_308 = arith.constant 0 : i32
      %dma_start3A_309 = tpu.memref_slice %arg9[%run_scoped3A_14, %dma_start3A_308] : memref<4x128xi32, #tpu.memory_space<vmem>> -> memref<1x128xi32, #tpu.memory_space<vmem>>
      %dma_start3A_310 = tpu.memref_squeeze %dma_start3A_309 : memref<1x128xi32, #tpu.memory_space<vmem>> -> memref<128xi32, #tpu.memory_space<vmem>>
      %dma_start3A_311 = tpu.memref_slice %arg2[%add3A_13] : memref<16384xi32, #tpu.memory_space<hbm>> -> memref<128xi32, #tpu.memory_space<hbm>>
      %dma_start3A_312 = arith.constant 0 : i32
      %dma_start3A_313 = tpu.memref_slice %arg9[%run_scoped3A_14, %dma_start3A_312] : memref<4x128xi32, #tpu.memory_space<vmem>> -> memref<1x128xi32, #tpu.memory_space<vmem>>
      %dma_start3A_314 = tpu.memref_squeeze %dma_start3A_313 : memref<1x128xi32, #tpu.memory_space<vmem>> -> memref<128xi32, #tpu.memory_space<vmem>>
      %dma_start3A_315 = tpu.memref_slice %arg2[%add3A_13] : memref<16384xi32, #tpu.memory_space<hbm>> -> memref<128xi32, #tpu.memory_space<hbm>>
      tpu.enqueue_dma source(%dma_start3A_315 : memref<128xi32, #tpu.memory_space<hbm>>) target(%dma_start3A_314 : memref<128xi32, #tpu.memory_space<vmem>>) target_semaphore(%run_scoped3A_307 : memref<!tpu.dma_semaphore, #tpu.memory_space<semaphore_mem>>)
      %dma_wait3A_316 = arith.constant 0 : i32
      %dma_wait3A_317 = tpu.memref_slice %arg9[%run_scoped3A_14, %dma_wait3A_316] : memref<4x128xi32, #tpu.memory_space<vmem>> -> memref<1x128xi32, #tpu.memory_space<vmem>>
      %dma_wait3A_318 = tpu.memref_squeeze %dma_wait3A_317 : memref<1x128xi32, #tpu.memory_space<vmem>> -> memref<128xi32, #tpu.memory_space<vmem>>
      %dma_wait3A_319 = tpu.memref_slice %arg2[%add3A_13] : memref<16384xi32, #tpu.memory_space<hbm>> -> memref<128xi32, #tpu.memory_space<hbm>>
      %dma_wait3A_320 = arith.constant 0 : i32
      %dma_wait3A_321 = tpu.memref_slice %arg9[%run_scoped3A_14, %dma_wait3A_320] : memref<4x128xi32, #tpu.memory_space<vmem>> -> memref<1x128xi32, #tpu.memory_space<vmem>>
      %dma_wait3A_322 = tpu.memref_squeeze %dma_wait3A_321 : memref<1x128xi32, #tpu.memory_space<vmem>> -> memref<128xi32, #tpu.memory_space<vmem>>
      %dma_wait3A_323 = tpu.memref_slice %arg2[%add3A_13] : memref<16384xi32, #tpu.memory_space<hbm>> -> memref<128xi32, #tpu.memory_space<hbm>>
      tpu.wait_dma2 semaphore(%run_scoped3A_307 : memref<!tpu.dma_semaphore, #tpu.memory_space<semaphore_mem>>) src(%dma_wait3A_323 : memref<128xi32, #tpu.memory_space<hbm>>) dst(%dma_wait3A_322 : memref<128xi32, #tpu.memory_space<vmem>>)
      tpu.yield
    }) : () -> ()
    %run_scoped3A_15 = arith.constant 2 : i32
    "tpu.region"() ({
      %run_scoped3A_307 = tpu.sem_alloc : memref<!tpu.dma_semaphore, #tpu.memory_space<semaphore_mem>>
      %dma_start3A_308 = arith.constant 0 : i32
      %dma_start3A_309 = tpu.memref_slice %arg10[%run_scoped3A_15, %dma_start3A_308] : memref<4x128xi32, #tpu.memory_space<vmem>> -> memref<1x128xi32, #tpu.memory_space<vmem>>
      %dma_start3A_310 = tpu.memref_squeeze %dma_start3A_309 : memref<1x128xi32, #tpu.memory_space<vmem>> -> memref<128xi32, #tpu.memory_space<vmem>>
      %dma_start3A_311 = tpu.memref_slice %arg3[%add3A_13] : memref<16384xi32, #tpu.memory_space<hbm>> -> memref<128xi32, #tpu.memory_space<hbm>>
      %dma_start3A_312 = arith.constant 0 : i32
      %dma_start3A_313 = tpu.memref_slice %arg10[%run_scoped3A_15, %dma_start3A_312] : memref<4x128xi32, #tpu.memory_space<vmem>> -> memref<1x128xi32, #tpu.memory_space<vmem>>
      %dma_start3A_314 = tpu.memref_squeeze %dma_start3A_313 : memref<1x128xi32, #tpu.memory_space<vmem>> -> memref<128xi32, #tpu.memory_space<vmem>>
      %dma_start3A_315 = tpu.memref_slice %arg3[%add3A_13] : memref<16384xi32, #tpu.memory_space<hbm>> -> memref<128xi32, #tpu.memory_space<hbm>>
      tpu.enqueue_dma source(%dma_start3A_315 : memref<128xi32, #tpu.memory_space<hbm>>) target(%dma_start3A_314 : memref<128xi32, #tpu.memory_space<vmem>>) target_semaphore(%run_scoped3A_307 : memref<!tpu.dma_semaphore, #tpu.memory_space<semaphore_mem>>)
      %dma_wait3A_316 = arith.constant 0 : i32
      %dma_wait3A_317 = tpu.memref_slice %arg10[%run_scoped3A_15, %dma_wait3A_316] : memref<4x128xi32, #tpu.memory_space<vmem>> -> memref<1x128xi32, #tpu.memory_space<vmem>>
      %dma_wait3A_318 = tpu.memref_squeeze %dma_wait3A_317 : memref<1x128xi32, #tpu.memory_space<vmem>> -> memref<128xi32, #tpu.memory_space<vmem>>
      %dma_wait3A_319 = tpu.memref_slice %arg3[%add3A_13] : memref<16384xi32, #tpu.memory_space<hbm>> -> memref<128xi32, #tpu.memory_space<hbm>>
      %dma_wait3A_320 = arith.constant 0 : i32
      %dma_wait3A_321 = tpu.memref_slice %arg10[%run_scoped3A_15, %dma_wait3A_320] : memref<4x128xi32, #tpu.memory_space<vmem>> -> memref<1x128xi32, #tpu.memory_space<vmem>>
      %dma_wait3A_322 = tpu.memref_squeeze %dma_wait3A_321 : memref<1x128xi32, #tpu.memory_space<vmem>> -> memref<128xi32, #tpu.memory_space<vmem>>
      %dma_wait3A_323 = tpu.memref_slice %arg3[%add3A_13] : memref<16384xi32, #tpu.memory_space<hbm>> -> memref<128xi32, #tpu.memory_space<hbm>>
      tpu.wait_dma2 semaphore(%run_scoped3A_307 : memref<!tpu.dma_semaphore, #tpu.memory_space<semaphore_mem>>) src(%dma_wait3A_323 : memref<128xi32, #tpu.memory_space<hbm>>) dst(%dma_wait3A_322 : memref<128xi32, #tpu.memory_space<vmem>>)
      tpu.yield
    }) : () -> ()
    %run_scoped3A_16 = arith.constant 2 : i32
    "tpu.region"() ({
      %run_scoped3A_307 = tpu.sem_alloc : memref<!tpu.dma_semaphore, #tpu.memory_space<semaphore_mem>>
      %dma_start3A_308 = arith.constant 0 : i32
      %dma_start3A_309 = tpu.memref_slice %arg11[%run_scoped3A_16, %dma_start3A_308] : memref<4x128xi32, #tpu.memory_space<vmem>> -> memref<1x128xi32, #tpu.memory_space<vmem>>
      %dma_start3A_310 = tpu.memref_squeeze %dma_start3A_309 : memref<1x128xi32, #tpu.memory_space<vmem>> -> memref<128xi32, #tpu.memory_space<vmem>>
      %dma_start3A_311 = tpu.memref_slice %arg4[%add3A_13] : memref<16384xi32, #tpu.memory_space<hbm>> -> memref<128xi32, #tpu.memory_space<hbm>>
      %dma_start3A_312 = arith.constant 0 : i32
      %dma_start3A_313 = tpu.memref_slice %arg11[%run_scoped3A_16, %dma_start3A_312] : memref<4x128xi32, #tpu.memory_space<vmem>> -> memref<1x128xi32, #tpu.memory_space<vmem>>
      %dma_start3A_314 = tpu.memref_squeeze %dma_start3A_313 : memref<1x128xi32, #tpu.memory_space<vmem>> -> memref<128xi32, #tpu.memory_space<vmem>>
      %dma_start3A_315 = tpu.memref_slice %arg4[%add3A_13] : memref<16384xi32, #tpu.memory_space<hbm>> -> memref<128xi32, #tpu.memory_space<hbm>>
      tpu.enqueue_dma source(%dma_start3A_315 : memref<128xi32, #tpu.memory_space<hbm>>) target(%dma_start3A_314 : memref<128xi32, #tpu.memory_space<vmem>>) target_semaphore(%run_scoped3A_307 : memref<!tpu.dma_semaphore, #tpu.memory_space<semaphore_mem>>)
      %dma_wait3A_316 = arith.constant 0 : i32
      %dma_wait3A_317 = tpu.memref_slice %arg11[%run_scoped3A_16, %dma_wait3A_316] : memref<4x128xi32, #tpu.memory_space<vmem>> -> memref<1x128xi32, #tpu.memory_space<vmem>>
      %dma_wait3A_318 = tpu.memref_squeeze %dma_wait3A_317 : memref<1x128xi32, #tpu.memory_space<vmem>> -> memref<128xi32, #tpu.memory_space<vmem>>
      %dma_wait3A_319 = tpu.memref_slice %arg4[%add3A_13] : memref<16384xi32, #tpu.memory_space<hbm>> -> memref<128xi32, #tpu.memory_space<hbm>>
      %dma_wait3A_320 = arith.constant 0 : i32
      %dma_wait3A_321 = tpu.memref_slice %arg11[%run_scoped3A_16, %dma_wait3A_320] : memref<4x128xi32, #tpu.memory_space<vmem>> -> memref<1x128xi32, #tpu.memory_space<vmem>>
      %dma_wait3A_322 = tpu.memref_squeeze %dma_wait3A_321 : memref<1x128xi32, #tpu.memory_space<vmem>> -> memref<128xi32, #tpu.memory_space<vmem>>
      %dma_wait3A_323 = tpu.memref_slice %arg4[%add3A_13] : memref<16384xi32, #tpu.memory_space<hbm>> -> memref<128xi32, #tpu.memory_space<hbm>>
      tpu.wait_dma2 semaphore(%run_scoped3A_307 : memref<!tpu.dma_semaphore, #tpu.memory_space<semaphore_mem>>) src(%dma_wait3A_323 : memref<128xi32, #tpu.memory_space<hbm>>) dst(%dma_wait3A_322 : memref<128xi32, #tpu.memory_space<vmem>>)
      tpu.yield
    }) : () -> ()
    %add3A_17 = arith.constant 384 : i32
    %add3A_18 = arith.addi %mul3A_2, %add3A_17 : i32
    %run_scoped3A_19 = arith.constant 3 : i32
    "tpu.region"() ({
      %run_scoped3A_307 = tpu.sem_alloc : memref<!tpu.dma_semaphore, #tpu.memory_space<semaphore_mem>>
      %dma_start3A_308 = arith.constant 0 : i32
      %dma_start3A_309 = tpu.memref_slice %arg9[%run_scoped3A_19, %dma_start3A_308] : memref<4x128xi32, #tpu.memory_space<vmem>> -> memref<1x128xi32, #tpu.memory_space<vmem>>
      %dma_start3A_310 = tpu.memref_squeeze %dma_start3A_309 : memref<1x128xi32, #tpu.memory_space<vmem>> -> memref<128xi32, #tpu.memory_space<vmem>>
      %dma_start3A_311 = tpu.memref_slice %arg2[%add3A_18] : memref<16384xi32, #tpu.memory_space<hbm>> -> memref<128xi32, #tpu.memory_space<hbm>>
      %dma_start3A_312 = arith.constant 0 : i32
      %dma_start3A_313 = tpu.memref_slice %arg9[%run_scoped3A_19, %dma_start3A_312] : memref<4x128xi32, #tpu.memory_space<vmem>> -> memref<1x128xi32, #tpu.memory_space<vmem>>
      %dma_start3A_314 = tpu.memref_squeeze %dma_start3A_313 : memref<1x128xi32, #tpu.memory_space<vmem>> -> memref<128xi32, #tpu.memory_space<vmem>>
      %dma_start3A_315 = tpu.memref_slice %arg2[%add3A_18] : memref<16384xi32, #tpu.memory_space<hbm>> -> memref<128xi32, #tpu.memory_space<hbm>>
      tpu.enqueue_dma source(%dma_start3A_315 : memref<128xi32, #tpu.memory_space<hbm>>) target(%dma_start3A_314 : memref<128xi32, #tpu.memory_space<vmem>>) target_semaphore(%run_scoped3A_307 : memref<!tpu.dma_semaphore, #tpu.memory_space<semaphore_mem>>)
      %dma_wait3A_316 = arith.constant 0 : i32
      %dma_wait3A_317 = tpu.memref_slice %arg9[%run_scoped3A_19, %dma_wait3A_316] : memref<4x128xi32, #tpu.memory_space<vmem>> -> memref<1x128xi32, #tpu.memory_space<vmem>>
      %dma_wait3A_318 = tpu.memref_squeeze %dma_wait3A_317 : memref<1x128xi32, #tpu.memory_space<vmem>> -> memref<128xi32, #tpu.memory_space<vmem>>
      %dma_wait3A_319 = tpu.memref_slice %arg2[%add3A_18] : memref<16384xi32, #tpu.memory_space<hbm>> -> memref<128xi32, #tpu.memory_space<hbm>>
      %dma_wait3A_320 = arith.constant 0 : i32
      %dma_wait3A_321 = tpu.memref_slice %arg9[%run_scoped3A_19, %dma_wait3A_320] : memref<4x128xi32, #tpu.memory_space<vmem>> -> memref<1x128xi32, #tpu.memory_space<vmem>>
      %dma_wait3A_322 = tpu.memref_squeeze %dma_wait3A_321 : memref<1x128xi32, #tpu.memory_space<vmem>> -> memref<128xi32, #tpu.memory_space<vmem>>
      %dma_wait3A_323 = tpu.memref_slice %arg2[%add3A_18] : memref<16384xi32, #tpu.memory_space<hbm>> -> memref<128xi32, #tpu.memory_space<hbm>>
      tpu.wait_dma2 semaphore(%run_scoped3A_307 : memref<!tpu.dma_semaphore, #tpu.memory_space<semaphore_mem>>) src(%dma_wait3A_323 : memref<128xi32, #tpu.memory_space<hbm>>) dst(%dma_wait3A_322 : memref<128xi32, #tpu.memory_space<vmem>>)
      tpu.yield
    }) : () -> ()
    %run_scoped3A_20 = arith.constant 3 : i32
    "tpu.region"() ({
      %run_scoped3A_307 = tpu.sem_alloc : memref<!tpu.dma_semaphore, #tpu.memory_space<semaphore_mem>>
      %dma_start3A_308 = arith.constant 0 : i32
      %dma_start3A_309 = tpu.memref_slice %arg10[%run_scoped3A_20, %dma_start3A_308] : memref<4x128xi32, #tpu.memory_space<vmem>> -> memref<1x128xi32, #tpu.memory_space<vmem>>
      %dma_start3A_310 = tpu.memref_squeeze %dma_start3A_309 : memref<1x128xi32, #tpu.memory_space<vmem>> -> memref<128xi32, #tpu.memory_space<vmem>>
      %dma_start3A_311 = tpu.memref_slice %arg3[%add3A_18] : memref<16384xi32, #tpu.memory_space<hbm>> -> memref<128xi32, #tpu.memory_space<hbm>>
      %dma_start3A_312 = arith.constant 0 : i32
      %dma_start3A_313 = tpu.memref_slice %arg10[%run_scoped3A_20, %dma_start3A_312] : memref<4x128xi32, #tpu.memory_space<vmem>> -> memref<1x128xi32, #tpu.memory_space<vmem>>
      %dma_start3A_314 = tpu.memref_squeeze %dma_start3A_313 : memref<1x128xi32, #tpu.memory_space<vmem>> -> memref<128xi32, #tpu.memory_space<vmem>>
      %dma_start3A_315 = tpu.memref_slice %arg3[%add3A_18] : memref<16384xi32, #tpu.memory_space<hbm>> -> memref<128xi32, #tpu.memory_space<hbm>>
      tpu.enqueue_dma source(%dma_start3A_315 : memref<128xi32, #tpu.memory_space<hbm>>) target(%dma_start3A_314 : memref<128xi32, #tpu.memory_space<vmem>>) target_semaphore(%run_scoped3A_307 : memref<!tpu.dma_semaphore, #tpu.memory_space<semaphore_mem>>)
      %dma_wait3A_316 = arith.constant 0 : i32
      %dma_wait3A_317 = tpu.memref_slice %arg10[%run_scoped3A_20, %dma_wait3A_316] : memref<4x128xi32, #tpu.memory_space<vmem>> -> memref<1x128xi32, #tpu.memory_space<vmem>>
      %dma_wait3A_318 = tpu.memref_squeeze %dma_wait3A_317 : memref<1x128xi32, #tpu.memory_space<vmem>> -> memref<128xi32, #tpu.memory_space<vmem>>
      %dma_wait3A_319 = tpu.memref_slice %arg3[%add3A_18] : memref<16384xi32, #tpu.memory_space<hbm>> -> memref<128xi32, #tpu.memory_space<hbm>>
      %dma_wait3A_320 = arith.constant 0 : i32
      %dma_wait3A_321 = tpu.memref_slice %arg10[%run_scoped3A_20, %dma_wait3A_320] : memref<4x128xi32, #tpu.memory_space<vmem>> -> memref<1x128xi32, #tpu.memory_space<vmem>>
      %dma_wait3A_322 = tpu.memref_squeeze %dma_wait3A_321 : memref<1x128xi32, #tpu.memory_space<vmem>> -> memref<128xi32, #tpu.memory_space<vmem>>
      %dma_wait3A_323 = tpu.memref_slice %arg3[%add3A_18] : memref<16384xi32, #tpu.memory_space<hbm>> -> memref<128xi32, #tpu.memory_space<hbm>>
      tpu.wait_dma2 semaphore(%run_scoped3A_307 : memref<!tpu.dma_semaphore, #tpu.memory_space<semaphore_mem>>) src(%dma_wait3A_323 : memref<128xi32, #tpu.memory_space<hbm>>) dst(%dma_wait3A_322 : memref<128xi32, #tpu.memory_space<vmem>>)
      tpu.yield
    }) : () -> ()
    %run_scoped3A_21 = arith.constant 3 : i32
    "tpu.region"() ({
      %run_scoped3A_307 = tpu.sem_alloc : memref<!tpu.dma_semaphore, #tpu.memory_space<semaphore_mem>>
      %dma_start3A_308 = arith.constant 0 : i32
      %dma_start3A_309 = tpu.memref_slice %arg11[%run_scoped3A_21, %dma_start3A_308] : memref<4x128xi32, #tpu.memory_space<vmem>> -> memref<1x128xi32, #tpu.memory_space<vmem>>
      %dma_start3A_310 = tpu.memref_squeeze %dma_start3A_309 : memref<1x128xi32, #tpu.memory_space<vmem>> -> memref<128xi32, #tpu.memory_space<vmem>>
      %dma_start3A_311 = tpu.memref_slice %arg4[%add3A_18] : memref<16384xi32, #tpu.memory_space<hbm>> -> memref<128xi32, #tpu.memory_space<hbm>>
      %dma_start3A_312 = arith.constant 0 : i32
      %dma_start3A_313 = tpu.memref_slice %arg11[%run_scoped3A_21, %dma_start3A_312] : memref<4x128xi32, #tpu.memory_space<vmem>> -> memref<1x128xi32, #tpu.memory_space<vmem>>
      %dma_start3A_314 = tpu.memref_squeeze %dma_start3A_313 : memref<1x128xi32, #tpu.memory_space<vmem>> -> memref<128xi32, #tpu.memory_space<vmem>>
      %dma_start3A_315 = tpu.memref_slice %arg4[%add3A_18] : memref<16384xi32, #tpu.memory_space<hbm>> -> memref<128xi32, #tpu.memory_space<hbm>>
      tpu.enqueue_dma source(%dma_start3A_315 : memref<128xi32, #tpu.memory_space<hbm>>) target(%dma_start3A_314 : memref<128xi32, #tpu.memory_space<vmem>>) target_semaphore(%run_scoped3A_307 : memref<!tpu.dma_semaphore, #tpu.memory_space<semaphore_mem>>)
      %dma_wait3A_316 = arith.constant 0 : i32
      %dma_wait3A_317 = tpu.memref_slice %arg11[%run_scoped3A_21, %dma_wait3A_316] : memref<4x128xi32, #tpu.memory_space<vmem>> -> memref<1x128xi32, #tpu.memory_space<vmem>>
      %dma_wait3A_318 = tpu.memref_squeeze %dma_wait3A_317 : memref<1x128xi32, #tpu.memory_space<vmem>> -> memref<128xi32, #tpu.memory_space<vmem>>
      %dma_wait3A_319 = tpu.memref_slice %arg4[%add3A_18] : memref<16384xi32, #tpu.memory_space<hbm>> -> memref<128xi32, #tpu.memory_space<hbm>>
      %dma_wait3A_320 = arith.constant 0 : i32
      %dma_wait3A_321 = tpu.memref_slice %arg11[%run_scoped3A_21, %dma_wait3A_320] : memref<4x128xi32, #tpu.memory_space<vmem>> -> memref<1x128xi32, #tpu.memory_space<vmem>>
      %dma_wait3A_322 = tpu.memref_squeeze %dma_wait3A_321 : memref<1x128xi32, #tpu.memory_space<vmem>> -> memref<128xi32, #tpu.memory_space<vmem>>
      %dma_wait3A_323 = tpu.memref_slice %arg4[%add3A_18] : memref<16384xi32, #tpu.memory_space<hbm>> -> memref<128xi32, #tpu.memory_space<hbm>>
      tpu.wait_dma2 semaphore(%run_scoped3A_307 : memref<!tpu.dma_semaphore, #tpu.memory_space<semaphore_mem>>) src(%dma_wait3A_323 : memref<128xi32, #tpu.memory_space<hbm>>) dst(%dma_wait3A_322 : memref<128xi32, #tpu.memory_space<vmem>>)
      tpu.yield
    }) : () -> ()
    %dma_start3A = arith.constant 0 : i32
    %dma_start3A_22 = arith.constant 0 : i32
    %dma_start3A_23 = tpu.memref_slice %arg9[%dma_start3A, %dma_start3A_22] : memref<4x128xi32, #tpu.memory_space<vmem>> -> memref<1x128xi32, #tpu.memory_space<vmem>>
    %dma_start3A_24 = tpu.memref_squeeze %dma_start3A_23 : memref<1x128xi32, #tpu.memory_space<vmem>> -> memref<128xi32, #tpu.memory_space<vmem>>
    %dma_start3A_25 = arith.constant 0 : i32
    %dma_start3A_26 = arith.constant 0 : i32
    %dma_start3A_27 = tpu.memref_slice %arg5[%dma_start3A_25, %dma_start3A_26] : memref<1000000x128xf32, #tpu.memory_space<hbm>> -> memref<1000000x128xf32, #tpu.memory_space<hbm>>
    tpu.enqueue_indirect_dma source(%dma_start3A_27 : memref<1000000x128xf32, #tpu.memory_space<hbm>>) target(%arg12 : memref<128x128xf32, #tpu.memory_space<vmem>>) offsets(%dma_start3A_24 : memref<128xi32, #tpu.memory_space<vmem>>) semaphore(%arg19 : memref<!tpu.dma_semaphore, #tpu.memory_space<semaphore_mem>>)
    %dma_start3A_28 = arith.constant 0 : i32
    %dma_start3A_29 = arith.constant 0 : i32
    %dma_start3A_30 = tpu.memref_slice %arg10[%dma_start3A_28, %dma_start3A_29] : memref<4x128xi32, #tpu.memory_space<vmem>> -> memref<1x128xi32, #tpu.memory_space<vmem>>
    %dma_start3A_31 = tpu.memref_squeeze %dma_start3A_30 : memref<1x128xi32, #tpu.memory_space<vmem>> -> memref<128xi32, #tpu.memory_space<vmem>>
    %dma_start3A_32 = arith.constant 0 : i32
    %dma_start3A_33 = arith.constant 0 : i32
    %dma_start3A_34 = tpu.memref_slice %arg6[%dma_start3A_32, %dma_start3A_33] : memref<1000000x128xf32, #tpu.memory_space<hbm>> -> memref<1000000x128xf32, #tpu.memory_space<hbm>>
    tpu.enqueue_indirect_dma source(%dma_start3A_34 : memref<1000000x128xf32, #tpu.memory_space<hbm>>) target(%arg13 : memref<128x128xf32, #tpu.memory_space<vmem>>) offsets(%dma_start3A_31 : memref<128xi32, #tpu.memory_space<vmem>>) semaphore(%arg19 : memref<!tpu.dma_semaphore, #tpu.memory_space<semaphore_mem>>)
    %dma_start3A_35 = arith.constant 0 : i32
    %dma_start3A_36 = arith.constant 0 : i32
    %dma_start3A_37 = tpu.memref_slice %arg11[%dma_start3A_35, %dma_start3A_36] : memref<4x128xi32, #tpu.memory_space<vmem>> -> memref<1x128xi32, #tpu.memory_space<vmem>>
    %dma_start3A_38 = tpu.memref_squeeze %dma_start3A_37 : memref<1x128xi32, #tpu.memory_space<vmem>> -> memref<128xi32, #tpu.memory_space<vmem>>
    %dma_start3A_39 = arith.constant 0 : i32
    %dma_start3A_40 = arith.constant 0 : i32
    %dma_start3A_41 = tpu.memref_slice %arg6[%dma_start3A_39, %dma_start3A_40] : memref<1000000x128xf32, #tpu.memory_space<hbm>> -> memref<1000000x128xf32, #tpu.memory_space<hbm>>
    tpu.enqueue_indirect_dma source(%dma_start3A_41 : memref<1000000x128xf32, #tpu.memory_space<hbm>>) target(%arg14 : memref<128x128xf32, #tpu.memory_space<vmem>>) offsets(%dma_start3A_38 : memref<128xi32, #tpu.memory_space<vmem>>) semaphore(%arg19 : memref<!tpu.dma_semaphore, #tpu.memory_space<semaphore_mem>>)
    %dma_start3A_42 = arith.constant 0 : i32
    %dma_start3A_43 = arith.constant 0 : i32
    %dma_start3A_44 = tpu.memref_slice %arg10[%dma_start3A_42, %dma_start3A_43] : memref<4x128xi32, #tpu.memory_space<vmem>> -> memref<1x128xi32, #tpu.memory_space<vmem>>
    %dma_start3A_45 = tpu.memref_squeeze %dma_start3A_44 : memref<1x128xi32, #tpu.memory_space<vmem>> -> memref<128xi32, #tpu.memory_space<vmem>>
    %dma_start3A_46 = arith.constant 0 : i32
    %dma_start3A_47 = tpu.memref_slice %arg7[%dma_start3A_46] : memref<1000000xf32, #tpu.memory_space<hbm>> -> memref<1000000xf32, #tpu.memory_space<hbm>>
    tpu.enqueue_indirect_dma source(%dma_start3A_47 : memref<1000000xf32, #tpu.memory_space<hbm>>) target(%arg15 : memref<128xf32, #tpu.memory_space<vmem>>) offsets(%dma_start3A_45 : memref<128xi32, #tpu.memory_space<vmem>>) semaphore(%arg19 : memref<!tpu.dma_semaphore, #tpu.memory_space<semaphore_mem>>)
    %dma_start3A_48 = arith.constant 0 : i32
    %dma_start3A_49 = arith.constant 0 : i32
    %dma_start3A_50 = tpu.memref_slice %arg11[%dma_start3A_48, %dma_start3A_49] : memref<4x128xi32, #tpu.memory_space<vmem>> -> memref<1x128xi32, #tpu.memory_space<vmem>>
    %dma_start3A_51 = tpu.memref_squeeze %dma_start3A_50 : memref<1x128xi32, #tpu.memory_space<vmem>> -> memref<128xi32, #tpu.memory_space<vmem>>
    %dma_start3A_52 = arith.constant 0 : i32
    %dma_start3A_53 = tpu.memref_slice %arg7[%dma_start3A_52] : memref<1000000xf32, #tpu.memory_space<hbm>> -> memref<1000000xf32, #tpu.memory_space<hbm>>
    tpu.enqueue_indirect_dma source(%dma_start3A_53 : memref<1000000xf32, #tpu.memory_space<hbm>>) target(%arg16 : memref<128xf32, #tpu.memory_space<vmem>>) offsets(%dma_start3A_51 : memref<128xi32, #tpu.memory_space<vmem>>) semaphore(%arg19 : memref<!tpu.dma_semaphore, #tpu.memory_space<semaphore_mem>>)
    %dma_wait3A = arith.constant 0 : i32
    %dma_wait3A_54 = arith.constant 0 : i32
    %dma_wait3A_55 = tpu.memref_slice %arg9[%dma_wait3A, %dma_wait3A_54] : memref<4x128xi32, #tpu.memory_space<vmem>> -> memref<1x128xi32, #tpu.memory_space<vmem>>
    %dma_wait3A_56 = tpu.memref_squeeze %dma_wait3A_55 : memref<1x128xi32, #tpu.memory_space<vmem>> -> memref<128xi32, #tpu.memory_space<vmem>>
    %dma_wait3A_57 = arith.constant 0 : i32
    %dma_wait3A_58 = arith.constant 0 : i32
    %dma_wait3A_59 = tpu.memref_slice %arg5[%dma_wait3A_57, %dma_wait3A_58] : memref<1000000x128xf32, #tpu.memory_space<hbm>> -> memref<1000000x128xf32, #tpu.memory_space<hbm>>
    tpu.wait_indirect_dma semaphore(%arg19 : memref<!tpu.dma_semaphore, #tpu.memory_space<semaphore_mem>>) src(%dma_wait3A_59 : memref<1000000x128xf32, #tpu.memory_space<hbm>>) dst(%arg12 : memref<128x128xf32, #tpu.memory_space<vmem>>)
    %dma_wait3A_60 = arith.constant 0 : i32
    %dma_wait3A_61 = arith.constant 0 : i32
    %dma_wait3A_62 = tpu.memref_slice %arg10[%dma_wait3A_60, %dma_wait3A_61] : memref<4x128xi32, #tpu.memory_space<vmem>> -> memref<1x128xi32, #tpu.memory_space<vmem>>
    %dma_wait3A_63 = tpu.memref_squeeze %dma_wait3A_62 : memref<1x128xi32, #tpu.memory_space<vmem>> -> memref<128xi32, #tpu.memory_space<vmem>>
    %dma_wait3A_64 = arith.constant 0 : i32
    %dma_wait3A_65 = arith.constant 0 : i32
    %dma_wait3A_66 = tpu.memref_slice %arg6[%dma_wait3A_64, %dma_wait3A_65] : memref<1000000x128xf32, #tpu.memory_space<hbm>> -> memref<1000000x128xf32, #tpu.memory_space<hbm>>
    tpu.wait_indirect_dma semaphore(%arg19 : memref<!tpu.dma_semaphore, #tpu.memory_space<semaphore_mem>>) src(%dma_wait3A_66 : memref<1000000x128xf32, #tpu.memory_space<hbm>>) dst(%arg13 : memref<128x128xf32, #tpu.memory_space<vmem>>)
    %dma_wait3A_67 = arith.constant 0 : i32
    %dma_wait3A_68 = arith.constant 0 : i32
    %dma_wait3A_69 = tpu.memref_slice %arg11[%dma_wait3A_67, %dma_wait3A_68] : memref<4x128xi32, #tpu.memory_space<vmem>> -> memref<1x128xi32, #tpu.memory_space<vmem>>
    %dma_wait3A_70 = tpu.memref_squeeze %dma_wait3A_69 : memref<1x128xi32, #tpu.memory_space<vmem>> -> memref<128xi32, #tpu.memory_space<vmem>>
    %dma_wait3A_71 = arith.constant 0 : i32
    %dma_wait3A_72 = arith.constant 0 : i32
    %dma_wait3A_73 = tpu.memref_slice %arg6[%dma_wait3A_71, %dma_wait3A_72] : memref<1000000x128xf32, #tpu.memory_space<hbm>> -> memref<1000000x128xf32, #tpu.memory_space<hbm>>
    tpu.wait_indirect_dma semaphore(%arg19 : memref<!tpu.dma_semaphore, #tpu.memory_space<semaphore_mem>>) src(%dma_wait3A_73 : memref<1000000x128xf32, #tpu.memory_space<hbm>>) dst(%arg14 : memref<128x128xf32, #tpu.memory_space<vmem>>)
    %dma_wait3A_74 = arith.constant 0 : i32
    %dma_wait3A_75 = arith.constant 0 : i32
    %dma_wait3A_76 = tpu.memref_slice %arg10[%dma_wait3A_74, %dma_wait3A_75] : memref<4x128xi32, #tpu.memory_space<vmem>> -> memref<1x128xi32, #tpu.memory_space<vmem>>
    %dma_wait3A_77 = tpu.memref_squeeze %dma_wait3A_76 : memref<1x128xi32, #tpu.memory_space<vmem>> -> memref<128xi32, #tpu.memory_space<vmem>>
    %dma_wait3A_78 = arith.constant 0 : i32
    %dma_wait3A_79 = tpu.memref_slice %arg7[%dma_wait3A_78] : memref<1000000xf32, #tpu.memory_space<hbm>> -> memref<1000000xf32, #tpu.memory_space<hbm>>
    tpu.wait_indirect_dma semaphore(%arg19 : memref<!tpu.dma_semaphore, #tpu.memory_space<semaphore_mem>>) src(%dma_wait3A_79 : memref<1000000xf32, #tpu.memory_space<hbm>>) dst(%arg15 : memref<128xf32, #tpu.memory_space<vmem>>)
    %dma_wait3A_80 = arith.constant 0 : i32
    %dma_wait3A_81 = arith.constant 0 : i32
    %dma_wait3A_82 = tpu.memref_slice %arg11[%dma_wait3A_80, %dma_wait3A_81] : memref<4x128xi32, #tpu.memory_space<vmem>> -> memref<1x128xi32, #tpu.memory_space<vmem>>
    %dma_wait3A_83 = tpu.memref_squeeze %dma_wait3A_82 : memref<1x128xi32, #tpu.memory_space<vmem>> -> memref<128xi32, #tpu.memory_space<vmem>>
    %dma_wait3A_84 = arith.constant 0 : i32
    %dma_wait3A_85 = tpu.memref_slice %arg7[%dma_wait3A_84] : memref<1000000xf32, #tpu.memory_space<hbm>> -> memref<1000000xf32, #tpu.memory_space<hbm>>
    tpu.wait_indirect_dma semaphore(%arg19 : memref<!tpu.dma_semaphore, #tpu.memory_space<semaphore_mem>>) src(%dma_wait3A_85 : memref<1000000xf32, #tpu.memory_space<hbm>>) dst(%arg16 : memref<128xf32, #tpu.memory_space<vmem>>)
    %scan3A = arith.constant 0 : i32
    %scan3A_86 = arith.constant 0 : i32
    %scan3A_87 = arith.constant 8 : i32
    %scan3A_88 = arith.addi %scan3A_86, %scan3A_87 : i32
    %scan3A_89 = arith.constant 1 : i32
    scf.for %scan3A_307 = %scan3A_86 to %scan3A_88 step %scan3A_89  : i32 {
      %mul3A_308 = arith.constant 16 : i32
      %mul3A_309 = arith.muli %scan3A_307, %mul3A_308 : i32
      %add3A_310 = arith.constant 0 : i32
      %add3A_311 = arith.addi %mul3A_309, %add3A_310 : i32
      %get3A = arith.index_cast %add3A_311 : i32 to index
      %get3A_312 = arith.constant 0 : index
      %get3A_313 = tpu.vector_load %arg12[%get3A, %get3A_312] {strides = array<i32>} : memref<128x128xf32, #tpu.memory_space<vmem>>, vector<16xf32>,
      %get3A_314 = arith.index_cast %add3A_311 : i32 to index
      %get3A_315 = arith.constant 0 : index
      %get3A_316 = tpu.vector_load %arg13[%get3A_314, %get3A_315] {strides = array<i32>} : memref<128x128xf32, #tpu.memory_space<vmem>>, vector<16xf32>,
      %get3A_317 = arith.index_cast %add3A_311 : i32 to index
      %get3A_318 = arith.constant 0 : index
      %get3A_319 = tpu.vector_load %arg14[%get3A_317, %get3A_318] {strides = array<i32>} : memref<128x128xf32, #tpu.memory_space<vmem>>, vector<16xf32>,
      %sub3A = arith.subf %get3A_316, %get3A_319 : vector<16xf32>
      %mul3A_320 = arith.mulf %get3A_313, %sub3A : vector<16xf32>
      %get3A_321 = arith.index_cast %add3A_311 : i32 to index
      %get3A_322 = arith.constant 16 : index
      %get3A_323 = tpu.vector_load %arg12[%get3A_321, %get3A_322] {strides = array<i32>} : memref<128x128xf32, #tpu.memory_space<vmem>>, vector<16xf32>,
      %get3A_324 = arith.index_cast %add3A_311 : i32 to index
      %get3A_325 = arith.constant 16 : index
      %get3A_326 = tpu.vector_load %arg13[%get3A_324, %get3A_325] {strides = array<i32>} : memref<128x128xf32, #tpu.memory_space<vmem>>, vector<16xf32>,
      %get3A_327 = arith.index_cast %add3A_311 : i32 to index
      %get3A_328 = arith.constant 16 : index
      %get3A_329 = tpu.vector_load %arg14[%get3A_327, %get3A_328] {strides = array<i32>} : memref<128x128xf32, #tpu.memory_space<vmem>>, vector<16xf32>,
      %sub3A_330 = arith.subf %get3A_326, %get3A_329 : vector<16xf32>
      %mul3A_331 = arith.mulf %get3A_323, %sub3A_330 : vector<16xf32>
      %add3A_332 = arith.addf %mul3A_320, %mul3A_331 : vector<16xf32>
      %get3A_333 = arith.index_cast %add3A_311 : i32 to index
      %get3A_334 = arith.constant 32 : index
      %get3A_335 = tpu.vector_load %arg12[%get3A_333, %get3A_334] {strides = array<i32>} : memref<128x128xf32, #tpu.memory_space<vmem>>, vector<16xf32>,
      %get3A_336 = arith.index_cast %add3A_311 : i32 to index
      %get3A_337 = arith.constant 32 : index
      %get3A_338 = tpu.vector_load %arg13[%get3A_336, %get3A_337] {strides = array<i32>} : memref<128x128xf32, #tpu.memory_space<vmem>>, vector<16xf32>,
      %get3A_339 = arith.index_cast %add3A_311 : i32 to index
      %get3A_340 = arith.constant 32 : index
      %get3A_341 = tpu.vector_load %arg14[%get3A_339, %get3A_340] {strides = array<i32>} : memref<128x128xf32, #tpu.memory_space<vmem>>, vector<16xf32>,
      %sub3A_342 = arith.subf %get3A_338, %get3A_341 : vector<16xf32>
      %mul3A_343 = arith.mulf %get3A_335, %sub3A_342 : vector<16xf32>
      %add3A_344 = arith.addf %add3A_332, %mul3A_343 : vector<16xf32>
      %get3A_345 = arith.index_cast %add3A_311 : i32 to index
      %get3A_346 = arith.constant 48 : index
      %get3A_347 = tpu.vector_load %arg12[%get3A_345, %get3A_346] {strides = array<i32>} : memref<128x128xf32, #tpu.memory_space<vmem>>, vector<16xf32>,
      %get3A_348 = arith.index_cast %add3A_311 : i32 to index
      %get3A_349 = arith.constant 48 : index
      %get3A_350 = tpu.vector_load %arg13[%get3A_348, %get3A_349] {strides = array<i32>} : memref<128x128xf32, #tpu.memory_space<vmem>>, vector<16xf32>,
      %get3A_351 = arith.index_cast %add3A_311 : i32 to index
      %get3A_352 = arith.constant 48 : index
      %get3A_353 = tpu.vector_load %arg14[%get3A_351, %get3A_352] {strides = array<i32>} : memref<128x128xf32, #tpu.memory_space<vmem>>, vector<16xf32>,
      %sub3A_354 = arith.subf %get3A_350, %get3A_353 : vector<16xf32>
      %mul3A_355 = arith.mulf %get3A_347, %sub3A_354 : vector<16xf32>
      %add3A_356 = arith.addf %add3A_344, %mul3A_355 : vector<16xf32>
      %swap3A = arith.constant 0 : index
      %swap3A_357 = tpu.vector_load %arg17[%swap3A] {strides = array<i32>} : memref<256xf32, #tpu.memory_space<vmem>>, vector<16xf32>,
      tpu.vector_store %arg17[%swap3A], %add3A_356 {strides = array<i32>} : memref<256xf32, #tpu.memory_space<vmem>>, vector<16xf32>,
      %mul3A_358 = arith.constant 16 : i32
      %mul3A_359 = arith.muli %scan3A_307, %mul3A_358 : i32
      %add3A_360 = arith.constant 1 : i32
      %add3A_361 = arith.addi %mul3A_359, %add3A_360 : i32
      %get3A_362 = arith.index_cast %add3A_361 : i32 to index
      %get3A_363 = arith.constant 0 : index
      %get3A_364 = tpu.vector_load %arg12[%get3A_362, %get3A_363] {strides = array<i32>} : memref<128x128xf32, #tpu.memory_space<vmem>>, vector<16xf32>,
      %get3A_365 = arith.index_cast %add3A_361 : i32 to index
      %get3A_366 = arith.constant 0 : index
      %get3A_367 = tpu.vector_load %arg13[%get3A_365, %get3A_366] {strides = array<i32>} : memref<128x128xf32, #tpu.memory_space<vmem>>, vector<16xf32>,
      %get3A_368 = arith.index_cast %add3A_361 : i32 to index
      %get3A_369 = arith.constant 0 : index
      %get3A_370 = tpu.vector_load %arg14[%get3A_368, %get3A_369] {strides = array<i32>} : memref<128x128xf32, #tpu.memory_space<vmem>>, vector<16xf32>,
      %sub3A_371 = arith.subf %get3A_367, %get3A_370 : vector<16xf32>
      %mul3A_372 = arith.mulf %get3A_364, %sub3A_371 : vector<16xf32>
      %get3A_373 = arith.index_cast %add3A_361 : i32 to index
      %get3A_374 = arith.constant 16 : index
      %get3A_375 = tpu.vector_load %arg12[%get3A_373, %get3A_374] {strides = array<i32>} : memref<128x128xf32, #tpu.memory_space<vmem>>, vector<16xf32>,
      %get3A_376 = arith.index_cast %add3A_361 : i32 to index
      %get3A_377 = arith.constant 16 : index
      %get3A_378 = tpu.vector_load %arg13[%get3A_376, %get3A_377] {strides = array<i32>} : memref<128x128xf32, #tpu.memory_space<vmem>>, vector<16xf32>,
      %get3A_379 = arith.index_cast %add3A_361 : i32 to index
      %get3A_380 = arith.constant 16 : index
      %get3A_381 = tpu.vector_load %arg14[%get3A_379, %get3A_380] {strides = array<i32>} : memref<128x128xf32, #tpu.memory_space<vmem>>, vector<16xf32>,
      %sub3A_382 = arith.subf %get3A_378, %get3A_381 : vector<16xf32>
      %mul3A_383 = arith.mulf %get3A_375, %sub3A_382 : vector<16xf32>
      %add3A_384 = arith.addf %mul3A_372, %mul3A_383 : vector<16xf32>
      %get3A_385 = arith.index_cast %add3A_361 : i32 to index
      %get3A_386 = arith.constant 32 : index
      %get3A_387 = tpu.vector_load %arg12[%get3A_385, %get3A_386] {strides = array<i32>} : memref<128x128xf32, #tpu.memory_space<vmem>>, vector<16xf32>,
      %get3A_388 = arith.index_cast %add3A_361 : i32 to index
      %get3A_389 = arith.constant 32 : index
      %get3A_390 = tpu.vector_load %arg13[%get3A_388, %get3A_389] {strides = array<i32>} : memref<128x128xf32, #tpu.memory_space<vmem>>, vector<16xf32>,
      %get3A_391 = arith.index_cast %add3A_361 : i32 to index
      %get3A_392 = arith.constant 32 : index
      %get3A_393 = tpu.vector_load %arg14[%get3A_391, %get3A_392] {strides = array<i32>} : memref<128x128xf32, #tpu.memory_space<vmem>>, vector<16xf32>,
      %sub3A_394 = arith.subf %get3A_390, %get3A_393 : vector<16xf32>
      %mul3A_395 = arith.mulf %get3A_387, %sub3A_394 : vector<16xf32>
      %add3A_396 = arith.addf %add3A_384, %mul3A_395 : vector<16xf32>
      %get3A_397 = arith.index_cast %add3A_361 : i32 to index
      %get3A_398 = arith.constant 48 : index
      %get3A_399 = tpu.vector_load %arg12[%get3A_397, %get3A_398] {strides = array<i32>} : memref<128x128xf32, #tpu.memory_space<vmem>>, vector<16xf32>,
      %get3A_400 = arith.index_cast %add3A_361 : i32 to index
      %get3A_401 = arith.constant 48 : index
      %get3A_402 = tpu.vector_load %arg13[%get3A_400, %get3A_401] {strides = array<i32>} : memref<128x128xf32, #tpu.memory_space<vmem>>, vector<16xf32>,
      %get3A_403 = arith.index_cast %add3A_361 : i32 to index
      %get3A_404 = arith.constant 48 : index
      %get3A_405 = tpu.vector_load %arg14[%get3A_403, %get3A_404] {strides = array<i32>} : memref<128x128xf32, #tpu.memory_space<vmem>>, vector<16xf32>,
      %sub3A_406 = arith.subf %get3A_402, %get3A_405 : vector<16xf32>
      %mul3A_407 = arith.mulf %get3A_399, %sub3A_406 : vector<16xf32>
      %add3A_408 = arith.addf %add3A_396, %mul3A_407 : vector<16xf32>
      %swap3A_409 = arith.constant 16 : index
      %swap3A_410 = tpu.vector_load %arg17[%swap3A_409] {strides = array<i32>} : memref<256xf32, #tpu.memory_space<vmem>>, vector<16xf32>,
      tpu.vector_store %arg17[%swap3A_409], %add3A_408 {strides = array<i32>} : memref<256xf32, #tpu.memory_space<vmem>>, vector<16xf32>,
      %mul3A_411 = arith.constant 16 : i32
      %mul3A_412 = arith.muli %scan3A_307, %mul3A_411 : i32
      %add3A_413 = arith.constant 2 : i32
      %add3A_414 = arith.addi %mul3A_412, %add3A_413 : i32
      %get3A_415 = arith.index_cast %add3A_414 : i32 to index
      %get3A_416 = arith.constant 0 : index
      %get3A_417 = tpu.vector_load %arg12[%get3A_415, %get3A_416] {strides = array<i32>} : memref<128x128xf32, #tpu.memory_space<vmem>>, vector<16xf32>,
      %get3A_418 = arith.index_cast %add3A_414 : i32 to index
      %get3A_419 = arith.constant 0 : index
      %get3A_420 = tpu.vector_load %arg13[%get3A_418, %get3A_419] {strides = array<i32>} : memref<128x128xf32, #tpu.memory_space<vmem>>, vector<16xf32>,
      %get3A_421 = arith.index_cast %add3A_414 : i32 to index
      %get3A_422 = arith.constant 0 : index
      %get3A_423 = tpu.vector_load %arg14[%get3A_421, %get3A_422] {strides = array<i32>} : memref<128x128xf32, #tpu.memory_space<vmem>>, vector<16xf32>,
      %sub3A_424 = arith.subf %get3A_420, %get3A_423 : vector<16xf32>
      %mul3A_425 = arith.mulf %get3A_417, %sub3A_424 : vector<16xf32>
      %get3A_426 = arith.index_cast %add3A_414 : i32 to index
      %get3A_427 = arith.constant 16 : index
      %get3A_428 = tpu.vector_load %arg12[%get3A_426, %get3A_427] {strides = array<i32>} : memref<128x128xf32, #tpu.memory_space<vmem>>, vector<16xf32>,
      %get3A_429 = arith.index_cast %add3A_414 : i32 to index
      %get3A_430 = arith.constant 16 : index
      %get3A_431 = tpu.vector_load %arg13[%get3A_429, %get3A_430] {strides = array<i32>} : memref<128x128xf32, #tpu.memory_space<vmem>>, vector<16xf32>,
      %get3A_432 = arith.index_cast %add3A_414 : i32 to index
      %get3A_433 = arith.constant 16 : index
      %get3A_434 = tpu.vector_load %arg14[%get3A_432, %get3A_433] {strides = array<i32>} : memref<128x128xf32, #tpu.memory_space<vmem>>, vector<16xf32>,
      %sub3A_435 = arith.subf %get3A_431, %get3A_434 : vector<16xf32>
      %mul3A_436 = arith.mulf %get3A_428, %sub3A_435 : vector<16xf32>
      %add3A_437 = arith.addf %mul3A_425, %mul3A_436 : vector<16xf32>
      %get3A_438 = arith.index_cast %add3A_414 : i32 to index
      %get3A_439 = arith.constant 32 : index
      %get3A_440 = tpu.vector_load %arg12[%get3A_438, %get3A_439] {strides = array<i32>} : memref<128x128xf32, #tpu.memory_space<vmem>>, vector<16xf32>,
      %get3A_441 = arith.index_cast %add3A_414 : i32 to index
      %get3A_442 = arith.constant 32 : index
      %get3A_443 = tpu.vector_load %arg13[%get3A_441, %get3A_442] {strides = array<i32>} : memref<128x128xf32, #tpu.memory_space<vmem>>, vector<16xf32>,
      %get3A_444 = arith.index_cast %add3A_414 : i32 to index
      %get3A_445 = arith.constant 32 : index
      %get3A_446 = tpu.vector_load %arg14[%get3A_444, %get3A_445] {strides = array<i32>} : memref<128x128xf32, #tpu.memory_space<vmem>>, vector<16xf32>,
      %sub3A_447 = arith.subf %get3A_443, %get3A_446 : vector<16xf32>
      %mul3A_448 = arith.mulf %get3A_440, %sub3A_447 : vector<16xf32>
      %add3A_449 = arith.addf %add3A_437, %mul3A_448 : vector<16xf32>
      %get3A_450 = arith.index_cast %add3A_414 : i32 to index
      %get3A_451 = arith.constant 48 : index
      %get3A_452 = tpu.vector_load %arg12[%get3A_450, %get3A_451] {strides = array<i32>} : memref<128x128xf32, #tpu.memory_space<vmem>>, vector<16xf32>,
      %get3A_453 = arith.index_cast %add3A_414 : i32 to index
      %get3A_454 = arith.constant 48 : index
      %get3A_455 = tpu.vector_load %arg13[%get3A_453, %get3A_454] {strides = array<i32>} : memref<128x128xf32, #tpu.memory_space<vmem>>, vector<16xf32>,
      %get3A_456 = arith.index_cast %add3A_414 : i32 to index
      %get3A_457 = arith.constant 48 : index
      %get3A_458 = tpu.vector_load %arg14[%get3A_456, %get3A_457] {strides = array<i32>} : memref<128x128xf32, #tpu.memory_space<vmem>>, vector<16xf32>,
      %sub3A_459 = arith.subf %get3A_455, %get3A_458 : vector<16xf32>
      %mul3A_460 = arith.mulf %get3A_452, %sub3A_459 : vector<16xf32>
      %add3A_461 = arith.addf %add3A_449, %mul3A_460 : vector<16xf32>
      %swap3A_462 = arith.constant 32 : index
      %swap3A_463 = tpu.vector_load %arg17[%swap3A_462] {strides = array<i32>} : memref<256xf32, #tpu.memory_space<vmem>>, vector<16xf32>,
      tpu.vector_store %arg17[%swap3A_462], %add3A_461 {strides = array<i32>} : memref<256xf32, #tpu.memory_space<vmem>>, vector<16xf32>,
      %mul3A_464 = arith.constant 16 : i32
      %mul3A_465 = arith.muli %scan3A_307, %mul3A_464 : i32
      %add3A_466 = arith.constant 3 : i32
      %add3A_467 = arith.addi %mul3A_465, %add3A_466 : i32
      %get3A_468 = arith.index_cast %add3A_467 : i32 to index
      %get3A_469 = arith.constant 0 : index
      %get3A_470 = tpu.vector_load %arg12[%get3A_468, %get3A_469] {strides = array<i32>} : memref<128x128xf32, #tpu.memory_space<vmem>>, vector<16xf32>,
      %get3A_471 = arith.index_cast %add3A_467 : i32 to index
      %get3A_472 = arith.constant 0 : index
      %get3A_473 = tpu.vector_load %arg13[%get3A_471, %get3A_472] {strides = array<i32>} : memref<128x128xf32, #tpu.memory_space<vmem>>, vector<16xf32>,
      %get3A_474 = arith.index_cast %add3A_467 : i32 to index
      %get3A_475 = arith.constant 0 : index
      %get3A_476 = tpu.vector_load %arg14[%get3A_474, %get3A_475] {strides = array<i32>} : memref<128x128xf32, #tpu.memory_space<vmem>>, vector<16xf32>,
      %sub3A_477 = arith.subf %get3A_473, %get3A_476 : vector<16xf32>
      %mul3A_478 = arith.mulf %get3A_470, %sub3A_477 : vector<16xf32>
      %get3A_479 = arith.index_cast %add3A_467 : i32 to index
      %get3A_480 = arith.constant 16 : index
      %get3A_481 = tpu.vector_load %arg12[%get3A_479, %get3A_480] {strides = array<i32>} : memref<128x128xf32, #tpu.memory_space<vmem>>, vector<16xf32>,
      %get3A_482 = arith.index_cast %add3A_467 : i32 to index
      %get3A_483 = arith.constant 16 : index
      %get3A_484 = tpu.vector_load %arg13[%get3A_482, %get3A_483] {strides = array<i32>} : memref<128x128xf32, #tpu.memory_space<vmem>>, vector<16xf32>,
      %get3A_485 = arith.index_cast %add3A_467 : i32 to index
      %get3A_486 = arith.constant 16 : index
      %get3A_487 = tpu.vector_load %arg14[%get3A_485, %get3A_486] {strides = array<i32>} : memref<128x128xf32, #tpu.memory_space<vmem>>, vector<16xf32>,
      %sub3A_488 = arith.subf %get3A_484, %get3A_487 : vector<16xf32>
      %mul3A_489 = arith.mulf %get3A_481, %sub3A_488 : vector<16xf32>
      %add3A_490 = arith.addf %mul3A_478, %mul3A_489 : vector<16xf32>
      %get3A_491 = arith.index_cast %add3A_467 : i32 to index
      %get3A_492 = arith.constant 32 : index
      %get3A_493 = tpu.vector_load %arg12[%get3A_491, %get3A_492] {strides = array<i32>} : memref<128x128xf32, #tpu.memory_space<vmem>>, vector<16xf32>,
      %get3A_494 = arith.index_cast %add3A_467 : i32 to index
      %get3A_495 = arith.constant 32 : index
      %get3A_496 = tpu.vector_load %arg13[%get3A_494, %get3A_495] {strides = array<i32>} : memref<128x128xf32, #tpu.memory_space<vmem>>, vector<16xf32>,
      %get3A_497 = arith.index_cast %add3A_467 : i32 to index
      %get3A_498 = arith.constant 32 : index
      %get3A_499 = tpu.vector_load %arg14[%get3A_497, %get3A_498] {strides = array<i32>} : memref<128x128xf32, #tpu.memory_space<vmem>>, vector<16xf32>,
      %sub3A_500 = arith.subf %get3A_496, %get3A_499 : vector<16xf32>
      %mul3A_501 = arith.mulf %get3A_493, %sub3A_500 : vector<16xf32>
      %add3A_502 = arith.addf %add3A_490, %mul3A_501 : vector<16xf32>
      %get3A_503 = arith.index_cast %add3A_467 : i32 to index
      %get3A_504 = arith.constant 48 : index
      %get3A_505 = tpu.vector_load %arg12[%get3A_503, %get3A_504] {strides = array<i32>} : memref<128x128xf32, #tpu.memory_space<vmem>>, vector<16xf32>,
      %get3A_506 = arith.index_cast %add3A_467 : i32 to index
      %get3A_507 = arith.constant 48 : index
      %get3A_508 = tpu.vector_load %arg13[%get3A_506, %get3A_507] {strides = array<i32>} : memref<128x128xf32, #tpu.memory_space<vmem>>, vector<16xf32>,
      %get3A_509 = arith.index_cast %add3A_467 : i32 to index
      %get3A_510 = arith.constant 48 : index
      %get3A_511 = tpu.vector_load %arg14[%get3A_509, %get3A_510] {strides = array<i32>} : memref<128x128xf32, #tpu.memory_space<vmem>>, vector<16xf32>,
      %sub3A_512 = arith.subf %get3A_508, %get3A_511 : vector<16xf32>
      %mul3A_513 = arith.mulf %get3A_505, %sub3A_512 : vector<16xf32>
      %add3A_514 = arith.addf %add3A_502, %mul3A_513 : vector<16xf32>
      %swap3A_515 = arith.constant 48 : index
      %swap3A_516 = tpu.vector_load %arg17[%swap3A_515] {strides = array<i32>} : memref<256xf32, #tpu.memory_space<vmem>>, vector<16xf32>,
      tpu.vector_store %arg17[%swap3A_515], %add3A_514 {strides = array<i32>} : memref<256xf32, #tpu.memory_space<vmem>>, vector<16xf32>,
      %mul3A_517 = arith.constant 16 : i32
      %mul3A_518 = arith.muli %scan3A_307, %mul3A_517 : i32
      %add3A_519 = arith.constant 4 : i32
      %add3A_520 = arith.addi %mul3A_518, %add3A_519 : i32
      %get3A_521 = arith.index_cast %add3A_520 : i32 to index
      %get3A_522 = arith.constant 0 : index
      %get3A_523 = tpu.vector_load %arg12[%get3A_521, %get3A_522] {strides = array<i32>} : memref<128x128xf32, #tpu.memory_space<vmem>>, vector<16xf32>,
      %get3A_524 = arith.index_cast %add3A_520 : i32 to index
      %get3A_525 = arith.constant 0 : index
      %get3A_526 = tpu.vector_load %arg13[%get3A_524, %get3A_525] {strides = array<i32>} : memref<128x128xf32, #tpu.memory_space<vmem>>, vector<16xf32>,
      %get3A_527 = arith.index_cast %add3A_520 : i32 to index
      %get3A_528 = arith.constant 0 : index
      %get3A_529 = tpu.vector_load %arg14[%get3A_527, %get3A_528] {strides = array<i32>} : memref<128x128xf32, #tpu.memory_space<vmem>>, vector<16xf32>,
      %sub3A_530 = arith.subf %get3A_526, %get3A_529 : vector<16xf32>
      %mul3A_531 = arith.mulf %get3A_523, %sub3A_530 : vector<16xf32>
      %get3A_532 = arith.index_cast %add3A_520 : i32 to index
      %get3A_533 = arith.constant 16 : index
      %get3A_534 = tpu.vector_load %arg12[%get3A_532, %get3A_533] {strides = array<i32>} : memref<128x128xf32, #tpu.memory_space<vmem>>, vector<16xf32>,
      %get3A_535 = arith.index_cast %add3A_520 : i32 to index
      %get3A_536 = arith.constant 16 : index
      %get3A_537 = tpu.vector_load %arg13[%get3A_535, %get3A_536] {strides = array<i32>} : memref<128x128xf32, #tpu.memory_space<vmem>>, vector<16xf32>,
      %get3A_538 = arith.index_cast %add3A_520 : i32 to index
      %get3A_539 = arith.constant 16 : index
      %get3A_540 = tpu.vector_load %arg14[%get3A_538, %get3A_539] {strides = array<i32>} : memref<128x128xf32, #tpu.memory_space<vmem>>, vector<16xf32>,
      %sub3A_541 = arith.subf %get3A_537, %get3A_540 : vector<16xf32>
      %mul3A_542 = arith.mulf %get3A_534, %sub3A_541 : vector<16xf32>
      %add3A_543 = arith.addf %mul3A_531, %mul3A_542 : vector<16xf32>
      %get3A_544 = arith.index_cast %add3A_520 : i32 to index
      %get3A_545 = arith.constant 32 : index
      %get3A_546 = tpu.vector_load %arg12[%get3A_544, %get3A_545] {strides = array<i32>} : memref<128x128xf32, #tpu.memory_space<vmem>>, vector<16xf32>,
      %get3A_547 = arith.index_cast %add3A_520 : i32 to index
      %get3A_548 = arith.constant 32 : index
      %get3A_549 = tpu.vector_load %arg13[%get3A_547, %get3A_548] {strides = array<i32>} : memref<128x128xf32, #tpu.memory_space<vmem>>, vector<16xf32>,
      %get3A_550 = arith.index_cast %add3A_520 : i32 to index
      %get3A_551 = arith.constant 32 : index
      %get3A_552 = tpu.vector_load %arg14[%get3A_550, %get3A_551] {strides = array<i32>} : memref<128x128xf32, #tpu.memory_space<vmem>>, vector<16xf32>,
      %sub3A_553 = arith.subf %get3A_549, %get3A_552 : vector<16xf32>
      %mul3A_554 = arith.mulf %get3A_546, %sub3A_553 : vector<16xf32>
      %add3A_555 = arith.addf %add3A_543, %mul3A_554 : vector<16xf32>
      %get3A_556 = arith.index_cast %add3A_520 : i32 to index
      %get3A_557 = arith.constant 48 : index
      %get3A_558 = tpu.vector_load %arg12[%get3A_556, %get3A_557] {strides = array<i32>} : memref<128x128xf32, #tpu.memory_space<vmem>>, vector<16xf32>,
      %get3A_559 = arith.index_cast %add3A_520 : i32 to index
      %get3A_560 = arith.constant 48 : index
      %get3A_561 = tpu.vector_load %arg13[%get3A_559, %get3A_560] {strides = array<i32>} : memref<128x128xf32, #tpu.memory_space<vmem>>, vector<16xf32>,
      %get3A_562 = arith.index_cast %add3A_520 : i32 to index
      %get3A_563 = arith.constant 48 : index
      %get3A_564 = tpu.vector_load %arg14[%get3A_562, %get3A_563] {strides = array<i32>} : memref<128x128xf32, #tpu.memory_space<vmem>>, vector<16xf32>,
      %sub3A_565 = arith.subf %get3A_561, %get3A_564 : vector<16xf32>
      %mul3A_566 = arith.mulf %get3A_558, %sub3A_565 : vector<16xf32>
      %add3A_567 = arith.addf %add3A_555, %mul3A_566 : vector<16xf32>
      %swap3A_568 = arith.constant 64 : index
      %swap3A_569 = tpu.vector_load %arg17[%swap3A_568] {strides = array<i32>} : memref<256xf32, #tpu.memory_space<vmem>>, vector<16xf32>,
      tpu.vector_store %arg17[%swap3A_568], %add3A_567 {strides = array<i32>} : memref<256xf32, #tpu.memory_space<vmem>>, vector<16xf32>,
      %mul3A_570 = arith.constant 16 : i32
      %mul3A_571 = arith.muli %scan3A_307, %mul3A_570 : i32
      %add3A_572 = arith.constant 5 : i32
      %add3A_573 = arith.addi %mul3A_571, %add3A_572 : i32
      %get3A_574 = arith.index_cast %add3A_573 : i32 to index
      %get3A_575 = arith.constant 0 : index
      %get3A_576 = tpu.vector_load %arg12[%get3A_574, %get3A_575] {strides = array<i32>} : memref<128x128xf32, #tpu.memory_space<vmem>>, vector<16xf32>,
      %get3A_577 = arith.index_cast %add3A_573 : i32 to index
      %get3A_578 = arith.constant 0 : index
      %get3A_579 = tpu.vector_load %arg13[%get3A_577, %get3A_578] {strides = array<i32>} : memref<128x128xf32, #tpu.memory_space<vmem>>, vector<16xf32>,
      %get3A_580 = arith.index_cast %add3A_573 : i32 to index
      %get3A_581 = arith.constant 0 : index
      %get3A_582 = tpu.vector_load %arg14[%get3A_580, %get3A_581] {strides = array<i32>} : memref<128x128xf32, #tpu.memory_space<vmem>>, vector<16xf32>,
      %sub3A_583 = arith.subf %get3A_579, %get3A_582 : vector<16xf32>
      %mul3A_584 = arith.mulf %get3A_576, %sub3A_583 : vector<16xf32>
      %get3A_585 = arith.index_cast %add3A_573 : i32 to index
      %get3A_586 = arith.constant 16 : index
      %get3A_587 = tpu.vector_load %arg12[%get3A_585, %get3A_586] {strides = array<i32>} : memref<128x128xf32, #tpu.memory_space<vmem>>, vector<16xf32>,
      %get3A_588 = arith.index_cast %add3A_573 : i32 to index
      %get3A_589 = arith.constant 16 : index
      %get3A_590 = tpu.vector_load %arg13[%get3A_588, %get3A_589] {strides = array<i32>} : memref<128x128xf32, #tpu.memory_space<vmem>>, vector<16xf32>,
      %get3A_591 = arith.index_cast %add3A_573 : i32 to index
      %get3A_592 = arith.constant 16 : index
      %get3A_593 = tpu.vector_load %arg14[%get3A_591, %get3A_592] {strides = array<i32>} : memref<128x128xf32, #tpu.memory_space<vmem>>, vector<16xf32>,
      %sub3A_594 = arith.subf %get3A_590, %get3A_593 : vector<16xf32>
      %mul3A_595 = arith.mulf %get3A_587, %sub3A_594 : vector<16xf32>
      %add3A_596 = arith.addf %mul3A_584, %mul3A_595 : vector<16xf32>
      %get3A_597 = arith.index_cast %add3A_573 : i32 to index
      %get3A_598 = arith.constant 32 : index
      %get3A_599 = tpu.vector_load %arg12[%get3A_597, %get3A_598] {strides = array<i32>} : memref<128x128xf32, #tpu.memory_space<vmem>>, vector<16xf32>,
      %get3A_600 = arith.index_cast %add3A_573 : i32 to index
      %get3A_601 = arith.constant 32 : index
      %get3A_602 = tpu.vector_load %arg13[%get3A_600, %get3A_601] {strides = array<i32>} : memref<128x128xf32, #tpu.memory_space<vmem>>, vector<16xf32>,
      %get3A_603 = arith.index_cast %add3A_573 : i32 to index
      %get3A_604 = arith.constant 32 : index
      %get3A_605 = tpu.vector_load %arg14[%get3A_603, %get3A_604] {strides = array<i32>} : memref<128x128xf32, #tpu.memory_space<vmem>>, vector<16xf32>,
      %sub3A_606 = arith.subf %get3A_602, %get3A_605 : vector<16xf32>
      %mul3A_607 = arith.mulf %get3A_599, %sub3A_606 : vector<16xf32>
      %add3A_608 = arith.addf %add3A_596, %mul3A_607 : vector<16xf32>
      %get3A_609 = arith.index_cast %add3A_573 : i32 to index
      %get3A_610 = arith.constant 48 : index
      %get3A_611 = tpu.vector_load %arg12[%get3A_609, %get3A_610] {strides = array<i32>} : memref<128x128xf32, #tpu.memory_space<vmem>>, vector<16xf32>,
      %get3A_612 = arith.index_cast %add3A_573 : i32 to index
      %get3A_613 = arith.constant 48 : index
      %get3A_614 = tpu.vector_load %arg13[%get3A_612, %get3A_613] {strides = array<i32>} : memref<128x128xf32, #tpu.memory_space<vmem>>, vector<16xf32>,
      %get3A_615 = arith.index_cast %add3A_573 : i32 to index
      %get3A_616 = arith.constant 48 : index
      %get3A_617 = tpu.vector_load %arg14[%get3A_615, %get3A_616] {strides = array<i32>} : memref<128x128xf32, #tpu.memory_space<vmem>>, vector<16xf32>,
      %sub3A_618 = arith.subf %get3A_614, %get3A_617 : vector<16xf32>
      %mul3A_619 = arith.mulf %get3A_611, %sub3A_618 : vector<16xf32>
      %add3A_620 = arith.addf %add3A_608, %mul3A_619 : vector<16xf32>
      %swap3A_621 = arith.constant 80 : index
      %swap3A_622 = tpu.vector_load %arg17[%swap3A_621] {strides = array<i32>} : memref<256xf32, #tpu.memory_space<vmem>>, vector<16xf32>,
      tpu.vector_store %arg17[%swap3A_621], %add3A_620 {strides = array<i32>} : memref<256xf32, #tpu.memory_space<vmem>>, vector<16xf32>,
      %mul3A_623 = arith.constant 16 : i32
      %mul3A_624 = arith.muli %scan3A_307, %mul3A_623 : i32
      %add3A_625 = arith.constant 6 : i32
      %add3A_626 = arith.addi %mul3A_624, %add3A_625 : i32
      %get3A_627 = arith.index_cast %add3A_626 : i32 to index
      %get3A_628 = arith.constant 0 : index
      %get3A_629 = tpu.vector_load %arg12[%get3A_627, %get3A_628] {strides = array<i32>} : memref<128x128xf32, #tpu.memory_space<vmem>>, vector<16xf32>,
      %get3A_630 = arith.index_cast %add3A_626 : i32 to index
      %get3A_631 = arith.constant 0 : index
      %get3A_632 = tpu.vector_load %arg13[%get3A_630, %get3A_631] {strides = array<i32>} : memref<128x128xf32, #tpu.memory_space<vmem>>, vector<16xf32>,
      %get3A_633 = arith.index_cast %add3A_626 : i32 to index
      %get3A_634 = arith.constant 0 : index
      %get3A_635 = tpu.vector_load %arg14[%get3A_633, %get3A_634] {strides = array<i32>} : memref<128x128xf32, #tpu.memory_space<vmem>>, vector<16xf32>,
      %sub3A_636 = arith.subf %get3A_632, %get3A_635 : vector<16xf32>
      %mul3A_637 = arith.mulf %get3A_629, %sub3A_636 : vector<16xf32>
      %get3A_638 = arith.index_cast %add3A_626 : i32 to index
      %get3A_639 = arith.constant 16 : index
      %get3A_640 = tpu.vector_load %arg12[%get3A_638, %get3A_639] {strides = array<i32>} : memref<128x128xf32, #tpu.memory_space<vmem>>, vector<16xf32>,
      %get3A_641 = arith.index_cast %add3A_626 : i32 to index
      %get3A_642 = arith.constant 16 : index
      %get3A_643 = tpu.vector_load %arg13[%get3A_641, %get3A_642] {strides = array<i32>} : memref<128x128xf32, #tpu.memory_space<vmem>>, vector<16xf32>,
      %get3A_644 = arith.index_cast %add3A_626 : i32 to index
      %get3A_645 = arith.constant 16 : index
      %get3A_646 = tpu.vector_load %arg14[%get3A_644, %get3A_645] {strides = array<i32>} : memref<128x128xf32, #tpu.memory_space<vmem>>, vector<16xf32>,
      %sub3A_647 = arith.subf %get3A_643, %get3A_646 : vector<16xf32>
      %mul3A_648 = arith.mulf %get3A_640, %sub3A_647 : vector<16xf32>
      %add3A_649 = arith.addf %mul3A_637, %mul3A_648 : vector<16xf32>
      %get3A_650 = arith.index_cast %add3A_626 : i32 to index
      %get3A_651 = arith.constant 32 : index
      %get3A_652 = tpu.vector_load %arg12[%get3A_650, %get3A_651] {strides = array<i32>} : memref<128x128xf32, #tpu.memory_space<vmem>>, vector<16xf32>,
      %get3A_653 = arith.index_cast %add3A_626 : i32 to index
      %get3A_654 = arith.constant 32 : index
      %get3A_655 = tpu.vector_load %arg13[%get3A_653, %get3A_654] {strides = array<i32>} : memref<128x128xf32, #tpu.memory_space<vmem>>, vector<16xf32>,
      %get3A_656 = arith.index_cast %add3A_626 : i32 to index
      %get3A_657 = arith.constant 32 : index
      %get3A_658 = tpu.vector_load %arg14[%get3A_656, %get3A_657] {strides = array<i32>} : memref<128x128xf32, #tpu.memory_space<vmem>>, vector<16xf32>,
      %sub3A_659 = arith.subf %get3A_655, %get3A_658 : vector<16xf32>
      %mul3A_660 = arith.mulf %get3A_652, %sub3A_659 : vector<16xf32>
      %add3A_661 = arith.addf %add3A_649, %mul3A_660 : vector<16xf32>
      %get3A_662 = arith.index_cast %add3A_626 : i32 to index
      %get3A_663 = arith.constant 48 : index
      %get3A_664 = tpu.vector_load %arg12[%get3A_662, %get3A_663] {strides = array<i32>} : memref<128x128xf32, #tpu.memory_space<vmem>>, vector<16xf32>,
      %get3A_665 = arith.index_cast %add3A_626 : i32 to index
      %get3A_666 = arith.constant 48 : index
      %get3A_667 = tpu.vector_load %arg13[%get3A_665, %get3A_666] {strides = array<i32>} : memref<128x128xf32, #tpu.memory_space<vmem>>, vector<16xf32>,
      %get3A_668 = arith.index_cast %add3A_626 : i32 to index
      %get3A_669 = arith.constant 48 : index
      %get3A_670 = tpu.vector_load %arg14[%get3A_668, %get3A_669] {strides = array<i32>} : memref<128x128xf32, #tpu.memory_space<vmem>>, vector<16xf32>,
      %sub3A_671 = arith.subf %get3A_667, %get3A_670 : vector<16xf32>
      %mul3A_672 = arith.mulf %get3A_664, %sub3A_671 : vector<16xf32>
      %add3A_673 = arith.addf %add3A_661, %mul3A_672 : vector<16xf32>
      %swap3A_674 = arith.constant 96 : index
      %swap3A_675 = tpu.vector_load %arg17[%swap3A_674] {strides = array<i32>} : memref<256xf32, #tpu.memory_space<vmem>>, vector<16xf32>,
      tpu.vector_store %arg17[%swap3A_674], %add3A_673 {strides = array<i32>} : memref<256xf32, #tpu.memory_space<vmem>>, vector<16xf32>,
      %mul3A_676 = arith.constant 16 : i32
      %mul3A_677 = arith.muli %scan3A_307, %mul3A_676 : i32
      %add3A_678 = arith.constant 7 : i32
      %add3A_679 = arith.addi %mul3A_677, %add3A_678 : i32
      %get3A_680 = arith.index_cast %add3A_679 : i32 to index
      %get3A_681 = arith.constant 0 : index
      %get3A_682 = tpu.vector_load %arg12[%get3A_680, %get3A_681] {strides = array<i32>} : memref<128x128xf32, #tpu.memory_space<vmem>>, vector<16xf32>,
      %get3A_683 = arith.index_cast %add3A_679 : i32 to index
      %get3A_684 = arith.constant 0 : index
      %get3A_685 = tpu.vector_load %arg13[%get3A_683, %get3A_684] {strides = array<i32>} : memref<128x128xf32, #tpu.memory_space<vmem>>, vector<16xf32>,
      %get3A_686 = arith.index_cast %add3A_679 : i32 to index
      %get3A_687 = arith.constant 0 : index
      %get3A_688 = tpu.vector_load %arg14[%get3A_686, %get3A_687] {strides = array<i32>} : memref<128x128xf32, #tpu.memory_space<vmem>>, vector<16xf32>,
      %sub3A_689 = arith.subf %get3A_685, %get3A_688 : vector<16xf32>
      %mul3A_690 = arith.mulf %get3A_682, %sub3A_689 : vector<16xf32>
      %get3A_691 = arith.index_cast %add3A_679 : i32 to index
      %get3A_692 = arith.constant 16 : index
      %get3A_693 = tpu.vector_load %arg12[%get3A_691, %get3A_692] {strides = array<i32>} : memref<128x128xf32, #tpu.memory_space<vmem>>, vector<16xf32>,
      %get3A_694 = arith.index_cast %add3A_679 : i32 to index
      %get3A_695 = arith.constant 16 : index
      %get3A_696 = tpu.vector_load %arg13[%get3A_694, %get3A_695] {strides = array<i32>} : memref<128x128xf32, #tpu.memory_space<vmem>>, vector<16xf32>,
      %get3A_697 = arith.index_cast %add3A_679 : i32 to index
      %get3A_698 = arith.constant 16 : index
      %get3A_699 = tpu.vector_load %arg14[%get3A_697, %get3A_698] {strides = array<i32>} : memref<128x128xf32, #tpu.memory_space<vmem>>, vector<16xf32>,
      %sub3A_700 = arith.subf %get3A_696, %get3A_699 : vector<16xf32>
      %mul3A_701 = arith.mulf %get3A_693, %sub3A_700 : vector<16xf32>
      %add3A_702 = arith.addf %mul3A_690, %mul3A_701 : vector<16xf32>
      %get3A_703 = arith.index_cast %add3A_679 : i32 to index
      %get3A_704 = arith.constant 32 : index
      %get3A_705 = tpu.vector_load %arg12[%get3A_703, %get3A_704] {strides = array<i32>} : memref<128x128xf32, #tpu.memory_space<vmem>>, vector<16xf32>,
      %get3A_706 = arith.index_cast %add3A_679 : i32 to index
      %get3A_707 = arith.constant 32 : index
      %get3A_708 = tpu.vector_load %arg13[%get3A_706, %get3A_707] {strides = array<i32>} : memref<128x128xf32, #tpu.memory_space<vmem>>, vector<16xf32>,
      %get3A_709 = arith.index_cast %add3A_679 : i32 to index
      %get3A_710 = arith.constant 32 : index
      %get3A_711 = tpu.vector_load %arg14[%get3A_709, %get3A_710] {strides = array<i32>} : memref<128x128xf32, #tpu.memory_space<vmem>>, vector<16xf32>,
      %sub3A_712 = arith.subf %get3A_708, %get3A_711 : vector<16xf32>
      %mul3A_713 = arith.mulf %get3A_705, %sub3A_712 : vector<16xf32>
      %add3A_714 = arith.addf %add3A_702, %mul3A_713 : vector<16xf32>
      %get3A_715 = arith.index_cast %add3A_679 : i32 to index
      %get3A_716 = arith.constant 48 : index
      %get3A_717 = tpu.vector_load %arg12[%get3A_715, %get3A_716] {strides = array<i32>} : memref<128x128xf32, #tpu.memory_space<vmem>>, vector<16xf32>,
      %get3A_718 = arith.index_cast %add3A_679 : i32 to index
      %get3A_719 = arith.constant 48 : index
      %get3A_720 = tpu.vector_load %arg13[%get3A_718, %get3A_719] {strides = array<i32>} : memref<128x128xf32, #tpu.memory_space<vmem>>, vector<16xf32>,
      %get3A_721 = arith.index_cast %add3A_679 : i32 to index
      %get3A_722 = arith.constant 48 : index
      %get3A_723 = tpu.vector_load %arg14[%get3A_721, %get3A_722] {strides = array<i32>} : memref<128x128xf32, #tpu.memory_space<vmem>>, vector<16xf32>,
      %sub3A_724 = arith.subf %get3A_720, %get3A_723 : vector<16xf32>
      %mul3A_725 = arith.mulf %get3A_717, %sub3A_724 : vector<16xf32>
      %add3A_726 = arith.addf %add3A_714, %mul3A_725 : vector<16xf32>
      %swap3A_727 = arith.constant 112 : index
      %swap3A_728 = tpu.vector_load %arg17[%swap3A_727] {strides = array<i32>} : memref<256xf32, #tpu.memory_space<vmem>>, vector<16xf32>,
      tpu.vector_store %arg17[%swap3A_727], %add3A_726 {strides = array<i32>} : memref<256xf32, #tpu.memory_space<vmem>>, vector<16xf32>,
      %mul3A_729 = arith.constant 16 : i32
      %mul3A_730 = arith.muli %scan3A_307, %mul3A_729 : i32
      %add3A_731 = arith.constant 8 : i32
      %add3A_732 = arith.addi %mul3A_730, %add3A_731 : i32
      %get3A_733 = arith.index_cast %add3A_732 : i32 to index
      %get3A_734 = arith.constant 0 : index
      %get3A_735 = tpu.vector_load %arg12[%get3A_733, %get3A_734] {strides = array<i32>} : memref<128x128xf32, #tpu.memory_space<vmem>>, vector<16xf32>,
      %get3A_736 = arith.index_cast %add3A_732 : i32 to index
      %get3A_737 = arith.constant 0 : index
      %get3A_738 = tpu.vector_load %arg13[%get3A_736, %get3A_737] {strides = array<i32>} : memref<128x128xf32, #tpu.memory_space<vmem>>, vector<16xf32>,
      %get3A_739 = arith.index_cast %add3A_732 : i32 to index
      %get3A_740 = arith.constant 0 : index
      %get3A_741 = tpu.vector_load %arg14[%get3A_739, %get3A_740] {strides = array<i32>} : memref<128x128xf32, #tpu.memory_space<vmem>>, vector<16xf32>,
      %sub3A_742 = arith.subf %get3A_738, %get3A_741 : vector<16xf32>
      %mul3A_743 = arith.mulf %get3A_735, %sub3A_742 : vector<16xf32>
      %get3A_744 = arith.index_cast %add3A_732 : i32 to index
      %get3A_745 = arith.constant 16 : index
      %get3A_746 = tpu.vector_load %arg12[%get3A_744, %get3A_745] {strides = array<i32>} : memref<128x128xf32, #tpu.memory_space<vmem>>, vector<16xf32>,
      %get3A_747 = arith.index_cast %add3A_732 : i32 to index
      %get3A_748 = arith.constant 16 : index
      %get3A_749 = tpu.vector_load %arg13[%get3A_747, %get3A_748] {strides = array<i32>} : memref<128x128xf32, #tpu.memory_space<vmem>>, vector<16xf32>,
      %get3A_750 = arith.index_cast %add3A_732 : i32 to index
      %get3A_751 = arith.constant 16 : index
      %get3A_752 = tpu.vector_load %arg14[%get3A_750, %get3A_751] {strides = array<i32>} : memref<128x128xf32, #tpu.memory_space<vmem>>, vector<16xf32>,
      %sub3A_753 = arith.subf %get3A_749, %get3A_752 : vector<16xf32>
      %mul3A_754 = arith.mulf %get3A_746, %sub3A_753 : vector<16xf32>
      %add3A_755 = arith.addf %mul3A_743, %mul3A_754 : vector<16xf32>
      %get3A_756 = arith.index_cast %add3A_732 : i32 to index
      %get3A_757 = arith.constant 32 : index
      %get3A_758 = tpu.vector_load %arg12[%get3A_756, %get3A_757] {strides = array<i32>} : memref<128x128xf32, #tpu.memory_space<vmem>>, vector<16xf32>,
      %get3A_759 = arith.index_cast %add3A_732 : i32 to index
      %get3A_760 = arith.constant 32 : index
      %get3A_761 = tpu.vector_load %arg13[%get3A_759, %get3A_760] {strides = array<i32>} : memref<128x128xf32, #tpu.memory_space<vmem>>, vector<16xf32>,
      %get3A_762 = arith.index_cast %add3A_732 : i32 to index
      %get3A_763 = arith.constant 32 : index
      %get3A_764 = tpu.vector_load %arg14[%get3A_762, %get3A_763] {strides = array<i32>} : memref<128x128xf32, #tpu.memory_space<vmem>>, vector<16xf32>,
      %sub3A_765 = arith.subf %get3A_761, %get3A_764 : vector<16xf32>
      %mul3A_766 = arith.mulf %get3A_758, %sub3A_765 : vector<16xf32>
      %add3A_767 = arith.addf %add3A_755, %mul3A_766 : vector<16xf32>
      %get3A_768 = arith.index_cast %add3A_732 : i32 to index
      %get3A_769 = arith.constant 48 : index
      %get3A_770 = tpu.vector_load %arg12[%get3A_768, %get3A_769] {strides = array<i32>} : memref<128x128xf32, #tpu.memory_space<vmem>>, vector<16xf32>,
      %get3A_771 = arith.index_cast %add3A_732 : i32 to index
      %get3A_772 = arith.constant 48 : index
      %get3A_773 = tpu.vector_load %arg13[%get3A_771, %get3A_772] {strides = array<i32>} : memref<128x128xf32, #tpu.memory_space<vmem>>, vector<16xf32>,
      %get3A_774 = arith.index_cast %add3A_732 : i32 to index
      %get3A_775 = arith.constant 48 : index
      %get3A_776 = tpu.vector_load %arg14[%get3A_774, %get3A_775] {strides = array<i32>} : memref<128x128xf32, #tpu.memory_space<vmem>>, vector<16xf32>,
      %sub3A_777 = arith.subf %get3A_773, %get3A_776 : vector<16xf32>
      %mul3A_778 = arith.mulf %get3A_770, %sub3A_777 : vector<16xf32>
      %add3A_779 = arith.addf %add3A_767, %mul3A_778 : vector<16xf32>
      %swap3A_780 = arith.constant 128 : index
      %swap3A_781 = tpu.vector_load %arg17[%swap3A_780] {strides = array<i32>} : memref<256xf32, #tpu.memory_space<vmem>>, vector<16xf32>,
      tpu.vector_store %arg17[%swap3A_780], %add3A_779 {strides = array<i32>} : memref<256xf32, #tpu.memory_space<vmem>>, vector<16xf32>,
      %mul3A_782 = arith.constant 16 : i32
      %mul3A_783 = arith.muli %scan3A_307, %mul3A_782 : i32
      %add3A_784 = arith.constant 9 : i32
      %add3A_785 = arith.addi %mul3A_783, %add3A_784 : i32
      %get3A_786 = arith.index_cast %add3A_785 : i32 to index
      %get3A_787 = arith.constant 0 : index
      %get3A_788 = tpu.vector_load %arg12[%get3A_786, %get3A_787] {strides = array<i32>} : memref<128x128xf32, #tpu.memory_space<vmem>>, vector<16xf32>,
      %get3A_789 = arith.index_cast %add3A_785 : i32 to index
      %get3A_790 = arith.constant 0 : index
      %get3A_791 = tpu.vector_load %arg13[%get3A_789, %get3A_790] {strides = array<i32>} : memref<128x128xf32, #tpu.memory_space<vmem>>, vector<16xf32>,
      %get3A_792 = arith.index_cast %add3A_785 : i32 to index
      %get3A_793 = arith.constant 0 : index
      %get3A_794 = tpu.vector_load %arg14[%get3A_792, %get3A_793] {strides = array<i32>} : memref<128x128xf32, #tpu.memory_space<vmem>>, vector<16xf32>,
      %sub3A_795 = arith.subf %get3A_791, %get3A_794 : vector<16xf32>
      %mul3A_796 = arith.mulf %get3A_788, %sub3A_795 : vector<16xf32>
      %get3A_797 = arith.index_cast %add3A_785 : i32 to index
      %get3A_798 = arith.constant 16 : index
      %get3A_799 = tpu.vector_load %arg12[%get3A_797, %get3A_798] {strides = array<i32>} : memref<128x128xf32, #tpu.memory_space<vmem>>, vector<16xf32>,
      %get3A_800 = arith.index_cast %add3A_785 : i32 to index
      %get3A_801 = arith.constant 16 : index
      %get3A_802 = tpu.vector_load %arg13[%get3A_800, %get3A_801] {strides = array<i32>} : memref<128x128xf32, #tpu.memory_space<vmem>>, vector<16xf32>,
      %get3A_803 = arith.index_cast %add3A_785 : i32 to index
      %get3A_804 = arith.constant 16 : index
      %get3A_805 = tpu.vector_load %arg14[%get3A_803, %get3A_804] {strides = array<i32>} : memref<128x128xf32, #tpu.memory_space<vmem>>, vector<16xf32>,
      %sub3A_806 = arith.subf %get3A_802, %get3A_805 : vector<16xf32>
      %mul3A_807 = arith.mulf %get3A_799, %sub3A_806 : vector<16xf32>
      %add3A_808 = arith.addf %mul3A_796, %mul3A_807 : vector<16xf32>
      %get3A_809 = arith.index_cast %add3A_785 : i32 to index
      %get3A_810 = arith.constant 32 : index
      %get3A_811 = tpu.vector_load %arg12[%get3A_809, %get3A_810] {strides = array<i32>} : memref<128x128xf32, #tpu.memory_space<vmem>>, vector<16xf32>,
      %get3A_812 = arith.index_cast %add3A_785 : i32 to index
      %get3A_813 = arith.constant 32 : index
      %get3A_814 = tpu.vector_load %arg13[%get3A_812, %get3A_813] {strides = array<i32>} : memref<128x128xf32, #tpu.memory_space<vmem>>, vector<16xf32>,
      %get3A_815 = arith.index_cast %add3A_785 : i32 to index
      %get3A_816 = arith.constant 32 : index
      %get3A_817 = tpu.vector_load %arg14[%get3A_815, %get3A_816] {strides = array<i32>} : memref<128x128xf32, #tpu.memory_space<vmem>>, vector<16xf32>,
      %sub3A_818 = arith.subf %get3A_814, %get3A_817 : vector<16xf32>
      %mul3A_819 = arith.mulf %get3A_811, %sub3A_818 : vector<16xf32>
      %add3A_820 = arith.addf %add3A_808, %mul3A_819 : vector<16xf32>
      %get3A_821 = arith.index_cast %add3A_785 : i32 to index
      %get3A_822 = arith.constant 48 : index
      %get3A_823 = tpu.vector_load %arg12[%get3A_821, %get3A_822] {strides = array<i32>} : memref<128x128xf32, #tpu.memory_space<vmem>>, vector<16xf32>,
      %get3A_824 = arith.index_cast %add3A_785 : i32 to index
      %get3A_825 = arith.constant 48 : index
      %get3A_826 = tpu.vector_load %arg13[%get3A_824, %get3A_825] {strides = array<i32>} : memref<128x128xf32, #tpu.memory_space<vmem>>, vector<16xf32>,
      %get3A_827 = arith.index_cast %add3A_785 : i32 to index
      %get3A_828 = arith.constant 48 : index
      %get3A_829 = tpu.vector_load %arg14[%get3A_827, %get3A_828] {strides = array<i32>} : memref<128x128xf32, #tpu.memory_space<vmem>>, vector<16xf32>,
      %sub3A_830 = arith.subf %get3A_826, %get3A_829 : vector<16xf32>
      %mul3A_831 = arith.mulf %get3A_823, %sub3A_830 : vector<16xf32>
      %add3A_832 = arith.addf %add3A_820, %mul3A_831 : vector<16xf32>
      %swap3A_833 = arith.constant 144 : index
      %swap3A_834 = tpu.vector_load %arg17[%swap3A_833] {strides = array<i32>} : memref<256xf32, #tpu.memory_space<vmem>>, vector<16xf32>,
      tpu.vector_store %arg17[%swap3A_833], %add3A_832 {strides = array<i32>} : memref<256xf32, #tpu.memory_space<vmem>>, vector<16xf32>,
      %mul3A_835 = arith.constant 16 : i32
      %mul3A_836 = arith.muli %scan3A_307, %mul3A_835 : i32
      %add3A_837 = arith.constant 10 : i32
      %add3A_838 = arith.addi %mul3A_836, %add3A_837 : i32
      %get3A_839 = arith.index_cast %add3A_838 : i32 to index
      %get3A_840 = arith.constant 0 : index
      %get3A_841 = tpu.vector_load %arg12[%get3A_839, %get3A_840] {strides = array<i32>} : memref<128x128xf32, #tpu.memory_space<vmem>>, vector<16xf32>,
      %get3A_842 = arith.index_cast %add3A_838 : i32 to index
      %get3A_843 = arith.constant 0 : index
      %get3A_844 = tpu.vector_load %arg13[%get3A_842, %get3A_843] {strides = array<i32>} : memref<128x128xf32, #tpu.memory_space<vmem>>, vector<16xf32>,
      %get3A_845 = arith.index_cast %add3A_838 : i32 to index
      %get3A_846 = arith.constant 0 : index
      %get3A_847 = tpu.vector_load %arg14[%get3A_845, %get3A_846] {strides = array<i32>} : memref<128x128xf32, #tpu.memory_space<vmem>>, vector<16xf32>,
      %sub3A_848 = arith.subf %get3A_844, %get3A_847 : vector<16xf32>
      %mul3A_849 = arith.mulf %get3A_841, %sub3A_848 : vector<16xf32>
      %get3A_850 = arith.index_cast %add3A_838 : i32 to index
      %get3A_851 = arith.constant 16 : index
      %get3A_852 = tpu.vector_load %arg12[%get3A_850, %get3A_851] {strides = array<i32>} : memref<128x128xf32, #tpu.memory_space<vmem>>, vector<16xf32>,
      %get3A_853 = arith.index_cast %add3A_838 : i32 to index
      %get3A_854 = arith.constant 16 : index
      %get3A_855 = tpu.vector_load %arg13[%get3A_853, %get3A_854] {strides = array<i32>} : memref<128x128xf32, #tpu.memory_space<vmem>>, vector<16xf32>,
      %get3A_856 = arith.index_cast %add3A_838 : i32 to index
      %get3A_857 = arith.constant 16 : index
      %get3A_858 = tpu.vector_load %arg14[%get3A_856, %get3A_857] {strides = array<i32>} : memref<128x128xf32, #tpu.memory_space<vmem>>, vector<16xf32>,
      %sub3A_859 = arith.subf %get3A_855, %get3A_858 : vector<16xf32>
      %mul3A_860 = arith.mulf %get3A_852, %sub3A_859 : vector<16xf32>
      %add3A_861 = arith.addf %mul3A_849, %mul3A_860 : vector<16xf32>
      %get3A_862 = arith.index_cast %add3A_838 : i32 to index
      %get3A_863 = arith.constant 32 : index
      %get3A_864 = tpu.vector_load %arg12[%get3A_862, %get3A_863] {strides = array<i32>} : memref<128x128xf32, #tpu.memory_space<vmem>>, vector<16xf32>,
      %get3A_865 = arith.index_cast %add3A_838 : i32 to index
      %get3A_866 = arith.constant 32 : index
      %get3A_867 = tpu.vector_load %arg13[%get3A_865, %get3A_866] {strides = array<i32>} : memref<128x128xf32, #tpu.memory_space<vmem>>, vector<16xf32>,
      %get3A_868 = arith.index_cast %add3A_838 : i32 to index
      %get3A_869 = arith.constant 32 : index
      %get3A_870 = tpu.vector_load %arg14[%get3A_868, %get3A_869] {strides = array<i32>} : memref<128x128xf32, #tpu.memory_space<vmem>>, vector<16xf32>,
      %sub3A_871 = arith.subf %get3A_867, %get3A_870 : vector<16xf32>
      %mul3A_872 = arith.mulf %get3A_864, %sub3A_871 : vector<16xf32>
      %add3A_873 = arith.addf %add3A_861, %mul3A_872 : vector<16xf32>
      %get3A_874 = arith.index_cast %add3A_838 : i32 to index
      %get3A_875 = arith.constant 48 : index
      %get3A_876 = tpu.vector_load %arg12[%get3A_874, %get3A_875] {strides = array<i32>} : memref<128x128xf32, #tpu.memory_space<vmem>>, vector<16xf32>,
      %get3A_877 = arith.index_cast %add3A_838 : i32 to index
      %get3A_878 = arith.constant 48 : index
      %get3A_879 = tpu.vector_load %arg13[%get3A_877, %get3A_878] {strides = array<i32>} : memref<128x128xf32, #tpu.memory_space<vmem>>, vector<16xf32>,
      %get3A_880 = arith.index_cast %add3A_838 : i32 to index
      %get3A_881 = arith.constant 48 : index
      %get3A_882 = tpu.vector_load %arg14[%get3A_880, %get3A_881] {strides = array<i32>} : memref<128x128xf32, #tpu.memory_space<vmem>>, vector<16xf32>,
      %sub3A_883 = arith.subf %get3A_879, %get3A_882 : vector<16xf32>
      %mul3A_884 = arith.mulf %get3A_876, %sub3A_883 : vector<16xf32>
      %add3A_885 = arith.addf %add3A_873, %mul3A_884 : vector<16xf32>
      %swap3A_886 = arith.constant 160 : index
      %swap3A_887 = tpu.vector_load %arg17[%swap3A_886] {strides = array<i32>} : memref<256xf32, #tpu.memory_space<vmem>>, vector<16xf32>,
      tpu.vector_store %arg17[%swap3A_886], %add3A_885 {strides = array<i32>} : memref<256xf32, #tpu.memory_space<vmem>>, vector<16xf32>,
      %mul3A_888 = arith.constant 16 : i32
      %mul3A_889 = arith.muli %scan3A_307, %mul3A_888 : i32
      %add3A_890 = arith.constant 11 : i32
      %add3A_891 = arith.addi %mul3A_889, %add3A_890 : i32
      %get3A_892 = arith.index_cast %add3A_891 : i32 to index
      %get3A_893 = arith.constant 0 : index
      %get3A_894 = tpu.vector_load %arg12[%get3A_892, %get3A_893] {strides = array<i32>} : memref<128x128xf32, #tpu.memory_space<vmem>>, vector<16xf32>,
      %get3A_895 = arith.index_cast %add3A_891 : i32 to index
      %get3A_896 = arith.constant 0 : index
      %get3A_897 = tpu.vector_load %arg13[%get3A_895, %get3A_896] {strides = array<i32>} : memref<128x128xf32, #tpu.memory_space<vmem>>, vector<16xf32>,
      %get3A_898 = arith.index_cast %add3A_891 : i32 to index
      %get3A_899 = arith.constant 0 : index
      %get3A_900 = tpu.vector_load %arg14[%get3A_898, %get3A_899] {strides = array<i32>} : memref<128x128xf32, #tpu.memory_space<vmem>>, vector<16xf32>,
      %sub3A_901 = arith.subf %get3A_897, %get3A_900 : vector<16xf32>
      %mul3A_902 = arith.mulf %get3A_894, %sub3A_901 : vector<16xf32>
      %get3A_903 = arith.index_cast %add3A_891 : i32 to index
      %get3A_904 = arith.constant 16 : index
      %get3A_905 = tpu.vector_load %arg12[%get3A_903, %get3A_904] {strides = array<i32>} : memref<128x128xf32, #tpu.memory_space<vmem>>, vector<16xf32>,
      %get3A_906 = arith.index_cast %add3A_891 : i32 to index
      %get3A_907 = arith.constant 16 : index
      %get3A_908 = tpu.vector_load %arg13[%get3A_906, %get3A_907] {strides = array<i32>} : memref<128x128xf32, #tpu.memory_space<vmem>>, vector<16xf32>,
      %get3A_909 = arith.index_cast %add3A_891 : i32 to index
      %get3A_910 = arith.constant 16 : index
      %get3A_911 = tpu.vector_load %arg14[%get3A_909, %get3A_910] {strides = array<i32>} : memref<128x128xf32, #tpu.memory_space<vmem>>, vector<16xf32>,
      %sub3A_912 = arith.subf %get3A_908, %get3A_911 : vector<16xf32>
      %mul3A_913 = arith.mulf %get3A_905, %sub3A_912 : vector<16xf32>
      %add3A_914 = arith.addf %mul3A_902, %mul3A_913 : vector<16xf32>
      %get3A_915 = arith.index_cast %add3A_891 : i32 to index
      %get3A_916 = arith.constant 32 : index
      %get3A_917 = tpu.vector_load %arg12[%get3A_915, %get3A_916] {strides = array<i32>} : memref<128x128xf32, #tpu.memory_space<vmem>>, vector<16xf32>,
      %get3A_918 = arith.index_cast %add3A_891 : i32 to index
      %get3A_919 = arith.constant 32 : index
      %get3A_920 = tpu.vector_load %arg13[%get3A_918, %get3A_919] {strides = array<i32>} : memref<128x128xf32, #tpu.memory_space<vmem>>, vector<16xf32>,
      %get3A_921 = arith.index_cast %add3A_891 : i32 to index
      %get3A_922 = arith.constant 32 : index
      %get3A_923 = tpu.vector_load %arg14[%get3A_921, %get3A_922] {strides = array<i32>} : memref<128x128xf32, #tpu.memory_space<vmem>>, vector<16xf32>,
      %sub3A_924 = arith.subf %get3A_920, %get3A_923 : vector<16xf32>
      %mul3A_925 = arith.mulf %get3A_917, %sub3A_924 : vector<16xf32>
      %add3A_926 = arith.addf %add3A_914, %mul3A_925 : vector<16xf32>
      %get3A_927 = arith.index_cast %add3A_891 : i32 to index
      %get3A_928 = arith.constant 48 : index
      %get3A_929 = tpu.vector_load %arg12[%get3A_927, %get3A_928] {strides = array<i32>} : memref<128x128xf32, #tpu.memory_space<vmem>>, vector<16xf32>,
      %get3A_930 = arith.index_cast %add3A_891 : i32 to index
      %get3A_931 = arith.constant 48 : index
      %get3A_932 = tpu.vector_load %arg13[%get3A_930, %get3A_931] {strides = array<i32>} : memref<128x128xf32, #tpu.memory_space<vmem>>, vector<16xf32>,
      %get3A_933 = arith.index_cast %add3A_891 : i32 to index
      %get3A_934 = arith.constant 48 : index
      %get3A_935 = tpu.vector_load %arg14[%get3A_933, %get3A_934] {strides = array<i32>} : memref<128x128xf32, #tpu.memory_space<vmem>>, vector<16xf32>,
      %sub3A_936 = arith.subf %get3A_932, %get3A_935 : vector<16xf32>
      %mul3A_937 = arith.mulf %get3A_929, %sub3A_936 : vector<16xf32>
      %add3A_938 = arith.addf %add3A_926, %mul3A_937 : vector<16xf32>
      %swap3A_939 = arith.constant 176 : index
      %swap3A_940 = tpu.vector_load %arg17[%swap3A_939] {strides = array<i32>} : memref<256xf32, #tpu.memory_space<vmem>>, vector<16xf32>,
      tpu.vector_store %arg17[%swap3A_939], %add3A_938 {strides = array<i32>} : memref<256xf32, #tpu.memory_space<vmem>>, vector<16xf32>,
      %mul3A_941 = arith.constant 16 : i32
      %mul3A_942 = arith.muli %scan3A_307, %mul3A_941 : i32
      %add3A_943 = arith.constant 12 : i32
      %add3A_944 = arith.addi %mul3A_942, %add3A_943 : i32
      %get3A_945 = arith.index_cast %add3A_944 : i32 to index
      %get3A_946 = arith.constant 0 : index
      %get3A_947 = tpu.vector_load %arg12[%get3A_945, %get3A_946] {strides = array<i32>} : memref<128x128xf32, #tpu.memory_space<vmem>>, vector<16xf32>,
      %get3A_948 = arith.index_cast %add3A_944 : i32 to index
      %get3A_949 = arith.constant 0 : index
      %get3A_950 = tpu.vector_load %arg13[%get3A_948, %get3A_949] {strides = array<i32>} : memref<128x128xf32, #tpu.memory_space<vmem>>, vector<16xf32>,
      %get3A_951 = arith.index_cast %add3A_944 : i32 to index
      %get3A_952 = arith.constant 0 : index
      %get3A_953 = tpu.vector_load %arg14[%get3A_951, %get3A_952] {strides = array<i32>} : memref<128x128xf32, #tpu.memory_space<vmem>>, vector<16xf32>,
      %sub3A_954 = arith.subf %get3A_950, %get3A_953 : vector<16xf32>
      %mul3A_955 = arith.mulf %get3A_947, %sub3A_954 : vector<16xf32>
      %get3A_956 = arith.index_cast %add3A_944 : i32 to index
      %get3A_957 = arith.constant 16 : index
      %get3A_958 = tpu.vector_load %arg12[%get3A_956, %get3A_957] {strides = array<i32>} : memref<128x128xf32, #tpu.memory_space<vmem>>, vector<16xf32>,
      %get3A_959 = arith.index_cast %add3A_944 : i32 to index
      %get3A_960 = arith.constant 16 : index
      %get3A_961 = tpu.vector_load %arg13[%get3A_959, %get3A_960] {strides = array<i32>} : memref<128x128xf32, #tpu.memory_space<vmem>>, vector<16xf32>,
      %get3A_962 = arith.index_cast %add3A_944 : i32 to index
      %get3A_963 = arith.constant 16 : index
      %get3A_964 = tpu.vector_load %arg14[%get3A_962, %get3A_963] {strides = array<i32>} : memref<128x128xf32, #tpu.memory_space<vmem>>, vector<16xf32>,
      %sub3A_965 = arith.subf %get3A_961, %get3A_964 : vector<16xf32>
      %mul3A_966 = arith.mulf %get3A_958, %sub3A_965 : vector<16xf32>
      %add3A_967 = arith.addf %mul3A_955, %mul3A_966 : vector<16xf32>
      %get3A_968 = arith.index_cast %add3A_944 : i32 to index
      %get3A_969 = arith.constant 32 : index
      %get3A_970 = tpu.vector_load %arg12[%get3A_968, %get3A_969] {strides = array<i32>} : memref<128x128xf32, #tpu.memory_space<vmem>>, vector<16xf32>,
      %get3A_971 = arith.index_cast %add3A_944 : i32 to index
      %get3A_972 = arith.constant 32 : index
      %get3A_973 = tpu.vector_load %arg13[%get3A_971, %get3A_972] {strides = array<i32>} : memref<128x128xf32, #tpu.memory_space<vmem>>, vector<16xf32>,
      %get3A_974 = arith.index_cast %add3A_944 : i32 to index
      %get3A_975 = arith.constant 32 : index
      %get3A_976 = tpu.vector_load %arg14[%get3A_974, %get3A_975] {strides = array<i32>} : memref<128x128xf32, #tpu.memory_space<vmem>>, vector<16xf32>,
      %sub3A_977 = arith.subf %get3A_973, %get3A_976 : vector<16xf32>
      %mul3A_978 = arith.mulf %get3A_970, %sub3A_977 : vector<16xf32>
      %add3A_979 = arith.addf %add3A_967, %mul3A_978 : vector<16xf32>
      %get3A_980 = arith.index_cast %add3A_944 : i32 to index
      %get3A_981 = arith.constant 48 : index
      %get3A_982 = tpu.vector_load %arg12[%get3A_980, %get3A_981] {strides = array<i32>} : memref<128x128xf32, #tpu.memory_space<vmem>>, vector<16xf32>,
      %get3A_983 = arith.index_cast %add3A_944 : i32 to index
      %get3A_984 = arith.constant 48 : index
      %get3A_985 = tpu.vector_load %arg13[%get3A_983, %get3A_984] {strides = array<i32>} : memref<128x128xf32, #tpu.memory_space<vmem>>, vector<16xf32>,
      %get3A_986 = arith.index_cast %add3A_944 : i32 to index
      %get3A_987 = arith.constant 48 : index
      %get3A_988 = tpu.vector_load %arg14[%get3A_986, %get3A_987] {strides = array<i32>} : memref<128x128xf32, #tpu.memory_space<vmem>>, vector<16xf32>,
      %sub3A_989 = arith.subf %get3A_985, %get3A_988 : vector<16xf32>
      %mul3A_990 = arith.mulf %get3A_982, %sub3A_989 : vector<16xf32>
      %add3A_991 = arith.addf %add3A_979, %mul3A_990 : vector<16xf32>
      %swap3A_992 = arith.constant 192 : index
      %swap3A_993 = tpu.vector_load %arg17[%swap3A_992] {strides = array<i32>} : memref<256xf32, #tpu.memory_space<vmem>>, vector<16xf32>,
      tpu.vector_store %arg17[%swap3A_992], %add3A_991 {strides = array<i32>} : memref<256xf32, #tpu.memory_space<vmem>>, vector<16xf32>,
      %mul3A_994 = arith.constant 16 : i32
      %mul3A_995 = arith.muli %scan3A_307, %mul3A_994 : i32
      %add3A_996 = arith.constant 13 : i32
      %add3A_997 = arith.addi %mul3A_995, %add3A_996 : i32
      %get3A_998 = arith.index_cast %add3A_997 : i32 to index
      %get3A_999 = arith.constant 0 : index
      %get3A_1000 = tpu.vector_load %arg12[%get3A_998, %get3A_999] {strides = array<i32>} : memref<128x128xf32, #tpu.memory_space<vmem>>, vector<16xf32>,
      %get3A_1001 = arith.index_cast %add3A_997 : i32 to index
      %get3A_1002 = arith.constant 0 : index
      %get3A_1003 = tpu.vector_load %arg13[%get3A_1001, %get3A_1002] {strides = array<i32>} : memref<128x128xf32, #tpu.memory_space<vmem>>, vector<16xf32>,
      %get3A_1004 = arith.index_cast %add3A_997 : i32 to index
      %get3A_1005 = arith.constant 0 : index
      %get3A_1006 = tpu.vector_load %arg14[%get3A_1004, %get3A_1005] {strides = array<i32>} : memref<128x128xf32, #tpu.memory_space<vmem>>, vector<16xf32>,
      %sub3A_1007 = arith.subf %get3A_1003, %get3A_1006 : vector<16xf32>
      %mul3A_1008 = arith.mulf %get3A_1000, %sub3A_1007 : vector<16xf32>
      %get3A_1009 = arith.index_cast %add3A_997 : i32 to index
      %get3A_1010 = arith.constant 16 : index
      %get3A_1011 = tpu.vector_load %arg12[%get3A_1009, %get3A_1010] {strides = array<i32>} : memref<128x128xf32, #tpu.memory_space<vmem>>, vector<16xf32>,
      %get3A_1012 = arith.index_cast %add3A_997 : i32 to index
      %get3A_1013 = arith.constant 16 : index
      %get3A_1014 = tpu.vector_load %arg13[%get3A_1012, %get3A_1013] {strides = array<i32>} : memref<128x128xf32, #tpu.memory_space<vmem>>, vector<16xf32>,
      %get3A_1015 = arith.index_cast %add3A_997 : i32 to index
      %get3A_1016 = arith.constant 16 : index
      %get3A_1017 = tpu.vector_load %arg14[%get3A_1015, %get3A_1016] {strides = array<i32>} : memref<128x128xf32, #tpu.memory_space<vmem>>, vector<16xf32>,
      %sub3A_1018 = arith.subf %get3A_1014, %get3A_1017 : vector<16xf32>
      %mul3A_1019 = arith.mulf %get3A_1011, %sub3A_1018 : vector<16xf32>
      %add3A_1020 = arith.addf %mul3A_1008, %mul3A_1019 : vector<16xf32>
      %get3A_1021 = arith.index_cast %add3A_997 : i32 to index
      %get3A_1022 = arith.constant 32 : index
      %get3A_1023 = tpu.vector_load %arg12[%get3A_1021, %get3A_1022] {strides = array<i32>} : memref<128x128xf32, #tpu.memory_space<vmem>>, vector<16xf32>,
      %get3A_1024 = arith.index_cast %add3A_997 : i32 to index
      %get3A_1025 = arith.constant 32 : index
      %get3A_1026 = tpu.vector_load %arg13[%get3A_1024, %get3A_1025] {strides = array<i32>} : memref<128x128xf32, #tpu.memory_space<vmem>>, vector<16xf32>,
      %get3A_1027 = arith.index_cast %add3A_997 : i32 to index
      %get3A_1028 = arith.constant 32 : index
      %get3A_1029 = tpu.vector_load %arg14[%get3A_1027, %get3A_1028] {strides = array<i32>} : memref<128x128xf32, #tpu.memory_space<vmem>>, vector<16xf32>,
      %sub3A_1030 = arith.subf %get3A_1026, %get3A_1029 : vector<16xf32>
      %mul3A_1031 = arith.mulf %get3A_1023, %sub3A_1030 : vector<16xf32>
      %add3A_1032 = arith.addf %add3A_1020, %mul3A_1031 : vector<16xf32>
      %get3A_1033 = arith.index_cast %add3A_997 : i32 to index
      %get3A_1034 = arith.constant 48 : index
      %get3A_1035 = tpu.vector_load %arg12[%get3A_1033, %get3A_1034] {strides = array<i32>} : memref<128x128xf32, #tpu.memory_space<vmem>>, vector<16xf32>,
      %get3A_1036 = arith.index_cast %add3A_997 : i32 to index
      %get3A_1037 = arith.constant 48 : index
      %get3A_1038 = tpu.vector_load %arg13[%get3A_1036, %get3A_1037] {strides = array<i32>} : memref<128x128xf32, #tpu.memory_space<vmem>>, vector<16xf32>,
      %get3A_1039 = arith.index_cast %add3A_997 : i32 to index
      %get3A_1040 = arith.constant 48 : index
      %get3A_1041 = tpu.vector_load %arg14[%get3A_1039, %get3A_1040] {strides = array<i32>} : memref<128x128xf32, #tpu.memory_space<vmem>>, vector<16xf32>,
      %sub3A_1042 = arith.subf %get3A_1038, %get3A_1041 : vector<16xf32>
      %mul3A_1043 = arith.mulf %get3A_1035, %sub3A_1042 : vector<16xf32>
      %add3A_1044 = arith.addf %add3A_1032, %mul3A_1043 : vector<16xf32>
      %swap3A_1045 = arith.constant 208 : index
      %swap3A_1046 = tpu.vector_load %arg17[%swap3A_1045] {strides = array<i32>} : memref<256xf32, #tpu.memory_space<vmem>>, vector<16xf32>,
      tpu.vector_store %arg17[%swap3A_1045], %add3A_1044 {strides = array<i32>} : memref<256xf32, #tpu.memory_space<vmem>>, vector<16xf32>,
      %mul3A_1047 = arith.constant 16 : i32
      %mul3A_1048 = arith.muli %scan3A_307, %mul3A_1047 : i32
      %add3A_1049 = arith.constant 14 : i32
      %add3A_1050 = arith.addi %mul3A_1048, %add3A_1049 : i32
      %get3A_1051 = arith.index_cast %add3A_1050 : i32 to index
      %get3A_1052 = arith.constant 0 : index
      %get3A_1053 = tpu.vector_load %arg12[%get3A_1051, %get3A_1052] {strides = array<i32>} : memref<128x128xf32, #tpu.memory_space<vmem>>, vector<16xf32>,
      %get3A_1054 = arith.index_cast %add3A_1050 : i32 to index
      %get3A_1055 = arith.constant 0 : index
      %get3A_1056 = tpu.vector_load %arg13[%get3A_1054, %get3A_1055] {strides = array<i32>} : memref<128x128xf32, #tpu.memory_space<vmem>>, vector<16xf32>,
      %get3A_1057 = arith.index_cast %add3A_1050 : i32 to index
      %get3A_1058 = arith.constant 0 : index
      %get3A_1059 = tpu.vector_load %arg14[%get3A_1057, %get3A_1058] {strides = array<i32>} : memref<128x128xf32, #tpu.memory_space<vmem>>, vector<16xf32>,
      %sub3A_1060 = arith.subf %get3A_1056, %get3A_1059 : vector<16xf32>
      %mul3A_1061 = arith.mulf %get3A_1053, %sub3A_1060 : vector<16xf32>
      %get3A_1062 = arith.index_cast %add3A_1050 : i32 to index
      %get3A_1063 = arith.constant 16 : index
      %get3A_1064 = tpu.vector_load %arg12[%get3A_1062, %get3A_1063] {strides = array<i32>} : memref<128x128xf32, #tpu.memory_space<vmem>>, vector<16xf32>,
      %get3A_1065 = arith.index_cast %add3A_1050 : i32 to index
      %get3A_1066 = arith.constant 16 : index
      %get3A_1067 = tpu.vector_load %arg13[%get3A_1065, %get3A_1066] {strides = array<i32>} : memref<128x128xf32, #tpu.memory_space<vmem>>, vector<16xf32>,
      %get3A_1068 = arith.index_cast %add3A_1050 : i32 to index
      %get3A_1069 = arith.constant 16 : index
      %get3A_1070 = tpu.vector_load %arg14[%get3A_1068, %get3A_1069] {strides = array<i32>} : memref<128x128xf32, #tpu.memory_space<vmem>>, vector<16xf32>,
      %sub3A_1071 = arith.subf %get3A_1067, %get3A_1070 : vector<16xf32>
      %mul3A_1072 = arith.mulf %get3A_1064, %sub3A_1071 : vector<16xf32>
      %add3A_1073 = arith.addf %mul3A_1061, %mul3A_1072 : vector<16xf32>
      %get3A_1074 = arith.index_cast %add3A_1050 : i32 to index
      %get3A_1075 = arith.constant 32 : index
      %get3A_1076 = tpu.vector_load %arg12[%get3A_1074, %get3A_1075] {strides = array<i32>} : memref<128x128xf32, #tpu.memory_space<vmem>>, vector<16xf32>,
      %get3A_1077 = arith.index_cast %add3A_1050 : i32 to index
      %get3A_1078 = arith.constant 32 : index
      %get3A_1079 = tpu.vector_load %arg13[%get3A_1077, %get3A_1078] {strides = array<i32>} : memref<128x128xf32, #tpu.memory_space<vmem>>, vector<16xf32>,
      %get3A_1080 = arith.index_cast %add3A_1050 : i32 to index
      %get3A_1081 = arith.constant 32 : index
      %get3A_1082 = tpu.vector_load %arg14[%get3A_1080, %get3A_1081] {strides = array<i32>} : memref<128x128xf32, #tpu.memory_space<vmem>>, vector<16xf32>,
      %sub3A_1083 = arith.subf %get3A_1079, %get3A_1082 : vector<16xf32>
      %mul3A_1084 = arith.mulf %get3A_1076, %sub3A_1083 : vector<16xf32>
      %add3A_1085 = arith.addf %add3A_1073, %mul3A_1084 : vector<16xf32>
      %get3A_1086 = arith.index_cast %add3A_1050 : i32 to index
      %get3A_1087 = arith.constant 48 : index
      %get3A_1088 = tpu.vector_load %arg12[%get3A_1086, %get3A_1087] {strides = array<i32>} : memref<128x128xf32, #tpu.memory_space<vmem>>, vector<16xf32>,
      %get3A_1089 = arith.index_cast %add3A_1050 : i32 to index
      %get3A_1090 = arith.constant 48 : index
      %get3A_1091 = tpu.vector_load %arg13[%get3A_1089, %get3A_1090] {strides = array<i32>} : memref<128x128xf32, #tpu.memory_space<vmem>>, vector<16xf32>,
      %get3A_1092 = arith.index_cast %add3A_1050 : i32 to index
      %get3A_1093 = arith.constant 48 : index
      %get3A_1094 = tpu.vector_load %arg14[%get3A_1092, %get3A_1093] {strides = array<i32>} : memref<128x128xf32, #tpu.memory_space<vmem>>, vector<16xf32>,
      %sub3A_1095 = arith.subf %get3A_1091, %get3A_1094 : vector<16xf32>
      %mul3A_1096 = arith.mulf %get3A_1088, %sub3A_1095 : vector<16xf32>
      %add3A_1097 = arith.addf %add3A_1085, %mul3A_1096 : vector<16xf32>
      %swap3A_1098 = arith.constant 224 : index
      %swap3A_1099 = tpu.vector_load %arg17[%swap3A_1098] {strides = array<i32>} : memref<256xf32, #tpu.memory_space<vmem>>, vector<16xf32>,
      tpu.vector_store %arg17[%swap3A_1098], %add3A_1097 {strides = array<i32>} : memref<256xf32, #tpu.memory_space<vmem>>, vector<16xf32>,
      %mul3A_1100 = arith.constant 16 : i32
      %mul3A_1101 = arith.muli %scan3A_307, %mul3A_1100 : i32
      %add3A_1102 = arith.constant 15 : i32
      %add3A_1103 = arith.addi %mul3A_1101, %add3A_1102 : i32
      %get3A_1104 = arith.index_cast %add3A_1103 : i32 to index
      %get3A_1105 = arith.constant 0 : index
      %get3A_1106 = tpu.vector_load %arg12[%get3A_1104, %get3A_1105] {strides = array<i32>} : memref<128x128xf32, #tpu.memory_space<vmem>>, vector<16xf32>,
      %get3A_1107 = arith.index_cast %add3A_1103 : i32 to index
      %get3A_1108 = arith.constant 0 : index
      %get3A_1109 = tpu.vector_load %arg13[%get3A_1107, %get3A_1108] {strides = array<i32>} : memref<128x128xf32, #tpu.memory_space<vmem>>, vector<16xf32>,
      %get3A_1110 = arith.index_cast %add3A_1103 : i32 to index
      %get3A_1111 = arith.constant 0 : index
      %get3A_1112 = tpu.vector_load %arg14[%get3A_1110, %get3A_1111] {strides = array<i32>} : memref<128x128xf32, #tpu.memory_space<vmem>>, vector<16xf32>,
      %sub3A_1113 = arith.subf %get3A_1109, %get3A_1112 : vector<16xf32>
      %mul3A_1114 = arith.mulf %get3A_1106, %sub3A_1113 : vector<16xf32>
      %get3A_1115 = arith.index_cast %add3A_1103 : i32 to index
      %get3A_1116 = arith.constant 16 : index
      %get3A_1117 = tpu.vector_load %arg12[%get3A_1115, %get3A_1116] {strides = array<i32>} : memref<128x128xf32, #tpu.memory_space<vmem>>, vector<16xf32>,
      %get3A_1118 = arith.index_cast %add3A_1103 : i32 to index
      %get3A_1119 = arith.constant 16 : index
      %get3A_1120 = tpu.vector_load %arg13[%get3A_1118, %get3A_1119] {strides = array<i32>} : memref<128x128xf32, #tpu.memory_space<vmem>>, vector<16xf32>,
      %get3A_1121 = arith.index_cast %add3A_1103 : i32 to index
      %get3A_1122 = arith.constant 16 : index
      %get3A_1123 = tpu.vector_load %arg14[%get3A_1121, %get3A_1122] {strides = array<i32>} : memref<128x128xf32, #tpu.memory_space<vmem>>, vector<16xf32>,
      %sub3A_1124 = arith.subf %get3A_1120, %get3A_1123 : vector<16xf32>
      %mul3A_1125 = arith.mulf %get3A_1117, %sub3A_1124 : vector<16xf32>
      %add3A_1126 = arith.addf %mul3A_1114, %mul3A_1125 : vector<16xf32>
      %get3A_1127 = arith.index_cast %add3A_1103 : i32 to index
      %get3A_1128 = arith.constant 32 : index
      %get3A_1129 = tpu.vector_load %arg12[%get3A_1127, %get3A_1128] {strides = array<i32>} : memref<128x128xf32, #tpu.memory_space<vmem>>, vector<16xf32>,
      %get3A_1130 = arith.index_cast %add3A_1103 : i32 to index
      %get3A_1131 = arith.constant 32 : index
      %get3A_1132 = tpu.vector_load %arg13[%get3A_1130, %get3A_1131] {strides = array<i32>} : memref<128x128xf32, #tpu.memory_space<vmem>>, vector<16xf32>,
      %get3A_1133 = arith.index_cast %add3A_1103 : i32 to index
      %get3A_1134 = arith.constant 32 : index
      %get3A_1135 = tpu.vector_load %arg14[%get3A_1133, %get3A_1134] {strides = array<i32>} : memref<128x128xf32, #tpu.memory_space<vmem>>, vector<16xf32>,
      %sub3A_1136 = arith.subf %get3A_1132, %get3A_1135 : vector<16xf32>
      %mul3A_1137 = arith.mulf %get3A_1129, %sub3A_1136 : vector<16xf32>
      %add3A_1138 = arith.addf %add3A_1126, %mul3A_1137 : vector<16xf32>
      %get3A_1139 = arith.index_cast %add3A_1103 : i32 to index
      %get3A_1140 = arith.constant 48 : index
      %get3A_1141 = tpu.vector_load %arg12[%get3A_1139, %get3A_1140] {strides = array<i32>} : memref<128x128xf32, #tpu.memory_space<vmem>>, vector<16xf32>,
      %get3A_1142 = arith.index_cast %add3A_1103 : i32 to index
      %get3A_1143 = arith.constant 48 : index
      %get3A_1144 = tpu.vector_load %arg13[%get3A_1142, %get3A_1143] {strides = array<i32>} : memref<128x128xf32, #tpu.memory_space<vmem>>, vector<16xf32>,
      %get3A_1145 = arith.index_cast %add3A_1103 : i32 to index
      %get3A_1146 = arith.constant 48 : index
      %get3A_1147 = tpu.vector_load %arg14[%get3A_1145, %get3A_1146] {strides = array<i32>} : memref<128x128xf32, #tpu.memory_space<vmem>>, vector<16xf32>,
      %sub3A_1148 = arith.subf %get3A_1144, %get3A_1147 : vector<16xf32>
      %mul3A_1149 = arith.mulf %get3A_1141, %sub3A_1148 : vector<16xf32>
      %add3A_1150 = arith.addf %add3A_1138, %mul3A_1149 : vector<16xf32>
      %swap3A_1151 = arith.constant 240 : index
      %swap3A_1152 = tpu.vector_load %arg17[%swap3A_1151] {strides = array<i32>} : memref<256xf32, #tpu.memory_space<vmem>>, vector<16xf32>,
      tpu.vector_store %arg17[%swap3A_1151], %add3A_1150 {strides = array<i32>} : memref<256xf32, #tpu.memory_space<vmem>>, vector<16xf32>,
      %mul3A_1153 = arith.constant 16 : i32
      %mul3A_1154 = vector.broadcast %mul3A_1153 : i32 to vector<16xi32>
      %mul3A_1155 = arith.muli %iota3A, %mul3A_1154 : vector<16xi32>
      %gather3A = tpu.vector_load_idx %arg17[%mul3A_1155] : memref<256xf32, #tpu.memory_space<vmem>>[vector<16xi32>], vector<16xf32>,
      %add3A_1156 = arith.constant 1 : i32
      %add3A_1157 = vector.broadcast %add3A_1156 : i32 to vector<16xi32>
      %add3A_1158 = arith.addi %mul3A_1155, %add3A_1157 : vector<16xi32>
      %gather3A_1159 = tpu.vector_load_idx %arg17[%add3A_1158] : memref<256xf32, #tpu.memory_space<vmem>>[vector<16xi32>], vector<16xf32>,
      %add3A_1160 = arith.addf %gather3A, %gather3A_1159 : vector<16xf32>
      %add3A_1161 = arith.constant 2 : i32
      %add3A_1162 = vector.broadcast %add3A_1161 : i32 to vector<16xi32>
      %add3A_1163 = arith.addi %mul3A_1155, %add3A_1162 : vector<16xi32>
      %gather3A_1164 = tpu.vector_load_idx %arg17[%add3A_1163] : memref<256xf32, #tpu.memory_space<vmem>>[vector<16xi32>], vector<16xf32>,
      %add3A_1165 = arith.addf %add3A_1160, %gather3A_1164 : vector<16xf32>
      %add3A_1166 = arith.constant 3 : i32
      %add3A_1167 = vector.broadcast %add3A_1166 : i32 to vector<16xi32>
      %add3A_1168 = arith.addi %mul3A_1155, %add3A_1167 : vector<16xi32>
      %gather3A_1169 = tpu.vector_load_idx %arg17[%add3A_1168] : memref<256xf32, #tpu.memory_space<vmem>>[vector<16xi32>], vector<16xf32>,
      %add3A_1170 = arith.addf %add3A_1165, %gather3A_1169 : vector<16xf32>
      %add3A_1171 = arith.constant 4 : i32
      %add3A_1172 = vector.broadcast %add3A_1171 : i32 to vector<16xi32>
      %add3A_1173 = arith.addi %mul3A_1155, %add3A_1172 : vector<16xi32>
      %gather3A_1174 = tpu.vector_load_idx %arg17[%add3A_1173] : memref<256xf32, #tpu.memory_space<vmem>>[vector<16xi32>], vector<16xf32>,
      %add3A_1175 = arith.addf %add3A_1170, %gather3A_1174 : vector<16xf32>
      %add3A_1176 = arith.constant 5 : i32
      %add3A_1177 = vector.broadcast %add3A_1176 : i32 to vector<16xi32>
      %add3A_1178 = arith.addi %mul3A_1155, %add3A_1177 : vector<16xi32>
      %gather3A_1179 = tpu.vector_load_idx %arg17[%add3A_1178] : memref<256xf32, #tpu.memory_space<vmem>>[vector<16xi32>], vector<16xf32>,
      %add3A_1180 = arith.addf %add3A_1175, %gather3A_1179 : vector<16xf32>
      %add3A_1181 = arith.constant 6 : i32
      %add3A_1182 = vector.broadcast %add3A_1181 : i32 to vector<16xi32>
      %add3A_1183 = arith.addi %mul3A_1155, %add3A_1182 : vector<16xi32>
      %gather3A_1184 = tpu.vector_load_idx %arg17[%add3A_1183] : memref<256xf32, #tpu.memory_space<vmem>>[vector<16xi32>], vector<16xf32>,
      %add3A_1185 = arith.addf %add3A_1180, %gather3A_1184 : vector<16xf32>
      %add3A_1186 = arith.constant 7 : i32
      %add3A_1187 = vector.broadcast %add3A_1186 : i32 to vector<16xi32>
      %add3A_1188 = arith.addi %mul3A_1155, %add3A_1187 : vector<16xi32>
      %gather3A_1189 = tpu.vector_load_idx %arg17[%add3A_1188] : memref<256xf32, #tpu.memory_space<vmem>>[vector<16xi32>], vector<16xf32>,
      %add3A_1190 = arith.addf %add3A_1185, %gather3A_1189 : vector<16xf32>
      %add3A_1191 = arith.constant 8 : i32
      %add3A_1192 = vector.broadcast %add3A_1191 : i32 to vector<16xi32>
      %add3A_1193 = arith.addi %mul3A_1155, %add3A_1192 : vector<16xi32>
      %gather3A_1194 = tpu.vector_load_idx %arg17[%add3A_1193] : memref<256xf32, #tpu.memory_space<vmem>>[vector<16xi32>], vector<16xf32>,
      %add3A_1195 = arith.addf %add3A_1190, %gather3A_1194 : vector<16xf32>
      %add3A_1196 = arith.constant 9 : i32
      %add3A_1197 = vector.broadcast %add3A_1196 : i32 to vector<16xi32>
      %add3A_1198 = arith.addi %mul3A_1155, %add3A_1197 : vector<16xi32>
      %gather3A_1199 = tpu.vector_load_idx %arg17[%add3A_1198] : memref<256xf32, #tpu.memory_space<vmem>>[vector<16xi32>], vector<16xf32>,
      %add3A_1200 = arith.addf %add3A_1195, %gather3A_1199 : vector<16xf32>
      %add3A_1201 = arith.constant 10 : i32
      %add3A_1202 = vector.broadcast %add3A_1201 : i32 to vector<16xi32>
      %add3A_1203 = arith.addi %mul3A_1155, %add3A_1202 : vector<16xi32>
      %gather3A_1204 = tpu.vector_load_idx %arg17[%add3A_1203] : memref<256xf32, #tpu.memory_space<vmem>>[vector<16xi32>], vector<16xf32>,
      %add3A_1205 = arith.addf %add3A_1200, %gather3A_1204 : vector<16xf32>
      %add3A_1206 = arith.constant 11 : i32
      %add3A_1207 = vector.broadcast %add3A_1206 : i32 to vector<16xi32>
      %add3A_1208 = arith.addi %mul3A_1155, %add3A_1207 : vector<16xi32>
      %gather3A_1209 = tpu.vector_load_idx %arg17[%add3A_1208] : memref<256xf32, #tpu.memory_space<vmem>>[vector<16xi32>], vector<16xf32>,
      %add3A_1210 = arith.addf %add3A_1205, %gather3A_1209 : vector<16xf32>
      %add3A_1211 = arith.constant 12 : i32
      %add3A_1212 = vector.broadcast %add3A_1211 : i32 to vector<16xi32>
      %add3A_1213 = arith.addi %mul3A_1155, %add3A_1212 : vector<16xi32>
      %gather3A_1214 = tpu.vector_load_idx %arg17[%add3A_1213] : memref<256xf32, #tpu.memory_space<vmem>>[vector<16xi32>], vector<16xf32>,
      %add3A_1215 = arith.addf %add3A_1210, %gather3A_1214 : vector<16xf32>
      %add3A_1216 = arith.constant 13 : i32
      %add3A_1217 = vector.broadcast %add3A_1216 : i32 to vector<16xi32>
      %add3A_1218 = arith.addi %mul3A_1155, %add3A_1217 : vector<16xi32>
      %gather3A_1219 = tpu.vector_load_idx %arg17[%add3A_1218] : memref<256xf32, #tpu.memory_space<vmem>>[vector<16xi32>], vector<16xf32>,
      %add3A_1220 = arith.addf %add3A_1215, %gather3A_1219 : vector<16xf32>
      %add3A_1221 = arith.constant 14 : i32
      %add3A_1222 = vector.broadcast %add3A_1221 : i32 to vector<16xi32>
      %add3A_1223 = arith.addi %mul3A_1155, %add3A_1222 : vector<16xi32>
      %gather3A_1224 = tpu.vector_load_idx %arg17[%add3A_1223] : memref<256xf32, #tpu.memory_space<vmem>>[vector<16xi32>], vector<16xf32>,
      %add3A_1225 = arith.addf %add3A_1220, %gather3A_1224 : vector<16xf32>
      %add3A_1226 = arith.constant 15 : i32
      %add3A_1227 = vector.broadcast %add3A_1226 : i32 to vector<16xi32>
      %add3A_1228 = arith.addi %mul3A_1155, %add3A_1227 : vector<16xi32>
      %gather3A_1229 = tpu.vector_load_idx %arg17[%add3A_1228] : memref<256xf32, #tpu.memory_space<vmem>>[vector<16xi32>], vector<16xf32>,
      %add3A_1230 = arith.addf %add3A_1225, %gather3A_1229 : vector<16xf32>
      %mul3A_1231 = arith.constant 16 : i32
      %mul3A_1232 = arith.muli %scan3A_307, %mul3A_1231 : i32
      %get3A_1233 = arith.index_cast %mul3A_1232 : i32 to index
      %get3A_1234 = tpu.vector_load %arg15[%get3A_1233] {strides = array<i32>} : memref<128xf32, #tpu.memory_space<vmem>>, vector<16xf32>,
      %mul3A_1235 = arith.constant 16 : i32
      %mul3A_1236 = arith.muli %scan3A_307, %mul3A_1235 : i32
      %get3A_1237 = arith.index_cast %mul3A_1236 : i32 to index
      %get3A_1238 = tpu.vector_load %arg16[%get3A_1237] {strides = array<i32>} : memref<128xf32, #tpu.memory_space<vmem>>, vector<16xf32>,
      %add3A_1239 = arith.addf %add3A_1230, %get3A_1234 : vector<16xf32>
      %sub3A_1240 = arith.subf %add3A_1239, %get3A_1238 : vector<16xf32>
      %mul3A_1241 = arith.constant 16 : i32
      %mul3A_1242 = arith.muli %scan3A_307, %mul3A_1241 : i32
      %add3A_1243 = arith.constant 0 : i32
      %add3A_1244 = arith.addi %add3A_1243, %mul3A_1242 : i32
      %swap3A_1245 = arith.index_cast %add3A_1244 : i32 to index
      %swap3A_1246 = tpu.vector_load %arg18[%swap3A_1245] {strides = array<i32>} : memref<512xf32, #tpu.memory_space<vmem>>, vector<16xf32>,
      tpu.vector_store %arg18[%swap3A_1245], %sub3A_1240 {strides = array<i32>} : memref<512xf32, #tpu.memory_space<vmem>>, vector<16xf32>,
    }
    %scan3A_90 = arith.constant 8 : i32
    %dma_start3A_91 = arith.constant 1 : i32
    %dma_start3A_92 = arith.constant 0 : i32
    %dma_start3A_93 = tpu.memref_slice %arg9[%dma_start3A_91, %dma_start3A_92] : memref<4x128xi32, #tpu.memory_space<vmem>> -> memref<1x128xi32, #tpu.memory_space<vmem>>
    %dma_start3A_94 = tpu.memref_squeeze %dma_start3A_93 : memref<1x128xi32, #tpu.memory_space<vmem>> -> memref<128xi32, #tpu.memory_space<vmem>>
    %dma_start3A_95 = arith.constant 0 : i32
    %dma_start3A_96 = arith.constant 0 : i32
    %dma_start3A_97 = tpu.memref_slice %arg5[%dma_start3A_95, %dma_start3A_96] : memref<1000000x128xf32, #tpu.memory_space<hbm>> -> memref<1000000x128xf32, #tpu.memory_space<hbm>>
    tpu.enqueue_indirect_dma source(%dma_start3A_97 : memref<1000000x128xf32, #tpu.memory_space<hbm>>) target(%arg12 : memref<128x128xf32, #tpu.memory_space<vmem>>) offsets(%dma_start3A_94 : memref<128xi32, #tpu.memory_space<vmem>>) semaphore(%arg19 : memref<!tpu.dma_semaphore, #tpu.memory_space<semaphore_mem>>)
    %dma_start3A_98 = arith.constant 1 : i32
    %dma_start3A_99 = arith.constant 0 : i32
    %dma_start3A_100 = tpu.memref_slice %arg10[%dma_start3A_98, %dma_start3A_99] : memref<4x128xi32, #tpu.memory_space<vmem>> -> memref<1x128xi32, #tpu.memory_space<vmem>>
    %dma_start3A_101 = tpu.memref_squeeze %dma_start3A_100 : memref<1x128xi32, #tpu.memory_space<vmem>> -> memref<128xi32, #tpu.memory_space<vmem>>
    %dma_start3A_102 = arith.constant 0 : i32
    %dma_start3A_103 = arith.constant 0 : i32
    %dma_start3A_104 = tpu.memref_slice %arg6[%dma_start3A_102, %dma_start3A_103] : memref<1000000x128xf32, #tpu.memory_space<hbm>> -> memref<1000000x128xf32, #tpu.memory_space<hbm>>
    tpu.enqueue_indirect_dma source(%dma_start3A_104 : memref<1000000x128xf32, #tpu.memory_space<hbm>>) target(%arg13 : memref<128x128xf32, #tpu.memory_space<vmem>>) offsets(%dma_start3A_101 : memref<128xi32, #tpu.memory_space<vmem>>) semaphore(%arg19 : memref<!tpu.dma_semaphore, #tpu.memory_space<semaphore_mem>>)
    %dma_start3A_105 = arith.constant 1 : i32
    %dma_start3A_106 = arith.constant 0 : i32
    %dma_start3A_107 = tpu.memref_slice %arg11[%dma_start3A_105, %dma_start3A_106] : memref<4x128xi32, #tpu.memory_space<vmem>> -> memref<1x128xi32, #tpu.memory_space<vmem>>
    %dma_start3A_108 = tpu.memref_squeeze %dma_start3A_107 : memref<1x128xi32, #tpu.memory_space<vmem>> -> memref<128xi32, #tpu.memory_space<vmem>>
    %dma_start3A_109 = arith.constant 0 : i32
    %dma_start3A_110 = arith.constant 0 : i32
    %dma_start3A_111 = tpu.memref_slice %arg6[%dma_start3A_109, %dma_start3A_110] : memref<1000000x128xf32, #tpu.memory_space<hbm>> -> memref<1000000x128xf32, #tpu.memory_space<hbm>>
    tpu.enqueue_indirect_dma source(%dma_start3A_111 : memref<1000000x128xf32, #tpu.memory_space<hbm>>) target(%arg14 : memref<128x128xf32, #tpu.memory_space<vmem>>) offsets(%dma_start3A_108 : memref<128xi32, #tpu.memory_space<vmem>>) semaphore(%arg19 : memref<!tpu.dma_semaphore, #tpu.memory_space<semaphore_mem>>)
    %dma_start3A_112 = arith.constant 1 : i32
    %dma_start3A_113 = arith.constant 0 : i32
    %dma_start3A_114 = tpu.memref_slice %arg10[%dma_start3A_112, %dma_start3A_113] : memref<4x128xi32, #tpu.memory_space<vmem>> -> memref<1x128xi32, #tpu.memory_space<vmem>>
    %dma_start3A_115 = tpu.memref_squeeze %dma_start3A_114 : memref<1x128xi32, #tpu.memory_space<vmem>> -> memref<128xi32, #tpu.memory_space<vmem>>
    %dma_start3A_116 = arith.constant 0 : i32
    %dma_start3A_117 = tpu.memref_slice %arg7[%dma_start3A_116] : memref<1000000xf32, #tpu.memory_space<hbm>> -> memref<1000000xf32, #tpu.memory_space<hbm>>
    tpu.enqueue_indirect_dma source(%dma_start3A_117 : memref<1000000xf32, #tpu.memory_space<hbm>>) target(%arg15 : memref<128xf32, #tpu.memory_space<vmem>>) offsets(%dma_start3A_115 : memref<128xi32, #tpu.memory_space<vmem>>) semaphore(%arg19 : memref<!tpu.dma_semaphore, #tpu.memory_space<semaphore_mem>>)
    %dma_start3A_118 = arith.constant 1 : i32
    %dma_start3A_119 = arith.constant 0 : i32
    %dma_start3A_120 = tpu.memref_slice %arg11[%dma_start3A_118, %dma_start3A_119] : memref<4x128xi32, #tpu.memory_space<vmem>> -> memref<1x128xi32, #tpu.memory_space<vmem>>
    %dma_start3A_121 = tpu.memref_squeeze %dma_start3A_120 : memref<1x128xi32, #tpu.memory_space<vmem>> -> memref<128xi32, #tpu.memory_space<vmem>>
    %dma_start3A_122 = arith.constant 0 : i32
    %dma_start3A_123 = tpu.memref_slice %arg7[%dma_start3A_122] : memref<1000000xf32, #tpu.memory_space<hbm>> -> memref<1000000xf32, #tpu.memory_space<hbm>>
    tpu.enqueue_indirect_dma source(%dma_start3A_123 : memref<1000000xf32, #tpu.memory_space<hbm>>) target(%arg16 : memref<128xf32, #tpu.memory_space<vmem>>) offsets(%dma_start3A_121 : memref<128xi32, #tpu.memory_space<vmem>>) semaphore(%arg19 : memref<!tpu.dma_semaphore, #tpu.memory_space<semaphore_mem>>)
    %dma_wait3A_124 = arith.constant 1 : i32
    %dma_wait3A_125 = arith.constant 0 : i32
    %dma_wait3A_126 = tpu.memref_slice %arg9[%dma_wait3A_124, %dma_wait3A_125] : memref<4x128xi32, #tpu.memory_space<vmem>> -> memref<1x128xi32, #tpu.memory_space<vmem>>
    %dma_wait3A_127 = tpu.memref_squeeze %dma_wait3A_126 : memref<1x128xi32, #tpu.memory_space<vmem>> -> memref<128xi32, #tpu.memory_space<vmem>>
    %dma_wait3A_128 = arith.constant 0 : i32
    %dma_wait3A_129 = arith.constant 0 : i32
    %dma_wait3A_130 = tpu.memref_slice %arg5[%dma_wait3A_128, %dma_wait3A_129] : memref<1000000x128xf32, #tpu.memory_space<hbm>> -> memref<1000000x128xf32, #tpu.memory_space<hbm>>
    tpu.wait_indirect_dma semaphore(%arg19 : memref<!tpu.dma_semaphore, #tpu.memory_space<semaphore_mem>>) src(%dma_wait3A_130 : memref<1000000x128xf32, #tpu.memory_space<hbm>>) dst(%arg12 : memref<128x128xf32, #tpu.memory_space<vmem>>)
    %dma_wait3A_131 = arith.constant 1 : i32
    %dma_wait3A_132 = arith.constant 0 : i32
    %dma_wait3A_133 = tpu.memref_slice %arg10[%dma_wait3A_131, %dma_wait3A_132] : memref<4x128xi32, #tpu.memory_space<vmem>> -> memref<1x128xi32, #tpu.memory_space<vmem>>
    %dma_wait3A_134 = tpu.memref_squeeze %dma_wait3A_133 : memref<1x128xi32, #tpu.memory_space<vmem>> -> memref<128xi32, #tpu.memory_space<vmem>>
    %dma_wait3A_135 = arith.constant 0 : i32
    %dma_wait3A_136 = arith.constant 0 : i32
    %dma_wait3A_137 = tpu.memref_slice %arg6[%dma_wait3A_135, %dma_wait3A_136] : memref<1000000x128xf32, #tpu.memory_space<hbm>> -> memref<1000000x128xf32, #tpu.memory_space<hbm>>
    tpu.wait_indirect_dma semaphore(%arg19 : memref<!tpu.dma_semaphore, #tpu.memory_space<semaphore_mem>>) src(%dma_wait3A_137 : memref<1000000x128xf32, #tpu.memory_space<hbm>>) dst(%arg13 : memref<128x128xf32, #tpu.memory_space<vmem>>)
    %dma_wait3A_138 = arith.constant 1 : i32
    %dma_wait3A_139 = arith.constant 0 : i32
    %dma_wait3A_140 = tpu.memref_slice %arg11[%dma_wait3A_138, %dma_wait3A_139] : memref<4x128xi32, #tpu.memory_space<vmem>> -> memref<1x128xi32, #tpu.memory_space<vmem>>
    %dma_wait3A_141 = tpu.memref_squeeze %dma_wait3A_140 : memref<1x128xi32, #tpu.memory_space<vmem>> -> memref<128xi32, #tpu.memory_space<vmem>>
    %dma_wait3A_142 = arith.constant 0 : i32
    %dma_wait3A_143 = arith.constant 0 : i32
    %dma_wait3A_144 = tpu.memref_slice %arg6[%dma_wait3A_142, %dma_wait3A_143] : memref<1000000x128xf32, #tpu.memory_space<hbm>> -> memref<1000000x128xf32, #tpu.memory_space<hbm>>
    tpu.wait_indirect_dma semaphore(%arg19 : memref<!tpu.dma_semaphore, #tpu.memory_space<semaphore_mem>>) src(%dma_wait3A_144 : memref<1000000x128xf32, #tpu.memory_space<hbm>>) dst(%arg14 : memref<128x128xf32, #tpu.memory_space<vmem>>)
    %dma_wait3A_145 = arith.constant 1 : i32
    %dma_wait3A_146 = arith.constant 0 : i32
    %dma_wait3A_147 = tpu.memref_slice %arg10[%dma_wait3A_145, %dma_wait3A_146] : memref<4x128xi32, #tpu.memory_space<vmem>> -> memref<1x128xi32, #tpu.memory_space<vmem>>
    %dma_wait3A_148 = tpu.memref_squeeze %dma_wait3A_147 : memref<1x128xi32, #tpu.memory_space<vmem>> -> memref<128xi32, #tpu.memory_space<vmem>>
    %dma_wait3A_149 = arith.constant 0 : i32
    %dma_wait3A_150 = tpu.memref_slice %arg7[%dma_wait3A_149] : memref<1000000xf32, #tpu.memory_space<hbm>> -> memref<1000000xf32, #tpu.memory_space<hbm>>
    tpu.wait_indirect_dma semaphore(%arg19 : memref<!tpu.dma_semaphore, #tpu.memory_space<semaphore_mem>>) src(%dma_wait3A_150 : memref<1000000xf32, #tpu.memory_space<hbm>>) dst(%arg15 : memref<128xf32, #tpu.memory_space<vmem>>)
    %dma_wait3A_151 = arith.constant 1 : i32
    %dma_wait3A_152 = arith.constant 0 : i32
    %dma_wait3A_153 = tpu.memref_slice %arg11[%dma_wait3A_151, %dma_wait3A_152] : memref<4x128xi32, #tpu.memory_space<vmem>> -> memref<1x128xi32, #tpu.memory_space<vmem>>
    %dma_wait3A_154 = tpu.memref_squeeze %dma_wait3A_153 : memref<1x128xi32, #tpu.memory_space<vmem>> -> memref<128xi32, #tpu.memory_space<vmem>>
    %dma_wait3A_155 = arith.constant 0 : i32
    %dma_wait3A_156 = tpu.memref_slice %arg7[%dma_wait3A_155] : memref<1000000xf32, #tpu.memory_space<hbm>> -> memref<1000000xf32, #tpu.memory_space<hbm>>
    tpu.wait_indirect_dma semaphore(%arg19 : memref<!tpu.dma_semaphore, #tpu.memory_space<semaphore_mem>>) src(%dma_wait3A_156 : memref<1000000xf32, #tpu.memory_space<hbm>>) dst(%arg16 : memref<128xf32, #tpu.memory_space<vmem>>)
    %scan3A_157 = arith.constant 0 : i32
    %scan3A_158 = arith.constant 0 : i32
    %scan3A_159 = arith.constant 8 : i32
    %scan3A_160 = arith.addi %scan3A_158, %scan3A_159 : i32
    %scan3A_161 = arith.constant 1 : i32
    scf.for %scan3A_307 = %scan3A_158 to %scan3A_160 step %scan3A_161  : i32 {
      %mul3A_308 = arith.constant 16 : i32
      %mul3A_309 = arith.muli %scan3A_307, %mul3A_308 : i32
      %add3A_310 = arith.constant 0 : i32
      %add3A_311 = arith.addi %mul3A_309, %add3A_310 : i32
      %get3A = arith.index_cast %add3A_311 : i32 to index
      %get3A_312 = arith.constant 0 : index
      %get3A_313 = tpu.vector_load %arg12[%get3A, %get3A_312] {strides = array<i32>} : memref<128x128xf32, #tpu.memory_space<vmem>>, vector<16xf32>,
      %get3A_314 = arith.index_cast %add3A_311 : i32 to index
      %get3A_315 = arith.constant 0 : index
      %get3A_316 = tpu.vector_load %arg13[%get3A_314, %get3A_315] {strides = array<i32>} : memref<128x128xf32, #tpu.memory_space<vmem>>, vector<16xf32>,
      %get3A_317 = arith.index_cast %add3A_311 : i32 to index
      %get3A_318 = arith.constant 0 : index
      %get3A_319 = tpu.vector_load %arg14[%get3A_317, %get3A_318] {strides = array<i32>} : memref<128x128xf32, #tpu.memory_space<vmem>>, vector<16xf32>,
      %sub3A = arith.subf %get3A_316, %get3A_319 : vector<16xf32>
      %mul3A_320 = arith.mulf %get3A_313, %sub3A : vector<16xf32>
      %get3A_321 = arith.index_cast %add3A_311 : i32 to index
      %get3A_322 = arith.constant 16 : index
      %get3A_323 = tpu.vector_load %arg12[%get3A_321, %get3A_322] {strides = array<i32>} : memref<128x128xf32, #tpu.memory_space<vmem>>, vector<16xf32>,
      %get3A_324 = arith.index_cast %add3A_311 : i32 to index
      %get3A_325 = arith.constant 16 : index
      %get3A_326 = tpu.vector_load %arg13[%get3A_324, %get3A_325] {strides = array<i32>} : memref<128x128xf32, #tpu.memory_space<vmem>>, vector<16xf32>,
      %get3A_327 = arith.index_cast %add3A_311 : i32 to index
      %get3A_328 = arith.constant 16 : index
      %get3A_329 = tpu.vector_load %arg14[%get3A_327, %get3A_328] {strides = array<i32>} : memref<128x128xf32, #tpu.memory_space<vmem>>, vector<16xf32>,
      %sub3A_330 = arith.subf %get3A_326, %get3A_329 : vector<16xf32>
      %mul3A_331 = arith.mulf %get3A_323, %sub3A_330 : vector<16xf32>
      %add3A_332 = arith.addf %mul3A_320, %mul3A_331 : vector<16xf32>
      %get3A_333 = arith.index_cast %add3A_311 : i32 to index
      %get3A_334 = arith.constant 32 : index
      %get3A_335 = tpu.vector_load %arg12[%get3A_333, %get3A_334] {strides = array<i32>} : memref<128x128xf32, #tpu.memory_space<vmem>>, vector<16xf32>,
      %get3A_336 = arith.index_cast %add3A_311 : i32 to index
      %get3A_337 = arith.constant 32 : index
      %get3A_338 = tpu.vector_load %arg13[%get3A_336, %get3A_337] {strides = array<i32>} : memref<128x128xf32, #tpu.memory_space<vmem>>, vector<16xf32>,
      %get3A_339 = arith.index_cast %add3A_311 : i32 to index
      %get3A_340 = arith.constant 32 : index
      %get3A_341 = tpu.vector_load %arg14[%get3A_339, %get3A_340] {strides = array<i32>} : memref<128x128xf32, #tpu.memory_space<vmem>>, vector<16xf32>,
      %sub3A_342 = arith.subf %get3A_338, %get3A_341 : vector<16xf32>
      %mul3A_343 = arith.mulf %get3A_335, %sub3A_342 : vector<16xf32>
      %add3A_344 = arith.addf %add3A_332, %mul3A_343 : vector<16xf32>
      %get3A_345 = arith.index_cast %add3A_311 : i32 to index
      %get3A_346 = arith.constant 48 : index
      %get3A_347 = tpu.vector_load %arg12[%get3A_345, %get3A_346] {strides = array<i32>} : memref<128x128xf32, #tpu.memory_space<vmem>>, vector<16xf32>,
      %get3A_348 = arith.index_cast %add3A_311 : i32 to index
      %get3A_349 = arith.constant 48 : index
      %get3A_350 = tpu.vector_load %arg13[%get3A_348, %get3A_349] {strides = array<i32>} : memref<128x128xf32, #tpu.memory_space<vmem>>, vector<16xf32>,
      %get3A_351 = arith.index_cast %add3A_311 : i32 to index
      %get3A_352 = arith.constant 48 : index
      %get3A_353 = tpu.vector_load %arg14[%get3A_351, %get3A_352] {strides = array<i32>} : memref<128x128xf32, #tpu.memory_space<vmem>>, vector<16xf32>,
      %sub3A_354 = arith.subf %get3A_350, %get3A_353 : vector<16xf32>
      %mul3A_355 = arith.mulf %get3A_347, %sub3A_354 : vector<16xf32>
      %add3A_356 = arith.addf %add3A_344, %mul3A_355 : vector<16xf32>
      %swap3A = arith.constant 0 : index
      %swap3A_357 = tpu.vector_load %arg17[%swap3A] {strides = array<i32>} : memref<256xf32, #tpu.memory_space<vmem>>, vector<16xf32>,
      tpu.vector_store %arg17[%swap3A], %add3A_356 {strides = array<i32>} : memref<256xf32, #tpu.memory_space<vmem>>, vector<16xf32>,
      %mul3A_358 = arith.constant 16 : i32
      %mul3A_359 = arith.muli %scan3A_307, %mul3A_358 : i32
      %add3A_360 = arith.constant 1 : i32
      %add3A_361 = arith.addi %mul3A_359, %add3A_360 : i32
      %get3A_362 = arith.index_cast %add3A_361 : i32 to index
      %get3A_363 = arith.constant 0 : index
      %get3A_364 = tpu.vector_load %arg12[%get3A_362, %get3A_363] {strides = array<i32>} : memref<128x128xf32, #tpu.memory_space<vmem>>, vector<16xf32>,
      %get3A_365 = arith.index_cast %add3A_361 : i32 to index
      %get3A_366 = arith.constant 0 : index
      %get3A_367 = tpu.vector_load %arg13[%get3A_365, %get3A_366] {strides = array<i32>} : memref<128x128xf32, #tpu.memory_space<vmem>>, vector<16xf32>,
      %get3A_368 = arith.index_cast %add3A_361 : i32 to index
      %get3A_369 = arith.constant 0 : index
      %get3A_370 = tpu.vector_load %arg14[%get3A_368, %get3A_369] {strides = array<i32>} : memref<128x128xf32, #tpu.memory_space<vmem>>, vector<16xf32>,
      %sub3A_371 = arith.subf %get3A_367, %get3A_370 : vector<16xf32>
      %mul3A_372 = arith.mulf %get3A_364, %sub3A_371 : vector<16xf32>
      %get3A_373 = arith.index_cast %add3A_361 : i32 to index
      %get3A_374 = arith.constant 16 : index
      %get3A_375 = tpu.vector_load %arg12[%get3A_373, %get3A_374] {strides = array<i32>} : memref<128x128xf32, #tpu.memory_space<vmem>>, vector<16xf32>,
      %get3A_376 = arith.index_cast %add3A_361 : i32 to index
      %get3A_377 = arith.constant 16 : index
      %get3A_378 = tpu.vector_load %arg13[%get3A_376, %get3A_377] {strides = array<i32>} : memref<128x128xf32, #tpu.memory_space<vmem>>, vector<16xf32>,
      %get3A_379 = arith.index_cast %add3A_361 : i32 to index
      %get3A_380 = arith.constant 16 : index
      %get3A_381 = tpu.vector_load %arg14[%get3A_379, %get3A_380] {strides = array<i32>} : memref<128x128xf32, #tpu.memory_space<vmem>>, vector<16xf32>,
      %sub3A_382 = arith.subf %get3A_378, %get3A_381 : vector<16xf32>
      %mul3A_383 = arith.mulf %get3A_375, %sub3A_382 : vector<16xf32>
      %add3A_384 = arith.addf %mul3A_372, %mul3A_383 : vector<16xf32>
      %get3A_385 = arith.index_cast %add3A_361 : i32 to index
      %get3A_386 = arith.constant 32 : index
      %get3A_387 = tpu.vector_load %arg12[%get3A_385, %get3A_386] {strides = array<i32>} : memref<128x128xf32, #tpu.memory_space<vmem>>, vector<16xf32>,
      %get3A_388 = arith.index_cast %add3A_361 : i32 to index
      %get3A_389 = arith.constant 32 : index
      %get3A_390 = tpu.vector_load %arg13[%get3A_388, %get3A_389] {strides = array<i32>} : memref<128x128xf32, #tpu.memory_space<vmem>>, vector<16xf32>,
      %get3A_391 = arith.index_cast %add3A_361 : i32 to index
      %get3A_392 = arith.constant 32 : index
      %get3A_393 = tpu.vector_load %arg14[%get3A_391, %get3A_392] {strides = array<i32>} : memref<128x128xf32, #tpu.memory_space<vmem>>, vector<16xf32>,
      %sub3A_394 = arith.subf %get3A_390, %get3A_393 : vector<16xf32>
      %mul3A_395 = arith.mulf %get3A_387, %sub3A_394 : vector<16xf32>
      %add3A_396 = arith.addf %add3A_384, %mul3A_395 : vector<16xf32>
      %get3A_397 = arith.index_cast %add3A_361 : i32 to index
      %get3A_398 = arith.constant 48 : index
      %get3A_399 = tpu.vector_load %arg12[%get3A_397, %get3A_398] {strides = array<i32>} : memref<128x128xf32, #tpu.memory_space<vmem>>, vector<16xf32>,
      %get3A_400 = arith.index_cast %add3A_361 : i32 to index
      %get3A_401 = arith.constant 48 : index
      %get3A_402 = tpu.vector_load %arg13[%get3A_400, %get3A_401] {strides = array<i32>} : memref<128x128xf32, #tpu.memory_space<vmem>>, vector<16xf32>,
      %get3A_403 = arith.index_cast %add3A_361 : i32 to index
      %get3A_404 = arith.constant 48 : index
      %get3A_405 = tpu.vector_load %arg14[%get3A_403, %get3A_404] {strides = array<i32>} : memref<128x128xf32, #tpu.memory_space<vmem>>, vector<16xf32>,
      %sub3A_406 = arith.subf %get3A_402, %get3A_405 : vector<16xf32>
      %mul3A_407 = arith.mulf %get3A_399, %sub3A_406 : vector<16xf32>
      %add3A_408 = arith.addf %add3A_396, %mul3A_407 : vector<16xf32>
      %swap3A_409 = arith.constant 16 : index
      %swap3A_410 = tpu.vector_load %arg17[%swap3A_409] {strides = array<i32>} : memref<256xf32, #tpu.memory_space<vmem>>, vector<16xf32>,
      tpu.vector_store %arg17[%swap3A_409], %add3A_408 {strides = array<i32>} : memref<256xf32, #tpu.memory_space<vmem>>, vector<16xf32>,
      %mul3A_411 = arith.constant 16 : i32
      %mul3A_412 = arith.muli %scan3A_307, %mul3A_411 : i32
      %add3A_413 = arith.constant 2 : i32
      %add3A_414 = arith.addi %mul3A_412, %add3A_413 : i32
      %get3A_415 = arith.index_cast %add3A_414 : i32 to index
      %get3A_416 = arith.constant 0 : index
      %get3A_417 = tpu.vector_load %arg12[%get3A_415, %get3A_416] {strides = array<i32>} : memref<128x128xf32, #tpu.memory_space<vmem>>, vector<16xf32>,
      %get3A_418 = arith.index_cast %add3A_414 : i32 to index
      %get3A_419 = arith.constant 0 : index
      %get3A_420 = tpu.vector_load %arg13[%get3A_418, %get3A_419] {strides = array<i32>} : memref<128x128xf32, #tpu.memory_space<vmem>>, vector<16xf32>,
      %get3A_421 = arith.index_cast %add3A_414 : i32 to index
      %get3A_422 = arith.constant 0 : index
      %get3A_423 = tpu.vector_load %arg14[%get3A_421, %get3A_422] {strides = array<i32>} : memref<128x128xf32, #tpu.memory_space<vmem>>, vector<16xf32>,
      %sub3A_424 = arith.subf %get3A_420, %get3A_423 : vector<16xf32>
      %mul3A_425 = arith.mulf %get3A_417, %sub3A_424 : vector<16xf32>
      %get3A_426 = arith.index_cast %add3A_414 : i32 to index
      %get3A_427 = arith.constant 16 : index
      %get3A_428 = tpu.vector_load %arg12[%get3A_426, %get3A_427] {strides = array<i32>} : memref<128x128xf32, #tpu.memory_space<vmem>>, vector<16xf32>,
      %get3A_429 = arith.index_cast %add3A_414 : i32 to index
      %get3A_430 = arith.constant 16 : index
      %get3A_431 = tpu.vector_load %arg13[%get3A_429, %get3A_430] {strides = array<i32>} : memref<128x128xf32, #tpu.memory_space<vmem>>, vector<16xf32>,
      %get3A_432 = arith.index_cast %add3A_414 : i32 to index
      %get3A_433 = arith.constant 16 : index
      %get3A_434 = tpu.vector_load %arg14[%get3A_432, %get3A_433] {strides = array<i32>} : memref<128x128xf32, #tpu.memory_space<vmem>>, vector<16xf32>,
      %sub3A_435 = arith.subf %get3A_431, %get3A_434 : vector<16xf32>
      %mul3A_436 = arith.mulf %get3A_428, %sub3A_435 : vector<16xf32>
      %add3A_437 = arith.addf %mul3A_425, %mul3A_436 : vector<16xf32>
      %get3A_438 = arith.index_cast %add3A_414 : i32 to index
      %get3A_439 = arith.constant 32 : index
      %get3A_440 = tpu.vector_load %arg12[%get3A_438, %get3A_439] {strides = array<i32>} : memref<128x128xf32, #tpu.memory_space<vmem>>, vector<16xf32>,
      %get3A_441 = arith.index_cast %add3A_414 : i32 to index
      %get3A_442 = arith.constant 32 : index
      %get3A_443 = tpu.vector_load %arg13[%get3A_441, %get3A_442] {strides = array<i32>} : memref<128x128xf32, #tpu.memory_space<vmem>>, vector<16xf32>,
      %get3A_444 = arith.index_cast %add3A_414 : i32 to index
      %get3A_445 = arith.constant 32 : index
      %get3A_446 = tpu.vector_load %arg14[%get3A_444, %get3A_445] {strides = array<i32>} : memref<128x128xf32, #tpu.memory_space<vmem>>, vector<16xf32>,
      %sub3A_447 = arith.subf %get3A_443, %get3A_446 : vector<16xf32>
      %mul3A_448 = arith.mulf %get3A_440, %sub3A_447 : vector<16xf32>
      %add3A_449 = arith.addf %add3A_437, %mul3A_448 : vector<16xf32>
      %get3A_450 = arith.index_cast %add3A_414 : i32 to index
      %get3A_451 = arith.constant 48 : index
      %get3A_452 = tpu.vector_load %arg12[%get3A_450, %get3A_451] {strides = array<i32>} : memref<128x128xf32, #tpu.memory_space<vmem>>, vector<16xf32>,
      %get3A_453 = arith.index_cast %add3A_414 : i32 to index
      %get3A_454 = arith.constant 48 : index
      %get3A_455 = tpu.vector_load %arg13[%get3A_453, %get3A_454] {strides = array<i32>} : memref<128x128xf32, #tpu.memory_space<vmem>>, vector<16xf32>,
      %get3A_456 = arith.index_cast %add3A_414 : i32 to index
      %get3A_457 = arith.constant 48 : index
      %get3A_458 = tpu.vector_load %arg14[%get3A_456, %get3A_457] {strides = array<i32>} : memref<128x128xf32, #tpu.memory_space<vmem>>, vector<16xf32>,
      %sub3A_459 = arith.subf %get3A_455, %get3A_458 : vector<16xf32>
      %mul3A_460 = arith.mulf %get3A_452, %sub3A_459 : vector<16xf32>
      %add3A_461 = arith.addf %add3A_449, %mul3A_460 : vector<16xf32>
      %swap3A_462 = arith.constant 32 : index
      %swap3A_463 = tpu.vector_load %arg17[%swap3A_462] {strides = array<i32>} : memref<256xf32, #tpu.memory_space<vmem>>, vector<16xf32>,
      tpu.vector_store %arg17[%swap3A_462], %add3A_461 {strides = array<i32>} : memref<256xf32, #tpu.memory_space<vmem>>, vector<16xf32>,
      %mul3A_464 = arith.constant 16 : i32
      %mul3A_465 = arith.muli %scan3A_307, %mul3A_464 : i32
      %add3A_466 = arith.constant 3 : i32
      %add3A_467 = arith.addi %mul3A_465, %add3A_466 : i32
      %get3A_468 = arith.index_cast %add3A_467 : i32 to index
      %get3A_469 = arith.constant 0 : index
      %get3A_470 = tpu.vector_load %arg12[%get3A_468, %get3A_469] {strides = array<i32>} : memref<128x128xf32, #tpu.memory_space<vmem>>, vector<16xf32>,
      %get3A_471 = arith.index_cast %add3A_467 : i32 to index
      %get3A_472 = arith.constant 0 : index
      %get3A_473 = tpu.vector_load %arg13[%get3A_471, %get3A_472] {strides = array<i32>} : memref<128x128xf32, #tpu.memory_space<vmem>>, vector<16xf32>,
      %get3A_474 = arith.index_cast %add3A_467 : i32 to index
      %get3A_475 = arith.constant 0 : index
      %get3A_476 = tpu.vector_load %arg14[%get3A_474, %get3A_475] {strides = array<i32>} : memref<128x128xf32, #tpu.memory_space<vmem>>, vector<16xf32>,
      %sub3A_477 = arith.subf %get3A_473, %get3A_476 : vector<16xf32>
      %mul3A_478 = arith.mulf %get3A_470, %sub3A_477 : vector<16xf32>
      %get3A_479 = arith.index_cast %add3A_467 : i32 to index
      %get3A_480 = arith.constant 16 : index
      %get3A_481 = tpu.vector_load %arg12[%get3A_479, %get3A_480] {strides = array<i32>} : memref<128x128xf32, #tpu.memory_space<vmem>>, vector<16xf32>,
      %get3A_482 = arith.index_cast %add3A_467 : i32 to index
      %get3A_483 = arith.constant 16 : index
      %get3A_484 = tpu.vector_load %arg13[%get3A_482, %get3A_483] {strides = array<i32>} : memref<128x128xf32, #tpu.memory_space<vmem>>, vector<16xf32>,
      %get3A_485 = arith.index_cast %add3A_467 : i32 to index
      %get3A_486 = arith.constant 16 : index
      %get3A_487 = tpu.vector_load %arg14[%get3A_485, %get3A_486] {strides = array<i32>} : memref<128x128xf32, #tpu.memory_space<vmem>>, vector<16xf32>,
      %sub3A_488 = arith.subf %get3A_484, %get3A_487 : vector<16xf32>
      %mul3A_489 = arith.mulf %get3A_481, %sub3A_488 : vector<16xf32>
      %add3A_490 = arith.addf %mul3A_478, %mul3A_489 : vector<16xf32>
      %get3A_491 = arith.index_cast %add3A_467 : i32 to index
      %get3A_492 = arith.constant 32 : index
      %get3A_493 = tpu.vector_load %arg12[%get3A_491, %get3A_492] {strides = array<i32>} : memref<128x128xf32, #tpu.memory_space<vmem>>, vector<16xf32>,
      %get3A_494 = arith.index_cast %add3A_467 : i32 to index
      %get3A_495 = arith.constant 32 : index
      %get3A_496 = tpu.vector_load %arg13[%get3A_494, %get3A_495] {strides = array<i32>} : memref<128x128xf32, #tpu.memory_space<vmem>>, vector<16xf32>,
      %get3A_497 = arith.index_cast %add3A_467 : i32 to index
      %get3A_498 = arith.constant 32 : index
      %get3A_499 = tpu.vector_load %arg14[%get3A_497, %get3A_498] {strides = array<i32>} : memref<128x128xf32, #tpu.memory_space<vmem>>, vector<16xf32>,
      %sub3A_500 = arith.subf %get3A_496, %get3A_499 : vector<16xf32>
      %mul3A_501 = arith.mulf %get3A_493, %sub3A_500 : vector<16xf32>
      %add3A_502 = arith.addf %add3A_490, %mul3A_501 : vector<16xf32>
      %get3A_503 = arith.index_cast %add3A_467 : i32 to index
      %get3A_504 = arith.constant 48 : index
      %get3A_505 = tpu.vector_load %arg12[%get3A_503, %get3A_504] {strides = array<i32>} : memref<128x128xf32, #tpu.memory_space<vmem>>, vector<16xf32>,
      %get3A_506 = arith.index_cast %add3A_467 : i32 to index
      %get3A_507 = arith.constant 48 : index
      %get3A_508 = tpu.vector_load %arg13[%get3A_506, %get3A_507] {strides = array<i32>} : memref<128x128xf32, #tpu.memory_space<vmem>>, vector<16xf32>,
      %get3A_509 = arith.index_cast %add3A_467 : i32 to index
      %get3A_510 = arith.constant 48 : index
      %get3A_511 = tpu.vector_load %arg14[%get3A_509, %get3A_510] {strides = array<i32>} : memref<128x128xf32, #tpu.memory_space<vmem>>, vector<16xf32>,
      %sub3A_512 = arith.subf %get3A_508, %get3A_511 : vector<16xf32>
      %mul3A_513 = arith.mulf %get3A_505, %sub3A_512 : vector<16xf32>
      %add3A_514 = arith.addf %add3A_502, %mul3A_513 : vector<16xf32>
      %swap3A_515 = arith.constant 48 : index
      %swap3A_516 = tpu.vector_load %arg17[%swap3A_515] {strides = array<i32>} : memref<256xf32, #tpu.memory_space<vmem>>, vector<16xf32>,
      tpu.vector_store %arg17[%swap3A_515], %add3A_514 {strides = array<i32>} : memref<256xf32, #tpu.memory_space<vmem>>, vector<16xf32>,
      %mul3A_517 = arith.constant 16 : i32
      %mul3A_518 = arith.muli %scan3A_307, %mul3A_517 : i32
      %add3A_519 = arith.constant 4 : i32
      %add3A_520 = arith.addi %mul3A_518, %add3A_519 : i32
      %get3A_521 = arith.index_cast %add3A_520 : i32 to index
      %get3A_522 = arith.constant 0 : index
      %get3A_523 = tpu.vector_load %arg12[%get3A_521, %get3A_522] {strides = array<i32>} : memref<128x128xf32, #tpu.memory_space<vmem>>, vector<16xf32>,
      %get3A_524 = arith.index_cast %add3A_520 : i32 to index
      %get3A_525 = arith.constant 0 : index
      %get3A_526 = tpu.vector_load %arg13[%get3A_524, %get3A_525] {strides = array<i32>} : memref<128x128xf32, #tpu.memory_space<vmem>>, vector<16xf32>,
      %get3A_527 = arith.index_cast %add3A_520 : i32 to index
      %get3A_528 = arith.constant 0 : index
      %get3A_529 = tpu.vector_load %arg14[%get3A_527, %get3A_528] {strides = array<i32>} : memref<128x128xf32, #tpu.memory_space<vmem>>, vector<16xf32>,
      %sub3A_530 = arith.subf %get3A_526, %get3A_529 : vector<16xf32>
      %mul3A_531 = arith.mulf %get3A_523, %sub3A_530 : vector<16xf32>
      %get3A_532 = arith.index_cast %add3A_520 : i32 to index
      %get3A_533 = arith.constant 16 : index
      %get3A_534 = tpu.vector_load %arg12[%get3A_532, %get3A_533] {strides = array<i32>} : memref<128x128xf32, #tpu.memory_space<vmem>>, vector<16xf32>,
      %get3A_535 = arith.index_cast %add3A_520 : i32 to index
      %get3A_536 = arith.constant 16 : index
      %get3A_537 = tpu.vector_load %arg13[%get3A_535, %get3A_536] {strides = array<i32>} : memref<128x128xf32, #tpu.memory_space<vmem>>, vector<16xf32>,
      %get3A_538 = arith.index_cast %add3A_520 : i32 to index
      %get3A_539 = arith.constant 16 : index
      %get3A_540 = tpu.vector_load %arg14[%get3A_538, %get3A_539] {strides = array<i32>} : memref<128x128xf32, #tpu.memory_space<vmem>>, vector<16xf32>,
      %sub3A_541 = arith.subf %get3A_537, %get3A_540 : vector<16xf32>
      %mul3A_542 = arith.mulf %get3A_534, %sub3A_541 : vector<16xf32>
      %add3A_543 = arith.addf %mul3A_531, %mul3A_542 : vector<16xf32>
      %get3A_544 = arith.index_cast %add3A_520 : i32 to index
      %get3A_545 = arith.constant 32 : index
      %get3A_546 = tpu.vector_load %arg12[%get3A_544, %get3A_545] {strides = array<i32>} : memref<128x128xf32, #tpu.memory_space<vmem>>, vector<16xf32>,
      %get3A_547 = arith.index_cast %add3A_520 : i32 to index
      %get3A_548 = arith.constant 32 : index
      %get3A_549 = tpu.vector_load %arg13[%get3A_547, %get3A_548] {strides = array<i32>} : memref<128x128xf32, #tpu.memory_space<vmem>>, vector<16xf32>,
      %get3A_550 = arith.index_cast %add3A_520 : i32 to index
      %get3A_551 = arith.constant 32 : index
      %get3A_552 = tpu.vector_load %arg14[%get3A_550, %get3A_551] {strides = array<i32>} : memref<128x128xf32, #tpu.memory_space<vmem>>, vector<16xf32>,
      %sub3A_553 = arith.subf %get3A_549, %get3A_552 : vector<16xf32>
      %mul3A_554 = arith.mulf %get3A_546, %sub3A_553 : vector<16xf32>
      %add3A_555 = arith.addf %add3A_543, %mul3A_554 : vector<16xf32>
      %get3A_556 = arith.index_cast %add3A_520 : i32 to index
      %get3A_557 = arith.constant 48 : index
      %get3A_558 = tpu.vector_load %arg12[%get3A_556, %get3A_557] {strides = array<i32>} : memref<128x128xf32, #tpu.memory_space<vmem>>, vector<16xf32>,
      %get3A_559 = arith.index_cast %add3A_520 : i32 to index
      %get3A_560 = arith.constant 48 : index
      %get3A_561 = tpu.vector_load %arg13[%get3A_559, %get3A_560] {strides = array<i32>} : memref<128x128xf32, #tpu.memory_space<vmem>>, vector<16xf32>,
      %get3A_562 = arith.index_cast %add3A_520 : i32 to index
      %get3A_563 = arith.constant 48 : index
      %get3A_564 = tpu.vector_load %arg14[%get3A_562, %get3A_563] {strides = array<i32>} : memref<128x128xf32, #tpu.memory_space<vmem>>, vector<16xf32>,
      %sub3A_565 = arith.subf %get3A_561, %get3A_564 : vector<16xf32>
      %mul3A_566 = arith.mulf %get3A_558, %sub3A_565 : vector<16xf32>
      %add3A_567 = arith.addf %add3A_555, %mul3A_566 : vector<16xf32>
      %swap3A_568 = arith.constant 64 : index
      %swap3A_569 = tpu.vector_load %arg17[%swap3A_568] {strides = array<i32>} : memref<256xf32, #tpu.memory_space<vmem>>, vector<16xf32>,
      tpu.vector_store %arg17[%swap3A_568], %add3A_567 {strides = array<i32>} : memref<256xf32, #tpu.memory_space<vmem>>, vector<16xf32>,
      %mul3A_570 = arith.constant 16 : i32
      %mul3A_571 = arith.muli %scan3A_307, %mul3A_570 : i32
      %add3A_572 = arith.constant 5 : i32
      %add3A_573 = arith.addi %mul3A_571, %add3A_572 : i32
      %get3A_574 = arith.index_cast %add3A_573 : i32 to index
      %get3A_575 = arith.constant 0 : index
      %get3A_576 = tpu.vector_load %arg12[%get3A_574, %get3A_575] {strides = array<i32>} : memref<128x128xf32, #tpu.memory_space<vmem>>, vector<16xf32>,
      %get3A_577 = arith.index_cast %add3A_573 : i32 to index
      %get3A_578 = arith.constant 0 : index
      %get3A_579 = tpu.vector_load %arg13[%get3A_577, %get3A_578] {strides = array<i32>} : memref<128x128xf32, #tpu.memory_space<vmem>>, vector<16xf32>,
      %get3A_580 = arith.index_cast %add3A_573 : i32 to index
      %get3A_581 = arith.constant 0 : index
      %get3A_582 = tpu.vector_load %arg14[%get3A_580, %get3A_581] {strides = array<i32>} : memref<128x128xf32, #tpu.memory_space<vmem>>, vector<16xf32>,
      %sub3A_583 = arith.subf %get3A_579, %get3A_582 : vector<16xf32>
      %mul3A_584 = arith.mulf %get3A_576, %sub3A_583 : vector<16xf32>
      %get3A_585 = arith.index_cast %add3A_573 : i32 to index
      %get3A_586 = arith.constant 16 : index
      %get3A_587 = tpu.vector_load %arg12[%get3A_585, %get3A_586] {strides = array<i32>} : memref<128x128xf32, #tpu.memory_space<vmem>>, vector<16xf32>,
      %get3A_588 = arith.index_cast %add3A_573 : i32 to index
      %get3A_589 = arith.constant 16 : index
      %get3A_590 = tpu.vector_load %arg13[%get3A_588, %get3A_589] {strides = array<i32>} : memref<128x128xf32, #tpu.memory_space<vmem>>, vector<16xf32>,
      %get3A_591 = arith.index_cast %add3A_573 : i32 to index
      %get3A_592 = arith.constant 16 : index
      %get3A_593 = tpu.vector_load %arg14[%get3A_591, %get3A_592] {strides = array<i32>} : memref<128x128xf32, #tpu.memory_space<vmem>>, vector<16xf32>,
      %sub3A_594 = arith.subf %get3A_590, %get3A_593 : vector<16xf32>
      %mul3A_595 = arith.mulf %get3A_587, %sub3A_594 : vector<16xf32>
      %add3A_596 = arith.addf %mul3A_584, %mul3A_595 : vector<16xf32>
      %get3A_597 = arith.index_cast %add3A_573 : i32 to index
      %get3A_598 = arith.constant 32 : index
      %get3A_599 = tpu.vector_load %arg12[%get3A_597, %get3A_598] {strides = array<i32>} : memref<128x128xf32, #tpu.memory_space<vmem>>, vector<16xf32>,
      %get3A_600 = arith.index_cast %add3A_573 : i32 to index
      %get3A_601 = arith.constant 32 : index
      %get3A_602 = tpu.vector_load %arg13[%get3A_600, %get3A_601] {strides = array<i32>} : memref<128x128xf32, #tpu.memory_space<vmem>>, vector<16xf32>,
      %get3A_603 = arith.index_cast %add3A_573 : i32 to index
      %get3A_604 = arith.constant 32 : index
      %get3A_605 = tpu.vector_load %arg14[%get3A_603, %get3A_604] {strides = array<i32>} : memref<128x128xf32, #tpu.memory_space<vmem>>, vector<16xf32>,
      %sub3A_606 = arith.subf %get3A_602, %get3A_605 : vector<16xf32>
      %mul3A_607 = arith.mulf %get3A_599, %sub3A_606 : vector<16xf32>
      %add3A_608 = arith.addf %add3A_596, %mul3A_607 : vector<16xf32>
      %get3A_609 = arith.index_cast %add3A_573 : i32 to index
      %get3A_610 = arith.constant 48 : index
      %get3A_611 = tpu.vector_load %arg12[%get3A_609, %get3A_610] {strides = array<i32>} : memref<128x128xf32, #tpu.memory_space<vmem>>, vector<16xf32>,
      %get3A_612 = arith.index_cast %add3A_573 : i32 to index
      %get3A_613 = arith.constant 48 : index
      %get3A_614 = tpu.vector_load %arg13[%get3A_612, %get3A_613] {strides = array<i32>} : memref<128x128xf32, #tpu.memory_space<vmem>>, vector<16xf32>,
      %get3A_615 = arith.index_cast %add3A_573 : i32 to index
      %get3A_616 = arith.constant 48 : index
      %get3A_617 = tpu.vector_load %arg14[%get3A_615, %get3A_616] {strides = array<i32>} : memref<128x128xf32, #tpu.memory_space<vmem>>, vector<16xf32>,
      %sub3A_618 = arith.subf %get3A_614, %get3A_617 : vector<16xf32>
      %mul3A_619 = arith.mulf %get3A_611, %sub3A_618 : vector<16xf32>
      %add3A_620 = arith.addf %add3A_608, %mul3A_619 : vector<16xf32>
      %swap3A_621 = arith.constant 80 : index
      %swap3A_622 = tpu.vector_load %arg17[%swap3A_621] {strides = array<i32>} : memref<256xf32, #tpu.memory_space<vmem>>, vector<16xf32>,
      tpu.vector_store %arg17[%swap3A_621], %add3A_620 {strides = array<i32>} : memref<256xf32, #tpu.memory_space<vmem>>, vector<16xf32>,
      %mul3A_623 = arith.constant 16 : i32
      %mul3A_624 = arith.muli %scan3A_307, %mul3A_623 : i32
      %add3A_625 = arith.constant 6 : i32
      %add3A_626 = arith.addi %mul3A_624, %add3A_625 : i32
      %get3A_627 = arith.index_cast %add3A_626 : i32 to index
      %get3A_628 = arith.constant 0 : index
      %get3A_629 = tpu.vector_load %arg12[%get3A_627, %get3A_628] {strides = array<i32>} : memref<128x128xf32, #tpu.memory_space<vmem>>, vector<16xf32>,
      %get3A_630 = arith.index_cast %add3A_626 : i32 to index
      %get3A_631 = arith.constant 0 : index
      %get3A_632 = tpu.vector_load %arg13[%get3A_630, %get3A_631] {strides = array<i32>} : memref<128x128xf32, #tpu.memory_space<vmem>>, vector<16xf32>,
      %get3A_633 = arith.index_cast %add3A_626 : i32 to index
      %get3A_634 = arith.constant 0 : index
      %get3A_635 = tpu.vector_load %arg14[%get3A_633, %get3A_634] {strides = array<i32>} : memref<128x128xf32, #tpu.memory_space<vmem>>, vector<16xf32>,
      %sub3A_636 = arith.subf %get3A_632, %get3A_635 : vector<16xf32>
      %mul3A_637 = arith.mulf %get3A_629, %sub3A_636 : vector<16xf32>
      %get3A_638 = arith.index_cast %add3A_626 : i32 to index
      %get3A_639 = arith.constant 16 : index
      %get3A_640 = tpu.vector_load %arg12[%get3A_638, %get3A_639] {strides = array<i32>} : memref<128x128xf32, #tpu.memory_space<vmem>>, vector<16xf32>,
      %get3A_641 = arith.index_cast %add3A_626 : i32 to index
      %get3A_642 = arith.constant 16 : index
      %get3A_643 = tpu.vector_load %arg13[%get3A_641, %get3A_642] {strides = array<i32>} : memref<128x128xf32, #tpu.memory_space<vmem>>, vector<16xf32>,
      %get3A_644 = arith.index_cast %add3A_626 : i32 to index
      %get3A_645 = arith.constant 16 : index
      %get3A_646 = tpu.vector_load %arg14[%get3A_644, %get3A_645] {strides = array<i32>} : memref<128x128xf32, #tpu.memory_space<vmem>>, vector<16xf32>,
      %sub3A_647 = arith.subf %get3A_643, %get3A_646 : vector<16xf32>
      %mul3A_648 = arith.mulf %get3A_640, %sub3A_647 : vector<16xf32>
      %add3A_649 = arith.addf %mul3A_637, %mul3A_648 : vector<16xf32>
      %get3A_650 = arith.index_cast %add3A_626 : i32 to index
      %get3A_651 = arith.constant 32 : index
      %get3A_652 = tpu.vector_load %arg12[%get3A_650, %get3A_651] {strides = array<i32>} : memref<128x128xf32, #tpu.memory_space<vmem>>, vector<16xf32>,
      %get3A_653 = arith.index_cast %add3A_626 : i32 to index
      %get3A_654 = arith.constant 32 : index
      %get3A_655 = tpu.vector_load %arg13[%get3A_653, %get3A_654] {strides = array<i32>} : memref<128x128xf32, #tpu.memory_space<vmem>>, vector<16xf32>,
      %get3A_656 = arith.index_cast %add3A_626 : i32 to index
      %get3A_657 = arith.constant 32 : index
      %get3A_658 = tpu.vector_load %arg14[%get3A_656, %get3A_657] {strides = array<i32>} : memref<128x128xf32, #tpu.memory_space<vmem>>, vector<16xf32>,
      %sub3A_659 = arith.subf %get3A_655, %get3A_658 : vector<16xf32>
      %mul3A_660 = arith.mulf %get3A_652, %sub3A_659 : vector<16xf32>
      %add3A_661 = arith.addf %add3A_649, %mul3A_660 : vector<16xf32>
      %get3A_662 = arith.index_cast %add3A_626 : i32 to index
      %get3A_663 = arith.constant 48 : index
      %get3A_664 = tpu.vector_load %arg12[%get3A_662, %get3A_663] {strides = array<i32>} : memref<128x128xf32, #tpu.memory_space<vmem>>, vector<16xf32>,
      %get3A_665 = arith.index_cast %add3A_626 : i32 to index
      %get3A_666 = arith.constant 48 : index
      %get3A_667 = tpu.vector_load %arg13[%get3A_665, %get3A_666] {strides = array<i32>} : memref<128x128xf32, #tpu.memory_space<vmem>>, vector<16xf32>,
      %get3A_668 = arith.index_cast %add3A_626 : i32 to index
      %get3A_669 = arith.constant 48 : index
      %get3A_670 = tpu.vector_load %arg14[%get3A_668, %get3A_669] {strides = array<i32>} : memref<128x128xf32, #tpu.memory_space<vmem>>, vector<16xf32>,
      %sub3A_671 = arith.subf %get3A_667, %get3A_670 : vector<16xf32>
      %mul3A_672 = arith.mulf %get3A_664, %sub3A_671 : vector<16xf32>
      %add3A_673 = arith.addf %add3A_661, %mul3A_672 : vector<16xf32>
      %swap3A_674 = arith.constant 96 : index
      %swap3A_675 = tpu.vector_load %arg17[%swap3A_674] {strides = array<i32>} : memref<256xf32, #tpu.memory_space<vmem>>, vector<16xf32>,
      tpu.vector_store %arg17[%swap3A_674], %add3A_673 {strides = array<i32>} : memref<256xf32, #tpu.memory_space<vmem>>, vector<16xf32>,
      %mul3A_676 = arith.constant 16 : i32
      %mul3A_677 = arith.muli %scan3A_307, %mul3A_676 : i32
      %add3A_678 = arith.constant 7 : i32
      %add3A_679 = arith.addi %mul3A_677, %add3A_678 : i32
      %get3A_680 = arith.index_cast %add3A_679 : i32 to index
      %get3A_681 = arith.constant 0 : index
      %get3A_682 = tpu.vector_load %arg12[%get3A_680, %get3A_681] {strides = array<i32>} : memref<128x128xf32, #tpu.memory_space<vmem>>, vector<16xf32>,
      %get3A_683 = arith.index_cast %add3A_679 : i32 to index
      %get3A_684 = arith.constant 0 : index
      %get3A_685 = tpu.vector_load %arg13[%get3A_683, %get3A_684] {strides = array<i32>} : memref<128x128xf32, #tpu.memory_space<vmem>>, vector<16xf32>,
      %get3A_686 = arith.index_cast %add3A_679 : i32 to index
      %get3A_687 = arith.constant 0 : index
      %get3A_688 = tpu.vector_load %arg14[%get3A_686, %get3A_687] {strides = array<i32>} : memref<128x128xf32, #tpu.memory_space<vmem>>, vector<16xf32>,
      %sub3A_689 = arith.subf %get3A_685, %get3A_688 : vector<16xf32>
      %mul3A_690 = arith.mulf %get3A_682, %sub3A_689 : vector<16xf32>
      %get3A_691 = arith.index_cast %add3A_679 : i32 to index
      %get3A_692 = arith.constant 16 : index
      %get3A_693 = tpu.vector_load %arg12[%get3A_691, %get3A_692] {strides = array<i32>} : memref<128x128xf32, #tpu.memory_space<vmem>>, vector<16xf32>,
      %get3A_694 = arith.index_cast %add3A_679 : i32 to index
      %get3A_695 = arith.constant 16 : index
      %get3A_696 = tpu.vector_load %arg13[%get3A_694, %get3A_695] {strides = array<i32>} : memref<128x128xf32, #tpu.memory_space<vmem>>, vector<16xf32>,
      %get3A_697 = arith.index_cast %add3A_679 : i32 to index
      %get3A_698 = arith.constant 16 : index
      %get3A_699 = tpu.vector_load %arg14[%get3A_697, %get3A_698] {strides = array<i32>} : memref<128x128xf32, #tpu.memory_space<vmem>>, vector<16xf32>,
      %sub3A_700 = arith.subf %get3A_696, %get3A_699 : vector<16xf32>
      %mul3A_701 = arith.mulf %get3A_693, %sub3A_700 : vector<16xf32>
      %add3A_702 = arith.addf %mul3A_690, %mul3A_701 : vector<16xf32>
      %get3A_703 = arith.index_cast %add3A_679 : i32 to index
      %get3A_704 = arith.constant 32 : index
      %get3A_705 = tpu.vector_load %arg12[%get3A_703, %get3A_704] {strides = array<i32>} : memref<128x128xf32, #tpu.memory_space<vmem>>, vector<16xf32>,
      %get3A_706 = arith.index_cast %add3A_679 : i32 to index
      %get3A_707 = arith.constant 32 : index
      %get3A_708 = tpu.vector_load %arg13[%get3A_706, %get3A_707] {strides = array<i32>} : memref<128x128xf32, #tpu.memory_space<vmem>>, vector<16xf32>,
      %get3A_709 = arith.index_cast %add3A_679 : i32 to index
      %get3A_710 = arith.constant 32 : index
      %get3A_711 = tpu.vector_load %arg14[%get3A_709, %get3A_710] {strides = array<i32>} : memref<128x128xf32, #tpu.memory_space<vmem>>, vector<16xf32>,
      %sub3A_712 = arith.subf %get3A_708, %get3A_711 : vector<16xf32>
      %mul3A_713 = arith.mulf %get3A_705, %sub3A_712 : vector<16xf32>
      %add3A_714 = arith.addf %add3A_702, %mul3A_713 : vector<16xf32>
      %get3A_715 = arith.index_cast %add3A_679 : i32 to index
      %get3A_716 = arith.constant 48 : index
      %get3A_717 = tpu.vector_load %arg12[%get3A_715, %get3A_716] {strides = array<i32>} : memref<128x128xf32, #tpu.memory_space<vmem>>, vector<16xf32>,
      %get3A_718 = arith.index_cast %add3A_679 : i32 to index
      %get3A_719 = arith.constant 48 : index
      %get3A_720 = tpu.vector_load %arg13[%get3A_718, %get3A_719] {strides = array<i32>} : memref<128x128xf32, #tpu.memory_space<vmem>>, vector<16xf32>,
      %get3A_721 = arith.index_cast %add3A_679 : i32 to index
      %get3A_722 = arith.constant 48 : index
      %get3A_723 = tpu.vector_load %arg14[%get3A_721, %get3A_722] {strides = array<i32>} : memref<128x128xf32, #tpu.memory_space<vmem>>, vector<16xf32>,
      %sub3A_724 = arith.subf %get3A_720, %get3A_723 : vector<16xf32>
      %mul3A_725 = arith.mulf %get3A_717, %sub3A_724 : vector<16xf32>
      %add3A_726 = arith.addf %add3A_714, %mul3A_725 : vector<16xf32>
      %swap3A_727 = arith.constant 112 : index
      %swap3A_728 = tpu.vector_load %arg17[%swap3A_727] {strides = array<i32>} : memref<256xf32, #tpu.memory_space<vmem>>, vector<16xf32>,
      tpu.vector_store %arg17[%swap3A_727], %add3A_726 {strides = array<i32>} : memref<256xf32, #tpu.memory_space<vmem>>, vector<16xf32>,
      %mul3A_729 = arith.constant 16 : i32
      %mul3A_730 = arith.muli %scan3A_307, %mul3A_729 : i32
      %add3A_731 = arith.constant 8 : i32
      %add3A_732 = arith.addi %mul3A_730, %add3A_731 : i32
      %get3A_733 = arith.index_cast %add3A_732 : i32 to index
      %get3A_734 = arith.constant 0 : index
      %get3A_735 = tpu.vector_load %arg12[%get3A_733, %get3A_734] {strides = array<i32>} : memref<128x128xf32, #tpu.memory_space<vmem>>, vector<16xf32>,
      %get3A_736 = arith.index_cast %add3A_732 : i32 to index
      %get3A_737 = arith.constant 0 : index
      %get3A_738 = tpu.vector_load %arg13[%get3A_736, %get3A_737] {strides = array<i32>} : memref<128x128xf32, #tpu.memory_space<vmem>>, vector<16xf32>,
      %get3A_739 = arith.index_cast %add3A_732 : i32 to index
      %get3A_740 = arith.constant 0 : index
      %get3A_741 = tpu.vector_load %arg14[%get3A_739, %get3A_740] {strides = array<i32>} : memref<128x128xf32, #tpu.memory_space<vmem>>, vector<16xf32>,
      %sub3A_742 = arith.subf %get3A_738, %get3A_741 : vector<16xf32>
      %mul3A_743 = arith.mulf %get3A_735, %sub3A_742 : vector<16xf32>
      %get3A_744 = arith.index_cast %add3A_732 : i32 to index
      %get3A_745 = arith.constant 16 : index
      %get3A_746 = tpu.vector_load %arg12[%get3A_744, %get3A_745] {strides = array<i32>} : memref<128x128xf32, #tpu.memory_space<vmem>>, vector<16xf32>,
      %get3A_747 = arith.index_cast %add3A_732 : i32 to index
      %get3A_748 = arith.constant 16 : index
      %get3A_749 = tpu.vector_load %arg13[%get3A_747, %get3A_748] {strides = array<i32>} : memref<128x128xf32, #tpu.memory_space<vmem>>, vector<16xf32>,
      %get3A_750 = arith.index_cast %add3A_732 : i32 to index
      %get3A_751 = arith.constant 16 : index
      %get3A_752 = tpu.vector_load %arg14[%get3A_750, %get3A_751] {strides = array<i32>} : memref<128x128xf32, #tpu.memory_space<vmem>>, vector<16xf32>,
      %sub3A_753 = arith.subf %get3A_749, %get3A_752 : vector<16xf32>
      %mul3A_754 = arith.mulf %get3A_746, %sub3A_753 : vector<16xf32>
      %add3A_755 = arith.addf %mul3A_743, %mul3A_754 : vector<16xf32>
      %get3A_756 = arith.index_cast %add3A_732 : i32 to index
      %get3A_757 = arith.constant 32 : index
      %get3A_758 = tpu.vector_load %arg12[%get3A_756, %get3A_757] {strides = array<i32>} : memref<128x128xf32, #tpu.memory_space<vmem>>, vector<16xf32>,
      %get3A_759 = arith.index_cast %add3A_732 : i32 to index
      %get3A_760 = arith.constant 32 : index
      %get3A_761 = tpu.vector_load %arg13[%get3A_759, %get3A_760] {strides = array<i32>} : memref<128x128xf32, #tpu.memory_space<vmem>>, vector<16xf32>,
      %get3A_762 = arith.index_cast %add3A_732 : i32 to index
      %get3A_763 = arith.constant 32 : index
      %get3A_764 = tpu.vector_load %arg14[%get3A_762, %get3A_763] {strides = array<i32>} : memref<128x128xf32, #tpu.memory_space<vmem>>, vector<16xf32>,
      %sub3A_765 = arith.subf %get3A_761, %get3A_764 : vector<16xf32>
      %mul3A_766 = arith.mulf %get3A_758, %sub3A_765 : vector<16xf32>
      %add3A_767 = arith.addf %add3A_755, %mul3A_766 : vector<16xf32>
      %get3A_768 = arith.index_cast %add3A_732 : i32 to index
      %get3A_769 = arith.constant 48 : index
      %get3A_770 = tpu.vector_load %arg12[%get3A_768, %get3A_769] {strides = array<i32>} : memref<128x128xf32, #tpu.memory_space<vmem>>, vector<16xf32>,
      %get3A_771 = arith.index_cast %add3A_732 : i32 to index
      %get3A_772 = arith.constant 48 : index
      %get3A_773 = tpu.vector_load %arg13[%get3A_771, %get3A_772] {strides = array<i32>} : memref<128x128xf32, #tpu.memory_space<vmem>>, vector<16xf32>,
      %get3A_774 = arith.index_cast %add3A_732 : i32 to index
      %get3A_775 = arith.constant 48 : index
      %get3A_776 = tpu.vector_load %arg14[%get3A_774, %get3A_775] {strides = array<i32>} : memref<128x128xf32, #tpu.memory_space<vmem>>, vector<16xf32>,
      %sub3A_777 = arith.subf %get3A_773, %get3A_776 : vector<16xf32>
      %mul3A_778 = arith.mulf %get3A_770, %sub3A_777 : vector<16xf32>
      %add3A_779 = arith.addf %add3A_767, %mul3A_778 : vector<16xf32>
      %swap3A_780 = arith.constant 128 : index
      %swap3A_781 = tpu.vector_load %arg17[%swap3A_780] {strides = array<i32>} : memref<256xf32, #tpu.memory_space<vmem>>, vector<16xf32>,
      tpu.vector_store %arg17[%swap3A_780], %add3A_779 {strides = array<i32>} : memref<256xf32, #tpu.memory_space<vmem>>, vector<16xf32>,
      %mul3A_782 = arith.constant 16 : i32
      %mul3A_783 = arith.muli %scan3A_307, %mul3A_782 : i32
      %add3A_784 = arith.constant 9 : i32
      %add3A_785 = arith.addi %mul3A_783, %add3A_784 : i32
      %get3A_786 = arith.index_cast %add3A_785 : i32 to index
      %get3A_787 = arith.constant 0 : index
      %get3A_788 = tpu.vector_load %arg12[%get3A_786, %get3A_787] {strides = array<i32>} : memref<128x128xf32, #tpu.memory_space<vmem>>, vector<16xf32>,
      %get3A_789 = arith.index_cast %add3A_785 : i32 to index
      %get3A_790 = arith.constant 0 : index
      %get3A_791 = tpu.vector_load %arg13[%get3A_789, %get3A_790] {strides = array<i32>} : memref<128x128xf32, #tpu.memory_space<vmem>>, vector<16xf32>,
      %get3A_792 = arith.index_cast %add3A_785 : i32 to index
      %get3A_793 = arith.constant 0 : index
      %get3A_794 = tpu.vector_load %arg14[%get3A_792, %get3A_793] {strides = array<i32>} : memref<128x128xf32, #tpu.memory_space<vmem>>, vector<16xf32>,
      %sub3A_795 = arith.subf %get3A_791, %get3A_794 : vector<16xf32>
      %mul3A_796 = arith.mulf %get3A_788, %sub3A_795 : vector<16xf32>
      %get3A_797 = arith.index_cast %add3A_785 : i32 to index
      %get3A_798 = arith.constant 16 : index
      %get3A_799 = tpu.vector_load %arg12[%get3A_797, %get3A_798] {strides = array<i32>} : memref<128x128xf32, #tpu.memory_space<vmem>>, vector<16xf32>,
      %get3A_800 = arith.index_cast %add3A_785 : i32 to index
      %get3A_801 = arith.constant 16 : index
      %get3A_802 = tpu.vector_load %arg13[%get3A_800, %get3A_801] {strides = array<i32>} : memref<128x128xf32, #tpu.memory_space<vmem>>, vector<16xf32>,
      %get3A_803 = arith.index_cast %add3A_785 : i32 to index
      %get3A_804 = arith.constant 16 : index
      %get3A_805 = tpu.vector_load %arg14[%get3A_803, %get3A_804] {strides = array<i32>} : memref<128x128xf32, #tpu.memory_space<vmem>>, vector<16xf32>,
      %sub3A_806 = arith.subf %get3A_802, %get3A_805 : vector<16xf32>
      %mul3A_807 = arith.mulf %get3A_799, %sub3A_806 : vector<16xf32>
      %add3A_808 = arith.addf %mul3A_796, %mul3A_807 : vector<16xf32>
      %get3A_809 = arith.index_cast %add3A_785 : i32 to index
      %get3A_810 = arith.constant 32 : index
      %get3A_811 = tpu.vector_load %arg12[%get3A_809, %get3A_810] {strides = array<i32>} : memref<128x128xf32, #tpu.memory_space<vmem>>, vector<16xf32>,
      %get3A_812 = arith.index_cast %add3A_785 : i32 to index
      %get3A_813 = arith.constant 32 : index
      %get3A_814 = tpu.vector_load %arg13[%get3A_812, %get3A_813] {strides = array<i32>} : memref<128x128xf32, #tpu.memory_space<vmem>>, vector<16xf32>,
      %get3A_815 = arith.index_cast %add3A_785 : i32 to index
      %get3A_816 = arith.constant 32 : index
      %get3A_817 = tpu.vector_load %arg14[%get3A_815, %get3A_816] {strides = array<i32>} : memref<128x128xf32, #tpu.memory_space<vmem>>, vector<16xf32>,
      %sub3A_818 = arith.subf %get3A_814, %get3A_817 : vector<16xf32>
      %mul3A_819 = arith.mulf %get3A_811, %sub3A_818 : vector<16xf32>
      %add3A_820 = arith.addf %add3A_808, %mul3A_819 : vector<16xf32>
      %get3A_821 = arith.index_cast %add3A_785 : i32 to index
      %get3A_822 = arith.constant 48 : index
      %get3A_823 = tpu.vector_load %arg12[%get3A_821, %get3A_822] {strides = array<i32>} : memref<128x128xf32, #tpu.memory_space<vmem>>, vector<16xf32>,
      %get3A_824 = arith.index_cast %add3A_785 : i32 to index
      %get3A_825 = arith.constant 48 : index
      %get3A_826 = tpu.vector_load %arg13[%get3A_824, %get3A_825] {strides = array<i32>} : memref<128x128xf32, #tpu.memory_space<vmem>>, vector<16xf32>,
      %get3A_827 = arith.index_cast %add3A_785 : i32 to index
      %get3A_828 = arith.constant 48 : index
      %get3A_829 = tpu.vector_load %arg14[%get3A_827, %get3A_828] {strides = array<i32>} : memref<128x128xf32, #tpu.memory_space<vmem>>, vector<16xf32>,
      %sub3A_830 = arith.subf %get3A_826, %get3A_829 : vector<16xf32>
      %mul3A_831 = arith.mulf %get3A_823, %sub3A_830 : vector<16xf32>
      %add3A_832 = arith.addf %add3A_820, %mul3A_831 : vector<16xf32>
      %swap3A_833 = arith.constant 144 : index
      %swap3A_834 = tpu.vector_load %arg17[%swap3A_833] {strides = array<i32>} : memref<256xf32, #tpu.memory_space<vmem>>, vector<16xf32>,
      tpu.vector_store %arg17[%swap3A_833], %add3A_832 {strides = array<i32>} : memref<256xf32, #tpu.memory_space<vmem>>, vector<16xf32>,
      %mul3A_835 = arith.constant 16 : i32
      %mul3A_836 = arith.muli %scan3A_307, %mul3A_835 : i32
      %add3A_837 = arith.constant 10 : i32
      %add3A_838 = arith.addi %mul3A_836, %add3A_837 : i32
      %get3A_839 = arith.index_cast %add3A_838 : i32 to index
      %get3A_840 = arith.constant 0 : index
      %get3A_841 = tpu.vector_load %arg12[%get3A_839, %get3A_840] {strides = array<i32>} : memref<128x128xf32, #tpu.memory_space<vmem>>, vector<16xf32>,
      %get3A_842 = arith.index_cast %add3A_838 : i32 to index
      %get3A_843 = arith.constant 0 : index
      %get3A_844 = tpu.vector_load %arg13[%get3A_842, %get3A_843] {strides = array<i32>} : memref<128x128xf32, #tpu.memory_space<vmem>>, vector<16xf32>,
      %get3A_845 = arith.index_cast %add3A_838 : i32 to index
      %get3A_846 = arith.constant 0 : index
      %get3A_847 = tpu.vector_load %arg14[%get3A_845, %get3A_846] {strides = array<i32>} : memref<128x128xf32, #tpu.memory_space<vmem>>, vector<16xf32>,
      %sub3A_848 = arith.subf %get3A_844, %get3A_847 : vector<16xf32>
      %mul3A_849 = arith.mulf %get3A_841, %sub3A_848 : vector<16xf32>
      %get3A_850 = arith.index_cast %add3A_838 : i32 to index
      %get3A_851 = arith.constant 16 : index
      %get3A_852 = tpu.vector_load %arg12[%get3A_850, %get3A_851] {strides = array<i32>} : memref<128x128xf32, #tpu.memory_space<vmem>>, vector<16xf32>,
      %get3A_853 = arith.index_cast %add3A_838 : i32 to index
      %get3A_854 = arith.constant 16 : index
      %get3A_855 = tpu.vector_load %arg13[%get3A_853, %get3A_854] {strides = array<i32>} : memref<128x128xf32, #tpu.memory_space<vmem>>, vector<16xf32>,
      %get3A_856 = arith.index_cast %add3A_838 : i32 to index
      %get3A_857 = arith.constant 16 : index
      %get3A_858 = tpu.vector_load %arg14[%get3A_856, %get3A_857] {strides = array<i32>} : memref<128x128xf32, #tpu.memory_space<vmem>>, vector<16xf32>,
      %sub3A_859 = arith.subf %get3A_855, %get3A_858 : vector<16xf32>
      %mul3A_860 = arith.mulf %get3A_852, %sub3A_859 : vector<16xf32>
      %add3A_861 = arith.addf %mul3A_849, %mul3A_860 : vector<16xf32>
      %get3A_862 = arith.index_cast %add3A_838 : i32 to index
      %get3A_863 = arith.constant 32 : index
      %get3A_864 = tpu.vector_load %arg12[%get3A_862, %get3A_863] {strides = array<i32>} : memref<128x128xf32, #tpu.memory_space<vmem>>, vector<16xf32>,
      %get3A_865 = arith.index_cast %add3A_838 : i32 to index
      %get3A_866 = arith.constant 32 : index
      %get3A_867 = tpu.vector_load %arg13[%get3A_865, %get3A_866] {strides = array<i32>} : memref<128x128xf32, #tpu.memory_space<vmem>>, vector<16xf32>,
      %get3A_868 = arith.index_cast %add3A_838 : i32 to index
      %get3A_869 = arith.constant 32 : index
      %get3A_870 = tpu.vector_load %arg14[%get3A_868, %get3A_869] {strides = array<i32>} : memref<128x128xf32, #tpu.memory_space<vmem>>, vector<16xf32>,
      %sub3A_871 = arith.subf %get3A_867, %get3A_870 : vector<16xf32>
      %mul3A_872 = arith.mulf %get3A_864, %sub3A_871 : vector<16xf32>
      %add3A_873 = arith.addf %add3A_861, %mul3A_872 : vector<16xf32>
      %get3A_874 = arith.index_cast %add3A_838 : i32 to index
      %get3A_875 = arith.constant 48 : index
      %get3A_876 = tpu.vector_load %arg12[%get3A_874, %get3A_875] {strides = array<i32>} : memref<128x128xf32, #tpu.memory_space<vmem>>, vector<16xf32>,
      %get3A_877 = arith.index_cast %add3A_838 : i32 to index
      %get3A_878 = arith.constant 48 : index
      %get3A_879 = tpu.vector_load %arg13[%get3A_877, %get3A_878] {strides = array<i32>} : memref<128x128xf32, #tpu.memory_space<vmem>>, vector<16xf32>,
      %get3A_880 = arith.index_cast %add3A_838 : i32 to index
      %get3A_881 = arith.constant 48 : index
      %get3A_882 = tpu.vector_load %arg14[%get3A_880, %get3A_881] {strides = array<i32>} : memref<128x128xf32, #tpu.memory_space<vmem>>, vector<16xf32>,
      %sub3A_883 = arith.subf %get3A_879, %get3A_882 : vector<16xf32>
      %mul3A_884 = arith.mulf %get3A_876, %sub3A_883 : vector<16xf32>
      %add3A_885 = arith.addf %add3A_873, %mul3A_884 : vector<16xf32>
      %swap3A_886 = arith.constant 160 : index
      %swap3A_887 = tpu.vector_load %arg17[%swap3A_886] {strides = array<i32>} : memref<256xf32, #tpu.memory_space<vmem>>, vector<16xf32>,
      tpu.vector_store %arg17[%swap3A_886], %add3A_885 {strides = array<i32>} : memref<256xf32, #tpu.memory_space<vmem>>, vector<16xf32>,
      %mul3A_888 = arith.constant 16 : i32
      %mul3A_889 = arith.muli %scan3A_307, %mul3A_888 : i32
      %add3A_890 = arith.constant 11 : i32
      %add3A_891 = arith.addi %mul3A_889, %add3A_890 : i32
      %get3A_892 = arith.index_cast %add3A_891 : i32 to index
      %get3A_893 = arith.constant 0 : index
      %get3A_894 = tpu.vector_load %arg12[%get3A_892, %get3A_893] {strides = array<i32>} : memref<128x128xf32, #tpu.memory_space<vmem>>, vector<16xf32>,
      %get3A_895 = arith.index_cast %add3A_891 : i32 to index
      %get3A_896 = arith.constant 0 : index
      %get3A_897 = tpu.vector_load %arg13[%get3A_895, %get3A_896] {strides = array<i32>} : memref<128x128xf32, #tpu.memory_space<vmem>>, vector<16xf32>,
      %get3A_898 = arith.index_cast %add3A_891 : i32 to index
      %get3A_899 = arith.constant 0 : index
      %get3A_900 = tpu.vector_load %arg14[%get3A_898, %get3A_899] {strides = array<i32>} : memref<128x128xf32, #tpu.memory_space<vmem>>, vector<16xf32>,
      %sub3A_901 = arith.subf %get3A_897, %get3A_900 : vector<16xf32>
      %mul3A_902 = arith.mulf %get3A_894, %sub3A_901 : vector<16xf32>
      %get3A_903 = arith.index_cast %add3A_891 : i32 to index
      %get3A_904 = arith.constant 16 : index
      %get3A_905 = tpu.vector_load %arg12[%get3A_903, %get3A_904] {strides = array<i32>} : memref<128x128xf32, #tpu.memory_space<vmem>>, vector<16xf32>,
      %get3A_906 = arith.index_cast %add3A_891 : i32 to index
      %get3A_907 = arith.constant 16 : index
      %get3A_908 = tpu.vector_load %arg13[%get3A_906, %get3A_907] {strides = array<i32>} : memref<128x128xf32, #tpu.memory_space<vmem>>, vector<16xf32>,
      %get3A_909 = arith.index_cast %add3A_891 : i32 to index
      %get3A_910 = arith.constant 16 : index
      %get3A_911 = tpu.vector_load %arg14[%get3A_909, %get3A_910] {strides = array<i32>} : memref<128x128xf32, #tpu.memory_space<vmem>>, vector<16xf32>,
      %sub3A_912 = arith.subf %get3A_908, %get3A_911 : vector<16xf32>
      %mul3A_913 = arith.mulf %get3A_905, %sub3A_912 : vector<16xf32>
      %add3A_914 = arith.addf %mul3A_902, %mul3A_913 : vector<16xf32>
      %get3A_915 = arith.index_cast %add3A_891 : i32 to index
      %get3A_916 = arith.constant 32 : index
      %get3A_917 = tpu.vector_load %arg12[%get3A_915, %get3A_916] {strides = array<i32>} : memref<128x128xf32, #tpu.memory_space<vmem>>, vector<16xf32>,
      %get3A_918 = arith.index_cast %add3A_891 : i32 to index
      %get3A_919 = arith.constant 32 : index
      %get3A_920 = tpu.vector_load %arg13[%get3A_918, %get3A_919] {strides = array<i32>} : memref<128x128xf32, #tpu.memory_space<vmem>>, vector<16xf32>,
      %get3A_921 = arith.index_cast %add3A_891 : i32 to index
      %get3A_922 = arith.constant 32 : index
      %get3A_923 = tpu.vector_load %arg14[%get3A_921, %get3A_922] {strides = array<i32>} : memref<128x128xf32, #tpu.memory_space<vmem>>, vector<16xf32>,
      %sub3A_924 = arith.subf %get3A_920, %get3A_923 : vector<16xf32>
      %mul3A_925 = arith.mulf %get3A_917, %sub3A_924 : vector<16xf32>
      %add3A_926 = arith.addf %add3A_914, %mul3A_925 : vector<16xf32>
      %get3A_927 = arith.index_cast %add3A_891 : i32 to index
      %get3A_928 = arith.constant 48 : index
      %get3A_929 = tpu.vector_load %arg12[%get3A_927, %get3A_928] {strides = array<i32>} : memref<128x128xf32, #tpu.memory_space<vmem>>, vector<16xf32>,
      %get3A_930 = arith.index_cast %add3A_891 : i32 to index
      %get3A_931 = arith.constant 48 : index
      %get3A_932 = tpu.vector_load %arg13[%get3A_930, %get3A_931] {strides = array<i32>} : memref<128x128xf32, #tpu.memory_space<vmem>>, vector<16xf32>,
      %get3A_933 = arith.index_cast %add3A_891 : i32 to index
      %get3A_934 = arith.constant 48 : index
      %get3A_935 = tpu.vector_load %arg14[%get3A_933, %get3A_934] {strides = array<i32>} : memref<128x128xf32, #tpu.memory_space<vmem>>, vector<16xf32>,
      %sub3A_936 = arith.subf %get3A_932, %get3A_935 : vector<16xf32>
      %mul3A_937 = arith.mulf %get3A_929, %sub3A_936 : vector<16xf32>
      %add3A_938 = arith.addf %add3A_926, %mul3A_937 : vector<16xf32>
      %swap3A_939 = arith.constant 176 : index
      %swap3A_940 = tpu.vector_load %arg17[%swap3A_939] {strides = array<i32>} : memref<256xf32, #tpu.memory_space<vmem>>, vector<16xf32>,
      tpu.vector_store %arg17[%swap3A_939], %add3A_938 {strides = array<i32>} : memref<256xf32, #tpu.memory_space<vmem>>, vector<16xf32>,
      %mul3A_941 = arith.constant 16 : i32
      %mul3A_942 = arith.muli %scan3A_307, %mul3A_941 : i32
      %add3A_943 = arith.constant 12 : i32
      %add3A_944 = arith.addi %mul3A_942, %add3A_943 : i32
      %get3A_945 = arith.index_cast %add3A_944 : i32 to index
      %get3A_946 = arith.constant 0 : index
      %get3A_947 = tpu.vector_load %arg12[%get3A_945, %get3A_946] {strides = array<i32>} : memref<128x128xf32, #tpu.memory_space<vmem>>, vector<16xf32>,
      %get3A_948 = arith.index_cast %add3A_944 : i32 to index
      %get3A_949 = arith.constant 0 : index
      %get3A_950 = tpu.vector_load %arg13[%get3A_948, %get3A_949] {strides = array<i32>} : memref<128x128xf32, #tpu.memory_space<vmem>>, vector<16xf32>,
      %get3A_951 = arith.index_cast %add3A_944 : i32 to index
      %get3A_952 = arith.constant 0 : index
      %get3A_953 = tpu.vector_load %arg14[%get3A_951, %get3A_952] {strides = array<i32>} : memref<128x128xf32, #tpu.memory_space<vmem>>, vector<16xf32>,
      %sub3A_954 = arith.subf %get3A_950, %get3A_953 : vector<16xf32>
      %mul3A_955 = arith.mulf %get3A_947, %sub3A_954 : vector<16xf32>
      %get3A_956 = arith.index_cast %add3A_944 : i32 to index
      %get3A_957 = arith.constant 16 : index
      %get3A_958 = tpu.vector_load %arg12[%get3A_956, %get3A_957] {strides = array<i32>} : memref<128x128xf32, #tpu.memory_space<vmem>>, vector<16xf32>,
      %get3A_959 = arith.index_cast %add3A_944 : i32 to index
      %get3A_960 = arith.constant 16 : index
      %get3A_961 = tpu.vector_load %arg13[%get3A_959, %get3A_960] {strides = array<i32>} : memref<128x128xf32, #tpu.memory_space<vmem>>, vector<16xf32>,
      %get3A_962 = arith.index_cast %add3A_944 : i32 to index
      %get3A_963 = arith.constant 16 : index
      %get3A_964 = tpu.vector_load %arg14[%get3A_962, %get3A_963] {strides = array<i32>} : memref<128x128xf32, #tpu.memory_space<vmem>>, vector<16xf32>,
      %sub3A_965 = arith.subf %get3A_961, %get3A_964 : vector<16xf32>
      %mul3A_966 = arith.mulf %get3A_958, %sub3A_965 : vector<16xf32>
      %add3A_967 = arith.addf %mul3A_955, %mul3A_966 : vector<16xf32>
      %get3A_968 = arith.index_cast %add3A_944 : i32 to index
      %get3A_969 = arith.constant 32 : index
      %get3A_970 = tpu.vector_load %arg12[%get3A_968, %get3A_969] {strides = array<i32>} : memref<128x128xf32, #tpu.memory_space<vmem>>, vector<16xf32>,
      %get3A_971 = arith.index_cast %add3A_944 : i32 to index
      %get3A_972 = arith.constant 32 : index
      %get3A_973 = tpu.vector_load %arg13[%get3A_971, %get3A_972] {strides = array<i32>} : memref<128x128xf32, #tpu.memory_space<vmem>>, vector<16xf32>,
      %get3A_974 = arith.index_cast %add3A_944 : i32 to index
      %get3A_975 = arith.constant 32 : index
      %get3A_976 = tpu.vector_load %arg14[%get3A_974, %get3A_975] {strides = array<i32>} : memref<128x128xf32, #tpu.memory_space<vmem>>, vector<16xf32>,
      %sub3A_977 = arith.subf %get3A_973, %get3A_976 : vector<16xf32>
      %mul3A_978 = arith.mulf %get3A_970, %sub3A_977 : vector<16xf32>
      %add3A_979 = arith.addf %add3A_967, %mul3A_978 : vector<16xf32>
      %get3A_980 = arith.index_cast %add3A_944 : i32 to index
      %get3A_981 = arith.constant 48 : index
      %get3A_982 = tpu.vector_load %arg12[%get3A_980, %get3A_981] {strides = array<i32>} : memref<128x128xf32, #tpu.memory_space<vmem>>, vector<16xf32>,
      %get3A_983 = arith.index_cast %add3A_944 : i32 to index
      %get3A_984 = arith.constant 48 : index
      %get3A_985 = tpu.vector_load %arg13[%get3A_983, %get3A_984] {strides = array<i32>} : memref<128x128xf32, #tpu.memory_space<vmem>>, vector<16xf32>,
      %get3A_986 = arith.index_cast %add3A_944 : i32 to index
      %get3A_987 = arith.constant 48 : index
      %get3A_988 = tpu.vector_load %arg14[%get3A_986, %get3A_987] {strides = array<i32>} : memref<128x128xf32, #tpu.memory_space<vmem>>, vector<16xf32>,
      %sub3A_989 = arith.subf %get3A_985, %get3A_988 : vector<16xf32>
      %mul3A_990 = arith.mulf %get3A_982, %sub3A_989 : vector<16xf32>
      %add3A_991 = arith.addf %add3A_979, %mul3A_990 : vector<16xf32>
      %swap3A_992 = arith.constant 192 : index
      %swap3A_993 = tpu.vector_load %arg17[%swap3A_992] {strides = array<i32>} : memref<256xf32, #tpu.memory_space<vmem>>, vector<16xf32>,
      tpu.vector_store %arg17[%swap3A_992], %add3A_991 {strides = array<i32>} : memref<256xf32, #tpu.memory_space<vmem>>, vector<16xf32>,
      %mul3A_994 = arith.constant 16 : i32
      %mul3A_995 = arith.muli %scan3A_307, %mul3A_994 : i32
      %add3A_996 = arith.constant 13 : i32
      %add3A_997 = arith.addi %mul3A_995, %add3A_996 : i32
      %get3A_998 = arith.index_cast %add3A_997 : i32 to index
      %get3A_999 = arith.constant 0 : index
      %get3A_1000 = tpu.vector_load %arg12[%get3A_998, %get3A_999] {strides = array<i32>} : memref<128x128xf32, #tpu.memory_space<vmem>>, vector<16xf32>,
      %get3A_1001 = arith.index_cast %add3A_997 : i32 to index
      %get3A_1002 = arith.constant 0 : index
      %get3A_1003 = tpu.vector_load %arg13[%get3A_1001, %get3A_1002] {strides = array<i32>} : memref<128x128xf32, #tpu.memory_space<vmem>>, vector<16xf32>,
      %get3A_1004 = arith.index_cast %add3A_997 : i32 to index
      %get3A_1005 = arith.constant 0 : index
      %get3A_1006 = tpu.vector_load %arg14[%get3A_1004, %get3A_1005] {strides = array<i32>} : memref<128x128xf32, #tpu.memory_space<vmem>>, vector<16xf32>,
      %sub3A_1007 = arith.subf %get3A_1003, %get3A_1006 : vector<16xf32>
      %mul3A_1008 = arith.mulf %get3A_1000, %sub3A_1007 : vector<16xf32>
      %get3A_1009 = arith.index_cast %add3A_997 : i32 to index
      %get3A_1010 = arith.constant 16 : index
      %get3A_1011 = tpu.vector_load %arg12[%get3A_1009, %get3A_1010] {strides = array<i32>} : memref<128x128xf32, #tpu.memory_space<vmem>>, vector<16xf32>,
      %get3A_1012 = arith.index_cast %add3A_997 : i32 to index
      %get3A_1013 = arith.constant 16 : index
      %get3A_1014 = tpu.vector_load %arg13[%get3A_1012, %get3A_1013] {strides = array<i32>} : memref<128x128xf32, #tpu.memory_space<vmem>>, vector<16xf32>,
      %get3A_1015 = arith.index_cast %add3A_997 : i32 to index
      %get3A_1016 = arith.constant 16 : index
      %get3A_1017 = tpu.vector_load %arg14[%get3A_1015, %get3A_1016] {strides = array<i32>} : memref<128x128xf32, #tpu.memory_space<vmem>>, vector<16xf32>,
      %sub3A_1018 = arith.subf %get3A_1014, %get3A_1017 : vector<16xf32>
      %mul3A_1019 = arith.mulf %get3A_1011, %sub3A_1018 : vector<16xf32>
      %add3A_1020 = arith.addf %mul3A_1008, %mul3A_1019 : vector<16xf32>
      %get3A_1021 = arith.index_cast %add3A_997 : i32 to index
      %get3A_1022 = arith.constant 32 : index
      %get3A_1023 = tpu.vector_load %arg12[%get3A_1021, %get3A_1022] {strides = array<i32>} : memref<128x128xf32, #tpu.memory_space<vmem>>, vector<16xf32>,
      %get3A_1024 = arith.index_cast %add3A_997 : i32 to index
      %get3A_1025 = arith.constant 32 : index
      %get3A_1026 = tpu.vector_load %arg13[%get3A_1024, %get3A_1025] {strides = array<i32>} : memref<128x128xf32, #tpu.memory_space<vmem>>, vector<16xf32>,
      %get3A_1027 = arith.index_cast %add3A_997 : i32 to index
      %get3A_1028 = arith.constant 32 : index
      %get3A_1029 = tpu.vector_load %arg14[%get3A_1027, %get3A_1028] {strides = array<i32>} : memref<128x128xf32, #tpu.memory_space<vmem>>, vector<16xf32>,
      %sub3A_1030 = arith.subf %get3A_1026, %get3A_1029 : vector<16xf32>
      %mul3A_1031 = arith.mulf %get3A_1023, %sub3A_1030 : vector<16xf32>
      %add3A_1032 = arith.addf %add3A_1020, %mul3A_1031 : vector<16xf32>
      %get3A_1033 = arith.index_cast %add3A_997 : i32 to index
      %get3A_1034 = arith.constant 48 : index
      %get3A_1035 = tpu.vector_load %arg12[%get3A_1033, %get3A_1034] {strides = array<i32>} : memref<128x128xf32, #tpu.memory_space<vmem>>, vector<16xf32>,
      %get3A_1036 = arith.index_cast %add3A_997 : i32 to index
      %get3A_1037 = arith.constant 48 : index
      %get3A_1038 = tpu.vector_load %arg13[%get3A_1036, %get3A_1037] {strides = array<i32>} : memref<128x128xf32, #tpu.memory_space<vmem>>, vector<16xf32>,
      %get3A_1039 = arith.index_cast %add3A_997 : i32 to index
      %get3A_1040 = arith.constant 48 : index
      %get3A_1041 = tpu.vector_load %arg14[%get3A_1039, %get3A_1040] {strides = array<i32>} : memref<128x128xf32, #tpu.memory_space<vmem>>, vector<16xf32>,
      %sub3A_1042 = arith.subf %get3A_1038, %get3A_1041 : vector<16xf32>
      %mul3A_1043 = arith.mulf %get3A_1035, %sub3A_1042 : vector<16xf32>
      %add3A_1044 = arith.addf %add3A_1032, %mul3A_1043 : vector<16xf32>
      %swap3A_1045 = arith.constant 208 : index
      %swap3A_1046 = tpu.vector_load %arg17[%swap3A_1045] {strides = array<i32>} : memref<256xf32, #tpu.memory_space<vmem>>, vector<16xf32>,
      tpu.vector_store %arg17[%swap3A_1045], %add3A_1044 {strides = array<i32>} : memref<256xf32, #tpu.memory_space<vmem>>, vector<16xf32>,
      %mul3A_1047 = arith.constant 16 : i32
      %mul3A_1048 = arith.muli %scan3A_307, %mul3A_1047 : i32
      %add3A_1049 = arith.constant 14 : i32
      %add3A_1050 = arith.addi %mul3A_1048, %add3A_1049 : i32
      %get3A_1051 = arith.index_cast %add3A_1050 : i32 to index
      %get3A_1052 = arith.constant 0 : index
      %get3A_1053 = tpu.vector_load %arg12[%get3A_1051, %get3A_1052] {strides = array<i32>} : memref<128x128xf32, #tpu.memory_space<vmem>>, vector<16xf32>,
      %get3A_1054 = arith.index_cast %add3A_1050 : i32 to index
      %get3A_1055 = arith.constant 0 : index
      %get3A_1056 = tpu.vector_load %arg13[%get3A_1054, %get3A_1055] {strides = array<i32>} : memref<128x128xf32, #tpu.memory_space<vmem>>, vector<16xf32>,
      %get3A_1057 = arith.index_cast %add3A_1050 : i32 to index
      %get3A_1058 = arith.constant 0 : index
      %get3A_1059 = tpu.vector_load %arg14[%get3A_1057, %get3A_1058] {strides = array<i32>} : memref<128x128xf32, #tpu.memory_space<vmem>>, vector<16xf32>,
      %sub3A_1060 = arith.subf %get3A_1056, %get3A_1059 : vector<16xf32>
      %mul3A_1061 = arith.mulf %get3A_1053, %sub3A_1060 : vector<16xf32>
      %get3A_1062 = arith.index_cast %add3A_1050 : i32 to index
      %get3A_1063 = arith.constant 16 : index
      %get3A_1064 = tpu.vector_load %arg12[%get3A_1062, %get3A_1063] {strides = array<i32>} : memref<128x128xf32, #tpu.memory_space<vmem>>, vector<16xf32>,
      %get3A_1065 = arith.index_cast %add3A_1050 : i32 to index
      %get3A_1066 = arith.constant 16 : index
      %get3A_1067 = tpu.vector_load %arg13[%get3A_1065, %get3A_1066] {strides = array<i32>} : memref<128x128xf32, #tpu.memory_space<vmem>>, vector<16xf32>,
      %get3A_1068 = arith.index_cast %add3A_1050 : i32 to index
      %get3A_1069 = arith.constant 16 : index
      %get3A_1070 = tpu.vector_load %arg14[%get3A_1068, %get3A_1069] {strides = array<i32>} : memref<128x128xf32, #tpu.memory_space<vmem>>, vector<16xf32>,
      %sub3A_1071 = arith.subf %get3A_1067, %get3A_1070 : vector<16xf32>
      %mul3A_1072 = arith.mulf %get3A_1064, %sub3A_1071 : vector<16xf32>
      %add3A_1073 = arith.addf %mul3A_1061, %mul3A_1072 : vector<16xf32>
      %get3A_1074 = arith.index_cast %add3A_1050 : i32 to index
      %get3A_1075 = arith.constant 32 : index
      %get3A_1076 = tpu.vector_load %arg12[%get3A_1074, %get3A_1075] {strides = array<i32>} : memref<128x128xf32, #tpu.memory_space<vmem>>, vector<16xf32>,
      %get3A_1077 = arith.index_cast %add3A_1050 : i32 to index
      %get3A_1078 = arith.constant 32 : index
      %get3A_1079 = tpu.vector_load %arg13[%get3A_1077, %get3A_1078] {strides = array<i32>} : memref<128x128xf32, #tpu.memory_space<vmem>>, vector<16xf32>,
      %get3A_1080 = arith.index_cast %add3A_1050 : i32 to index
      %get3A_1081 = arith.constant 32 : index
      %get3A_1082 = tpu.vector_load %arg14[%get3A_1080, %get3A_1081] {strides = array<i32>} : memref<128x128xf32, #tpu.memory_space<vmem>>, vector<16xf32>,
      %sub3A_1083 = arith.subf %get3A_1079, %get3A_1082 : vector<16xf32>
      %mul3A_1084 = arith.mulf %get3A_1076, %sub3A_1083 : vector<16xf32>
      %add3A_1085 = arith.addf %add3A_1073, %mul3A_1084 : vector<16xf32>
      %get3A_1086 = arith.index_cast %add3A_1050 : i32 to index
      %get3A_1087 = arith.constant 48 : index
      %get3A_1088 = tpu.vector_load %arg12[%get3A_1086, %get3A_1087] {strides = array<i32>} : memref<128x128xf32, #tpu.memory_space<vmem>>, vector<16xf32>,
      %get3A_1089 = arith.index_cast %add3A_1050 : i32 to index
      %get3A_1090 = arith.constant 48 : index
      %get3A_1091 = tpu.vector_load %arg13[%get3A_1089, %get3A_1090] {strides = array<i32>} : memref<128x128xf32, #tpu.memory_space<vmem>>, vector<16xf32>,
      %get3A_1092 = arith.index_cast %add3A_1050 : i32 to index
      %get3A_1093 = arith.constant 48 : index
      %get3A_1094 = tpu.vector_load %arg14[%get3A_1092, %get3A_1093] {strides = array<i32>} : memref<128x128xf32, #tpu.memory_space<vmem>>, vector<16xf32>,
      %sub3A_1095 = arith.subf %get3A_1091, %get3A_1094 : vector<16xf32>
      %mul3A_1096 = arith.mulf %get3A_1088, %sub3A_1095 : vector<16xf32>
      %add3A_1097 = arith.addf %add3A_1085, %mul3A_1096 : vector<16xf32>
      %swap3A_1098 = arith.constant 224 : index
      %swap3A_1099 = tpu.vector_load %arg17[%swap3A_1098] {strides = array<i32>} : memref<256xf32, #tpu.memory_space<vmem>>, vector<16xf32>,
      tpu.vector_store %arg17[%swap3A_1098], %add3A_1097 {strides = array<i32>} : memref<256xf32, #tpu.memory_space<vmem>>, vector<16xf32>,
      %mul3A_1100 = arith.constant 16 : i32
      %mul3A_1101 = arith.muli %scan3A_307, %mul3A_1100 : i32
      %add3A_1102 = arith.constant 15 : i32
      %add3A_1103 = arith.addi %mul3A_1101, %add3A_1102 : i32
      %get3A_1104 = arith.index_cast %add3A_1103 : i32 to index
      %get3A_1105 = arith.constant 0 : index
      %get3A_1106 = tpu.vector_load %arg12[%get3A_1104, %get3A_1105] {strides = array<i32>} : memref<128x128xf32, #tpu.memory_space<vmem>>, vector<16xf32>,
      %get3A_1107 = arith.index_cast %add3A_1103 : i32 to index
      %get3A_1108 = arith.constant 0 : index
      %get3A_1109 = tpu.vector_load %arg13[%get3A_1107, %get3A_1108] {strides = array<i32>} : memref<128x128xf32, #tpu.memory_space<vmem>>, vector<16xf32>,
      %get3A_1110 = arith.index_cast %add3A_1103 : i32 to index
      %get3A_1111 = arith.constant 0 : index
      %get3A_1112 = tpu.vector_load %arg14[%get3A_1110, %get3A_1111] {strides = array<i32>} : memref<128x128xf32, #tpu.memory_space<vmem>>, vector<16xf32>,
      %sub3A_1113 = arith.subf %get3A_1109, %get3A_1112 : vector<16xf32>
      %mul3A_1114 = arith.mulf %get3A_1106, %sub3A_1113 : vector<16xf32>
      %get3A_1115 = arith.index_cast %add3A_1103 : i32 to index
      %get3A_1116 = arith.constant 16 : index
      %get3A_1117 = tpu.vector_load %arg12[%get3A_1115, %get3A_1116] {strides = array<i32>} : memref<128x128xf32, #tpu.memory_space<vmem>>, vector<16xf32>,
      %get3A_1118 = arith.index_cast %add3A_1103 : i32 to index
      %get3A_1119 = arith.constant 16 : index
      %get3A_1120 = tpu.vector_load %arg13[%get3A_1118, %get3A_1119] {strides = array<i32>} : memref<128x128xf32, #tpu.memory_space<vmem>>, vector<16xf32>,
      %get3A_1121 = arith.index_cast %add3A_1103 : i32 to index
      %get3A_1122 = arith.constant 16 : index
      %get3A_1123 = tpu.vector_load %arg14[%get3A_1121, %get3A_1122] {strides = array<i32>} : memref<128x128xf32, #tpu.memory_space<vmem>>, vector<16xf32>,
      %sub3A_1124 = arith.subf %get3A_1120, %get3A_1123 : vector<16xf32>
      %mul3A_1125 = arith.mulf %get3A_1117, %sub3A_1124 : vector<16xf32>
      %add3A_1126 = arith.addf %mul3A_1114, %mul3A_1125 : vector<16xf32>
      %get3A_1127 = arith.index_cast %add3A_1103 : i32 to index
      %get3A_1128 = arith.constant 32 : index
      %get3A_1129 = tpu.vector_load %arg12[%get3A_1127, %get3A_1128] {strides = array<i32>} : memref<128x128xf32, #tpu.memory_space<vmem>>, vector<16xf32>,
      %get3A_1130 = arith.index_cast %add3A_1103 : i32 to index
      %get3A_1131 = arith.constant 32 : index
      %get3A_1132 = tpu.vector_load %arg13[%get3A_1130, %get3A_1131] {strides = array<i32>} : memref<128x128xf32, #tpu.memory_space<vmem>>, vector<16xf32>,
      %get3A_1133 = arith.index_cast %add3A_1103 : i32 to index
      %get3A_1134 = arith.constant 32 : index
      %get3A_1135 = tpu.vector_load %arg14[%get3A_1133, %get3A_1134] {strides = array<i32>} : memref<128x128xf32, #tpu.memory_space<vmem>>, vector<16xf32>,
      %sub3A_1136 = arith.subf %get3A_1132, %get3A_1135 : vector<16xf32>
      %mul3A_1137 = arith.mulf %get3A_1129, %sub3A_1136 : vector<16xf32>
      %add3A_1138 = arith.addf %add3A_1126, %mul3A_1137 : vector<16xf32>
      %get3A_1139 = arith.index_cast %add3A_1103 : i32 to index
      %get3A_1140 = arith.constant 48 : index
      %get3A_1141 = tpu.vector_load %arg12[%get3A_1139, %get3A_1140] {strides = array<i32>} : memref<128x128xf32, #tpu.memory_space<vmem>>, vector<16xf32>,
      %get3A_1142 = arith.index_cast %add3A_1103 : i32 to index
      %get3A_1143 = arith.constant 48 : index
      %get3A_1144 = tpu.vector_load %arg13[%get3A_1142, %get3A_1143] {strides = array<i32>} : memref<128x128xf32, #tpu.memory_space<vmem>>, vector<16xf32>,
      %get3A_1145 = arith.index_cast %add3A_1103 : i32 to index
      %get3A_1146 = arith.constant 48 : index
      %get3A_1147 = tpu.vector_load %arg14[%get3A_1145, %get3A_1146] {strides = array<i32>} : memref<128x128xf32, #tpu.memory_space<vmem>>, vector<16xf32>,
      %sub3A_1148 = arith.subf %get3A_1144, %get3A_1147 : vector<16xf32>
      %mul3A_1149 = arith.mulf %get3A_1141, %sub3A_1148 : vector<16xf32>
      %add3A_1150 = arith.addf %add3A_1138, %mul3A_1149 : vector<16xf32>
      %swap3A_1151 = arith.constant 240 : index
      %swap3A_1152 = tpu.vector_load %arg17[%swap3A_1151] {strides = array<i32>} : memref<256xf32, #tpu.memory_space<vmem>>, vector<16xf32>,
      tpu.vector_store %arg17[%swap3A_1151], %add3A_1150 {strides = array<i32>} : memref<256xf32, #tpu.memory_space<vmem>>, vector<16xf32>,
      %mul3A_1153 = arith.constant 16 : i32
      %mul3A_1154 = vector.broadcast %mul3A_1153 : i32 to vector<16xi32>
      %mul3A_1155 = arith.muli %iota3A, %mul3A_1154 : vector<16xi32>
      %gather3A = tpu.vector_load_idx %arg17[%mul3A_1155] : memref<256xf32, #tpu.memory_space<vmem>>[vector<16xi32>], vector<16xf32>,
      %add3A_1156 = arith.constant 1 : i32
      %add3A_1157 = vector.broadcast %add3A_1156 : i32 to vector<16xi32>
      %add3A_1158 = arith.addi %mul3A_1155, %add3A_1157 : vector<16xi32>
      %gather3A_1159 = tpu.vector_load_idx %arg17[%add3A_1158] : memref<256xf32, #tpu.memory_space<vmem>>[vector<16xi32>], vector<16xf32>,
      %add3A_1160 = arith.addf %gather3A, %gather3A_1159 : vector<16xf32>
      %add3A_1161 = arith.constant 2 : i32
      %add3A_1162 = vector.broadcast %add3A_1161 : i32 to vector<16xi32>
      %add3A_1163 = arith.addi %mul3A_1155, %add3A_1162 : vector<16xi32>
      %gather3A_1164 = tpu.vector_load_idx %arg17[%add3A_1163] : memref<256xf32, #tpu.memory_space<vmem>>[vector<16xi32>], vector<16xf32>,
      %add3A_1165 = arith.addf %add3A_1160, %gather3A_1164 : vector<16xf32>
      %add3A_1166 = arith.constant 3 : i32
      %add3A_1167 = vector.broadcast %add3A_1166 : i32 to vector<16xi32>
      %add3A_1168 = arith.addi %mul3A_1155, %add3A_1167 : vector<16xi32>
      %gather3A_1169 = tpu.vector_load_idx %arg17[%add3A_1168] : memref<256xf32, #tpu.memory_space<vmem>>[vector<16xi32>], vector<16xf32>,
      %add3A_1170 = arith.addf %add3A_1165, %gather3A_1169 : vector<16xf32>
      %add3A_1171 = arith.constant 4 : i32
      %add3A_1172 = vector.broadcast %add3A_1171 : i32 to vector<16xi32>
      %add3A_1173 = arith.addi %mul3A_1155, %add3A_1172 : vector<16xi32>
      %gather3A_1174 = tpu.vector_load_idx %arg17[%add3A_1173] : memref<256xf32, #tpu.memory_space<vmem>>[vector<16xi32>], vector<16xf32>,
      %add3A_1175 = arith.addf %add3A_1170, %gather3A_1174 : vector<16xf32>
      %add3A_1176 = arith.constant 5 : i32
      %add3A_1177 = vector.broadcast %add3A_1176 : i32 to vector<16xi32>
      %add3A_1178 = arith.addi %mul3A_1155, %add3A_1177 : vector<16xi32>
      %gather3A_1179 = tpu.vector_load_idx %arg17[%add3A_1178] : memref<256xf32, #tpu.memory_space<vmem>>[vector<16xi32>], vector<16xf32>,
      %add3A_1180 = arith.addf %add3A_1175, %gather3A_1179 : vector<16xf32>
      %add3A_1181 = arith.constant 6 : i32
      %add3A_1182 = vector.broadcast %add3A_1181 : i32 to vector<16xi32>
      %add3A_1183 = arith.addi %mul3A_1155, %add3A_1182 : vector<16xi32>
      %gather3A_1184 = tpu.vector_load_idx %arg17[%add3A_1183] : memref<256xf32, #tpu.memory_space<vmem>>[vector<16xi32>], vector<16xf32>,
      %add3A_1185 = arith.addf %add3A_1180, %gather3A_1184 : vector<16xf32>
      %add3A_1186 = arith.constant 7 : i32
      %add3A_1187 = vector.broadcast %add3A_1186 : i32 to vector<16xi32>
      %add3A_1188 = arith.addi %mul3A_1155, %add3A_1187 : vector<16xi32>
      %gather3A_1189 = tpu.vector_load_idx %arg17[%add3A_1188] : memref<256xf32, #tpu.memory_space<vmem>>[vector<16xi32>], vector<16xf32>,
      %add3A_1190 = arith.addf %add3A_1185, %gather3A_1189 : vector<16xf32>
      %add3A_1191 = arith.constant 8 : i32
      %add3A_1192 = vector.broadcast %add3A_1191 : i32 to vector<16xi32>
      %add3A_1193 = arith.addi %mul3A_1155, %add3A_1192 : vector<16xi32>
      %gather3A_1194 = tpu.vector_load_idx %arg17[%add3A_1193] : memref<256xf32, #tpu.memory_space<vmem>>[vector<16xi32>], vector<16xf32>,
      %add3A_1195 = arith.addf %add3A_1190, %gather3A_1194 : vector<16xf32>
      %add3A_1196 = arith.constant 9 : i32
      %add3A_1197 = vector.broadcast %add3A_1196 : i32 to vector<16xi32>
      %add3A_1198 = arith.addi %mul3A_1155, %add3A_1197 : vector<16xi32>
      %gather3A_1199 = tpu.vector_load_idx %arg17[%add3A_1198] : memref<256xf32, #tpu.memory_space<vmem>>[vector<16xi32>], vector<16xf32>,
      %add3A_1200 = arith.addf %add3A_1195, %gather3A_1199 : vector<16xf32>
      %add3A_1201 = arith.constant 10 : i32
      %add3A_1202 = vector.broadcast %add3A_1201 : i32 to vector<16xi32>
      %add3A_1203 = arith.addi %mul3A_1155, %add3A_1202 : vector<16xi32>
      %gather3A_1204 = tpu.vector_load_idx %arg17[%add3A_1203] : memref<256xf32, #tpu.memory_space<vmem>>[vector<16xi32>], vector<16xf32>,
      %add3A_1205 = arith.addf %add3A_1200, %gather3A_1204 : vector<16xf32>
      %add3A_1206 = arith.constant 11 : i32
      %add3A_1207 = vector.broadcast %add3A_1206 : i32 to vector<16xi32>
      %add3A_1208 = arith.addi %mul3A_1155, %add3A_1207 : vector<16xi32>
      %gather3A_1209 = tpu.vector_load_idx %arg17[%add3A_1208] : memref<256xf32, #tpu.memory_space<vmem>>[vector<16xi32>], vector<16xf32>,
      %add3A_1210 = arith.addf %add3A_1205, %gather3A_1209 : vector<16xf32>
      %add3A_1211 = arith.constant 12 : i32
      %add3A_1212 = vector.broadcast %add3A_1211 : i32 to vector<16xi32>
      %add3A_1213 = arith.addi %mul3A_1155, %add3A_1212 : vector<16xi32>
      %gather3A_1214 = tpu.vector_load_idx %arg17[%add3A_1213] : memref<256xf32, #tpu.memory_space<vmem>>[vector<16xi32>], vector<16xf32>,
      %add3A_1215 = arith.addf %add3A_1210, %gather3A_1214 : vector<16xf32>
      %add3A_1216 = arith.constant 13 : i32
      %add3A_1217 = vector.broadcast %add3A_1216 : i32 to vector<16xi32>
      %add3A_1218 = arith.addi %mul3A_1155, %add3A_1217 : vector<16xi32>
      %gather3A_1219 = tpu.vector_load_idx %arg17[%add3A_1218] : memref<256xf32, #tpu.memory_space<vmem>>[vector<16xi32>], vector<16xf32>,
      %add3A_1220 = arith.addf %add3A_1215, %gather3A_1219 : vector<16xf32>
      %add3A_1221 = arith.constant 14 : i32
      %add3A_1222 = vector.broadcast %add3A_1221 : i32 to vector<16xi32>
      %add3A_1223 = arith.addi %mul3A_1155, %add3A_1222 : vector<16xi32>
      %gather3A_1224 = tpu.vector_load_idx %arg17[%add3A_1223] : memref<256xf32, #tpu.memory_space<vmem>>[vector<16xi32>], vector<16xf32>,
      %add3A_1225 = arith.addf %add3A_1220, %gather3A_1224 : vector<16xf32>
      %add3A_1226 = arith.constant 15 : i32
      %add3A_1227 = vector.broadcast %add3A_1226 : i32 to vector<16xi32>
      %add3A_1228 = arith.addi %mul3A_1155, %add3A_1227 : vector<16xi32>
      %gather3A_1229 = tpu.vector_load_idx %arg17[%add3A_1228] : memref<256xf32, #tpu.memory_space<vmem>>[vector<16xi32>], vector<16xf32>,
      %add3A_1230 = arith.addf %add3A_1225, %gather3A_1229 : vector<16xf32>
      %mul3A_1231 = arith.constant 16 : i32
      %mul3A_1232 = arith.muli %scan3A_307, %mul3A_1231 : i32
      %get3A_1233 = arith.index_cast %mul3A_1232 : i32 to index
      %get3A_1234 = tpu.vector_load %arg15[%get3A_1233] {strides = array<i32>} : memref<128xf32, #tpu.memory_space<vmem>>, vector<16xf32>,
      %mul3A_1235 = arith.constant 16 : i32
      %mul3A_1236 = arith.muli %scan3A_307, %mul3A_1235 : i32
      %get3A_1237 = arith.index_cast %mul3A_1236 : i32 to index
      %get3A_1238 = tpu.vector_load %arg16[%get3A_1237] {strides = array<i32>} : memref<128xf32, #tpu.memory_space<vmem>>, vector<16xf32>,
      %add3A_1239 = arith.addf %add3A_1230, %get3A_1234 : vector<16xf32>
      %sub3A_1240 = arith.subf %add3A_1239, %get3A_1238 : vector<16xf32>
      %mul3A_1241 = arith.constant 16 : i32
      %mul3A_1242 = arith.muli %scan3A_307, %mul3A_1241 : i32
      %add3A_1243 = arith.constant 128 : i32
      %add3A_1244 = arith.addi %add3A_1243, %mul3A_1242 : i32
      %swap3A_1245 = arith.index_cast %add3A_1244 : i32 to index
      %swap3A_1246 = tpu.vector_load %arg18[%swap3A_1245] {strides = array<i32>} : memref<512xf32, #tpu.memory_space<vmem>>, vector<16xf32>,
      tpu.vector_store %arg18[%swap3A_1245], %sub3A_1240 {strides = array<i32>} : memref<512xf32, #tpu.memory_space<vmem>>, vector<16xf32>,
    }
    %scan3A_162 = arith.constant 8 : i32
    %dma_start3A_163 = arith.constant 2 : i32
    %dma_start3A_164 = arith.constant 0 : i32
    %dma_start3A_165 = tpu.memref_slice %arg9[%dma_start3A_163, %dma_start3A_164] : memref<4x128xi32, #tpu.memory_space<vmem>> -> memref<1x128xi32, #tpu.memory_space<vmem>>
    %dma_start3A_166 = tpu.memref_squeeze %dma_start3A_165 : memref<1x128xi32, #tpu.memory_space<vmem>> -> memref<128xi32, #tpu.memory_space<vmem>>
    %dma_start3A_167 = arith.constant 0 : i32
    %dma_start3A_168 = arith.constant 0 : i32
    %dma_start3A_169 = tpu.memref_slice %arg5[%dma_start3A_167, %dma_start3A_168] : memref<1000000x128xf32, #tpu.memory_space<hbm>> -> memref<1000000x128xf32, #tpu.memory_space<hbm>>
    tpu.enqueue_indirect_dma source(%dma_start3A_169 : memref<1000000x128xf32, #tpu.memory_space<hbm>>) target(%arg12 : memref<128x128xf32, #tpu.memory_space<vmem>>) offsets(%dma_start3A_166 : memref<128xi32, #tpu.memory_space<vmem>>) semaphore(%arg19 : memref<!tpu.dma_semaphore, #tpu.memory_space<semaphore_mem>>)
    %dma_start3A_170 = arith.constant 2 : i32
    %dma_start3A_171 = arith.constant 0 : i32
    %dma_start3A_172 = tpu.memref_slice %arg10[%dma_start3A_170, %dma_start3A_171] : memref<4x128xi32, #tpu.memory_space<vmem>> -> memref<1x128xi32, #tpu.memory_space<vmem>>
    %dma_start3A_173 = tpu.memref_squeeze %dma_start3A_172 : memref<1x128xi32, #tpu.memory_space<vmem>> -> memref<128xi32, #tpu.memory_space<vmem>>
    %dma_start3A_174 = arith.constant 0 : i32
    %dma_start3A_175 = arith.constant 0 : i32
    %dma_start3A_176 = tpu.memref_slice %arg6[%dma_start3A_174, %dma_start3A_175] : memref<1000000x128xf32, #tpu.memory_space<hbm>> -> memref<1000000x128xf32, #tpu.memory_space<hbm>>
    tpu.enqueue_indirect_dma source(%dma_start3A_176 : memref<1000000x128xf32, #tpu.memory_space<hbm>>) target(%arg13 : memref<128x128xf32, #tpu.memory_space<vmem>>) offsets(%dma_start3A_173 : memref<128xi32, #tpu.memory_space<vmem>>) semaphore(%arg19 : memref<!tpu.dma_semaphore, #tpu.memory_space<semaphore_mem>>)
    %dma_start3A_177 = arith.constant 2 : i32
    %dma_start3A_178 = arith.constant 0 : i32
    %dma_start3A_179 = tpu.memref_slice %arg11[%dma_start3A_177, %dma_start3A_178] : memref<4x128xi32, #tpu.memory_space<vmem>> -> memref<1x128xi32, #tpu.memory_space<vmem>>
    %dma_start3A_180 = tpu.memref_squeeze %dma_start3A_179 : memref<1x128xi32, #tpu.memory_space<vmem>> -> memref<128xi32, #tpu.memory_space<vmem>>
    %dma_start3A_181 = arith.constant 0 : i32
    %dma_start3A_182 = arith.constant 0 : i32
    %dma_start3A_183 = tpu.memref_slice %arg6[%dma_start3A_181, %dma_start3A_182] : memref<1000000x128xf32, #tpu.memory_space<hbm>> -> memref<1000000x128xf32, #tpu.memory_space<hbm>>
    tpu.enqueue_indirect_dma source(%dma_start3A_183 : memref<1000000x128xf32, #tpu.memory_space<hbm>>) target(%arg14 : memref<128x128xf32, #tpu.memory_space<vmem>>) offsets(%dma_start3A_180 : memref<128xi32, #tpu.memory_space<vmem>>) semaphore(%arg19 : memref<!tpu.dma_semaphore, #tpu.memory_space<semaphore_mem>>)
    %dma_start3A_184 = arith.constant 2 : i32
    %dma_start3A_185 = arith.constant 0 : i32
    %dma_start3A_186 = tpu.memref_slice %arg10[%dma_start3A_184, %dma_start3A_185] : memref<4x128xi32, #tpu.memory_space<vmem>> -> memref<1x128xi32, #tpu.memory_space<vmem>>
    %dma_start3A_187 = tpu.memref_squeeze %dma_start3A_186 : memref<1x128xi32, #tpu.memory_space<vmem>> -> memref<128xi32, #tpu.memory_space<vmem>>
    %dma_start3A_188 = arith.constant 0 : i32
    %dma_start3A_189 = tpu.memref_slice %arg7[%dma_start3A_188] : memref<1000000xf32, #tpu.memory_space<hbm>> -> memref<1000000xf32, #tpu.memory_space<hbm>>
    tpu.enqueue_indirect_dma source(%dma_start3A_189 : memref<1000000xf32, #tpu.memory_space<hbm>>) target(%arg15 : memref<128xf32, #tpu.memory_space<vmem>>) offsets(%dma_start3A_187 : memref<128xi32, #tpu.memory_space<vmem>>) semaphore(%arg19 : memref<!tpu.dma_semaphore, #tpu.memory_space<semaphore_mem>>)
    %dma_start3A_190 = arith.constant 2 : i32
    %dma_start3A_191 = arith.constant 0 : i32
    %dma_start3A_192 = tpu.memref_slice %arg11[%dma_start3A_190, %dma_start3A_191] : memref<4x128xi32, #tpu.memory_space<vmem>> -> memref<1x128xi32, #tpu.memory_space<vmem>>
    %dma_start3A_193 = tpu.memref_squeeze %dma_start3A_192 : memref<1x128xi32, #tpu.memory_space<vmem>> -> memref<128xi32, #tpu.memory_space<vmem>>
    %dma_start3A_194 = arith.constant 0 : i32
    %dma_start3A_195 = tpu.memref_slice %arg7[%dma_start3A_194] : memref<1000000xf32, #tpu.memory_space<hbm>> -> memref<1000000xf32, #tpu.memory_space<hbm>>
    tpu.enqueue_indirect_dma source(%dma_start3A_195 : memref<1000000xf32, #tpu.memory_space<hbm>>) target(%arg16 : memref<128xf32, #tpu.memory_space<vmem>>) offsets(%dma_start3A_193 : memref<128xi32, #tpu.memory_space<vmem>>) semaphore(%arg19 : memref<!tpu.dma_semaphore, #tpu.memory_space<semaphore_mem>>)
    %dma_wait3A_196 = arith.constant 2 : i32
    %dma_wait3A_197 = arith.constant 0 : i32
    %dma_wait3A_198 = tpu.memref_slice %arg9[%dma_wait3A_196, %dma_wait3A_197] : memref<4x128xi32, #tpu.memory_space<vmem>> -> memref<1x128xi32, #tpu.memory_space<vmem>>
    %dma_wait3A_199 = tpu.memref_squeeze %dma_wait3A_198 : memref<1x128xi32, #tpu.memory_space<vmem>> -> memref<128xi32, #tpu.memory_space<vmem>>
    %dma_wait3A_200 = arith.constant 0 : i32
    %dma_wait3A_201 = arith.constant 0 : i32
    %dma_wait3A_202 = tpu.memref_slice %arg5[%dma_wait3A_200, %dma_wait3A_201] : memref<1000000x128xf32, #tpu.memory_space<hbm>> -> memref<1000000x128xf32, #tpu.memory_space<hbm>>
    tpu.wait_indirect_dma semaphore(%arg19 : memref<!tpu.dma_semaphore, #tpu.memory_space<semaphore_mem>>) src(%dma_wait3A_202 : memref<1000000x128xf32, #tpu.memory_space<hbm>>) dst(%arg12 : memref<128x128xf32, #tpu.memory_space<vmem>>)
    %dma_wait3A_203 = arith.constant 2 : i32
    %dma_wait3A_204 = arith.constant 0 : i32
    %dma_wait3A_205 = tpu.memref_slice %arg10[%dma_wait3A_203, %dma_wait3A_204] : memref<4x128xi32, #tpu.memory_space<vmem>> -> memref<1x128xi32, #tpu.memory_space<vmem>>
    %dma_wait3A_206 = tpu.memref_squeeze %dma_wait3A_205 : memref<1x128xi32, #tpu.memory_space<vmem>> -> memref<128xi32, #tpu.memory_space<vmem>>
    %dma_wait3A_207 = arith.constant 0 : i32
    %dma_wait3A_208 = arith.constant 0 : i32
    %dma_wait3A_209 = tpu.memref_slice %arg6[%dma_wait3A_207, %dma_wait3A_208] : memref<1000000x128xf32, #tpu.memory_space<hbm>> -> memref<1000000x128xf32, #tpu.memory_space<hbm>>
    tpu.wait_indirect_dma semaphore(%arg19 : memref<!tpu.dma_semaphore, #tpu.memory_space<semaphore_mem>>) src(%dma_wait3A_209 : memref<1000000x128xf32, #tpu.memory_space<hbm>>) dst(%arg13 : memref<128x128xf32, #tpu.memory_space<vmem>>)
    %dma_wait3A_210 = arith.constant 2 : i32
    %dma_wait3A_211 = arith.constant 0 : i32
    %dma_wait3A_212 = tpu.memref_slice %arg11[%dma_wait3A_210, %dma_wait3A_211] : memref<4x128xi32, #tpu.memory_space<vmem>> -> memref<1x128xi32, #tpu.memory_space<vmem>>
    %dma_wait3A_213 = tpu.memref_squeeze %dma_wait3A_212 : memref<1x128xi32, #tpu.memory_space<vmem>> -> memref<128xi32, #tpu.memory_space<vmem>>
    %dma_wait3A_214 = arith.constant 0 : i32
    %dma_wait3A_215 = arith.constant 0 : i32
    %dma_wait3A_216 = tpu.memref_slice %arg6[%dma_wait3A_214, %dma_wait3A_215] : memref<1000000x128xf32, #tpu.memory_space<hbm>> -> memref<1000000x128xf32, #tpu.memory_space<hbm>>
    tpu.wait_indirect_dma semaphore(%arg19 : memref<!tpu.dma_semaphore, #tpu.memory_space<semaphore_mem>>) src(%dma_wait3A_216 : memref<1000000x128xf32, #tpu.memory_space<hbm>>) dst(%arg14 : memref<128x128xf32, #tpu.memory_space<vmem>>)
    %dma_wait3A_217 = arith.constant 2 : i32
    %dma_wait3A_218 = arith.constant 0 : i32
    %dma_wait3A_219 = tpu.memref_slice %arg10[%dma_wait3A_217, %dma_wait3A_218] : memref<4x128xi32, #tpu.memory_space<vmem>> -> memref<1x128xi32, #tpu.memory_space<vmem>>
    %dma_wait3A_220 = tpu.memref_squeeze %dma_wait3A_219 : memref<1x128xi32, #tpu.memory_space<vmem>> -> memref<128xi32, #tpu.memory_space<vmem>>
    %dma_wait3A_221 = arith.constant 0 : i32
    %dma_wait3A_222 = tpu.memref_slice %arg7[%dma_wait3A_221] : memref<1000000xf32, #tpu.memory_space<hbm>> -> memref<1000000xf32, #tpu.memory_space<hbm>>
    tpu.wait_indirect_dma semaphore(%arg19 : memref<!tpu.dma_semaphore, #tpu.memory_space<semaphore_mem>>) src(%dma_wait3A_222 : memref<1000000xf32, #tpu.memory_space<hbm>>) dst(%arg15 : memref<128xf32, #tpu.memory_space<vmem>>)
    %dma_wait3A_223 = arith.constant 2 : i32
    %dma_wait3A_224 = arith.constant 0 : i32
    %dma_wait3A_225 = tpu.memref_slice %arg11[%dma_wait3A_223, %dma_wait3A_224] : memref<4x128xi32, #tpu.memory_space<vmem>> -> memref<1x128xi32, #tpu.memory_space<vmem>>
    %dma_wait3A_226 = tpu.memref_squeeze %dma_wait3A_225 : memref<1x128xi32, #tpu.memory_space<vmem>> -> memref<128xi32, #tpu.memory_space<vmem>>
    %dma_wait3A_227 = arith.constant 0 : i32
    %dma_wait3A_228 = tpu.memref_slice %arg7[%dma_wait3A_227] : memref<1000000xf32, #tpu.memory_space<hbm>> -> memref<1000000xf32, #tpu.memory_space<hbm>>
    tpu.wait_indirect_dma semaphore(%arg19 : memref<!tpu.dma_semaphore, #tpu.memory_space<semaphore_mem>>) src(%dma_wait3A_228 : memref<1000000xf32, #tpu.memory_space<hbm>>) dst(%arg16 : memref<128xf32, #tpu.memory_space<vmem>>)
    %scan3A_229 = arith.constant 0 : i32
    %scan3A_230 = arith.constant 0 : i32
    %scan3A_231 = arith.constant 8 : i32
    %scan3A_232 = arith.addi %scan3A_230, %scan3A_231 : i32
    %scan3A_233 = arith.constant 1 : i32
    scf.for %scan3A_307 = %scan3A_230 to %scan3A_232 step %scan3A_233  : i32 {
      %mul3A_308 = arith.constant 16 : i32
      %mul3A_309 = arith.muli %scan3A_307, %mul3A_308 : i32
      %add3A_310 = arith.constant 0 : i32
      %add3A_311 = arith.addi %mul3A_309, %add3A_310 : i32
      %get3A = arith.index_cast %add3A_311 : i32 to index
      %get3A_312 = arith.constant 0 : index
      %get3A_313 = tpu.vector_load %arg12[%get3A, %get3A_312] {strides = array<i32>} : memref<128x128xf32, #tpu.memory_space<vmem>>, vector<16xf32>,
      %get3A_314 = arith.index_cast %add3A_311 : i32 to index
      %get3A_315 = arith.constant 0 : index
      %get3A_316 = tpu.vector_load %arg13[%get3A_314, %get3A_315] {strides = array<i32>} : memref<128x128xf32, #tpu.memory_space<vmem>>, vector<16xf32>,
      %get3A_317 = arith.index_cast %add3A_311 : i32 to index
      %get3A_318 = arith.constant 0 : index
      %get3A_319 = tpu.vector_load %arg14[%get3A_317, %get3A_318] {strides = array<i32>} : memref<128x128xf32, #tpu.memory_space<vmem>>, vector<16xf32>,
      %sub3A = arith.subf %get3A_316, %get3A_319 : vector<16xf32>
      %mul3A_320 = arith.mulf %get3A_313, %sub3A : vector<16xf32>
      %get3A_321 = arith.index_cast %add3A_311 : i32 to index
      %get3A_322 = arith.constant 16 : index
      %get3A_323 = tpu.vector_load %arg12[%get3A_321, %get3A_322] {strides = array<i32>} : memref<128x128xf32, #tpu.memory_space<vmem>>, vector<16xf32>,
      %get3A_324 = arith.index_cast %add3A_311 : i32 to index
      %get3A_325 = arith.constant 16 : index
      %get3A_326 = tpu.vector_load %arg13[%get3A_324, %get3A_325] {strides = array<i32>} : memref<128x128xf32, #tpu.memory_space<vmem>>, vector<16xf32>,
      %get3A_327 = arith.index_cast %add3A_311 : i32 to index
      %get3A_328 = arith.constant 16 : index
      %get3A_329 = tpu.vector_load %arg14[%get3A_327, %get3A_328] {strides = array<i32>} : memref<128x128xf32, #tpu.memory_space<vmem>>, vector<16xf32>,
      %sub3A_330 = arith.subf %get3A_326, %get3A_329 : vector<16xf32>
      %mul3A_331 = arith.mulf %get3A_323, %sub3A_330 : vector<16xf32>
      %add3A_332 = arith.addf %mul3A_320, %mul3A_331 : vector<16xf32>
      %get3A_333 = arith.index_cast %add3A_311 : i32 to index
      %get3A_334 = arith.constant 32 : index
      %get3A_335 = tpu.vector_load %arg12[%get3A_333, %get3A_334] {strides = array<i32>} : memref<128x128xf32, #tpu.memory_space<vmem>>, vector<16xf32>,
      %get3A_336 = arith.index_cast %add3A_311 : i32 to index
      %get3A_337 = arith.constant 32 : index
      %get3A_338 = tpu.vector_load %arg13[%get3A_336, %get3A_337] {strides = array<i32>} : memref<128x128xf32, #tpu.memory_space<vmem>>, vector<16xf32>,
      %get3A_339 = arith.index_cast %add3A_311 : i32 to index
      %get3A_340 = arith.constant 32 : index
      %get3A_341 = tpu.vector_load %arg14[%get3A_339, %get3A_340] {strides = array<i32>} : memref<128x128xf32, #tpu.memory_space<vmem>>, vector<16xf32>,
      %sub3A_342 = arith.subf %get3A_338, %get3A_341 : vector<16xf32>
      %mul3A_343 = arith.mulf %get3A_335, %sub3A_342 : vector<16xf32>
      %add3A_344 = arith.addf %add3A_332, %mul3A_343 : vector<16xf32>
      %get3A_345 = arith.index_cast %add3A_311 : i32 to index
      %get3A_346 = arith.constant 48 : index
      %get3A_347 = tpu.vector_load %arg12[%get3A_345, %get3A_346] {strides = array<i32>} : memref<128x128xf32, #tpu.memory_space<vmem>>, vector<16xf32>,
      %get3A_348 = arith.index_cast %add3A_311 : i32 to index
      %get3A_349 = arith.constant 48 : index
      %get3A_350 = tpu.vector_load %arg13[%get3A_348, %get3A_349] {strides = array<i32>} : memref<128x128xf32, #tpu.memory_space<vmem>>, vector<16xf32>,
      %get3A_351 = arith.index_cast %add3A_311 : i32 to index
      %get3A_352 = arith.constant 48 : index
      %get3A_353 = tpu.vector_load %arg14[%get3A_351, %get3A_352] {strides = array<i32>} : memref<128x128xf32, #tpu.memory_space<vmem>>, vector<16xf32>,
      %sub3A_354 = arith.subf %get3A_350, %get3A_353 : vector<16xf32>
      %mul3A_355 = arith.mulf %get3A_347, %sub3A_354 : vector<16xf32>
      %add3A_356 = arith.addf %add3A_344, %mul3A_355 : vector<16xf32>
      %swap3A = arith.constant 0 : index
      %swap3A_357 = tpu.vector_load %arg17[%swap3A] {strides = array<i32>} : memref<256xf32, #tpu.memory_space<vmem>>, vector<16xf32>,
      tpu.vector_store %arg17[%swap3A], %add3A_356 {strides = array<i32>} : memref<256xf32, #tpu.memory_space<vmem>>, vector<16xf32>,
      %mul3A_358 = arith.constant 16 : i32
      %mul3A_359 = arith.muli %scan3A_307, %mul3A_358 : i32
      %add3A_360 = arith.constant 1 : i32
      %add3A_361 = arith.addi %mul3A_359, %add3A_360 : i32
      %get3A_362 = arith.index_cast %add3A_361 : i32 to index
      %get3A_363 = arith.constant 0 : index
      %get3A_364 = tpu.vector_load %arg12[%get3A_362, %get3A_363] {strides = array<i32>} : memref<128x128xf32, #tpu.memory_space<vmem>>, vector<16xf32>,
      %get3A_365 = arith.index_cast %add3A_361 : i32 to index
      %get3A_366 = arith.constant 0 : index
      %get3A_367 = tpu.vector_load %arg13[%get3A_365, %get3A_366] {strides = array<i32>} : memref<128x128xf32, #tpu.memory_space<vmem>>, vector<16xf32>,
      %get3A_368 = arith.index_cast %add3A_361 : i32 to index
      %get3A_369 = arith.constant 0 : index
      %get3A_370 = tpu.vector_load %arg14[%get3A_368, %get3A_369] {strides = array<i32>} : memref<128x128xf32, #tpu.memory_space<vmem>>, vector<16xf32>,
      %sub3A_371 = arith.subf %get3A_367, %get3A_370 : vector<16xf32>
      %mul3A_372 = arith.mulf %get3A_364, %sub3A_371 : vector<16xf32>
      %get3A_373 = arith.index_cast %add3A_361 : i32 to index
      %get3A_374 = arith.constant 16 : index
      %get3A_375 = tpu.vector_load %arg12[%get3A_373, %get3A_374] {strides = array<i32>} : memref<128x128xf32, #tpu.memory_space<vmem>>, vector<16xf32>,
      %get3A_376 = arith.index_cast %add3A_361 : i32 to index
      %get3A_377 = arith.constant 16 : index
      %get3A_378 = tpu.vector_load %arg13[%get3A_376, %get3A_377] {strides = array<i32>} : memref<128x128xf32, #tpu.memory_space<vmem>>, vector<16xf32>,
      %get3A_379 = arith.index_cast %add3A_361 : i32 to index
      %get3A_380 = arith.constant 16 : index
      %get3A_381 = tpu.vector_load %arg14[%get3A_379, %get3A_380] {strides = array<i32>} : memref<128x128xf32, #tpu.memory_space<vmem>>, vector<16xf32>,
      %sub3A_382 = arith.subf %get3A_378, %get3A_381 : vector<16xf32>
      %mul3A_383 = arith.mulf %get3A_375, %sub3A_382 : vector<16xf32>
      %add3A_384 = arith.addf %mul3A_372, %mul3A_383 : vector<16xf32>
      %get3A_385 = arith.index_cast %add3A_361 : i32 to index
      %get3A_386 = arith.constant 32 : index
      %get3A_387 = tpu.vector_load %arg12[%get3A_385, %get3A_386] {strides = array<i32>} : memref<128x128xf32, #tpu.memory_space<vmem>>, vector<16xf32>,
      %get3A_388 = arith.index_cast %add3A_361 : i32 to index
      %get3A_389 = arith.constant 32 : index
      %get3A_390 = tpu.vector_load %arg13[%get3A_388, %get3A_389] {strides = array<i32>} : memref<128x128xf32, #tpu.memory_space<vmem>>, vector<16xf32>,
      %get3A_391 = arith.index_cast %add3A_361 : i32 to index
      %get3A_392 = arith.constant 32 : index
      %get3A_393 = tpu.vector_load %arg14[%get3A_391, %get3A_392] {strides = array<i32>} : memref<128x128xf32, #tpu.memory_space<vmem>>, vector<16xf32>,
      %sub3A_394 = arith.subf %get3A_390, %get3A_393 : vector<16xf32>
      %mul3A_395 = arith.mulf %get3A_387, %sub3A_394 : vector<16xf32>
      %add3A_396 = arith.addf %add3A_384, %mul3A_395 : vector<16xf32>
      %get3A_397 = arith.index_cast %add3A_361 : i32 to index
      %get3A_398 = arith.constant 48 : index
      %get3A_399 = tpu.vector_load %arg12[%get3A_397, %get3A_398] {strides = array<i32>} : memref<128x128xf32, #tpu.memory_space<vmem>>, vector<16xf32>,
      %get3A_400 = arith.index_cast %add3A_361 : i32 to index
      %get3A_401 = arith.constant 48 : index
      %get3A_402 = tpu.vector_load %arg13[%get3A_400, %get3A_401] {strides = array<i32>} : memref<128x128xf32, #tpu.memory_space<vmem>>, vector<16xf32>,
      %get3A_403 = arith.index_cast %add3A_361 : i32 to index
      %get3A_404 = arith.constant 48 : index
      %get3A_405 = tpu.vector_load %arg14[%get3A_403, %get3A_404] {strides = array<i32>} : memref<128x128xf32, #tpu.memory_space<vmem>>, vector<16xf32>,
      %sub3A_406 = arith.subf %get3A_402, %get3A_405 : vector<16xf32>
      %mul3A_407 = arith.mulf %get3A_399, %sub3A_406 : vector<16xf32>
      %add3A_408 = arith.addf %add3A_396, %mul3A_407 : vector<16xf32>
      %swap3A_409 = arith.constant 16 : index
      %swap3A_410 = tpu.vector_load %arg17[%swap3A_409] {strides = array<i32>} : memref<256xf32, #tpu.memory_space<vmem>>, vector<16xf32>,
      tpu.vector_store %arg17[%swap3A_409], %add3A_408 {strides = array<i32>} : memref<256xf32, #tpu.memory_space<vmem>>, vector<16xf32>,
      %mul3A_411 = arith.constant 16 : i32
      %mul3A_412 = arith.muli %scan3A_307, %mul3A_411 : i32
      %add3A_413 = arith.constant 2 : i32
      %add3A_414 = arith.addi %mul3A_412, %add3A_413 : i32
      %get3A_415 = arith.index_cast %add3A_414 : i32 to index
      %get3A_416 = arith.constant 0 : index
      %get3A_417 = tpu.vector_load %arg12[%get3A_415, %get3A_416] {strides = array<i32>} : memref<128x128xf32, #tpu.memory_space<vmem>>, vector<16xf32>,
      %get3A_418 = arith.index_cast %add3A_414 : i32 to index
      %get3A_419 = arith.constant 0 : index
      %get3A_420 = tpu.vector_load %arg13[%get3A_418, %get3A_419] {strides = array<i32>} : memref<128x128xf32, #tpu.memory_space<vmem>>, vector<16xf32>,
      %get3A_421 = arith.index_cast %add3A_414 : i32 to index
      %get3A_422 = arith.constant 0 : index
      %get3A_423 = tpu.vector_load %arg14[%get3A_421, %get3A_422] {strides = array<i32>} : memref<128x128xf32, #tpu.memory_space<vmem>>, vector<16xf32>,
      %sub3A_424 = arith.subf %get3A_420, %get3A_423 : vector<16xf32>
      %mul3A_425 = arith.mulf %get3A_417, %sub3A_424 : vector<16xf32>
      %get3A_426 = arith.index_cast %add3A_414 : i32 to index
      %get3A_427 = arith.constant 16 : index
      %get3A_428 = tpu.vector_load %arg12[%get3A_426, %get3A_427] {strides = array<i32>} : memref<128x128xf32, #tpu.memory_space<vmem>>, vector<16xf32>,
      %get3A_429 = arith.index_cast %add3A_414 : i32 to index
      %get3A_430 = arith.constant 16 : index
      %get3A_431 = tpu.vector_load %arg13[%get3A_429, %get3A_430] {strides = array<i32>} : memref<128x128xf32, #tpu.memory_space<vmem>>, vector<16xf32>,
      %get3A_432 = arith.index_cast %add3A_414 : i32 to index
      %get3A_433 = arith.constant 16 : index
      %get3A_434 = tpu.vector_load %arg14[%get3A_432, %get3A_433] {strides = array<i32>} : memref<128x128xf32, #tpu.memory_space<vmem>>, vector<16xf32>,
      %sub3A_435 = arith.subf %get3A_431, %get3A_434 : vector<16xf32>
      %mul3A_436 = arith.mulf %get3A_428, %sub3A_435 : vector<16xf32>
      %add3A_437 = arith.addf %mul3A_425, %mul3A_436 : vector<16xf32>
      %get3A_438 = arith.index_cast %add3A_414 : i32 to index
      %get3A_439 = arith.constant 32 : index
      %get3A_440 = tpu.vector_load %arg12[%get3A_438, %get3A_439] {strides = array<i32>} : memref<128x128xf32, #tpu.memory_space<vmem>>, vector<16xf32>,
      %get3A_441 = arith.index_cast %add3A_414 : i32 to index
      %get3A_442 = arith.constant 32 : index
      %get3A_443 = tpu.vector_load %arg13[%get3A_441, %get3A_442] {strides = array<i32>} : memref<128x128xf32, #tpu.memory_space<vmem>>, vector<16xf32>,
      %get3A_444 = arith.index_cast %add3A_414 : i32 to index
      %get3A_445 = arith.constant 32 : index
      %get3A_446 = tpu.vector_load %arg14[%get3A_444, %get3A_445] {strides = array<i32>} : memref<128x128xf32, #tpu.memory_space<vmem>>, vector<16xf32>,
      %sub3A_447 = arith.subf %get3A_443, %get3A_446 : vector<16xf32>
      %mul3A_448 = arith.mulf %get3A_440, %sub3A_447 : vector<16xf32>
      %add3A_449 = arith.addf %add3A_437, %mul3A_448 : vector<16xf32>
      %get3A_450 = arith.index_cast %add3A_414 : i32 to index
      %get3A_451 = arith.constant 48 : index
      %get3A_452 = tpu.vector_load %arg12[%get3A_450, %get3A_451] {strides = array<i32>} : memref<128x128xf32, #tpu.memory_space<vmem>>, vector<16xf32>,
      %get3A_453 = arith.index_cast %add3A_414 : i32 to index
      %get3A_454 = arith.constant 48 : index
      %get3A_455 = tpu.vector_load %arg13[%get3A_453, %get3A_454] {strides = array<i32>} : memref<128x128xf32, #tpu.memory_space<vmem>>, vector<16xf32>,
      %get3A_456 = arith.index_cast %add3A_414 : i32 to index
      %get3A_457 = arith.constant 48 : index
      %get3A_458 = tpu.vector_load %arg14[%get3A_456, %get3A_457] {strides = array<i32>} : memref<128x128xf32, #tpu.memory_space<vmem>>, vector<16xf32>,
      %sub3A_459 = arith.subf %get3A_455, %get3A_458 : vector<16xf32>
      %mul3A_460 = arith.mulf %get3A_452, %sub3A_459 : vector<16xf32>
      %add3A_461 = arith.addf %add3A_449, %mul3A_460 : vector<16xf32>
      %swap3A_462 = arith.constant 32 : index
      %swap3A_463 = tpu.vector_load %arg17[%swap3A_462] {strides = array<i32>} : memref<256xf32, #tpu.memory_space<vmem>>, vector<16xf32>,
      tpu.vector_store %arg17[%swap3A_462], %add3A_461 {strides = array<i32>} : memref<256xf32, #tpu.memory_space<vmem>>, vector<16xf32>,
      %mul3A_464 = arith.constant 16 : i32
      %mul3A_465 = arith.muli %scan3A_307, %mul3A_464 : i32
      %add3A_466 = arith.constant 3 : i32
      %add3A_467 = arith.addi %mul3A_465, %add3A_466 : i32
      %get3A_468 = arith.index_cast %add3A_467 : i32 to index
      %get3A_469 = arith.constant 0 : index
      %get3A_470 = tpu.vector_load %arg12[%get3A_468, %get3A_469] {strides = array<i32>} : memref<128x128xf32, #tpu.memory_space<vmem>>, vector<16xf32>,
      %get3A_471 = arith.index_cast %add3A_467 : i32 to index
      %get3A_472 = arith.constant 0 : index
      %get3A_473 = tpu.vector_load %arg13[%get3A_471, %get3A_472] {strides = array<i32>} : memref<128x128xf32, #tpu.memory_space<vmem>>, vector<16xf32>,
      %get3A_474 = arith.index_cast %add3A_467 : i32 to index
      %get3A_475 = arith.constant 0 : index
      %get3A_476 = tpu.vector_load %arg14[%get3A_474, %get3A_475] {strides = array<i32>} : memref<128x128xf32, #tpu.memory_space<vmem>>, vector<16xf32>,
      %sub3A_477 = arith.subf %get3A_473, %get3A_476 : vector<16xf32>
      %mul3A_478 = arith.mulf %get3A_470, %sub3A_477 : vector<16xf32>
      %get3A_479 = arith.index_cast %add3A_467 : i32 to index
      %get3A_480 = arith.constant 16 : index
      %get3A_481 = tpu.vector_load %arg12[%get3A_479, %get3A_480] {strides = array<i32>} : memref<128x128xf32, #tpu.memory_space<vmem>>, vector<16xf32>,
      %get3A_482 = arith.index_cast %add3A_467 : i32 to index
      %get3A_483 = arith.constant 16 : index
      %get3A_484 = tpu.vector_load %arg13[%get3A_482, %get3A_483] {strides = array<i32>} : memref<128x128xf32, #tpu.memory_space<vmem>>, vector<16xf32>,
      %get3A_485 = arith.index_cast %add3A_467 : i32 to index
      %get3A_486 = arith.constant 16 : index
      %get3A_487 = tpu.vector_load %arg14[%get3A_485, %get3A_486] {strides = array<i32>} : memref<128x128xf32, #tpu.memory_space<vmem>>, vector<16xf32>,
      %sub3A_488 = arith.subf %get3A_484, %get3A_487 : vector<16xf32>
      %mul3A_489 = arith.mulf %get3A_481, %sub3A_488 : vector<16xf32>
      %add3A_490 = arith.addf %mul3A_478, %mul3A_489 : vector<16xf32>
      %get3A_491 = arith.index_cast %add3A_467 : i32 to index
      %get3A_492 = arith.constant 32 : index
      %get3A_493 = tpu.vector_load %arg12[%get3A_491, %get3A_492] {strides = array<i32>} : memref<128x128xf32, #tpu.memory_space<vmem>>, vector<16xf32>,
      %get3A_494 = arith.index_cast %add3A_467 : i32 to index
      %get3A_495 = arith.constant 32 : index
      %get3A_496 = tpu.vector_load %arg13[%get3A_494, %get3A_495] {strides = array<i32>} : memref<128x128xf32, #tpu.memory_space<vmem>>, vector<16xf32>,
      %get3A_497 = arith.index_cast %add3A_467 : i32 to index
      %get3A_498 = arith.constant 32 : index
      %get3A_499 = tpu.vector_load %arg14[%get3A_497, %get3A_498] {strides = array<i32>} : memref<128x128xf32, #tpu.memory_space<vmem>>, vector<16xf32>,
      %sub3A_500 = arith.subf %get3A_496, %get3A_499 : vector<16xf32>
      %mul3A_501 = arith.mulf %get3A_493, %sub3A_500 : vector<16xf32>
      %add3A_502 = arith.addf %add3A_490, %mul3A_501 : vector<16xf32>
      %get3A_503 = arith.index_cast %add3A_467 : i32 to index
      %get3A_504 = arith.constant 48 : index
      %get3A_505 = tpu.vector_load %arg12[%get3A_503, %get3A_504] {strides = array<i32>} : memref<128x128xf32, #tpu.memory_space<vmem>>, vector<16xf32>,
      %get3A_506 = arith.index_cast %add3A_467 : i32 to index
      %get3A_507 = arith.constant 48 : index
      %get3A_508 = tpu.vector_load %arg13[%get3A_506, %get3A_507] {strides = array<i32>} : memref<128x128xf32, #tpu.memory_space<vmem>>, vector<16xf32>,
      %get3A_509 = arith.index_cast %add3A_467 : i32 to index
      %get3A_510 = arith.constant 48 : index
      %get3A_511 = tpu.vector_load %arg14[%get3A_509, %get3A_510] {strides = array<i32>} : memref<128x128xf32, #tpu.memory_space<vmem>>, vector<16xf32>,
      %sub3A_512 = arith.subf %get3A_508, %get3A_511 : vector<16xf32>
      %mul3A_513 = arith.mulf %get3A_505, %sub3A_512 : vector<16xf32>
      %add3A_514 = arith.addf %add3A_502, %mul3A_513 : vector<16xf32>
      %swap3A_515 = arith.constant 48 : index
      %swap3A_516 = tpu.vector_load %arg17[%swap3A_515] {strides = array<i32>} : memref<256xf32, #tpu.memory_space<vmem>>, vector<16xf32>,
      tpu.vector_store %arg17[%swap3A_515], %add3A_514 {strides = array<i32>} : memref<256xf32, #tpu.memory_space<vmem>>, vector<16xf32>,
      %mul3A_517 = arith.constant 16 : i32
      %mul3A_518 = arith.muli %scan3A_307, %mul3A_517 : i32
      %add3A_519 = arith.constant 4 : i32
      %add3A_520 = arith.addi %mul3A_518, %add3A_519 : i32
      %get3A_521 = arith.index_cast %add3A_520 : i32 to index
      %get3A_522 = arith.constant 0 : index
      %get3A_523 = tpu.vector_load %arg12[%get3A_521, %get3A_522] {strides = array<i32>} : memref<128x128xf32, #tpu.memory_space<vmem>>, vector<16xf32>,
      %get3A_524 = arith.index_cast %add3A_520 : i32 to index
      %get3A_525 = arith.constant 0 : index
      %get3A_526 = tpu.vector_load %arg13[%get3A_524, %get3A_525] {strides = array<i32>} : memref<128x128xf32, #tpu.memory_space<vmem>>, vector<16xf32>,
      %get3A_527 = arith.index_cast %add3A_520 : i32 to index
      %get3A_528 = arith.constant 0 : index
      %get3A_529 = tpu.vector_load %arg14[%get3A_527, %get3A_528] {strides = array<i32>} : memref<128x128xf32, #tpu.memory_space<vmem>>, vector<16xf32>,
      %sub3A_530 = arith.subf %get3A_526, %get3A_529 : vector<16xf32>
      %mul3A_531 = arith.mulf %get3A_523, %sub3A_530 : vector<16xf32>
      %get3A_532 = arith.index_cast %add3A_520 : i32 to index
      %get3A_533 = arith.constant 16 : index
      %get3A_534 = tpu.vector_load %arg12[%get3A_532, %get3A_533] {strides = array<i32>} : memref<128x128xf32, #tpu.memory_space<vmem>>, vector<16xf32>,
      %get3A_535 = arith.index_cast %add3A_520 : i32 to index
      %get3A_536 = arith.constant 16 : index
      %get3A_537 = tpu.vector_load %arg13[%get3A_535, %get3A_536] {strides = array<i32>} : memref<128x128xf32, #tpu.memory_space<vmem>>, vector<16xf32>,
      %get3A_538 = arith.index_cast %add3A_520 : i32 to index
      %get3A_539 = arith.constant 16 : index
      %get3A_540 = tpu.vector_load %arg14[%get3A_538, %get3A_539] {strides = array<i32>} : memref<128x128xf32, #tpu.memory_space<vmem>>, vector<16xf32>,
      %sub3A_541 = arith.subf %get3A_537, %get3A_540 : vector<16xf32>
      %mul3A_542 = arith.mulf %get3A_534, %sub3A_541 : vector<16xf32>
      %add3A_543 = arith.addf %mul3A_531, %mul3A_542 : vector<16xf32>
      %get3A_544 = arith.index_cast %add3A_520 : i32 to index
      %get3A_545 = arith.constant 32 : index
      %get3A_546 = tpu.vector_load %arg12[%get3A_544, %get3A_545] {strides = array<i32>} : memref<128x128xf32, #tpu.memory_space<vmem>>, vector<16xf32>,
      %get3A_547 = arith.index_cast %add3A_520 : i32 to index
      %get3A_548 = arith.constant 32 : index
      %get3A_549 = tpu.vector_load %arg13[%get3A_547, %get3A_548] {strides = array<i32>} : memref<128x128xf32, #tpu.memory_space<vmem>>, vector<16xf32>,
      %get3A_550 = arith.index_cast %add3A_520 : i32 to index
      %get3A_551 = arith.constant 32 : index
      %get3A_552 = tpu.vector_load %arg14[%get3A_550, %get3A_551] {strides = array<i32>} : memref<128x128xf32, #tpu.memory_space<vmem>>, vector<16xf32>,
      %sub3A_553 = arith.subf %get3A_549, %get3A_552 : vector<16xf32>
      %mul3A_554 = arith.mulf %get3A_546, %sub3A_553 : vector<16xf32>
      %add3A_555 = arith.addf %add3A_543, %mul3A_554 : vector<16xf32>
      %get3A_556 = arith.index_cast %add3A_520 : i32 to index
      %get3A_557 = arith.constant 48 : index
      %get3A_558 = tpu.vector_load %arg12[%get3A_556, %get3A_557] {strides = array<i32>} : memref<128x128xf32, #tpu.memory_space<vmem>>, vector<16xf32>,
      %get3A_559 = arith.index_cast %add3A_520 : i32 to index
      %get3A_560 = arith.constant 48 : index
      %get3A_561 = tpu.vector_load %arg13[%get3A_559, %get3A_560] {strides = array<i32>} : memref<128x128xf32, #tpu.memory_space<vmem>>, vector<16xf32>,
      %get3A_562 = arith.index_cast %add3A_520 : i32 to index
      %get3A_563 = arith.constant 48 : index
      %get3A_564 = tpu.vector_load %arg14[%get3A_562, %get3A_563] {strides = array<i32>} : memref<128x128xf32, #tpu.memory_space<vmem>>, vector<16xf32>,
      %sub3A_565 = arith.subf %get3A_561, %get3A_564 : vector<16xf32>
      %mul3A_566 = arith.mulf %get3A_558, %sub3A_565 : vector<16xf32>
      %add3A_567 = arith.addf %add3A_555, %mul3A_566 : vector<16xf32>
      %swap3A_568 = arith.constant 64 : index
      %swap3A_569 = tpu.vector_load %arg17[%swap3A_568] {strides = array<i32>} : memref<256xf32, #tpu.memory_space<vmem>>, vector<16xf32>,
      tpu.vector_store %arg17[%swap3A_568], %add3A_567 {strides = array<i32>} : memref<256xf32, #tpu.memory_space<vmem>>, vector<16xf32>,
      %mul3A_570 = arith.constant 16 : i32
      %mul3A_571 = arith.muli %scan3A_307, %mul3A_570 : i32
      %add3A_572 = arith.constant 5 : i32
      %add3A_573 = arith.addi %mul3A_571, %add3A_572 : i32
      %get3A_574 = arith.index_cast %add3A_573 : i32 to index
      %get3A_575 = arith.constant 0 : index
      %get3A_576 = tpu.vector_load %arg12[%get3A_574, %get3A_575] {strides = array<i32>} : memref<128x128xf32, #tpu.memory_space<vmem>>, vector<16xf32>,
      %get3A_577 = arith.index_cast %add3A_573 : i32 to index
      %get3A_578 = arith.constant 0 : index
      %get3A_579 = tpu.vector_load %arg13[%get3A_577, %get3A_578] {strides = array<i32>} : memref<128x128xf32, #tpu.memory_space<vmem>>, vector<16xf32>,
      %get3A_580 = arith.index_cast %add3A_573 : i32 to index
      %get3A_581 = arith.constant 0 : index
      %get3A_582 = tpu.vector_load %arg14[%get3A_580, %get3A_581] {strides = array<i32>} : memref<128x128xf32, #tpu.memory_space<vmem>>, vector<16xf32>,
      %sub3A_583 = arith.subf %get3A_579, %get3A_582 : vector<16xf32>
      %mul3A_584 = arith.mulf %get3A_576, %sub3A_583 : vector<16xf32>
      %get3A_585 = arith.index_cast %add3A_573 : i32 to index
      %get3A_586 = arith.constant 16 : index
      %get3A_587 = tpu.vector_load %arg12[%get3A_585, %get3A_586] {strides = array<i32>} : memref<128x128xf32, #tpu.memory_space<vmem>>, vector<16xf32>,
      %get3A_588 = arith.index_cast %add3A_573 : i32 to index
      %get3A_589 = arith.constant 16 : index
      %get3A_590 = tpu.vector_load %arg13[%get3A_588, %get3A_589] {strides = array<i32>} : memref<128x128xf32, #tpu.memory_space<vmem>>, vector<16xf32>,
      %get3A_591 = arith.index_cast %add3A_573 : i32 to index
      %get3A_592 = arith.constant 16 : index
      %get3A_593 = tpu.vector_load %arg14[%get3A_591, %get3A_592] {strides = array<i32>} : memref<128x128xf32, #tpu.memory_space<vmem>>, vector<16xf32>,
      %sub3A_594 = arith.subf %get3A_590, %get3A_593 : vector<16xf32>
      %mul3A_595 = arith.mulf %get3A_587, %sub3A_594 : vector<16xf32>
      %add3A_596 = arith.addf %mul3A_584, %mul3A_595 : vector<16xf32>
      %get3A_597 = arith.index_cast %add3A_573 : i32 to index
      %get3A_598 = arith.constant 32 : index
      %get3A_599 = tpu.vector_load %arg12[%get3A_597, %get3A_598] {strides = array<i32>} : memref<128x128xf32, #tpu.memory_space<vmem>>, vector<16xf32>,
      %get3A_600 = arith.index_cast %add3A_573 : i32 to index
      %get3A_601 = arith.constant 32 : index
      %get3A_602 = tpu.vector_load %arg13[%get3A_600, %get3A_601] {strides = array<i32>} : memref<128x128xf32, #tpu.memory_space<vmem>>, vector<16xf32>,
      %get3A_603 = arith.index_cast %add3A_573 : i32 to index
      %get3A_604 = arith.constant 32 : index
      %get3A_605 = tpu.vector_load %arg14[%get3A_603, %get3A_604] {strides = array<i32>} : memref<128x128xf32, #tpu.memory_space<vmem>>, vector<16xf32>,
      %sub3A_606 = arith.subf %get3A_602, %get3A_605 : vector<16xf32>
      %mul3A_607 = arith.mulf %get3A_599, %sub3A_606 : vector<16xf32>
      %add3A_608 = arith.addf %add3A_596, %mul3A_607 : vector<16xf32>
      %get3A_609 = arith.index_cast %add3A_573 : i32 to index
      %get3A_610 = arith.constant 48 : index
      %get3A_611 = tpu.vector_load %arg12[%get3A_609, %get3A_610] {strides = array<i32>} : memref<128x128xf32, #tpu.memory_space<vmem>>, vector<16xf32>,
      %get3A_612 = arith.index_cast %add3A_573 : i32 to index
      %get3A_613 = arith.constant 48 : index
      %get3A_614 = tpu.vector_load %arg13[%get3A_612, %get3A_613] {strides = array<i32>} : memref<128x128xf32, #tpu.memory_space<vmem>>, vector<16xf32>,
      %get3A_615 = arith.index_cast %add3A_573 : i32 to index
      %get3A_616 = arith.constant 48 : index
      %get3A_617 = tpu.vector_load %arg14[%get3A_615, %get3A_616] {strides = array<i32>} : memref<128x128xf32, #tpu.memory_space<vmem>>, vector<16xf32>,
      %sub3A_618 = arith.subf %get3A_614, %get3A_617 : vector<16xf32>
      %mul3A_619 = arith.mulf %get3A_611, %sub3A_618 : vector<16xf32>
      %add3A_620 = arith.addf %add3A_608, %mul3A_619 : vector<16xf32>
      %swap3A_621 = arith.constant 80 : index
      %swap3A_622 = tpu.vector_load %arg17[%swap3A_621] {strides = array<i32>} : memref<256xf32, #tpu.memory_space<vmem>>, vector<16xf32>,
      tpu.vector_store %arg17[%swap3A_621], %add3A_620 {strides = array<i32>} : memref<256xf32, #tpu.memory_space<vmem>>, vector<16xf32>,
      %mul3A_623 = arith.constant 16 : i32
      %mul3A_624 = arith.muli %scan3A_307, %mul3A_623 : i32
      %add3A_625 = arith.constant 6 : i32
      %add3A_626 = arith.addi %mul3A_624, %add3A_625 : i32
      %get3A_627 = arith.index_cast %add3A_626 : i32 to index
      %get3A_628 = arith.constant 0 : index
      %get3A_629 = tpu.vector_load %arg12[%get3A_627, %get3A_628] {strides = array<i32>} : memref<128x128xf32, #tpu.memory_space<vmem>>, vector<16xf32>,
      %get3A_630 = arith.index_cast %add3A_626 : i32 to index
      %get3A_631 = arith.constant 0 : index
      %get3A_632 = tpu.vector_load %arg13[%get3A_630, %get3A_631] {strides = array<i32>} : memref<128x128xf32, #tpu.memory_space<vmem>>, vector<16xf32>,
      %get3A_633 = arith.index_cast %add3A_626 : i32 to index
      %get3A_634 = arith.constant 0 : index
      %get3A_635 = tpu.vector_load %arg14[%get3A_633, %get3A_634] {strides = array<i32>} : memref<128x128xf32, #tpu.memory_space<vmem>>, vector<16xf32>,
      %sub3A_636 = arith.subf %get3A_632, %get3A_635 : vector<16xf32>
      %mul3A_637 = arith.mulf %get3A_629, %sub3A_636 : vector<16xf32>
      %get3A_638 = arith.index_cast %add3A_626 : i32 to index
      %get3A_639 = arith.constant 16 : index
      %get3A_640 = tpu.vector_load %arg12[%get3A_638, %get3A_639] {strides = array<i32>} : memref<128x128xf32, #tpu.memory_space<vmem>>, vector<16xf32>,
      %get3A_641 = arith.index_cast %add3A_626 : i32 to index
      %get3A_642 = arith.constant 16 : index
      %get3A_643 = tpu.vector_load %arg13[%get3A_641, %get3A_642] {strides = array<i32>} : memref<128x128xf32, #tpu.memory_space<vmem>>, vector<16xf32>,
      %get3A_644 = arith.index_cast %add3A_626 : i32 to index
      %get3A_645 = arith.constant 16 : index
      %get3A_646 = tpu.vector_load %arg14[%get3A_644, %get3A_645] {strides = array<i32>} : memref<128x128xf32, #tpu.memory_space<vmem>>, vector<16xf32>,
      %sub3A_647 = arith.subf %get3A_643, %get3A_646 : vector<16xf32>
      %mul3A_648 = arith.mulf %get3A_640, %sub3A_647 : vector<16xf32>
      %add3A_649 = arith.addf %mul3A_637, %mul3A_648 : vector<16xf32>
      %get3A_650 = arith.index_cast %add3A_626 : i32 to index
      %get3A_651 = arith.constant 32 : index
      %get3A_652 = tpu.vector_load %arg12[%get3A_650, %get3A_651] {strides = array<i32>} : memref<128x128xf32, #tpu.memory_space<vmem>>, vector<16xf32>,
      %get3A_653 = arith.index_cast %add3A_626 : i32 to index
      %get3A_654 = arith.constant 32 : index
      %get3A_655 = tpu.vector_load %arg13[%get3A_653, %get3A_654] {strides = array<i32>} : memref<128x128xf32, #tpu.memory_space<vmem>>, vector<16xf32>,
      %get3A_656 = arith.index_cast %add3A_626 : i32 to index
      %get3A_657 = arith.constant 32 : index
      %get3A_658 = tpu.vector_load %arg14[%get3A_656, %get3A_657] {strides = array<i32>} : memref<128x128xf32, #tpu.memory_space<vmem>>, vector<16xf32>,
      %sub3A_659 = arith.subf %get3A_655, %get3A_658 : vector<16xf32>
      %mul3A_660 = arith.mulf %get3A_652, %sub3A_659 : vector<16xf32>
      %add3A_661 = arith.addf %add3A_649, %mul3A_660 : vector<16xf32>
      %get3A_662 = arith.index_cast %add3A_626 : i32 to index
      %get3A_663 = arith.constant 48 : index
      %get3A_664 = tpu.vector_load %arg12[%get3A_662, %get3A_663] {strides = array<i32>} : memref<128x128xf32, #tpu.memory_space<vmem>>, vector<16xf32>,
      %get3A_665 = arith.index_cast %add3A_626 : i32 to index
      %get3A_666 = arith.constant 48 : index
      %get3A_667 = tpu.vector_load %arg13[%get3A_665, %get3A_666] {strides = array<i32>} : memref<128x128xf32, #tpu.memory_space<vmem>>, vector<16xf32>,
      %get3A_668 = arith.index_cast %add3A_626 : i32 to index
      %get3A_669 = arith.constant 48 : index
      %get3A_670 = tpu.vector_load %arg14[%get3A_668, %get3A_669] {strides = array<i32>} : memref<128x128xf32, #tpu.memory_space<vmem>>, vector<16xf32>,
      %sub3A_671 = arith.subf %get3A_667, %get3A_670 : vector<16xf32>
      %mul3A_672 = arith.mulf %get3A_664, %sub3A_671 : vector<16xf32>
      %add3A_673 = arith.addf %add3A_661, %mul3A_672 : vector<16xf32>
      %swap3A_674 = arith.constant 96 : index
      %swap3A_675 = tpu.vector_load %arg17[%swap3A_674] {strides = array<i32>} : memref<256xf32, #tpu.memory_space<vmem>>, vector<16xf32>,
      tpu.vector_store %arg17[%swap3A_674], %add3A_673 {strides = array<i32>} : memref<256xf32, #tpu.memory_space<vmem>>, vector<16xf32>,
      %mul3A_676 = arith.constant 16 : i32
      %mul3A_677 = arith.muli %scan3A_307, %mul3A_676 : i32
      %add3A_678 = arith.constant 7 : i32
      %add3A_679 = arith.addi %mul3A_677, %add3A_678 : i32
      %get3A_680 = arith.index_cast %add3A_679 : i32 to index
      %get3A_681 = arith.constant 0 : index
      %get3A_682 = tpu.vector_load %arg12[%get3A_680, %get3A_681] {strides = array<i32>} : memref<128x128xf32, #tpu.memory_space<vmem>>, vector<16xf32>,
      %get3A_683 = arith.index_cast %add3A_679 : i32 to index
      %get3A_684 = arith.constant 0 : index
      %get3A_685 = tpu.vector_load %arg13[%get3A_683, %get3A_684] {strides = array<i32>} : memref<128x128xf32, #tpu.memory_space<vmem>>, vector<16xf32>,
      %get3A_686 = arith.index_cast %add3A_679 : i32 to index
      %get3A_687 = arith.constant 0 : index
      %get3A_688 = tpu.vector_load %arg14[%get3A_686, %get3A_687] {strides = array<i32>} : memref<128x128xf32, #tpu.memory_space<vmem>>, vector<16xf32>,
      %sub3A_689 = arith.subf %get3A_685, %get3A_688 : vector<16xf32>
      %mul3A_690 = arith.mulf %get3A_682, %sub3A_689 : vector<16xf32>
      %get3A_691 = arith.index_cast %add3A_679 : i32 to index
      %get3A_692 = arith.constant 16 : index
      %get3A_693 = tpu.vector_load %arg12[%get3A_691, %get3A_692] {strides = array<i32>} : memref<128x128xf32, #tpu.memory_space<vmem>>, vector<16xf32>,
      %get3A_694 = arith.index_cast %add3A_679 : i32 to index
      %get3A_695 = arith.constant 16 : index
      %get3A_696 = tpu.vector_load %arg13[%get3A_694, %get3A_695] {strides = array<i32>} : memref<128x128xf32, #tpu.memory_space<vmem>>, vector<16xf32>,
      %get3A_697 = arith.index_cast %add3A_679 : i32 to index
      %get3A_698 = arith.constant 16 : index
      %get3A_699 = tpu.vector_load %arg14[%get3A_697, %get3A_698] {strides = array<i32>} : memref<128x128xf32, #tpu.memory_space<vmem>>, vector<16xf32>,
      %sub3A_700 = arith.subf %get3A_696, %get3A_699 : vector<16xf32>
      %mul3A_701 = arith.mulf %get3A_693, %sub3A_700 : vector<16xf32>
      %add3A_702 = arith.addf %mul3A_690, %mul3A_701 : vector<16xf32>
      %get3A_703 = arith.index_cast %add3A_679 : i32 to index
      %get3A_704 = arith.constant 32 : index
      %get3A_705 = tpu.vector_load %arg12[%get3A_703, %get3A_704] {strides = array<i32>} : memref<128x128xf32, #tpu.memory_space<vmem>>, vector<16xf32>,
      %get3A_706 = arith.index_cast %add3A_679 : i32 to index
      %get3A_707 = arith.constant 32 : index
      %get3A_708 = tpu.vector_load %arg13[%get3A_706, %get3A_707] {strides = array<i32>} : memref<128x128xf32, #tpu.memory_space<vmem>>, vector<16xf32>,
      %get3A_709 = arith.index_cast %add3A_679 : i32 to index
      %get3A_710 = arith.constant 32 : index
      %get3A_711 = tpu.vector_load %arg14[%get3A_709, %get3A_710] {strides = array<i32>} : memref<128x128xf32, #tpu.memory_space<vmem>>, vector<16xf32>,
      %sub3A_712 = arith.subf %get3A_708, %get3A_711 : vector<16xf32>
      %mul3A_713 = arith.mulf %get3A_705, %sub3A_712 : vector<16xf32>
      %add3A_714 = arith.addf %add3A_702, %mul3A_713 : vector<16xf32>
      %get3A_715 = arith.index_cast %add3A_679 : i32 to index
      %get3A_716 = arith.constant 48 : index
      %get3A_717 = tpu.vector_load %arg12[%get3A_715, %get3A_716] {strides = array<i32>} : memref<128x128xf32, #tpu.memory_space<vmem>>, vector<16xf32>,
      %get3A_718 = arith.index_cast %add3A_679 : i32 to index
      %get3A_719 = arith.constant 48 : index
      %get3A_720 = tpu.vector_load %arg13[%get3A_718, %get3A_719] {strides = array<i32>} : memref<128x128xf32, #tpu.memory_space<vmem>>, vector<16xf32>,
      %get3A_721 = arith.index_cast %add3A_679 : i32 to index
      %get3A_722 = arith.constant 48 : index
      %get3A_723 = tpu.vector_load %arg14[%get3A_721, %get3A_722] {strides = array<i32>} : memref<128x128xf32, #tpu.memory_space<vmem>>, vector<16xf32>,
      %sub3A_724 = arith.subf %get3A_720, %get3A_723 : vector<16xf32>
      %mul3A_725 = arith.mulf %get3A_717, %sub3A_724 : vector<16xf32>
      %add3A_726 = arith.addf %add3A_714, %mul3A_725 : vector<16xf32>
      %swap3A_727 = arith.constant 112 : index
      %swap3A_728 = tpu.vector_load %arg17[%swap3A_727] {strides = array<i32>} : memref<256xf32, #tpu.memory_space<vmem>>, vector<16xf32>,
      tpu.vector_store %arg17[%swap3A_727], %add3A_726 {strides = array<i32>} : memref<256xf32, #tpu.memory_space<vmem>>, vector<16xf32>,
      %mul3A_729 = arith.constant 16 : i32
      %mul3A_730 = arith.muli %scan3A_307, %mul3A_729 : i32
      %add3A_731 = arith.constant 8 : i32
      %add3A_732 = arith.addi %mul3A_730, %add3A_731 : i32
      %get3A_733 = arith.index_cast %add3A_732 : i32 to index
      %get3A_734 = arith.constant 0 : index
      %get3A_735 = tpu.vector_load %arg12[%get3A_733, %get3A_734] {strides = array<i32>} : memref<128x128xf32, #tpu.memory_space<vmem>>, vector<16xf32>,
      %get3A_736 = arith.index_cast %add3A_732 : i32 to index
      %get3A_737 = arith.constant 0 : index
      %get3A_738 = tpu.vector_load %arg13[%get3A_736, %get3A_737] {strides = array<i32>} : memref<128x128xf32, #tpu.memory_space<vmem>>, vector<16xf32>,
      %get3A_739 = arith.index_cast %add3A_732 : i32 to index
      %get3A_740 = arith.constant 0 : index
      %get3A_741 = tpu.vector_load %arg14[%get3A_739, %get3A_740] {strides = array<i32>} : memref<128x128xf32, #tpu.memory_space<vmem>>, vector<16xf32>,
      %sub3A_742 = arith.subf %get3A_738, %get3A_741 : vector<16xf32>
      %mul3A_743 = arith.mulf %get3A_735, %sub3A_742 : vector<16xf32>
      %get3A_744 = arith.index_cast %add3A_732 : i32 to index
      %get3A_745 = arith.constant 16 : index
      %get3A_746 = tpu.vector_load %arg12[%get3A_744, %get3A_745] {strides = array<i32>} : memref<128x128xf32, #tpu.memory_space<vmem>>, vector<16xf32>,
      %get3A_747 = arith.index_cast %add3A_732 : i32 to index
      %get3A_748 = arith.constant 16 : index
      %get3A_749 = tpu.vector_load %arg13[%get3A_747, %get3A_748] {strides = array<i32>} : memref<128x128xf32, #tpu.memory_space<vmem>>, vector<16xf32>,
      %get3A_750 = arith.index_cast %add3A_732 : i32 to index
      %get3A_751 = arith.constant 16 : index
      %get3A_752 = tpu.vector_load %arg14[%get3A_750, %get3A_751] {strides = array<i32>} : memref<128x128xf32, #tpu.memory_space<vmem>>, vector<16xf32>,
      %sub3A_753 = arith.subf %get3A_749, %get3A_752 : vector<16xf32>
      %mul3A_754 = arith.mulf %get3A_746, %sub3A_753 : vector<16xf32>
      %add3A_755 = arith.addf %mul3A_743, %mul3A_754 : vector<16xf32>
      %get3A_756 = arith.index_cast %add3A_732 : i32 to index
      %get3A_757 = arith.constant 32 : index
      %get3A_758 = tpu.vector_load %arg12[%get3A_756, %get3A_757] {strides = array<i32>} : memref<128x128xf32, #tpu.memory_space<vmem>>, vector<16xf32>,
      %get3A_759 = arith.index_cast %add3A_732 : i32 to index
      %get3A_760 = arith.constant 32 : index
      %get3A_761 = tpu.vector_load %arg13[%get3A_759, %get3A_760] {strides = array<i32>} : memref<128x128xf32, #tpu.memory_space<vmem>>, vector<16xf32>,
      %get3A_762 = arith.index_cast %add3A_732 : i32 to index
      %get3A_763 = arith.constant 32 : index
      %get3A_764 = tpu.vector_load %arg14[%get3A_762, %get3A_763] {strides = array<i32>} : memref<128x128xf32, #tpu.memory_space<vmem>>, vector<16xf32>,
      %sub3A_765 = arith.subf %get3A_761, %get3A_764 : vector<16xf32>
      %mul3A_766 = arith.mulf %get3A_758, %sub3A_765 : vector<16xf32>
      %add3A_767 = arith.addf %add3A_755, %mul3A_766 : vector<16xf32>
      %get3A_768 = arith.index_cast %add3A_732 : i32 to index
      %get3A_769 = arith.constant 48 : index
      %get3A_770 = tpu.vector_load %arg12[%get3A_768, %get3A_769] {strides = array<i32>} : memref<128x128xf32, #tpu.memory_space<vmem>>, vector<16xf32>,
      %get3A_771 = arith.index_cast %add3A_732 : i32 to index
      %get3A_772 = arith.constant 48 : index
      %get3A_773 = tpu.vector_load %arg13[%get3A_771, %get3A_772] {strides = array<i32>} : memref<128x128xf32, #tpu.memory_space<vmem>>, vector<16xf32>,
      %get3A_774 = arith.index_cast %add3A_732 : i32 to index
      %get3A_775 = arith.constant 48 : index
      %get3A_776 = tpu.vector_load %arg14[%get3A_774, %get3A_775] {strides = array<i32>} : memref<128x128xf32, #tpu.memory_space<vmem>>, vector<16xf32>,
      %sub3A_777 = arith.subf %get3A_773, %get3A_776 : vector<16xf32>
      %mul3A_778 = arith.mulf %get3A_770, %sub3A_777 : vector<16xf32>
      %add3A_779 = arith.addf %add3A_767, %mul3A_778 : vector<16xf32>
      %swap3A_780 = arith.constant 128 : index
      %swap3A_781 = tpu.vector_load %arg17[%swap3A_780] {strides = array<i32>} : memref<256xf32, #tpu.memory_space<vmem>>, vector<16xf32>,
      tpu.vector_store %arg17[%swap3A_780], %add3A_779 {strides = array<i32>} : memref<256xf32, #tpu.memory_space<vmem>>, vector<16xf32>,
      %mul3A_782 = arith.constant 16 : i32
      %mul3A_783 = arith.muli %scan3A_307, %mul3A_782 : i32
      %add3A_784 = arith.constant 9 : i32
      %add3A_785 = arith.addi %mul3A_783, %add3A_784 : i32
      %get3A_786 = arith.index_cast %add3A_785 : i32 to index
      %get3A_787 = arith.constant 0 : index
      %get3A_788 = tpu.vector_load %arg12[%get3A_786, %get3A_787] {strides = array<i32>} : memref<128x128xf32, #tpu.memory_space<vmem>>, vector<16xf32>,
      %get3A_789 = arith.index_cast %add3A_785 : i32 to index
      %get3A_790 = arith.constant 0 : index
      %get3A_791 = tpu.vector_load %arg13[%get3A_789, %get3A_790] {strides = array<i32>} : memref<128x128xf32, #tpu.memory_space<vmem>>, vector<16xf32>,
      %get3A_792 = arith.index_cast %add3A_785 : i32 to index
      %get3A_793 = arith.constant 0 : index
      %get3A_794 = tpu.vector_load %arg14[%get3A_792, %get3A_793] {strides = array<i32>} : memref<128x128xf32, #tpu.memory_space<vmem>>, vector<16xf32>,
      %sub3A_795 = arith.subf %get3A_791, %get3A_794 : vector<16xf32>
      %mul3A_796 = arith.mulf %get3A_788, %sub3A_795 : vector<16xf32>
      %get3A_797 = arith.index_cast %add3A_785 : i32 to index
      %get3A_798 = arith.constant 16 : index
      %get3A_799 = tpu.vector_load %arg12[%get3A_797, %get3A_798] {strides = array<i32>} : memref<128x128xf32, #tpu.memory_space<vmem>>, vector<16xf32>,
      %get3A_800 = arith.index_cast %add3A_785 : i32 to index
      %get3A_801 = arith.constant 16 : index
      %get3A_802 = tpu.vector_load %arg13[%get3A_800, %get3A_801] {strides = array<i32>} : memref<128x128xf32, #tpu.memory_space<vmem>>, vector<16xf32>,
      %get3A_803 = arith.index_cast %add3A_785 : i32 to index
      %get3A_804 = arith.constant 16 : index
      %get3A_805 = tpu.vector_load %arg14[%get3A_803, %get3A_804] {strides = array<i32>} : memref<128x128xf32, #tpu.memory_space<vmem>>, vector<16xf32>,
      %sub3A_806 = arith.subf %get3A_802, %get3A_805 : vector<16xf32>
      %mul3A_807 = arith.mulf %get3A_799, %sub3A_806 : vector<16xf32>
      %add3A_808 = arith.addf %mul3A_796, %mul3A_807 : vector<16xf32>
      %get3A_809 = arith.index_cast %add3A_785 : i32 to index
      %get3A_810 = arith.constant 32 : index
      %get3A_811 = tpu.vector_load %arg12[%get3A_809, %get3A_810] {strides = array<i32>} : memref<128x128xf32, #tpu.memory_space<vmem>>, vector<16xf32>,
      %get3A_812 = arith.index_cast %add3A_785 : i32 to index
      %get3A_813 = arith.constant 32 : index
      %get3A_814 = tpu.vector_load %arg13[%get3A_812, %get3A_813] {strides = array<i32>} : memref<128x128xf32, #tpu.memory_space<vmem>>, vector<16xf32>,
      %get3A_815 = arith.index_cast %add3A_785 : i32 to index
      %get3A_816 = arith.constant 32 : index
      %get3A_817 = tpu.vector_load %arg14[%get3A_815, %get3A_816] {strides = array<i32>} : memref<128x128xf32, #tpu.memory_space<vmem>>, vector<16xf32>,
      %sub3A_818 = arith.subf %get3A_814, %get3A_817 : vector<16xf32>
      %mul3A_819 = arith.mulf %get3A_811, %sub3A_818 : vector<16xf32>
      %add3A_820 = arith.addf %add3A_808, %mul3A_819 : vector<16xf32>
      %get3A_821 = arith.index_cast %add3A_785 : i32 to index
      %get3A_822 = arith.constant 48 : index
      %get3A_823 = tpu.vector_load %arg12[%get3A_821, %get3A_822] {strides = array<i32>} : memref<128x128xf32, #tpu.memory_space<vmem>>, vector<16xf32>,
      %get3A_824 = arith.index_cast %add3A_785 : i32 to index
      %get3A_825 = arith.constant 48 : index
      %get3A_826 = tpu.vector_load %arg13[%get3A_824, %get3A_825] {strides = array<i32>} : memref<128x128xf32, #tpu.memory_space<vmem>>, vector<16xf32>,
      %get3A_827 = arith.index_cast %add3A_785 : i32 to index
      %get3A_828 = arith.constant 48 : index
      %get3A_829 = tpu.vector_load %arg14[%get3A_827, %get3A_828] {strides = array<i32>} : memref<128x128xf32, #tpu.memory_space<vmem>>, vector<16xf32>,
      %sub3A_830 = arith.subf %get3A_826, %get3A_829 : vector<16xf32>
      %mul3A_831 = arith.mulf %get3A_823, %sub3A_830 : vector<16xf32>
      %add3A_832 = arith.addf %add3A_820, %mul3A_831 : vector<16xf32>
      %swap3A_833 = arith.constant 144 : index
      %swap3A_834 = tpu.vector_load %arg17[%swap3A_833] {strides = array<i32>} : memref<256xf32, #tpu.memory_space<vmem>>, vector<16xf32>,
      tpu.vector_store %arg17[%swap3A_833], %add3A_832 {strides = array<i32>} : memref<256xf32, #tpu.memory_space<vmem>>, vector<16xf32>,
      %mul3A_835 = arith.constant 16 : i32
      %mul3A_836 = arith.muli %scan3A_307, %mul3A_835 : i32
      %add3A_837 = arith.constant 10 : i32
      %add3A_838 = arith.addi %mul3A_836, %add3A_837 : i32
      %get3A_839 = arith.index_cast %add3A_838 : i32 to index
      %get3A_840 = arith.constant 0 : index
      %get3A_841 = tpu.vector_load %arg12[%get3A_839, %get3A_840] {strides = array<i32>} : memref<128x128xf32, #tpu.memory_space<vmem>>, vector<16xf32>,
      %get3A_842 = arith.index_cast %add3A_838 : i32 to index
      %get3A_843 = arith.constant 0 : index
      %get3A_844 = tpu.vector_load %arg13[%get3A_842, %get3A_843] {strides = array<i32>} : memref<128x128xf32, #tpu.memory_space<vmem>>, vector<16xf32>,
      %get3A_845 = arith.index_cast %add3A_838 : i32 to index
      %get3A_846 = arith.constant 0 : index
      %get3A_847 = tpu.vector_load %arg14[%get3A_845, %get3A_846] {strides = array<i32>} : memref<128x128xf32, #tpu.memory_space<vmem>>, vector<16xf32>,
      %sub3A_848 = arith.subf %get3A_844, %get3A_847 : vector<16xf32>
      %mul3A_849 = arith.mulf %get3A_841, %sub3A_848 : vector<16xf32>
      %get3A_850 = arith.index_cast %add3A_838 : i32 to index
      %get3A_851 = arith.constant 16 : index
      %get3A_852 = tpu.vector_load %arg12[%get3A_850, %get3A_851] {strides = array<i32>} : memref<128x128xf32, #tpu.memory_space<vmem>>, vector<16xf32>,
      %get3A_853 = arith.index_cast %add3A_838 : i32 to index
      %get3A_854 = arith.constant 16 : index
      %get3A_855 = tpu.vector_load %arg13[%get3A_853, %get3A_854] {strides = array<i32>} : memref<128x128xf32, #tpu.memory_space<vmem>>, vector<16xf32>,
      %get3A_856 = arith.index_cast %add3A_838 : i32 to index
      %get3A_857 = arith.constant 16 : index
      %get3A_858 = tpu.vector_load %arg14[%get3A_856, %get3A_857] {strides = array<i32>} : memref<128x128xf32, #tpu.memory_space<vmem>>, vector<16xf32>,
      %sub3A_859 = arith.subf %get3A_855, %get3A_858 : vector<16xf32>
      %mul3A_860 = arith.mulf %get3A_852, %sub3A_859 : vector<16xf32>
      %add3A_861 = arith.addf %mul3A_849, %mul3A_860 : vector<16xf32>
      %get3A_862 = arith.index_cast %add3A_838 : i32 to index
      %get3A_863 = arith.constant 32 : index
      %get3A_864 = tpu.vector_load %arg12[%get3A_862, %get3A_863] {strides = array<i32>} : memref<128x128xf32, #tpu.memory_space<vmem>>, vector<16xf32>,
      %get3A_865 = arith.index_cast %add3A_838 : i32 to index
      %get3A_866 = arith.constant 32 : index
      %get3A_867 = tpu.vector_load %arg13[%get3A_865, %get3A_866] {strides = array<i32>} : memref<128x128xf32, #tpu.memory_space<vmem>>, vector<16xf32>,
      %get3A_868 = arith.index_cast %add3A_838 : i32 to index
      %get3A_869 = arith.constant 32 : index
      %get3A_870 = tpu.vector_load %arg14[%get3A_868, %get3A_869] {strides = array<i32>} : memref<128x128xf32, #tpu.memory_space<vmem>>, vector<16xf32>,
      %sub3A_871 = arith.subf %get3A_867, %get3A_870 : vector<16xf32>
      %mul3A_872 = arith.mulf %get3A_864, %sub3A_871 : vector<16xf32>
      %add3A_873 = arith.addf %add3A_861, %mul3A_872 : vector<16xf32>
      %get3A_874 = arith.index_cast %add3A_838 : i32 to index
      %get3A_875 = arith.constant 48 : index
      %get3A_876 = tpu.vector_load %arg12[%get3A_874, %get3A_875] {strides = array<i32>} : memref<128x128xf32, #tpu.memory_space<vmem>>, vector<16xf32>,
      %get3A_877 = arith.index_cast %add3A_838 : i32 to index
      %get3A_878 = arith.constant 48 : index
      %get3A_879 = tpu.vector_load %arg13[%get3A_877, %get3A_878] {strides = array<i32>} : memref<128x128xf32, #tpu.memory_space<vmem>>, vector<16xf32>,
      %get3A_880 = arith.index_cast %add3A_838 : i32 to index
      %get3A_881 = arith.constant 48 : index
      %get3A_882 = tpu.vector_load %arg14[%get3A_880, %get3A_881] {strides = array<i32>} : memref<128x128xf32, #tpu.memory_space<vmem>>, vector<16xf32>,
      %sub3A_883 = arith.subf %get3A_879, %get3A_882 : vector<16xf32>
      %mul3A_884 = arith.mulf %get3A_876, %sub3A_883 : vector<16xf32>
      %add3A_885 = arith.addf %add3A_873, %mul3A_884 : vector<16xf32>
      %swap3A_886 = arith.constant 160 : index
      %swap3A_887 = tpu.vector_load %arg17[%swap3A_886] {strides = array<i32>} : memref<256xf32, #tpu.memory_space<vmem>>, vector<16xf32>,
      tpu.vector_store %arg17[%swap3A_886], %add3A_885 {strides = array<i32>} : memref<256xf32, #tpu.memory_space<vmem>>, vector<16xf32>,
      %mul3A_888 = arith.constant 16 : i32
      %mul3A_889 = arith.muli %scan3A_307, %mul3A_888 : i32
      %add3A_890 = arith.constant 11 : i32
      %add3A_891 = arith.addi %mul3A_889, %add3A_890 : i32
      %get3A_892 = arith.index_cast %add3A_891 : i32 to index
      %get3A_893 = arith.constant 0 : index
      %get3A_894 = tpu.vector_load %arg12[%get3A_892, %get3A_893] {strides = array<i32>} : memref<128x128xf32, #tpu.memory_space<vmem>>, vector<16xf32>,
      %get3A_895 = arith.index_cast %add3A_891 : i32 to index
      %get3A_896 = arith.constant 0 : index
      %get3A_897 = tpu.vector_load %arg13[%get3A_895, %get3A_896] {strides = array<i32>} : memref<128x128xf32, #tpu.memory_space<vmem>>, vector<16xf32>,
      %get3A_898 = arith.index_cast %add3A_891 : i32 to index
      %get3A_899 = arith.constant 0 : index
      %get3A_900 = tpu.vector_load %arg14[%get3A_898, %get3A_899] {strides = array<i32>} : memref<128x128xf32, #tpu.memory_space<vmem>>, vector<16xf32>,
      %sub3A_901 = arith.subf %get3A_897, %get3A_900 : vector<16xf32>
      %mul3A_902 = arith.mulf %get3A_894, %sub3A_901 : vector<16xf32>
      %get3A_903 = arith.index_cast %add3A_891 : i32 to index
      %get3A_904 = arith.constant 16 : index
      %get3A_905 = tpu.vector_load %arg12[%get3A_903, %get3A_904] {strides = array<i32>} : memref<128x128xf32, #tpu.memory_space<vmem>>, vector<16xf32>,
      %get3A_906 = arith.index_cast %add3A_891 : i32 to index
      %get3A_907 = arith.constant 16 : index
      %get3A_908 = tpu.vector_load %arg13[%get3A_906, %get3A_907] {strides = array<i32>} : memref<128x128xf32, #tpu.memory_space<vmem>>, vector<16xf32>,
      %get3A_909 = arith.index_cast %add3A_891 : i32 to index
      %get3A_910 = arith.constant 16 : index
      %get3A_911 = tpu.vector_load %arg14[%get3A_909, %get3A_910] {strides = array<i32>} : memref<128x128xf32, #tpu.memory_space<vmem>>, vector<16xf32>,
      %sub3A_912 = arith.subf %get3A_908, %get3A_911 : vector<16xf32>
      %mul3A_913 = arith.mulf %get3A_905, %sub3A_912 : vector<16xf32>
      %add3A_914 = arith.addf %mul3A_902, %mul3A_913 : vector<16xf32>
      %get3A_915 = arith.index_cast %add3A_891 : i32 to index
      %get3A_916 = arith.constant 32 : index
      %get3A_917 = tpu.vector_load %arg12[%get3A_915, %get3A_916] {strides = array<i32>} : memref<128x128xf32, #tpu.memory_space<vmem>>, vector<16xf32>,
      %get3A_918 = arith.index_cast %add3A_891 : i32 to index
      %get3A_919 = arith.constant 32 : index
      %get3A_920 = tpu.vector_load %arg13[%get3A_918, %get3A_919] {strides = array<i32>} : memref<128x128xf32, #tpu.memory_space<vmem>>, vector<16xf32>,
      %get3A_921 = arith.index_cast %add3A_891 : i32 to index
      %get3A_922 = arith.constant 32 : index
      %get3A_923 = tpu.vector_load %arg14[%get3A_921, %get3A_922] {strides = array<i32>} : memref<128x128xf32, #tpu.memory_space<vmem>>, vector<16xf32>,
      %sub3A_924 = arith.subf %get3A_920, %get3A_923 : vector<16xf32>
      %mul3A_925 = arith.mulf %get3A_917, %sub3A_924 : vector<16xf32>
      %add3A_926 = arith.addf %add3A_914, %mul3A_925 : vector<16xf32>
      %get3A_927 = arith.index_cast %add3A_891 : i32 to index
      %get3A_928 = arith.constant 48 : index
      %get3A_929 = tpu.vector_load %arg12[%get3A_927, %get3A_928] {strides = array<i32>} : memref<128x128xf32, #tpu.memory_space<vmem>>, vector<16xf32>,
      %get3A_930 = arith.index_cast %add3A_891 : i32 to index
      %get3A_931 = arith.constant 48 : index
      %get3A_932 = tpu.vector_load %arg13[%get3A_930, %get3A_931] {strides = array<i32>} : memref<128x128xf32, #tpu.memory_space<vmem>>, vector<16xf32>,
      %get3A_933 = arith.index_cast %add3A_891 : i32 to index
      %get3A_934 = arith.constant 48 : index
      %get3A_935 = tpu.vector_load %arg14[%get3A_933, %get3A_934] {strides = array<i32>} : memref<128x128xf32, #tpu.memory_space<vmem>>, vector<16xf32>,
      %sub3A_936 = arith.subf %get3A_932, %get3A_935 : vector<16xf32>
      %mul3A_937 = arith.mulf %get3A_929, %sub3A_936 : vector<16xf32>
      %add3A_938 = arith.addf %add3A_926, %mul3A_937 : vector<16xf32>
      %swap3A_939 = arith.constant 176 : index
      %swap3A_940 = tpu.vector_load %arg17[%swap3A_939] {strides = array<i32>} : memref<256xf32, #tpu.memory_space<vmem>>, vector<16xf32>,
      tpu.vector_store %arg17[%swap3A_939], %add3A_938 {strides = array<i32>} : memref<256xf32, #tpu.memory_space<vmem>>, vector<16xf32>,
      %mul3A_941 = arith.constant 16 : i32
      %mul3A_942 = arith.muli %scan3A_307, %mul3A_941 : i32
      %add3A_943 = arith.constant 12 : i32
      %add3A_944 = arith.addi %mul3A_942, %add3A_943 : i32
      %get3A_945 = arith.index_cast %add3A_944 : i32 to index
      %get3A_946 = arith.constant 0 : index
      %get3A_947 = tpu.vector_load %arg12[%get3A_945, %get3A_946] {strides = array<i32>} : memref<128x128xf32, #tpu.memory_space<vmem>>, vector<16xf32>,
      %get3A_948 = arith.index_cast %add3A_944 : i32 to index
      %get3A_949 = arith.constant 0 : index
      %get3A_950 = tpu.vector_load %arg13[%get3A_948, %get3A_949] {strides = array<i32>} : memref<128x128xf32, #tpu.memory_space<vmem>>, vector<16xf32>,
      %get3A_951 = arith.index_cast %add3A_944 : i32 to index
      %get3A_952 = arith.constant 0 : index
      %get3A_953 = tpu.vector_load %arg14[%get3A_951, %get3A_952] {strides = array<i32>} : memref<128x128xf32, #tpu.memory_space<vmem>>, vector<16xf32>,
      %sub3A_954 = arith.subf %get3A_950, %get3A_953 : vector<16xf32>
      %mul3A_955 = arith.mulf %get3A_947, %sub3A_954 : vector<16xf32>
      %get3A_956 = arith.index_cast %add3A_944 : i32 to index
      %get3A_957 = arith.constant 16 : index
      %get3A_958 = tpu.vector_load %arg12[%get3A_956, %get3A_957] {strides = array<i32>} : memref<128x128xf32, #tpu.memory_space<vmem>>, vector<16xf32>,
      %get3A_959 = arith.index_cast %add3A_944 : i32 to index
      %get3A_960 = arith.constant 16 : index
      %get3A_961 = tpu.vector_load %arg13[%get3A_959, %get3A_960] {strides = array<i32>} : memref<128x128xf32, #tpu.memory_space<vmem>>, vector<16xf32>,
      %get3A_962 = arith.index_cast %add3A_944 : i32 to index
      %get3A_963 = arith.constant 16 : index
      %get3A_964 = tpu.vector_load %arg14[%get3A_962, %get3A_963] {strides = array<i32>} : memref<128x128xf32, #tpu.memory_space<vmem>>, vector<16xf32>,
      %sub3A_965 = arith.subf %get3A_961, %get3A_964 : vector<16xf32>
      %mul3A_966 = arith.mulf %get3A_958, %sub3A_965 : vector<16xf32>
      %add3A_967 = arith.addf %mul3A_955, %mul3A_966 : vector<16xf32>
      %get3A_968 = arith.index_cast %add3A_944 : i32 to index
      %get3A_969 = arith.constant 32 : index
      %get3A_970 = tpu.vector_load %arg12[%get3A_968, %get3A_969] {strides = array<i32>} : memref<128x128xf32, #tpu.memory_space<vmem>>, vector<16xf32>,
      %get3A_971 = arith.index_cast %add3A_944 : i32 to index
      %get3A_972 = arith.constant 32 : index
      %get3A_973 = tpu.vector_load %arg13[%get3A_971, %get3A_972] {strides = array<i32>} : memref<128x128xf32, #tpu.memory_space<vmem>>, vector<16xf32>,
      %get3A_974 = arith.index_cast %add3A_944 : i32 to index
      %get3A_975 = arith.constant 32 : index
      %get3A_976 = tpu.vector_load %arg14[%get3A_974, %get3A_975] {strides = array<i32>} : memref<128x128xf32, #tpu.memory_space<vmem>>, vector<16xf32>,
      %sub3A_977 = arith.subf %get3A_973, %get3A_976 : vector<16xf32>
      %mul3A_978 = arith.mulf %get3A_970, %sub3A_977 : vector<16xf32>
      %add3A_979 = arith.addf %add3A_967, %mul3A_978 : vector<16xf32>
      %get3A_980 = arith.index_cast %add3A_944 : i32 to index
      %get3A_981 = arith.constant 48 : index
      %get3A_982 = tpu.vector_load %arg12[%get3A_980, %get3A_981] {strides = array<i32>} : memref<128x128xf32, #tpu.memory_space<vmem>>, vector<16xf32>,
      %get3A_983 = arith.index_cast %add3A_944 : i32 to index
      %get3A_984 = arith.constant 48 : index
      %get3A_985 = tpu.vector_load %arg13[%get3A_983, %get3A_984] {strides = array<i32>} : memref<128x128xf32, #tpu.memory_space<vmem>>, vector<16xf32>,
      %get3A_986 = arith.index_cast %add3A_944 : i32 to index
      %get3A_987 = arith.constant 48 : index
      %get3A_988 = tpu.vector_load %arg14[%get3A_986, %get3A_987] {strides = array<i32>} : memref<128x128xf32, #tpu.memory_space<vmem>>, vector<16xf32>,
      %sub3A_989 = arith.subf %get3A_985, %get3A_988 : vector<16xf32>
      %mul3A_990 = arith.mulf %get3A_982, %sub3A_989 : vector<16xf32>
      %add3A_991 = arith.addf %add3A_979, %mul3A_990 : vector<16xf32>
      %swap3A_992 = arith.constant 192 : index
      %swap3A_993 = tpu.vector_load %arg17[%swap3A_992] {strides = array<i32>} : memref<256xf32, #tpu.memory_space<vmem>>, vector<16xf32>,
      tpu.vector_store %arg17[%swap3A_992], %add3A_991 {strides = array<i32>} : memref<256xf32, #tpu.memory_space<vmem>>, vector<16xf32>,
      %mul3A_994 = arith.constant 16 : i32
      %mul3A_995 = arith.muli %scan3A_307, %mul3A_994 : i32
      %add3A_996 = arith.constant 13 : i32
      %add3A_997 = arith.addi %mul3A_995, %add3A_996 : i32
      %get3A_998 = arith.index_cast %add3A_997 : i32 to index
      %get3A_999 = arith.constant 0 : index
      %get3A_1000 = tpu.vector_load %arg12[%get3A_998, %get3A_999] {strides = array<i32>} : memref<128x128xf32, #tpu.memory_space<vmem>>, vector<16xf32>,
      %get3A_1001 = arith.index_cast %add3A_997 : i32 to index
      %get3A_1002 = arith.constant 0 : index
      %get3A_1003 = tpu.vector_load %arg13[%get3A_1001, %get3A_1002] {strides = array<i32>} : memref<128x128xf32, #tpu.memory_space<vmem>>, vector<16xf32>,
      %get3A_1004 = arith.index_cast %add3A_997 : i32 to index
      %get3A_1005 = arith.constant 0 : index
      %get3A_1006 = tpu.vector_load %arg14[%get3A_1004, %get3A_1005] {strides = array<i32>} : memref<128x128xf32, #tpu.memory_space<vmem>>, vector<16xf32>,
      %sub3A_1007 = arith.subf %get3A_1003, %get3A_1006 : vector<16xf32>
      %mul3A_1008 = arith.mulf %get3A_1000, %sub3A_1007 : vector<16xf32>
      %get3A_1009 = arith.index_cast %add3A_997 : i32 to index
      %get3A_1010 = arith.constant 16 : index
      %get3A_1011 = tpu.vector_load %arg12[%get3A_1009, %get3A_1010] {strides = array<i32>} : memref<128x128xf32, #tpu.memory_space<vmem>>, vector<16xf32>,
      %get3A_1012 = arith.index_cast %add3A_997 : i32 to index
      %get3A_1013 = arith.constant 16 : index
      %get3A_1014 = tpu.vector_load %arg13[%get3A_1012, %get3A_1013] {strides = array<i32>} : memref<128x128xf32, #tpu.memory_space<vmem>>, vector<16xf32>,
      %get3A_1015 = arith.index_cast %add3A_997 : i32 to index
      %get3A_1016 = arith.constant 16 : index
      %get3A_1017 = tpu.vector_load %arg14[%get3A_1015, %get3A_1016] {strides = array<i32>} : memref<128x128xf32, #tpu.memory_space<vmem>>, vector<16xf32>,
      %sub3A_1018 = arith.subf %get3A_1014, %get3A_1017 : vector<16xf32>
      %mul3A_1019 = arith.mulf %get3A_1011, %sub3A_1018 : vector<16xf32>
      %add3A_1020 = arith.addf %mul3A_1008, %mul3A_1019 : vector<16xf32>
      %get3A_1021 = arith.index_cast %add3A_997 : i32 to index
      %get3A_1022 = arith.constant 32 : index
      %get3A_1023 = tpu.vector_load %arg12[%get3A_1021, %get3A_1022] {strides = array<i32>} : memref<128x128xf32, #tpu.memory_space<vmem>>, vector<16xf32>,
      %get3A_1024 = arith.index_cast %add3A_997 : i32 to index
      %get3A_1025 = arith.constant 32 : index
      %get3A_1026 = tpu.vector_load %arg13[%get3A_1024, %get3A_1025] {strides = array<i32>} : memref<128x128xf32, #tpu.memory_space<vmem>>, vector<16xf32>,
      %get3A_1027 = arith.index_cast %add3A_997 : i32 to index
      %get3A_1028 = arith.constant 32 : index
      %get3A_1029 = tpu.vector_load %arg14[%get3A_1027, %get3A_1028] {strides = array<i32>} : memref<128x128xf32, #tpu.memory_space<vmem>>, vector<16xf32>,
      %sub3A_1030 = arith.subf %get3A_1026, %get3A_1029 : vector<16xf32>
      %mul3A_1031 = arith.mulf %get3A_1023, %sub3A_1030 : vector<16xf32>
      %add3A_1032 = arith.addf %add3A_1020, %mul3A_1031 : vector<16xf32>
      %get3A_1033 = arith.index_cast %add3A_997 : i32 to index
      %get3A_1034 = arith.constant 48 : index
      %get3A_1035 = tpu.vector_load %arg12[%get3A_1033, %get3A_1034] {strides = array<i32>} : memref<128x128xf32, #tpu.memory_space<vmem>>, vector<16xf32>,
      %get3A_1036 = arith.index_cast %add3A_997 : i32 to index
      %get3A_1037 = arith.constant 48 : index
      %get3A_1038 = tpu.vector_load %arg13[%get3A_1036, %get3A_1037] {strides = array<i32>} : memref<128x128xf32, #tpu.memory_space<vmem>>, vector<16xf32>,
      %get3A_1039 = arith.index_cast %add3A_997 : i32 to index
      %get3A_1040 = arith.constant 48 : index
      %get3A_1041 = tpu.vector_load %arg14[%get3A_1039, %get3A_1040] {strides = array<i32>} : memref<128x128xf32, #tpu.memory_space<vmem>>, vector<16xf32>,
      %sub3A_1042 = arith.subf %get3A_1038, %get3A_1041 : vector<16xf32>
      %mul3A_1043 = arith.mulf %get3A_1035, %sub3A_1042 : vector<16xf32>
      %add3A_1044 = arith.addf %add3A_1032, %mul3A_1043 : vector<16xf32>
      %swap3A_1045 = arith.constant 208 : index
      %swap3A_1046 = tpu.vector_load %arg17[%swap3A_1045] {strides = array<i32>} : memref<256xf32, #tpu.memory_space<vmem>>, vector<16xf32>,
      tpu.vector_store %arg17[%swap3A_1045], %add3A_1044 {strides = array<i32>} : memref<256xf32, #tpu.memory_space<vmem>>, vector<16xf32>,
      %mul3A_1047 = arith.constant 16 : i32
      %mul3A_1048 = arith.muli %scan3A_307, %mul3A_1047 : i32
      %add3A_1049 = arith.constant 14 : i32
      %add3A_1050 = arith.addi %mul3A_1048, %add3A_1049 : i32
      %get3A_1051 = arith.index_cast %add3A_1050 : i32 to index
      %get3A_1052 = arith.constant 0 : index
      %get3A_1053 = tpu.vector_load %arg12[%get3A_1051, %get3A_1052] {strides = array<i32>} : memref<128x128xf32, #tpu.memory_space<vmem>>, vector<16xf32>,
      %get3A_1054 = arith.index_cast %add3A_1050 : i32 to index
      %get3A_1055 = arith.constant 0 : index
      %get3A_1056 = tpu.vector_load %arg13[%get3A_1054, %get3A_1055] {strides = array<i32>} : memref<128x128xf32, #tpu.memory_space<vmem>>, vector<16xf32>,
      %get3A_1057 = arith.index_cast %add3A_1050 : i32 to index
      %get3A_1058 = arith.constant 0 : index
      %get3A_1059 = tpu.vector_load %arg14[%get3A_1057, %get3A_1058] {strides = array<i32>} : memref<128x128xf32, #tpu.memory_space<vmem>>, vector<16xf32>,
      %sub3A_1060 = arith.subf %get3A_1056, %get3A_1059 : vector<16xf32>
      %mul3A_1061 = arith.mulf %get3A_1053, %sub3A_1060 : vector<16xf32>
      %get3A_1062 = arith.index_cast %add3A_1050 : i32 to index
      %get3A_1063 = arith.constant 16 : index
      %get3A_1064 = tpu.vector_load %arg12[%get3A_1062, %get3A_1063] {strides = array<i32>} : memref<128x128xf32, #tpu.memory_space<vmem>>, vector<16xf32>,
      %get3A_1065 = arith.index_cast %add3A_1050 : i32 to index
      %get3A_1066 = arith.constant 16 : index
      %get3A_1067 = tpu.vector_load %arg13[%get3A_1065, %get3A_1066] {strides = array<i32>} : memref<128x128xf32, #tpu.memory_space<vmem>>, vector<16xf32>,
      %get3A_1068 = arith.index_cast %add3A_1050 : i32 to index
      %get3A_1069 = arith.constant 16 : index
      %get3A_1070 = tpu.vector_load %arg14[%get3A_1068, %get3A_1069] {strides = array<i32>} : memref<128x128xf32, #tpu.memory_space<vmem>>, vector<16xf32>,
      %sub3A_1071 = arith.subf %get3A_1067, %get3A_1070 : vector<16xf32>
      %mul3A_1072 = arith.mulf %get3A_1064, %sub3A_1071 : vector<16xf32>
      %add3A_1073 = arith.addf %mul3A_1061, %mul3A_1072 : vector<16xf32>
      %get3A_1074 = arith.index_cast %add3A_1050 : i32 to index
      %get3A_1075 = arith.constant 32 : index
      %get3A_1076 = tpu.vector_load %arg12[%get3A_1074, %get3A_1075] {strides = array<i32>} : memref<128x128xf32, #tpu.memory_space<vmem>>, vector<16xf32>,
      %get3A_1077 = arith.index_cast %add3A_1050 : i32 to index
      %get3A_1078 = arith.constant 32 : index
      %get3A_1079 = tpu.vector_load %arg13[%get3A_1077, %get3A_1078] {strides = array<i32>} : memref<128x128xf32, #tpu.memory_space<vmem>>, vector<16xf32>,
      %get3A_1080 = arith.index_cast %add3A_1050 : i32 to index
      %get3A_1081 = arith.constant 32 : index
      %get3A_1082 = tpu.vector_load %arg14[%get3A_1080, %get3A_1081] {strides = array<i32>} : memref<128x128xf32, #tpu.memory_space<vmem>>, vector<16xf32>,
      %sub3A_1083 = arith.subf %get3A_1079, %get3A_1082 : vector<16xf32>
      %mul3A_1084 = arith.mulf %get3A_1076, %sub3A_1083 : vector<16xf32>
      %add3A_1085 = arith.addf %add3A_1073, %mul3A_1084 : vector<16xf32>
      %get3A_1086 = arith.index_cast %add3A_1050 : i32 to index
      %get3A_1087 = arith.constant 48 : index
      %get3A_1088 = tpu.vector_load %arg12[%get3A_1086, %get3A_1087] {strides = array<i32>} : memref<128x128xf32, #tpu.memory_space<vmem>>, vector<16xf32>,
      %get3A_1089 = arith.index_cast %add3A_1050 : i32 to index
      %get3A_1090 = arith.constant 48 : index
      %get3A_1091 = tpu.vector_load %arg13[%get3A_1089, %get3A_1090] {strides = array<i32>} : memref<128x128xf32, #tpu.memory_space<vmem>>, vector<16xf32>,
      %get3A_1092 = arith.index_cast %add3A_1050 : i32 to index
      %get3A_1093 = arith.constant 48 : index
      %get3A_1094 = tpu.vector_load %arg14[%get3A_1092, %get3A_1093] {strides = array<i32>} : memref<128x128xf32, #tpu.memory_space<vmem>>, vector<16xf32>,
      %sub3A_1095 = arith.subf %get3A_1091, %get3A_1094 : vector<16xf32>
      %mul3A_1096 = arith.mulf %get3A_1088, %sub3A_1095 : vector<16xf32>
      %add3A_1097 = arith.addf %add3A_1085, %mul3A_1096 : vector<16xf32>
      %swap3A_1098 = arith.constant 224 : index
      %swap3A_1099 = tpu.vector_load %arg17[%swap3A_1098] {strides = array<i32>} : memref<256xf32, #tpu.memory_space<vmem>>, vector<16xf32>,
      tpu.vector_store %arg17[%swap3A_1098], %add3A_1097 {strides = array<i32>} : memref<256xf32, #tpu.memory_space<vmem>>, vector<16xf32>,
      %mul3A_1100 = arith.constant 16 : i32
      %mul3A_1101 = arith.muli %scan3A_307, %mul3A_1100 : i32
      %add3A_1102 = arith.constant 15 : i32
      %add3A_1103 = arith.addi %mul3A_1101, %add3A_1102 : i32
      %get3A_1104 = arith.index_cast %add3A_1103 : i32 to index
      %get3A_1105 = arith.constant 0 : index
      %get3A_1106 = tpu.vector_load %arg12[%get3A_1104, %get3A_1105] {strides = array<i32>} : memref<128x128xf32, #tpu.memory_space<vmem>>, vector<16xf32>,
      %get3A_1107 = arith.index_cast %add3A_1103 : i32 to index
      %get3A_1108 = arith.constant 0 : index
      %get3A_1109 = tpu.vector_load %arg13[%get3A_1107, %get3A_1108] {strides = array<i32>} : memref<128x128xf32, #tpu.memory_space<vmem>>, vector<16xf32>,
      %get3A_1110 = arith.index_cast %add3A_1103 : i32 to index
      %get3A_1111 = arith.constant 0 : index
      %get3A_1112 = tpu.vector_load %arg14[%get3A_1110, %get3A_1111] {strides = array<i32>} : memref<128x128xf32, #tpu.memory_space<vmem>>, vector<16xf32>,
      %sub3A_1113 = arith.subf %get3A_1109, %get3A_1112 : vector<16xf32>
      %mul3A_1114 = arith.mulf %get3A_1106, %sub3A_1113 : vector<16xf32>
      %get3A_1115 = arith.index_cast %add3A_1103 : i32 to index
      %get3A_1116 = arith.constant 16 : index
      %get3A_1117 = tpu.vector_load %arg12[%get3A_1115, %get3A_1116] {strides = array<i32>} : memref<128x128xf32, #tpu.memory_space<vmem>>, vector<16xf32>,
      %get3A_1118 = arith.index_cast %add3A_1103 : i32 to index
      %get3A_1119 = arith.constant 16 : index
      %get3A_1120 = tpu.vector_load %arg13[%get3A_1118, %get3A_1119] {strides = array<i32>} : memref<128x128xf32, #tpu.memory_space<vmem>>, vector<16xf32>,
      %get3A_1121 = arith.index_cast %add3A_1103 : i32 to index
      %get3A_1122 = arith.constant 16 : index
      %get3A_1123 = tpu.vector_load %arg14[%get3A_1121, %get3A_1122] {strides = array<i32>} : memref<128x128xf32, #tpu.memory_space<vmem>>, vector<16xf32>,
      %sub3A_1124 = arith.subf %get3A_1120, %get3A_1123 : vector<16xf32>
      %mul3A_1125 = arith.mulf %get3A_1117, %sub3A_1124 : vector<16xf32>
      %add3A_1126 = arith.addf %mul3A_1114, %mul3A_1125 : vector<16xf32>
      %get3A_1127 = arith.index_cast %add3A_1103 : i32 to index
      %get3A_1128 = arith.constant 32 : index
      %get3A_1129 = tpu.vector_load %arg12[%get3A_1127, %get3A_1128] {strides = array<i32>} : memref<128x128xf32, #tpu.memory_space<vmem>>, vector<16xf32>,
      %get3A_1130 = arith.index_cast %add3A_1103 : i32 to index
      %get3A_1131 = arith.constant 32 : index
      %get3A_1132 = tpu.vector_load %arg13[%get3A_1130, %get3A_1131] {strides = array<i32>} : memref<128x128xf32, #tpu.memory_space<vmem>>, vector<16xf32>,
      %get3A_1133 = arith.index_cast %add3A_1103 : i32 to index
      %get3A_1134 = arith.constant 32 : index
      %get3A_1135 = tpu.vector_load %arg14[%get3A_1133, %get3A_1134] {strides = array<i32>} : memref<128x128xf32, #tpu.memory_space<vmem>>, vector<16xf32>,
      %sub3A_1136 = arith.subf %get3A_1132, %get3A_1135 : vector<16xf32>
      %mul3A_1137 = arith.mulf %get3A_1129, %sub3A_1136 : vector<16xf32>
      %add3A_1138 = arith.addf %add3A_1126, %mul3A_1137 : vector<16xf32>
      %get3A_1139 = arith.index_cast %add3A_1103 : i32 to index
      %get3A_1140 = arith.constant 48 : index
      %get3A_1141 = tpu.vector_load %arg12[%get3A_1139, %get3A_1140] {strides = array<i32>} : memref<128x128xf32, #tpu.memory_space<vmem>>, vector<16xf32>,
      %get3A_1142 = arith.index_cast %add3A_1103 : i32 to index
      %get3A_1143 = arith.constant 48 : index
      %get3A_1144 = tpu.vector_load %arg13[%get3A_1142, %get3A_1143] {strides = array<i32>} : memref<128x128xf32, #tpu.memory_space<vmem>>, vector<16xf32>,
      %get3A_1145 = arith.index_cast %add3A_1103 : i32 to index
      %get3A_1146 = arith.constant 48 : index
      %get3A_1147 = tpu.vector_load %arg14[%get3A_1145, %get3A_1146] {strides = array<i32>} : memref<128x128xf32, #tpu.memory_space<vmem>>, vector<16xf32>,
      %sub3A_1148 = arith.subf %get3A_1144, %get3A_1147 : vector<16xf32>
      %mul3A_1149 = arith.mulf %get3A_1141, %sub3A_1148 : vector<16xf32>
      %add3A_1150 = arith.addf %add3A_1138, %mul3A_1149 : vector<16xf32>
      %swap3A_1151 = arith.constant 240 : index
      %swap3A_1152 = tpu.vector_load %arg17[%swap3A_1151] {strides = array<i32>} : memref<256xf32, #tpu.memory_space<vmem>>, vector<16xf32>,
      tpu.vector_store %arg17[%swap3A_1151], %add3A_1150 {strides = array<i32>} : memref<256xf32, #tpu.memory_space<vmem>>, vector<16xf32>,
      %mul3A_1153 = arith.constant 16 : i32
      %mul3A_1154 = vector.broadcast %mul3A_1153 : i32 to vector<16xi32>
      %mul3A_1155 = arith.muli %iota3A, %mul3A_1154 : vector<16xi32>
      %gather3A = tpu.vector_load_idx %arg17[%mul3A_1155] : memref<256xf32, #tpu.memory_space<vmem>>[vector<16xi32>], vector<16xf32>,
      %add3A_1156 = arith.constant 1 : i32
      %add3A_1157 = vector.broadcast %add3A_1156 : i32 to vector<16xi32>
      %add3A_1158 = arith.addi %mul3A_1155, %add3A_1157 : vector<16xi32>
      %gather3A_1159 = tpu.vector_load_idx %arg17[%add3A_1158] : memref<256xf32, #tpu.memory_space<vmem>>[vector<16xi32>], vector<16xf32>,
      %add3A_1160 = arith.addf %gather3A, %gather3A_1159 : vector<16xf32>
      %add3A_1161 = arith.constant 2 : i32
      %add3A_1162 = vector.broadcast %add3A_1161 : i32 to vector<16xi32>
      %add3A_1163 = arith.addi %mul3A_1155, %add3A_1162 : vector<16xi32>
      %gather3A_1164 = tpu.vector_load_idx %arg17[%add3A_1163] : memref<256xf32, #tpu.memory_space<vmem>>[vector<16xi32>], vector<16xf32>,
      %add3A_1165 = arith.addf %add3A_1160, %gather3A_1164 : vector<16xf32>
      %add3A_1166 = arith.constant 3 : i32
      %add3A_1167 = vector.broadcast %add3A_1166 : i32 to vector<16xi32>
      %add3A_1168 = arith.addi %mul3A_1155, %add3A_1167 : vector<16xi32>
      %gather3A_1169 = tpu.vector_load_idx %arg17[%add3A_1168] : memref<256xf32, #tpu.memory_space<vmem>>[vector<16xi32>], vector<16xf32>,
      %add3A_1170 = arith.addf %add3A_1165, %gather3A_1169 : vector<16xf32>
      %add3A_1171 = arith.constant 4 : i32
      %add3A_1172 = vector.broadcast %add3A_1171 : i32 to vector<16xi32>
      %add3A_1173 = arith.addi %mul3A_1155, %add3A_1172 : vector<16xi32>
      %gather3A_1174 = tpu.vector_load_idx %arg17[%add3A_1173] : memref<256xf32, #tpu.memory_space<vmem>>[vector<16xi32>], vector<16xf32>,
      %add3A_1175 = arith.addf %add3A_1170, %gather3A_1174 : vector<16xf32>
      %add3A_1176 = arith.constant 5 : i32
      %add3A_1177 = vector.broadcast %add3A_1176 : i32 to vector<16xi32>
      %add3A_1178 = arith.addi %mul3A_1155, %add3A_1177 : vector<16xi32>
      %gather3A_1179 = tpu.vector_load_idx %arg17[%add3A_1178] : memref<256xf32, #tpu.memory_space<vmem>>[vector<16xi32>], vector<16xf32>,
      %add3A_1180 = arith.addf %add3A_1175, %gather3A_1179 : vector<16xf32>
      %add3A_1181 = arith.constant 6 : i32
      %add3A_1182 = vector.broadcast %add3A_1181 : i32 to vector<16xi32>
      %add3A_1183 = arith.addi %mul3A_1155, %add3A_1182 : vector<16xi32>
      %gather3A_1184 = tpu.vector_load_idx %arg17[%add3A_1183] : memref<256xf32, #tpu.memory_space<vmem>>[vector<16xi32>], vector<16xf32>,
      %add3A_1185 = arith.addf %add3A_1180, %gather3A_1184 : vector<16xf32>
      %add3A_1186 = arith.constant 7 : i32
      %add3A_1187 = vector.broadcast %add3A_1186 : i32 to vector<16xi32>
      %add3A_1188 = arith.addi %mul3A_1155, %add3A_1187 : vector<16xi32>
      %gather3A_1189 = tpu.vector_load_idx %arg17[%add3A_1188] : memref<256xf32, #tpu.memory_space<vmem>>[vector<16xi32>], vector<16xf32>,
      %add3A_1190 = arith.addf %add3A_1185, %gather3A_1189 : vector<16xf32>
      %add3A_1191 = arith.constant 8 : i32
      %add3A_1192 = vector.broadcast %add3A_1191 : i32 to vector<16xi32>
      %add3A_1193 = arith.addi %mul3A_1155, %add3A_1192 : vector<16xi32>
      %gather3A_1194 = tpu.vector_load_idx %arg17[%add3A_1193] : memref<256xf32, #tpu.memory_space<vmem>>[vector<16xi32>], vector<16xf32>,
      %add3A_1195 = arith.addf %add3A_1190, %gather3A_1194 : vector<16xf32>
      %add3A_1196 = arith.constant 9 : i32
      %add3A_1197 = vector.broadcast %add3A_1196 : i32 to vector<16xi32>
      %add3A_1198 = arith.addi %mul3A_1155, %add3A_1197 : vector<16xi32>
      %gather3A_1199 = tpu.vector_load_idx %arg17[%add3A_1198] : memref<256xf32, #tpu.memory_space<vmem>>[vector<16xi32>], vector<16xf32>,
      %add3A_1200 = arith.addf %add3A_1195, %gather3A_1199 : vector<16xf32>
      %add3A_1201 = arith.constant 10 : i32
      %add3A_1202 = vector.broadcast %add3A_1201 : i32 to vector<16xi32>
      %add3A_1203 = arith.addi %mul3A_1155, %add3A_1202 : vector<16xi32>
      %gather3A_1204 = tpu.vector_load_idx %arg17[%add3A_1203] : memref<256xf32, #tpu.memory_space<vmem>>[vector<16xi32>], vector<16xf32>,
      %add3A_1205 = arith.addf %add3A_1200, %gather3A_1204 : vector<16xf32>
      %add3A_1206 = arith.constant 11 : i32
      %add3A_1207 = vector.broadcast %add3A_1206 : i32 to vector<16xi32>
      %add3A_1208 = arith.addi %mul3A_1155, %add3A_1207 : vector<16xi32>
      %gather3A_1209 = tpu.vector_load_idx %arg17[%add3A_1208] : memref<256xf32, #tpu.memory_space<vmem>>[vector<16xi32>], vector<16xf32>,
      %add3A_1210 = arith.addf %add3A_1205, %gather3A_1209 : vector<16xf32>
      %add3A_1211 = arith.constant 12 : i32
      %add3A_1212 = vector.broadcast %add3A_1211 : i32 to vector<16xi32>
      %add3A_1213 = arith.addi %mul3A_1155, %add3A_1212 : vector<16xi32>
      %gather3A_1214 = tpu.vector_load_idx %arg17[%add3A_1213] : memref<256xf32, #tpu.memory_space<vmem>>[vector<16xi32>], vector<16xf32>,
      %add3A_1215 = arith.addf %add3A_1210, %gather3A_1214 : vector<16xf32>
      %add3A_1216 = arith.constant 13 : i32
      %add3A_1217 = vector.broadcast %add3A_1216 : i32 to vector<16xi32>
      %add3A_1218 = arith.addi %mul3A_1155, %add3A_1217 : vector<16xi32>
      %gather3A_1219 = tpu.vector_load_idx %arg17[%add3A_1218] : memref<256xf32, #tpu.memory_space<vmem>>[vector<16xi32>], vector<16xf32>,
      %add3A_1220 = arith.addf %add3A_1215, %gather3A_1219 : vector<16xf32>
      %add3A_1221 = arith.constant 14 : i32
      %add3A_1222 = vector.broadcast %add3A_1221 : i32 to vector<16xi32>
      %add3A_1223 = arith.addi %mul3A_1155, %add3A_1222 : vector<16xi32>
      %gather3A_1224 = tpu.vector_load_idx %arg17[%add3A_1223] : memref<256xf32, #tpu.memory_space<vmem>>[vector<16xi32>], vector<16xf32>,
      %add3A_1225 = arith.addf %add3A_1220, %gather3A_1224 : vector<16xf32>
      %add3A_1226 = arith.constant 15 : i32
      %add3A_1227 = vector.broadcast %add3A_1226 : i32 to vector<16xi32>
      %add3A_1228 = arith.addi %mul3A_1155, %add3A_1227 : vector<16xi32>
      %gather3A_1229 = tpu.vector_load_idx %arg17[%add3A_1228] : memref<256xf32, #tpu.memory_space<vmem>>[vector<16xi32>], vector<16xf32>,
      %add3A_1230 = arith.addf %add3A_1225, %gather3A_1229 : vector<16xf32>
      %mul3A_1231 = arith.constant 16 : i32
      %mul3A_1232 = arith.muli %scan3A_307, %mul3A_1231 : i32
      %get3A_1233 = arith.index_cast %mul3A_1232 : i32 to index
      %get3A_1234 = tpu.vector_load %arg15[%get3A_1233] {strides = array<i32>} : memref<128xf32, #tpu.memory_space<vmem>>, vector<16xf32>,
      %mul3A_1235 = arith.constant 16 : i32
      %mul3A_1236 = arith.muli %scan3A_307, %mul3A_1235 : i32
      %get3A_1237 = arith.index_cast %mul3A_1236 : i32 to index
      %get3A_1238 = tpu.vector_load %arg16[%get3A_1237] {strides = array<i32>} : memref<128xf32, #tpu.memory_space<vmem>>, vector<16xf32>,
      %add3A_1239 = arith.addf %add3A_1230, %get3A_1234 : vector<16xf32>
      %sub3A_1240 = arith.subf %add3A_1239, %get3A_1238 : vector<16xf32>
      %mul3A_1241 = arith.constant 16 : i32
      %mul3A_1242 = arith.muli %scan3A_307, %mul3A_1241 : i32
      %add3A_1243 = arith.constant 256 : i32
      %add3A_1244 = arith.addi %add3A_1243, %mul3A_1242 : i32
      %swap3A_1245 = arith.index_cast %add3A_1244 : i32 to index
      %swap3A_1246 = tpu.vector_load %arg18[%swap3A_1245] {strides = array<i32>} : memref<512xf32, #tpu.memory_space<vmem>>, vector<16xf32>,
      tpu.vector_store %arg18[%swap3A_1245], %sub3A_1240 {strides = array<i32>} : memref<512xf32, #tpu.memory_space<vmem>>, vector<16xf32>,
    }
    %scan3A_234 = arith.constant 8 : i32
    %dma_start3A_235 = arith.constant 3 : i32
    %dma_start3A_236 = arith.constant 0 : i32
    %dma_start3A_237 = tpu.memref_slice %arg9[%dma_start3A_235, %dma_start3A_236] : memref<4x128xi32, #tpu.memory_space<vmem>> -> memref<1x128xi32, #tpu.memory_space<vmem>>
    %dma_start3A_238 = tpu.memref_squeeze %dma_start3A_237 : memref<1x128xi32, #tpu.memory_space<vmem>> -> memref<128xi32, #tpu.memory_space<vmem>>
    %dma_start3A_239 = arith.constant 0 : i32
    %dma_start3A_240 = arith.constant 0 : i32
    %dma_start3A_241 = tpu.memref_slice %arg5[%dma_start3A_239, %dma_start3A_240] : memref<1000000x128xf32, #tpu.memory_space<hbm>> -> memref<1000000x128xf32, #tpu.memory_space<hbm>>
    tpu.enqueue_indirect_dma source(%dma_start3A_241 : memref<1000000x128xf32, #tpu.memory_space<hbm>>) target(%arg12 : memref<128x128xf32, #tpu.memory_space<vmem>>) offsets(%dma_start3A_238 : memref<128xi32, #tpu.memory_space<vmem>>) semaphore(%arg19 : memref<!tpu.dma_semaphore, #tpu.memory_space<semaphore_mem>>)
    %dma_start3A_242 = arith.constant 3 : i32
    %dma_start3A_243 = arith.constant 0 : i32
    %dma_start3A_244 = tpu.memref_slice %arg10[%dma_start3A_242, %dma_start3A_243] : memref<4x128xi32, #tpu.memory_space<vmem>> -> memref<1x128xi32, #tpu.memory_space<vmem>>
    %dma_start3A_245 = tpu.memref_squeeze %dma_start3A_244 : memref<1x128xi32, #tpu.memory_space<vmem>> -> memref<128xi32, #tpu.memory_space<vmem>>
    %dma_start3A_246 = arith.constant 0 : i32
    %dma_start3A_247 = arith.constant 0 : i32
    %dma_start3A_248 = tpu.memref_slice %arg6[%dma_start3A_246, %dma_start3A_247] : memref<1000000x128xf32, #tpu.memory_space<hbm>> -> memref<1000000x128xf32, #tpu.memory_space<hbm>>
    tpu.enqueue_indirect_dma source(%dma_start3A_248 : memref<1000000x128xf32, #tpu.memory_space<hbm>>) target(%arg13 : memref<128x128xf32, #tpu.memory_space<vmem>>) offsets(%dma_start3A_245 : memref<128xi32, #tpu.memory_space<vmem>>) semaphore(%arg19 : memref<!tpu.dma_semaphore, #tpu.memory_space<semaphore_mem>>)
    %dma_start3A_249 = arith.constant 3 : i32
    %dma_start3A_250 = arith.constant 0 : i32
    %dma_start3A_251 = tpu.memref_slice %arg11[%dma_start3A_249, %dma_start3A_250] : memref<4x128xi32, #tpu.memory_space<vmem>> -> memref<1x128xi32, #tpu.memory_space<vmem>>
    %dma_start3A_252 = tpu.memref_squeeze %dma_start3A_251 : memref<1x128xi32, #tpu.memory_space<vmem>> -> memref<128xi32, #tpu.memory_space<vmem>>
    %dma_start3A_253 = arith.constant 0 : i32
    %dma_start3A_254 = arith.constant 0 : i32
    %dma_start3A_255 = tpu.memref_slice %arg6[%dma_start3A_253, %dma_start3A_254] : memref<1000000x128xf32, #tpu.memory_space<hbm>> -> memref<1000000x128xf32, #tpu.memory_space<hbm>>
    tpu.enqueue_indirect_dma source(%dma_start3A_255 : memref<1000000x128xf32, #tpu.memory_space<hbm>>) target(%arg14 : memref<128x128xf32, #tpu.memory_space<vmem>>) offsets(%dma_start3A_252 : memref<128xi32, #tpu.memory_space<vmem>>) semaphore(%arg19 : memref<!tpu.dma_semaphore, #tpu.memory_space<semaphore_mem>>)
    %dma_start3A_256 = arith.constant 3 : i32
    %dma_start3A_257 = arith.constant 0 : i32
    %dma_start3A_258 = tpu.memref_slice %arg10[%dma_start3A_256, %dma_start3A_257] : memref<4x128xi32, #tpu.memory_space<vmem>> -> memref<1x128xi32, #tpu.memory_space<vmem>>
    %dma_start3A_259 = tpu.memref_squeeze %dma_start3A_258 : memref<1x128xi32, #tpu.memory_space<vmem>> -> memref<128xi32, #tpu.memory_space<vmem>>
    %dma_start3A_260 = arith.constant 0 : i32
    %dma_start3A_261 = tpu.memref_slice %arg7[%dma_start3A_260] : memref<1000000xf32, #tpu.memory_space<hbm>> -> memref<1000000xf32, #tpu.memory_space<hbm>>
    tpu.enqueue_indirect_dma source(%dma_start3A_261 : memref<1000000xf32, #tpu.memory_space<hbm>>) target(%arg15 : memref<128xf32, #tpu.memory_space<vmem>>) offsets(%dma_start3A_259 : memref<128xi32, #tpu.memory_space<vmem>>) semaphore(%arg19 : memref<!tpu.dma_semaphore, #tpu.memory_space<semaphore_mem>>)
    %dma_start3A_262 = arith.constant 3 : i32
    %dma_start3A_263 = arith.constant 0 : i32
    %dma_start3A_264 = tpu.memref_slice %arg11[%dma_start3A_262, %dma_start3A_263] : memref<4x128xi32, #tpu.memory_space<vmem>> -> memref<1x128xi32, #tpu.memory_space<vmem>>
    %dma_start3A_265 = tpu.memref_squeeze %dma_start3A_264 : memref<1x128xi32, #tpu.memory_space<vmem>> -> memref<128xi32, #tpu.memory_space<vmem>>
    %dma_start3A_266 = arith.constant 0 : i32
    %dma_start3A_267 = tpu.memref_slice %arg7[%dma_start3A_266] : memref<1000000xf32, #tpu.memory_space<hbm>> -> memref<1000000xf32, #tpu.memory_space<hbm>>
    tpu.enqueue_indirect_dma source(%dma_start3A_267 : memref<1000000xf32, #tpu.memory_space<hbm>>) target(%arg16 : memref<128xf32, #tpu.memory_space<vmem>>) offsets(%dma_start3A_265 : memref<128xi32, #tpu.memory_space<vmem>>) semaphore(%arg19 : memref<!tpu.dma_semaphore, #tpu.memory_space<semaphore_mem>>)
    %dma_wait3A_268 = arith.constant 3 : i32
    %dma_wait3A_269 = arith.constant 0 : i32
    %dma_wait3A_270 = tpu.memref_slice %arg9[%dma_wait3A_268, %dma_wait3A_269] : memref<4x128xi32, #tpu.memory_space<vmem>> -> memref<1x128xi32, #tpu.memory_space<vmem>>
    %dma_wait3A_271 = tpu.memref_squeeze %dma_wait3A_270 : memref<1x128xi32, #tpu.memory_space<vmem>> -> memref<128xi32, #tpu.memory_space<vmem>>
    %dma_wait3A_272 = arith.constant 0 : i32
    %dma_wait3A_273 = arith.constant 0 : i32
    %dma_wait3A_274 = tpu.memref_slice %arg5[%dma_wait3A_272, %dma_wait3A_273] : memref<1000000x128xf32, #tpu.memory_space<hbm>> -> memref<1000000x128xf32, #tpu.memory_space<hbm>>
    tpu.wait_indirect_dma semaphore(%arg19 : memref<!tpu.dma_semaphore, #tpu.memory_space<semaphore_mem>>) src(%dma_wait3A_274 : memref<1000000x128xf32, #tpu.memory_space<hbm>>) dst(%arg12 : memref<128x128xf32, #tpu.memory_space<vmem>>)
    %dma_wait3A_275 = arith.constant 3 : i32
    %dma_wait3A_276 = arith.constant 0 : i32
    %dma_wait3A_277 = tpu.memref_slice %arg10[%dma_wait3A_275, %dma_wait3A_276] : memref<4x128xi32, #tpu.memory_space<vmem>> -> memref<1x128xi32, #tpu.memory_space<vmem>>
    %dma_wait3A_278 = tpu.memref_squeeze %dma_wait3A_277 : memref<1x128xi32, #tpu.memory_space<vmem>> -> memref<128xi32, #tpu.memory_space<vmem>>
    %dma_wait3A_279 = arith.constant 0 : i32
    %dma_wait3A_280 = arith.constant 0 : i32
    %dma_wait3A_281 = tpu.memref_slice %arg6[%dma_wait3A_279, %dma_wait3A_280] : memref<1000000x128xf32, #tpu.memory_space<hbm>> -> memref<1000000x128xf32, #tpu.memory_space<hbm>>
    tpu.wait_indirect_dma semaphore(%arg19 : memref<!tpu.dma_semaphore, #tpu.memory_space<semaphore_mem>>) src(%dma_wait3A_281 : memref<1000000x128xf32, #tpu.memory_space<hbm>>) dst(%arg13 : memref<128x128xf32, #tpu.memory_space<vmem>>)
    %dma_wait3A_282 = arith.constant 3 : i32
    %dma_wait3A_283 = arith.constant 0 : i32
    %dma_wait3A_284 = tpu.memref_slice %arg11[%dma_wait3A_282, %dma_wait3A_283] : memref<4x128xi32, #tpu.memory_space<vmem>> -> memref<1x128xi32, #tpu.memory_space<vmem>>
    %dma_wait3A_285 = tpu.memref_squeeze %dma_wait3A_284 : memref<1x128xi32, #tpu.memory_space<vmem>> -> memref<128xi32, #tpu.memory_space<vmem>>
    %dma_wait3A_286 = arith.constant 0 : i32
    %dma_wait3A_287 = arith.constant 0 : i32
    %dma_wait3A_288 = tpu.memref_slice %arg6[%dma_wait3A_286, %dma_wait3A_287] : memref<1000000x128xf32, #tpu.memory_space<hbm>> -> memref<1000000x128xf32, #tpu.memory_space<hbm>>
    tpu.wait_indirect_dma semaphore(%arg19 : memref<!tpu.dma_semaphore, #tpu.memory_space<semaphore_mem>>) src(%dma_wait3A_288 : memref<1000000x128xf32, #tpu.memory_space<hbm>>) dst(%arg14 : memref<128x128xf32, #tpu.memory_space<vmem>>)
    %dma_wait3A_289 = arith.constant 3 : i32
    %dma_wait3A_290 = arith.constant 0 : i32
    %dma_wait3A_291 = tpu.memref_slice %arg10[%dma_wait3A_289, %dma_wait3A_290] : memref<4x128xi32, #tpu.memory_space<vmem>> -> memref<1x128xi32, #tpu.memory_space<vmem>>
    %dma_wait3A_292 = tpu.memref_squeeze %dma_wait3A_291 : memref<1x128xi32, #tpu.memory_space<vmem>> -> memref<128xi32, #tpu.memory_space<vmem>>
    %dma_wait3A_293 = arith.constant 0 : i32
    %dma_wait3A_294 = tpu.memref_slice %arg7[%dma_wait3A_293] : memref<1000000xf32, #tpu.memory_space<hbm>> -> memref<1000000xf32, #tpu.memory_space<hbm>>
    tpu.wait_indirect_dma semaphore(%arg19 : memref<!tpu.dma_semaphore, #tpu.memory_space<semaphore_mem>>) src(%dma_wait3A_294 : memref<1000000xf32, #tpu.memory_space<hbm>>) dst(%arg15 : memref<128xf32, #tpu.memory_space<vmem>>)
    %dma_wait3A_295 = arith.constant 3 : i32
    %dma_wait3A_296 = arith.constant 0 : i32
    %dma_wait3A_297 = tpu.memref_slice %arg11[%dma_wait3A_295, %dma_wait3A_296] : memref<4x128xi32, #tpu.memory_space<vmem>> -> memref<1x128xi32, #tpu.memory_space<vmem>>
    %dma_wait3A_298 = tpu.memref_squeeze %dma_wait3A_297 : memref<1x128xi32, #tpu.memory_space<vmem>> -> memref<128xi32, #tpu.memory_space<vmem>>
    %dma_wait3A_299 = arith.constant 0 : i32
    %dma_wait3A_300 = tpu.memref_slice %arg7[%dma_wait3A_299] : memref<1000000xf32, #tpu.memory_space<hbm>> -> memref<1000000xf32, #tpu.memory_space<hbm>>
    tpu.wait_indirect_dma semaphore(%arg19 : memref<!tpu.dma_semaphore, #tpu.memory_space<semaphore_mem>>) src(%dma_wait3A_300 : memref<1000000xf32, #tpu.memory_space<hbm>>) dst(%arg16 : memref<128xf32, #tpu.memory_space<vmem>>)
    %scan3A_301 = arith.constant 0 : i32
    %scan3A_302 = arith.constant 0 : i32
    %scan3A_303 = arith.constant 8 : i32
    %scan3A_304 = arith.addi %scan3A_302, %scan3A_303 : i32
    %scan3A_305 = arith.constant 1 : i32
    scf.for %scan3A_307 = %scan3A_302 to %scan3A_304 step %scan3A_305  : i32 {
      %mul3A_308 = arith.constant 16 : i32
      %mul3A_309 = arith.muli %scan3A_307, %mul3A_308 : i32
      %add3A_310 = arith.constant 0 : i32
      %add3A_311 = arith.addi %mul3A_309, %add3A_310 : i32
      %get3A = arith.index_cast %add3A_311 : i32 to index
      %get3A_312 = arith.constant 0 : index
      %get3A_313 = tpu.vector_load %arg12[%get3A, %get3A_312] {strides = array<i32>} : memref<128x128xf32, #tpu.memory_space<vmem>>, vector<16xf32>,
      %get3A_314 = arith.index_cast %add3A_311 : i32 to index
      %get3A_315 = arith.constant 0 : index
      %get3A_316 = tpu.vector_load %arg13[%get3A_314, %get3A_315] {strides = array<i32>} : memref<128x128xf32, #tpu.memory_space<vmem>>, vector<16xf32>,
      %get3A_317 = arith.index_cast %add3A_311 : i32 to index
      %get3A_318 = arith.constant 0 : index
      %get3A_319 = tpu.vector_load %arg14[%get3A_317, %get3A_318] {strides = array<i32>} : memref<128x128xf32, #tpu.memory_space<vmem>>, vector<16xf32>,
      %sub3A = arith.subf %get3A_316, %get3A_319 : vector<16xf32>
      %mul3A_320 = arith.mulf %get3A_313, %sub3A : vector<16xf32>
      %get3A_321 = arith.index_cast %add3A_311 : i32 to index
      %get3A_322 = arith.constant 16 : index
      %get3A_323 = tpu.vector_load %arg12[%get3A_321, %get3A_322] {strides = array<i32>} : memref<128x128xf32, #tpu.memory_space<vmem>>, vector<16xf32>,
      %get3A_324 = arith.index_cast %add3A_311 : i32 to index
      %get3A_325 = arith.constant 16 : index
      %get3A_326 = tpu.vector_load %arg13[%get3A_324, %get3A_325] {strides = array<i32>} : memref<128x128xf32, #tpu.memory_space<vmem>>, vector<16xf32>,
      %get3A_327 = arith.index_cast %add3A_311 : i32 to index
      %get3A_328 = arith.constant 16 : index
      %get3A_329 = tpu.vector_load %arg14[%get3A_327, %get3A_328] {strides = array<i32>} : memref<128x128xf32, #tpu.memory_space<vmem>>, vector<16xf32>,
      %sub3A_330 = arith.subf %get3A_326, %get3A_329 : vector<16xf32>
      %mul3A_331 = arith.mulf %get3A_323, %sub3A_330 : vector<16xf32>
      %add3A_332 = arith.addf %mul3A_320, %mul3A_331 : vector<16xf32>
      %get3A_333 = arith.index_cast %add3A_311 : i32 to index
      %get3A_334 = arith.constant 32 : index
      %get3A_335 = tpu.vector_load %arg12[%get3A_333, %get3A_334] {strides = array<i32>} : memref<128x128xf32, #tpu.memory_space<vmem>>, vector<16xf32>,
      %get3A_336 = arith.index_cast %add3A_311 : i32 to index
      %get3A_337 = arith.constant 32 : index
      %get3A_338 = tpu.vector_load %arg13[%get3A_336, %get3A_337] {strides = array<i32>} : memref<128x128xf32, #tpu.memory_space<vmem>>, vector<16xf32>,
      %get3A_339 = arith.index_cast %add3A_311 : i32 to index
      %get3A_340 = arith.constant 32 : index
      %get3A_341 = tpu.vector_load %arg14[%get3A_339, %get3A_340] {strides = array<i32>} : memref<128x128xf32, #tpu.memory_space<vmem>>, vector<16xf32>,
      %sub3A_342 = arith.subf %get3A_338, %get3A_341 : vector<16xf32>
      %mul3A_343 = arith.mulf %get3A_335, %sub3A_342 : vector<16xf32>
      %add3A_344 = arith.addf %add3A_332, %mul3A_343 : vector<16xf32>
      %get3A_345 = arith.index_cast %add3A_311 : i32 to index
      %get3A_346 = arith.constant 48 : index
      %get3A_347 = tpu.vector_load %arg12[%get3A_345, %get3A_346] {strides = array<i32>} : memref<128x128xf32, #tpu.memory_space<vmem>>, vector<16xf32>,
      %get3A_348 = arith.index_cast %add3A_311 : i32 to index
      %get3A_349 = arith.constant 48 : index
      %get3A_350 = tpu.vector_load %arg13[%get3A_348, %get3A_349] {strides = array<i32>} : memref<128x128xf32, #tpu.memory_space<vmem>>, vector<16xf32>,
      %get3A_351 = arith.index_cast %add3A_311 : i32 to index
      %get3A_352 = arith.constant 48 : index
      %get3A_353 = tpu.vector_load %arg14[%get3A_351, %get3A_352] {strides = array<i32>} : memref<128x128xf32, #tpu.memory_space<vmem>>, vector<16xf32>,
      %sub3A_354 = arith.subf %get3A_350, %get3A_353 : vector<16xf32>
      %mul3A_355 = arith.mulf %get3A_347, %sub3A_354 : vector<16xf32>
      %add3A_356 = arith.addf %add3A_344, %mul3A_355 : vector<16xf32>
      %swap3A = arith.constant 0 : index
      %swap3A_357 = tpu.vector_load %arg17[%swap3A] {strides = array<i32>} : memref<256xf32, #tpu.memory_space<vmem>>, vector<16xf32>,
      tpu.vector_store %arg17[%swap3A], %add3A_356 {strides = array<i32>} : memref<256xf32, #tpu.memory_space<vmem>>, vector<16xf32>,
      %mul3A_358 = arith.constant 16 : i32
      %mul3A_359 = arith.muli %scan3A_307, %mul3A_358 : i32
      %add3A_360 = arith.constant 1 : i32
      %add3A_361 = arith.addi %mul3A_359, %add3A_360 : i32
      %get3A_362 = arith.index_cast %add3A_361 : i32 to index
      %get3A_363 = arith.constant 0 : index
      %get3A_364 = tpu.vector_load %arg12[%get3A_362, %get3A_363] {strides = array<i32>} : memref<128x128xf32, #tpu.memory_space<vmem>>, vector<16xf32>,
      %get3A_365 = arith.index_cast %add3A_361 : i32 to index
      %get3A_366 = arith.constant 0 : index
      %get3A_367 = tpu.vector_load %arg13[%get3A_365, %get3A_366] {strides = array<i32>} : memref<128x128xf32, #tpu.memory_space<vmem>>, vector<16xf32>,
      %get3A_368 = arith.index_cast %add3A_361 : i32 to index
      %get3A_369 = arith.constant 0 : index
      %get3A_370 = tpu.vector_load %arg14[%get3A_368, %get3A_369] {strides = array<i32>} : memref<128x128xf32, #tpu.memory_space<vmem>>, vector<16xf32>,
      %sub3A_371 = arith.subf %get3A_367, %get3A_370 : vector<16xf32>
      %mul3A_372 = arith.mulf %get3A_364, %sub3A_371 : vector<16xf32>
      %get3A_373 = arith.index_cast %add3A_361 : i32 to index
      %get3A_374 = arith.constant 16 : index
      %get3A_375 = tpu.vector_load %arg12[%get3A_373, %get3A_374] {strides = array<i32>} : memref<128x128xf32, #tpu.memory_space<vmem>>, vector<16xf32>,
      %get3A_376 = arith.index_cast %add3A_361 : i32 to index
      %get3A_377 = arith.constant 16 : index
      %get3A_378 = tpu.vector_load %arg13[%get3A_376, %get3A_377] {strides = array<i32>} : memref<128x128xf32, #tpu.memory_space<vmem>>, vector<16xf32>,
      %get3A_379 = arith.index_cast %add3A_361 : i32 to index
      %get3A_380 = arith.constant 16 : index
      %get3A_381 = tpu.vector_load %arg14[%get3A_379, %get3A_380] {strides = array<i32>} : memref<128x128xf32, #tpu.memory_space<vmem>>, vector<16xf32>,
      %sub3A_382 = arith.subf %get3A_378, %get3A_381 : vector<16xf32>
      %mul3A_383 = arith.mulf %get3A_375, %sub3A_382 : vector<16xf32>
      %add3A_384 = arith.addf %mul3A_372, %mul3A_383 : vector<16xf32>
      %get3A_385 = arith.index_cast %add3A_361 : i32 to index
      %get3A_386 = arith.constant 32 : index
      %get3A_387 = tpu.vector_load %arg12[%get3A_385, %get3A_386] {strides = array<i32>} : memref<128x128xf32, #tpu.memory_space<vmem>>, vector<16xf32>,
      %get3A_388 = arith.index_cast %add3A_361 : i32 to index
      %get3A_389 = arith.constant 32 : index
      %get3A_390 = tpu.vector_load %arg13[%get3A_388, %get3A_389] {strides = array<i32>} : memref<128x128xf32, #tpu.memory_space<vmem>>, vector<16xf32>,
      %get3A_391 = arith.index_cast %add3A_361 : i32 to index
      %get3A_392 = arith.constant 32 : index
      %get3A_393 = tpu.vector_load %arg14[%get3A_391, %get3A_392] {strides = array<i32>} : memref<128x128xf32, #tpu.memory_space<vmem>>, vector<16xf32>,
      %sub3A_394 = arith.subf %get3A_390, %get3A_393 : vector<16xf32>
      %mul3A_395 = arith.mulf %get3A_387, %sub3A_394 : vector<16xf32>
      %add3A_396 = arith.addf %add3A_384, %mul3A_395 : vector<16xf32>
      %get3A_397 = arith.index_cast %add3A_361 : i32 to index
      %get3A_398 = arith.constant 48 : index
      %get3A_399 = tpu.vector_load %arg12[%get3A_397, %get3A_398] {strides = array<i32>} : memref<128x128xf32, #tpu.memory_space<vmem>>, vector<16xf32>,
      %get3A_400 = arith.index_cast %add3A_361 : i32 to index
      %get3A_401 = arith.constant 48 : index
      %get3A_402 = tpu.vector_load %arg13[%get3A_400, %get3A_401] {strides = array<i32>} : memref<128x128xf32, #tpu.memory_space<vmem>>, vector<16xf32>,
      %get3A_403 = arith.index_cast %add3A_361 : i32 to index
      %get3A_404 = arith.constant 48 : index
      %get3A_405 = tpu.vector_load %arg14[%get3A_403, %get3A_404] {strides = array<i32>} : memref<128x128xf32, #tpu.memory_space<vmem>>, vector<16xf32>,
      %sub3A_406 = arith.subf %get3A_402, %get3A_405 : vector<16xf32>
      %mul3A_407 = arith.mulf %get3A_399, %sub3A_406 : vector<16xf32>
      %add3A_408 = arith.addf %add3A_396, %mul3A_407 : vector<16xf32>
      %swap3A_409 = arith.constant 16 : index
      %swap3A_410 = tpu.vector_load %arg17[%swap3A_409] {strides = array<i32>} : memref<256xf32, #tpu.memory_space<vmem>>, vector<16xf32>,
      tpu.vector_store %arg17[%swap3A_409], %add3A_408 {strides = array<i32>} : memref<256xf32, #tpu.memory_space<vmem>>, vector<16xf32>,
      %mul3A_411 = arith.constant 16 : i32
      %mul3A_412 = arith.muli %scan3A_307, %mul3A_411 : i32
      %add3A_413 = arith.constant 2 : i32
      %add3A_414 = arith.addi %mul3A_412, %add3A_413 : i32
      %get3A_415 = arith.index_cast %add3A_414 : i32 to index
      %get3A_416 = arith.constant 0 : index
      %get3A_417 = tpu.vector_load %arg12[%get3A_415, %get3A_416] {strides = array<i32>} : memref<128x128xf32, #tpu.memory_space<vmem>>, vector<16xf32>,
      %get3A_418 = arith.index_cast %add3A_414 : i32 to index
      %get3A_419 = arith.constant 0 : index
      %get3A_420 = tpu.vector_load %arg13[%get3A_418, %get3A_419] {strides = array<i32>} : memref<128x128xf32, #tpu.memory_space<vmem>>, vector<16xf32>,
      %get3A_421 = arith.index_cast %add3A_414 : i32 to index
      %get3A_422 = arith.constant 0 : index
      %get3A_423 = tpu.vector_load %arg14[%get3A_421, %get3A_422] {strides = array<i32>} : memref<128x128xf32, #tpu.memory_space<vmem>>, vector<16xf32>,
      %sub3A_424 = arith.subf %get3A_420, %get3A_423 : vector<16xf32>
      %mul3A_425 = arith.mulf %get3A_417, %sub3A_424 : vector<16xf32>
      %get3A_426 = arith.index_cast %add3A_414 : i32 to index
      %get3A_427 = arith.constant 16 : index
      %get3A_428 = tpu.vector_load %arg12[%get3A_426, %get3A_427] {strides = array<i32>} : memref<128x128xf32, #tpu.memory_space<vmem>>, vector<16xf32>,
      %get3A_429 = arith.index_cast %add3A_414 : i32 to index
      %get3A_430 = arith.constant 16 : index
      %get3A_431 = tpu.vector_load %arg13[%get3A_429, %get3A_430] {strides = array<i32>} : memref<128x128xf32, #tpu.memory_space<vmem>>, vector<16xf32>,
      %get3A_432 = arith.index_cast %add3A_414 : i32 to index
      %get3A_433 = arith.constant 16 : index
      %get3A_434 = tpu.vector_load %arg14[%get3A_432, %get3A_433] {strides = array<i32>} : memref<128x128xf32, #tpu.memory_space<vmem>>, vector<16xf32>,
      %sub3A_435 = arith.subf %get3A_431, %get3A_434 : vector<16xf32>
      %mul3A_436 = arith.mulf %get3A_428, %sub3A_435 : vector<16xf32>
      %add3A_437 = arith.addf %mul3A_425, %mul3A_436 : vector<16xf32>
      %get3A_438 = arith.index_cast %add3A_414 : i32 to index
      %get3A_439 = arith.constant 32 : index
      %get3A_440 = tpu.vector_load %arg12[%get3A_438, %get3A_439] {strides = array<i32>} : memref<128x128xf32, #tpu.memory_space<vmem>>, vector<16xf32>,
      %get3A_441 = arith.index_cast %add3A_414 : i32 to index
      %get3A_442 = arith.constant 32 : index
      %get3A_443 = tpu.vector_load %arg13[%get3A_441, %get3A_442] {strides = array<i32>} : memref<128x128xf32, #tpu.memory_space<vmem>>, vector<16xf32>,
      %get3A_444 = arith.index_cast %add3A_414 : i32 to index
      %get3A_445 = arith.constant 32 : index
      %get3A_446 = tpu.vector_load %arg14[%get3A_444, %get3A_445] {strides = array<i32>} : memref<128x128xf32, #tpu.memory_space<vmem>>, vector<16xf32>,
      %sub3A_447 = arith.subf %get3A_443, %get3A_446 : vector<16xf32>
      %mul3A_448 = arith.mulf %get3A_440, %sub3A_447 : vector<16xf32>
      %add3A_449 = arith.addf %add3A_437, %mul3A_448 : vector<16xf32>
      %get3A_450 = arith.index_cast %add3A_414 : i32 to index
      %get3A_451 = arith.constant 48 : index
      %get3A_452 = tpu.vector_load %arg12[%get3A_450, %get3A_451] {strides = array<i32>} : memref<128x128xf32, #tpu.memory_space<vmem>>, vector<16xf32>,
      %get3A_453 = arith.index_cast %add3A_414 : i32 to index
      %get3A_454 = arith.constant 48 : index
      %get3A_455 = tpu.vector_load %arg13[%get3A_453, %get3A_454] {strides = array<i32>} : memref<128x128xf32, #tpu.memory_space<vmem>>, vector<16xf32>,
      %get3A_456 = arith.index_cast %add3A_414 : i32 to index
      %get3A_457 = arith.constant 48 : index
      %get3A_458 = tpu.vector_load %arg14[%get3A_456, %get3A_457] {strides = array<i32>} : memref<128x128xf32, #tpu.memory_space<vmem>>, vector<16xf32>,
      %sub3A_459 = arith.subf %get3A_455, %get3A_458 : vector<16xf32>
      %mul3A_460 = arith.mulf %get3A_452, %sub3A_459 : vector<16xf32>
      %add3A_461 = arith.addf %add3A_449, %mul3A_460 : vector<16xf32>
      %swap3A_462 = arith.constant 32 : index
      %swap3A_463 = tpu.vector_load %arg17[%swap3A_462] {strides = array<i32>} : memref<256xf32, #tpu.memory_space<vmem>>, vector<16xf32>,
      tpu.vector_store %arg17[%swap3A_462], %add3A_461 {strides = array<i32>} : memref<256xf32, #tpu.memory_space<vmem>>, vector<16xf32>,
      %mul3A_464 = arith.constant 16 : i32
      %mul3A_465 = arith.muli %scan3A_307, %mul3A_464 : i32
      %add3A_466 = arith.constant 3 : i32
      %add3A_467 = arith.addi %mul3A_465, %add3A_466 : i32
      %get3A_468 = arith.index_cast %add3A_467 : i32 to index
      %get3A_469 = arith.constant 0 : index
      %get3A_470 = tpu.vector_load %arg12[%get3A_468, %get3A_469] {strides = array<i32>} : memref<128x128xf32, #tpu.memory_space<vmem>>, vector<16xf32>,
      %get3A_471 = arith.index_cast %add3A_467 : i32 to index
      %get3A_472 = arith.constant 0 : index
      %get3A_473 = tpu.vector_load %arg13[%get3A_471, %get3A_472] {strides = array<i32>} : memref<128x128xf32, #tpu.memory_space<vmem>>, vector<16xf32>,
      %get3A_474 = arith.index_cast %add3A_467 : i32 to index
      %get3A_475 = arith.constant 0 : index
      %get3A_476 = tpu.vector_load %arg14[%get3A_474, %get3A_475] {strides = array<i32>} : memref<128x128xf32, #tpu.memory_space<vmem>>, vector<16xf32>,
      %sub3A_477 = arith.subf %get3A_473, %get3A_476 : vector<16xf32>
      %mul3A_478 = arith.mulf %get3A_470, %sub3A_477 : vector<16xf32>
      %get3A_479 = arith.index_cast %add3A_467 : i32 to index
      %get3A_480 = arith.constant 16 : index
      %get3A_481 = tpu.vector_load %arg12[%get3A_479, %get3A_480] {strides = array<i32>} : memref<128x128xf32, #tpu.memory_space<vmem>>, vector<16xf32>,
      %get3A_482 = arith.index_cast %add3A_467 : i32 to index
      %get3A_483 = arith.constant 16 : index
      %get3A_484 = tpu.vector_load %arg13[%get3A_482, %get3A_483] {strides = array<i32>} : memref<128x128xf32, #tpu.memory_space<vmem>>, vector<16xf32>,
      %get3A_485 = arith.index_cast %add3A_467 : i32 to index
      %get3A_486 = arith.constant 16 : index
      %get3A_487 = tpu.vector_load %arg14[%get3A_485, %get3A_486] {strides = array<i32>} : memref<128x128xf32, #tpu.memory_space<vmem>>, vector<16xf32>,
      %sub3A_488 = arith.subf %get3A_484, %get3A_487 : vector<16xf32>
      %mul3A_489 = arith.mulf %get3A_481, %sub3A_488 : vector<16xf32>
      %add3A_490 = arith.addf %mul3A_478, %mul3A_489 : vector<16xf32>
      %get3A_491 = arith.index_cast %add3A_467 : i32 to index
      %get3A_492 = arith.constant 32 : index
      %get3A_493 = tpu.vector_load %arg12[%get3A_491, %get3A_492] {strides = array<i32>} : memref<128x128xf32, #tpu.memory_space<vmem>>, vector<16xf32>,
      %get3A_494 = arith.index_cast %add3A_467 : i32 to index
      %get3A_495 = arith.constant 32 : index
      %get3A_496 = tpu.vector_load %arg13[%get3A_494, %get3A_495] {strides = array<i32>} : memref<128x128xf32, #tpu.memory_space<vmem>>, vector<16xf32>,
      %get3A_497 = arith.index_cast %add3A_467 : i32 to index
      %get3A_498 = arith.constant 32 : index
      %get3A_499 = tpu.vector_load %arg14[%get3A_497, %get3A_498] {strides = array<i32>} : memref<128x128xf32, #tpu.memory_space<vmem>>, vector<16xf32>,
      %sub3A_500 = arith.subf %get3A_496, %get3A_499 : vector<16xf32>
      %mul3A_501 = arith.mulf %get3A_493, %sub3A_500 : vector<16xf32>
      %add3A_502 = arith.addf %add3A_490, %mul3A_501 : vector<16xf32>
      %get3A_503 = arith.index_cast %add3A_467 : i32 to index
      %get3A_504 = arith.constant 48 : index
      %get3A_505 = tpu.vector_load %arg12[%get3A_503, %get3A_504] {strides = array<i32>} : memref<128x128xf32, #tpu.memory_space<vmem>>, vector<16xf32>,
      %get3A_506 = arith.index_cast %add3A_467 : i32 to index
      %get3A_507 = arith.constant 48 : index
      %get3A_508 = tpu.vector_load %arg13[%get3A_506, %get3A_507] {strides = array<i32>} : memref<128x128xf32, #tpu.memory_space<vmem>>, vector<16xf32>,
      %get3A_509 = arith.index_cast %add3A_467 : i32 to index
      %get3A_510 = arith.constant 48 : index
      %get3A_511 = tpu.vector_load %arg14[%get3A_509, %get3A_510] {strides = array<i32>} : memref<128x128xf32, #tpu.memory_space<vmem>>, vector<16xf32>,
      %sub3A_512 = arith.subf %get3A_508, %get3A_511 : vector<16xf32>
      %mul3A_513 = arith.mulf %get3A_505, %sub3A_512 : vector<16xf32>
      %add3A_514 = arith.addf %add3A_502, %mul3A_513 : vector<16xf32>
      %swap3A_515 = arith.constant 48 : index
      %swap3A_516 = tpu.vector_load %arg17[%swap3A_515] {strides = array<i32>} : memref<256xf32, #tpu.memory_space<vmem>>, vector<16xf32>,
      tpu.vector_store %arg17[%swap3A_515], %add3A_514 {strides = array<i32>} : memref<256xf32, #tpu.memory_space<vmem>>, vector<16xf32>,
      %mul3A_517 = arith.constant 16 : i32
      %mul3A_518 = arith.muli %scan3A_307, %mul3A_517 : i32
      %add3A_519 = arith.constant 4 : i32
      %add3A_520 = arith.addi %mul3A_518, %add3A_519 : i32
      %get3A_521 = arith.index_cast %add3A_520 : i32 to index
      %get3A_522 = arith.constant 0 : index
      %get3A_523 = tpu.vector_load %arg12[%get3A_521, %get3A_522] {strides = array<i32>} : memref<128x128xf32, #tpu.memory_space<vmem>>, vector<16xf32>,
      %get3A_524 = arith.index_cast %add3A_520 : i32 to index
      %get3A_525 = arith.constant 0 : index
      %get3A_526 = tpu.vector_load %arg13[%get3A_524, %get3A_525] {strides = array<i32>} : memref<128x128xf32, #tpu.memory_space<vmem>>, vector<16xf32>,
      %get3A_527 = arith.index_cast %add3A_520 : i32 to index
      %get3A_528 = arith.constant 0 : index
      %get3A_529 = tpu.vector_load %arg14[%get3A_527, %get3A_528] {strides = array<i32>} : memref<128x128xf32, #tpu.memory_space<vmem>>, vector<16xf32>,
      %sub3A_530 = arith.subf %get3A_526, %get3A_529 : vector<16xf32>
      %mul3A_531 = arith.mulf %get3A_523, %sub3A_530 : vector<16xf32>
      %get3A_532 = arith.index_cast %add3A_520 : i32 to index
      %get3A_533 = arith.constant 16 : index
      %get3A_534 = tpu.vector_load %arg12[%get3A_532, %get3A_533] {strides = array<i32>} : memref<128x128xf32, #tpu.memory_space<vmem>>, vector<16xf32>,
      %get3A_535 = arith.index_cast %add3A_520 : i32 to index
      %get3A_536 = arith.constant 16 : index
      %get3A_537 = tpu.vector_load %arg13[%get3A_535, %get3A_536] {strides = array<i32>} : memref<128x128xf32, #tpu.memory_space<vmem>>, vector<16xf32>,
      %get3A_538 = arith.index_cast %add3A_520 : i32 to index
      %get3A_539 = arith.constant 16 : index
      %get3A_540 = tpu.vector_load %arg14[%get3A_538, %get3A_539] {strides = array<i32>} : memref<128x128xf32, #tpu.memory_space<vmem>>, vector<16xf32>,
      %sub3A_541 = arith.subf %get3A_537, %get3A_540 : vector<16xf32>
      %mul3A_542 = arith.mulf %get3A_534, %sub3A_541 : vector<16xf32>
      %add3A_543 = arith.addf %mul3A_531, %mul3A_542 : vector<16xf32>
      %get3A_544 = arith.index_cast %add3A_520 : i32 to index
      %get3A_545 = arith.constant 32 : index
      %get3A_546 = tpu.vector_load %arg12[%get3A_544, %get3A_545] {strides = array<i32>} : memref<128x128xf32, #tpu.memory_space<vmem>>, vector<16xf32>,
      %get3A_547 = arith.index_cast %add3A_520 : i32 to index
      %get3A_548 = arith.constant 32 : index
      %get3A_549 = tpu.vector_load %arg13[%get3A_547, %get3A_548] {strides = array<i32>} : memref<128x128xf32, #tpu.memory_space<vmem>>, vector<16xf32>,
      %get3A_550 = arith.index_cast %add3A_520 : i32 to index
      %get3A_551 = arith.constant 32 : index
      %get3A_552 = tpu.vector_load %arg14[%get3A_550, %get3A_551] {strides = array<i32>} : memref<128x128xf32, #tpu.memory_space<vmem>>, vector<16xf32>,
      %sub3A_553 = arith.subf %get3A_549, %get3A_552 : vector<16xf32>
      %mul3A_554 = arith.mulf %get3A_546, %sub3A_553 : vector<16xf32>
      %add3A_555 = arith.addf %add3A_543, %mul3A_554 : vector<16xf32>
      %get3A_556 = arith.index_cast %add3A_520 : i32 to index
      %get3A_557 = arith.constant 48 : index
      %get3A_558 = tpu.vector_load %arg12[%get3A_556, %get3A_557] {strides = array<i32>} : memref<128x128xf32, #tpu.memory_space<vmem>>, vector<16xf32>,
      %get3A_559 = arith.index_cast %add3A_520 : i32 to index
      %get3A_560 = arith.constant 48 : index
      %get3A_561 = tpu.vector_load %arg13[%get3A_559, %get3A_560] {strides = array<i32>} : memref<128x128xf32, #tpu.memory_space<vmem>>, vector<16xf32>,
      %get3A_562 = arith.index_cast %add3A_520 : i32 to index
      %get3A_563 = arith.constant 48 : index
      %get3A_564 = tpu.vector_load %arg14[%get3A_562, %get3A_563] {strides = array<i32>} : memref<128x128xf32, #tpu.memory_space<vmem>>, vector<16xf32>,
      %sub3A_565 = arith.subf %get3A_561, %get3A_564 : vector<16xf32>
      %mul3A_566 = arith.mulf %get3A_558, %sub3A_565 : vector<16xf32>
      %add3A_567 = arith.addf %add3A_555, %mul3A_566 : vector<16xf32>
      %swap3A_568 = arith.constant 64 : index
      %swap3A_569 = tpu.vector_load %arg17[%swap3A_568] {strides = array<i32>} : memref<256xf32, #tpu.memory_space<vmem>>, vector<16xf32>,
      tpu.vector_store %arg17[%swap3A_568], %add3A_567 {strides = array<i32>} : memref<256xf32, #tpu.memory_space<vmem>>, vector<16xf32>,
      %mul3A_570 = arith.constant 16 : i32
      %mul3A_571 = arith.muli %scan3A_307, %mul3A_570 : i32
      %add3A_572 = arith.constant 5 : i32
      %add3A_573 = arith.addi %mul3A_571, %add3A_572 : i32
      %get3A_574 = arith.index_cast %add3A_573 : i32 to index
      %get3A_575 = arith.constant 0 : index
      %get3A_576 = tpu.vector_load %arg12[%get3A_574, %get3A_575] {strides = array<i32>} : memref<128x128xf32, #tpu.memory_space<vmem>>, vector<16xf32>,
      %get3A_577 = arith.index_cast %add3A_573 : i32 to index
      %get3A_578 = arith.constant 0 : index
      %get3A_579 = tpu.vector_load %arg13[%get3A_577, %get3A_578] {strides = array<i32>} : memref<128x128xf32, #tpu.memory_space<vmem>>, vector<16xf32>,
      %get3A_580 = arith.index_cast %add3A_573 : i32 to index
      %get3A_581 = arith.constant 0 : index
      %get3A_582 = tpu.vector_load %arg14[%get3A_580, %get3A_581] {strides = array<i32>} : memref<128x128xf32, #tpu.memory_space<vmem>>, vector<16xf32>,
      %sub3A_583 = arith.subf %get3A_579, %get3A_582 : vector<16xf32>
      %mul3A_584 = arith.mulf %get3A_576, %sub3A_583 : vector<16xf32>
      %get3A_585 = arith.index_cast %add3A_573 : i32 to index
      %get3A_586 = arith.constant 16 : index
      %get3A_587 = tpu.vector_load %arg12[%get3A_585, %get3A_586] {strides = array<i32>} : memref<128x128xf32, #tpu.memory_space<vmem>>, vector<16xf32>,
      %get3A_588 = arith.index_cast %add3A_573 : i32 to index
      %get3A_589 = arith.constant 16 : index
      %get3A_590 = tpu.vector_load %arg13[%get3A_588, %get3A_589] {strides = array<i32>} : memref<128x128xf32, #tpu.memory_space<vmem>>, vector<16xf32>,
      %get3A_591 = arith.index_cast %add3A_573 : i32 to index
      %get3A_592 = arith.constant 16 : index
      %get3A_593 = tpu.vector_load %arg14[%get3A_591, %get3A_592] {strides = array<i32>} : memref<128x128xf32, #tpu.memory_space<vmem>>, vector<16xf32>,
      %sub3A_594 = arith.subf %get3A_590, %get3A_593 : vector<16xf32>
      %mul3A_595 = arith.mulf %get3A_587, %sub3A_594 : vector<16xf32>
      %add3A_596 = arith.addf %mul3A_584, %mul3A_595 : vector<16xf32>
      %get3A_597 = arith.index_cast %add3A_573 : i32 to index
      %get3A_598 = arith.constant 32 : index
      %get3A_599 = tpu.vector_load %arg12[%get3A_597, %get3A_598] {strides = array<i32>} : memref<128x128xf32, #tpu.memory_space<vmem>>, vector<16xf32>,
      %get3A_600 = arith.index_cast %add3A_573 : i32 to index
      %get3A_601 = arith.constant 32 : index
      %get3A_602 = tpu.vector_load %arg13[%get3A_600, %get3A_601] {strides = array<i32>} : memref<128x128xf32, #tpu.memory_space<vmem>>, vector<16xf32>,
      %get3A_603 = arith.index_cast %add3A_573 : i32 to index
      %get3A_604 = arith.constant 32 : index
      %get3A_605 = tpu.vector_load %arg14[%get3A_603, %get3A_604] {strides = array<i32>} : memref<128x128xf32, #tpu.memory_space<vmem>>, vector<16xf32>,
      %sub3A_606 = arith.subf %get3A_602, %get3A_605 : vector<16xf32>
      %mul3A_607 = arith.mulf %get3A_599, %sub3A_606 : vector<16xf32>
      %add3A_608 = arith.addf %add3A_596, %mul3A_607 : vector<16xf32>
      %get3A_609 = arith.index_cast %add3A_573 : i32 to index
      %get3A_610 = arith.constant 48 : index
      %get3A_611 = tpu.vector_load %arg12[%get3A_609, %get3A_610] {strides = array<i32>} : memref<128x128xf32, #tpu.memory_space<vmem>>, vector<16xf32>,
      %get3A_612 = arith.index_cast %add3A_573 : i32 to index
      %get3A_613 = arith.constant 48 : index
      %get3A_614 = tpu.vector_load %arg13[%get3A_612, %get3A_613] {strides = array<i32>} : memref<128x128xf32, #tpu.memory_space<vmem>>, vector<16xf32>,
      %get3A_615 = arith.index_cast %add3A_573 : i32 to index
      %get3A_616 = arith.constant 48 : index
      %get3A_617 = tpu.vector_load %arg14[%get3A_615, %get3A_616] {strides = array<i32>} : memref<128x128xf32, #tpu.memory_space<vmem>>, vector<16xf32>,
      %sub3A_618 = arith.subf %get3A_614, %get3A_617 : vector<16xf32>
      %mul3A_619 = arith.mulf %get3A_611, %sub3A_618 : vector<16xf32>
      %add3A_620 = arith.addf %add3A_608, %mul3A_619 : vector<16xf32>
      %swap3A_621 = arith.constant 80 : index
      %swap3A_622 = tpu.vector_load %arg17[%swap3A_621] {strides = array<i32>} : memref<256xf32, #tpu.memory_space<vmem>>, vector<16xf32>,
      tpu.vector_store %arg17[%swap3A_621], %add3A_620 {strides = array<i32>} : memref<256xf32, #tpu.memory_space<vmem>>, vector<16xf32>,
      %mul3A_623 = arith.constant 16 : i32
      %mul3A_624 = arith.muli %scan3A_307, %mul3A_623 : i32
      %add3A_625 = arith.constant 6 : i32
      %add3A_626 = arith.addi %mul3A_624, %add3A_625 : i32
      %get3A_627 = arith.index_cast %add3A_626 : i32 to index
      %get3A_628 = arith.constant 0 : index
      %get3A_629 = tpu.vector_load %arg12[%get3A_627, %get3A_628] {strides = array<i32>} : memref<128x128xf32, #tpu.memory_space<vmem>>, vector<16xf32>,
      %get3A_630 = arith.index_cast %add3A_626 : i32 to index
      %get3A_631 = arith.constant 0 : index
      %get3A_632 = tpu.vector_load %arg13[%get3A_630, %get3A_631] {strides = array<i32>} : memref<128x128xf32, #tpu.memory_space<vmem>>, vector<16xf32>,
      %get3A_633 = arith.index_cast %add3A_626 : i32 to index
      %get3A_634 = arith.constant 0 : index
      %get3A_635 = tpu.vector_load %arg14[%get3A_633, %get3A_634] {strides = array<i32>} : memref<128x128xf32, #tpu.memory_space<vmem>>, vector<16xf32>,
      %sub3A_636 = arith.subf %get3A_632, %get3A_635 : vector<16xf32>
      %mul3A_637 = arith.mulf %get3A_629, %sub3A_636 : vector<16xf32>
      %get3A_638 = arith.index_cast %add3A_626 : i32 to index
      %get3A_639 = arith.constant 16 : index
      %get3A_640 = tpu.vector_load %arg12[%get3A_638, %get3A_639] {strides = array<i32>} : memref<128x128xf32, #tpu.memory_space<vmem>>, vector<16xf32>,
      %get3A_641 = arith.index_cast %add3A_626 : i32 to index
      %get3A_642 = arith.constant 16 : index
      %get3A_643 = tpu.vector_load %arg13[%get3A_641, %get3A_642] {strides = array<i32>} : memref<128x128xf32, #tpu.memory_space<vmem>>, vector<16xf32>,
      %get3A_644 = arith.index_cast %add3A_626 : i32 to index
      %get3A_645 = arith.constant 16 : index
      %get3A_646 = tpu.vector_load %arg14[%get3A_644, %get3A_645] {strides = array<i32>} : memref<128x128xf32, #tpu.memory_space<vmem>>, vector<16xf32>,
      %sub3A_647 = arith.subf %get3A_643, %get3A_646 : vector<16xf32>
      %mul3A_648 = arith.mulf %get3A_640, %sub3A_647 : vector<16xf32>
      %add3A_649 = arith.addf %mul3A_637, %mul3A_648 : vector<16xf32>
      %get3A_650 = arith.index_cast %add3A_626 : i32 to index
      %get3A_651 = arith.constant 32 : index
      %get3A_652 = tpu.vector_load %arg12[%get3A_650, %get3A_651] {strides = array<i32>} : memref<128x128xf32, #tpu.memory_space<vmem>>, vector<16xf32>,
      %get3A_653 = arith.index_cast %add3A_626 : i32 to index
      %get3A_654 = arith.constant 32 : index
      %get3A_655 = tpu.vector_load %arg13[%get3A_653, %get3A_654] {strides = array<i32>} : memref<128x128xf32, #tpu.memory_space<vmem>>, vector<16xf32>,
      %get3A_656 = arith.index_cast %add3A_626 : i32 to index
      %get3A_657 = arith.constant 32 : index
      %get3A_658 = tpu.vector_load %arg14[%get3A_656, %get3A_657] {strides = array<i32>} : memref<128x128xf32, #tpu.memory_space<vmem>>, vector<16xf32>,
      %sub3A_659 = arith.subf %get3A_655, %get3A_658 : vector<16xf32>
      %mul3A_660 = arith.mulf %get3A_652, %sub3A_659 : vector<16xf32>
      %add3A_661 = arith.addf %add3A_649, %mul3A_660 : vector<16xf32>
      %get3A_662 = arith.index_cast %add3A_626 : i32 to index
      %get3A_663 = arith.constant 48 : index
      %get3A_664 = tpu.vector_load %arg12[%get3A_662, %get3A_663] {strides = array<i32>} : memref<128x128xf32, #tpu.memory_space<vmem>>, vector<16xf32>,
      %get3A_665 = arith.index_cast %add3A_626 : i32 to index
      %get3A_666 = arith.constant 48 : index
      %get3A_667 = tpu.vector_load %arg13[%get3A_665, %get3A_666] {strides = array<i32>} : memref<128x128xf32, #tpu.memory_space<vmem>>, vector<16xf32>,
      %get3A_668 = arith.index_cast %add3A_626 : i32 to index
      %get3A_669 = arith.constant 48 : index
      %get3A_670 = tpu.vector_load %arg14[%get3A_668, %get3A_669] {strides = array<i32>} : memref<128x128xf32, #tpu.memory_space<vmem>>, vector<16xf32>,
      %sub3A_671 = arith.subf %get3A_667, %get3A_670 : vector<16xf32>
      %mul3A_672 = arith.mulf %get3A_664, %sub3A_671 : vector<16xf32>
      %add3A_673 = arith.addf %add3A_661, %mul3A_672 : vector<16xf32>
      %swap3A_674 = arith.constant 96 : index
      %swap3A_675 = tpu.vector_load %arg17[%swap3A_674] {strides = array<i32>} : memref<256xf32, #tpu.memory_space<vmem>>, vector<16xf32>,
      tpu.vector_store %arg17[%swap3A_674], %add3A_673 {strides = array<i32>} : memref<256xf32, #tpu.memory_space<vmem>>, vector<16xf32>,
      %mul3A_676 = arith.constant 16 : i32
      %mul3A_677 = arith.muli %scan3A_307, %mul3A_676 : i32
      %add3A_678 = arith.constant 7 : i32
      %add3A_679 = arith.addi %mul3A_677, %add3A_678 : i32
      %get3A_680 = arith.index_cast %add3A_679 : i32 to index
      %get3A_681 = arith.constant 0 : index
      %get3A_682 = tpu.vector_load %arg12[%get3A_680, %get3A_681] {strides = array<i32>} : memref<128x128xf32, #tpu.memory_space<vmem>>, vector<16xf32>,
      %get3A_683 = arith.index_cast %add3A_679 : i32 to index
      %get3A_684 = arith.constant 0 : index
      %get3A_685 = tpu.vector_load %arg13[%get3A_683, %get3A_684] {strides = array<i32>} : memref<128x128xf32, #tpu.memory_space<vmem>>, vector<16xf32>,
      %get3A_686 = arith.index_cast %add3A_679 : i32 to index
      %get3A_687 = arith.constant 0 : index
      %get3A_688 = tpu.vector_load %arg14[%get3A_686, %get3A_687] {strides = array<i32>} : memref<128x128xf32, #tpu.memory_space<vmem>>, vector<16xf32>,
      %sub3A_689 = arith.subf %get3A_685, %get3A_688 : vector<16xf32>
      %mul3A_690 = arith.mulf %get3A_682, %sub3A_689 : vector<16xf32>
      %get3A_691 = arith.index_cast %add3A_679 : i32 to index
      %get3A_692 = arith.constant 16 : index
      %get3A_693 = tpu.vector_load %arg12[%get3A_691, %get3A_692] {strides = array<i32>} : memref<128x128xf32, #tpu.memory_space<vmem>>, vector<16xf32>,
      %get3A_694 = arith.index_cast %add3A_679 : i32 to index
      %get3A_695 = arith.constant 16 : index
      %get3A_696 = tpu.vector_load %arg13[%get3A_694, %get3A_695] {strides = array<i32>} : memref<128x128xf32, #tpu.memory_space<vmem>>, vector<16xf32>,
      %get3A_697 = arith.index_cast %add3A_679 : i32 to index
      %get3A_698 = arith.constant 16 : index
      %get3A_699 = tpu.vector_load %arg14[%get3A_697, %get3A_698] {strides = array<i32>} : memref<128x128xf32, #tpu.memory_space<vmem>>, vector<16xf32>,
      %sub3A_700 = arith.subf %get3A_696, %get3A_699 : vector<16xf32>
      %mul3A_701 = arith.mulf %get3A_693, %sub3A_700 : vector<16xf32>
      %add3A_702 = arith.addf %mul3A_690, %mul3A_701 : vector<16xf32>
      %get3A_703 = arith.index_cast %add3A_679 : i32 to index
      %get3A_704 = arith.constant 32 : index
      %get3A_705 = tpu.vector_load %arg12[%get3A_703, %get3A_704] {strides = array<i32>} : memref<128x128xf32, #tpu.memory_space<vmem>>, vector<16xf32>,
      %get3A_706 = arith.index_cast %add3A_679 : i32 to index
      %get3A_707 = arith.constant 32 : index
      %get3A_708 = tpu.vector_load %arg13[%get3A_706, %get3A_707] {strides = array<i32>} : memref<128x128xf32, #tpu.memory_space<vmem>>, vector<16xf32>,
      %get3A_709 = arith.index_cast %add3A_679 : i32 to index
      %get3A_710 = arith.constant 32 : index
      %get3A_711 = tpu.vector_load %arg14[%get3A_709, %get3A_710] {strides = array<i32>} : memref<128x128xf32, #tpu.memory_space<vmem>>, vector<16xf32>,
      %sub3A_712 = arith.subf %get3A_708, %get3A_711 : vector<16xf32>
      %mul3A_713 = arith.mulf %get3A_705, %sub3A_712 : vector<16xf32>
      %add3A_714 = arith.addf %add3A_702, %mul3A_713 : vector<16xf32>
      %get3A_715 = arith.index_cast %add3A_679 : i32 to index
      %get3A_716 = arith.constant 48 : index
      %get3A_717 = tpu.vector_load %arg12[%get3A_715, %get3A_716] {strides = array<i32>} : memref<128x128xf32, #tpu.memory_space<vmem>>, vector<16xf32>,
      %get3A_718 = arith.index_cast %add3A_679 : i32 to index
      %get3A_719 = arith.constant 48 : index
      %get3A_720 = tpu.vector_load %arg13[%get3A_718, %get3A_719] {strides = array<i32>} : memref<128x128xf32, #tpu.memory_space<vmem>>, vector<16xf32>,
      %get3A_721 = arith.index_cast %add3A_679 : i32 to index
      %get3A_722 = arith.constant 48 : index
      %get3A_723 = tpu.vector_load %arg14[%get3A_721, %get3A_722] {strides = array<i32>} : memref<128x128xf32, #tpu.memory_space<vmem>>, vector<16xf32>,
      %sub3A_724 = arith.subf %get3A_720, %get3A_723 : vector<16xf32>
      %mul3A_725 = arith.mulf %get3A_717, %sub3A_724 : vector<16xf32>
      %add3A_726 = arith.addf %add3A_714, %mul3A_725 : vector<16xf32>
      %swap3A_727 = arith.constant 112 : index
      %swap3A_728 = tpu.vector_load %arg17[%swap3A_727] {strides = array<i32>} : memref<256xf32, #tpu.memory_space<vmem>>, vector<16xf32>,
      tpu.vector_store %arg17[%swap3A_727], %add3A_726 {strides = array<i32>} : memref<256xf32, #tpu.memory_space<vmem>>, vector<16xf32>,
      %mul3A_729 = arith.constant 16 : i32
      %mul3A_730 = arith.muli %scan3A_307, %mul3A_729 : i32
      %add3A_731 = arith.constant 8 : i32
      %add3A_732 = arith.addi %mul3A_730, %add3A_731 : i32
      %get3A_733 = arith.index_cast %add3A_732 : i32 to index
      %get3A_734 = arith.constant 0 : index
      %get3A_735 = tpu.vector_load %arg12[%get3A_733, %get3A_734] {strides = array<i32>} : memref<128x128xf32, #tpu.memory_space<vmem>>, vector<16xf32>,
      %get3A_736 = arith.index_cast %add3A_732 : i32 to index
      %get3A_737 = arith.constant 0 : index
      %get3A_738 = tpu.vector_load %arg13[%get3A_736, %get3A_737] {strides = array<i32>} : memref<128x128xf32, #tpu.memory_space<vmem>>, vector<16xf32>,
      %get3A_739 = arith.index_cast %add3A_732 : i32 to index
      %get3A_740 = arith.constant 0 : index
      %get3A_741 = tpu.vector_load %arg14[%get3A_739, %get3A_740] {strides = array<i32>} : memref<128x128xf32, #tpu.memory_space<vmem>>, vector<16xf32>,
      %sub3A_742 = arith.subf %get3A_738, %get3A_741 : vector<16xf32>
      %mul3A_743 = arith.mulf %get3A_735, %sub3A_742 : vector<16xf32>
      %get3A_744 = arith.index_cast %add3A_732 : i32 to index
      %get3A_745 = arith.constant 16 : index
      %get3A_746 = tpu.vector_load %arg12[%get3A_744, %get3A_745] {strides = array<i32>} : memref<128x128xf32, #tpu.memory_space<vmem>>, vector<16xf32>,
      %get3A_747 = arith.index_cast %add3A_732 : i32 to index
      %get3A_748 = arith.constant 16 : index
      %get3A_749 = tpu.vector_load %arg13[%get3A_747, %get3A_748] {strides = array<i32>} : memref<128x128xf32, #tpu.memory_space<vmem>>, vector<16xf32>,
      %get3A_750 = arith.index_cast %add3A_732 : i32 to index
      %get3A_751 = arith.constant 16 : index
      %get3A_752 = tpu.vector_load %arg14[%get3A_750, %get3A_751] {strides = array<i32>} : memref<128x128xf32, #tpu.memory_space<vmem>>, vector<16xf32>,
      %sub3A_753 = arith.subf %get3A_749, %get3A_752 : vector<16xf32>
      %mul3A_754 = arith.mulf %get3A_746, %sub3A_753 : vector<16xf32>
      %add3A_755 = arith.addf %mul3A_743, %mul3A_754 : vector<16xf32>
      %get3A_756 = arith.index_cast %add3A_732 : i32 to index
      %get3A_757 = arith.constant 32 : index
      %get3A_758 = tpu.vector_load %arg12[%get3A_756, %get3A_757] {strides = array<i32>} : memref<128x128xf32, #tpu.memory_space<vmem>>, vector<16xf32>,
      %get3A_759 = arith.index_cast %add3A_732 : i32 to index
      %get3A_760 = arith.constant 32 : index
      %get3A_761 = tpu.vector_load %arg13[%get3A_759, %get3A_760] {strides = array<i32>} : memref<128x128xf32, #tpu.memory_space<vmem>>, vector<16xf32>,
      %get3A_762 = arith.index_cast %add3A_732 : i32 to index
      %get3A_763 = arith.constant 32 : index
      %get3A_764 = tpu.vector_load %arg14[%get3A_762, %get3A_763] {strides = array<i32>} : memref<128x128xf32, #tpu.memory_space<vmem>>, vector<16xf32>,
      %sub3A_765 = arith.subf %get3A_761, %get3A_764 : vector<16xf32>
      %mul3A_766 = arith.mulf %get3A_758, %sub3A_765 : vector<16xf32>
      %add3A_767 = arith.addf %add3A_755, %mul3A_766 : vector<16xf32>
      %get3A_768 = arith.index_cast %add3A_732 : i32 to index
      %get3A_769 = arith.constant 48 : index
      %get3A_770 = tpu.vector_load %arg12[%get3A_768, %get3A_769] {strides = array<i32>} : memref<128x128xf32, #tpu.memory_space<vmem>>, vector<16xf32>,
      %get3A_771 = arith.index_cast %add3A_732 : i32 to index
      %get3A_772 = arith.constant 48 : index
      %get3A_773 = tpu.vector_load %arg13[%get3A_771, %get3A_772] {strides = array<i32>} : memref<128x128xf32, #tpu.memory_space<vmem>>, vector<16xf32>,
      %get3A_774 = arith.index_cast %add3A_732 : i32 to index
      %get3A_775 = arith.constant 48 : index
      %get3A_776 = tpu.vector_load %arg14[%get3A_774, %get3A_775] {strides = array<i32>} : memref<128x128xf32, #tpu.memory_space<vmem>>, vector<16xf32>,
      %sub3A_777 = arith.subf %get3A_773, %get3A_776 : vector<16xf32>
      %mul3A_778 = arith.mulf %get3A_770, %sub3A_777 : vector<16xf32>
      %add3A_779 = arith.addf %add3A_767, %mul3A_778 : vector<16xf32>
      %swap3A_780 = arith.constant 128 : index
      %swap3A_781 = tpu.vector_load %arg17[%swap3A_780] {strides = array<i32>} : memref<256xf32, #tpu.memory_space<vmem>>, vector<16xf32>,
      tpu.vector_store %arg17[%swap3A_780], %add3A_779 {strides = array<i32>} : memref<256xf32, #tpu.memory_space<vmem>>, vector<16xf32>,
      %mul3A_782 = arith.constant 16 : i32
      %mul3A_783 = arith.muli %scan3A_307, %mul3A_782 : i32
      %add3A_784 = arith.constant 9 : i32
      %add3A_785 = arith.addi %mul3A_783, %add3A_784 : i32
      %get3A_786 = arith.index_cast %add3A_785 : i32 to index
      %get3A_787 = arith.constant 0 : index
      %get3A_788 = tpu.vector_load %arg12[%get3A_786, %get3A_787] {strides = array<i32>} : memref<128x128xf32, #tpu.memory_space<vmem>>, vector<16xf32>,
      %get3A_789 = arith.index_cast %add3A_785 : i32 to index
      %get3A_790 = arith.constant 0 : index
      %get3A_791 = tpu.vector_load %arg13[%get3A_789, %get3A_790] {strides = array<i32>} : memref<128x128xf32, #tpu.memory_space<vmem>>, vector<16xf32>,
      %get3A_792 = arith.index_cast %add3A_785 : i32 to index
      %get3A_793 = arith.constant 0 : index
      %get3A_794 = tpu.vector_load %arg14[%get3A_792, %get3A_793] {strides = array<i32>} : memref<128x128xf32, #tpu.memory_space<vmem>>, vector<16xf32>,
      %sub3A_795 = arith.subf %get3A_791, %get3A_794 : vector<16xf32>
      %mul3A_796 = arith.mulf %get3A_788, %sub3A_795 : vector<16xf32>
      %get3A_797 = arith.index_cast %add3A_785 : i32 to index
      %get3A_798 = arith.constant 16 : index
      %get3A_799 = tpu.vector_load %arg12[%get3A_797, %get3A_798] {strides = array<i32>} : memref<128x128xf32, #tpu.memory_space<vmem>>, vector<16xf32>,
      %get3A_800 = arith.index_cast %add3A_785 : i32 to index
      %get3A_801 = arith.constant 16 : index
      %get3A_802 = tpu.vector_load %arg13[%get3A_800, %get3A_801] {strides = array<i32>} : memref<128x128xf32, #tpu.memory_space<vmem>>, vector<16xf32>,
      %get3A_803 = arith.index_cast %add3A_785 : i32 to index
      %get3A_804 = arith.constant 16 : index
      %get3A_805 = tpu.vector_load %arg14[%get3A_803, %get3A_804] {strides = array<i32>} : memref<128x128xf32, #tpu.memory_space<vmem>>, vector<16xf32>,
      %sub3A_806 = arith.subf %get3A_802, %get3A_805 : vector<16xf32>
      %mul3A_807 = arith.mulf %get3A_799, %sub3A_806 : vector<16xf32>
      %add3A_808 = arith.addf %mul3A_796, %mul3A_807 : vector<16xf32>
      %get3A_809 = arith.index_cast %add3A_785 : i32 to index
      %get3A_810 = arith.constant 32 : index
      %get3A_811 = tpu.vector_load %arg12[%get3A_809, %get3A_810] {strides = array<i32>} : memref<128x128xf32, #tpu.memory_space<vmem>>, vector<16xf32>,
      %get3A_812 = arith.index_cast %add3A_785 : i32 to index
      %get3A_813 = arith.constant 32 : index
      %get3A_814 = tpu.vector_load %arg13[%get3A_812, %get3A_813] {strides = array<i32>} : memref<128x128xf32, #tpu.memory_space<vmem>>, vector<16xf32>,
      %get3A_815 = arith.index_cast %add3A_785 : i32 to index
      %get3A_816 = arith.constant 32 : index
      %get3A_817 = tpu.vector_load %arg14[%get3A_815, %get3A_816] {strides = array<i32>} : memref<128x128xf32, #tpu.memory_space<vmem>>, vector<16xf32>,
      %sub3A_818 = arith.subf %get3A_814, %get3A_817 : vector<16xf32>
      %mul3A_819 = arith.mulf %get3A_811, %sub3A_818 : vector<16xf32>
      %add3A_820 = arith.addf %add3A_808, %mul3A_819 : vector<16xf32>
      %get3A_821 = arith.index_cast %add3A_785 : i32 to index
      %get3A_822 = arith.constant 48 : index
      %get3A_823 = tpu.vector_load %arg12[%get3A_821, %get3A_822] {strides = array<i32>} : memref<128x128xf32, #tpu.memory_space<vmem>>, vector<16xf32>,
      %get3A_824 = arith.index_cast %add3A_785 : i32 to index
      %get3A_825 = arith.constant 48 : index
      %get3A_826 = tpu.vector_load %arg13[%get3A_824, %get3A_825] {strides = array<i32>} : memref<128x128xf32, #tpu.memory_space<vmem>>, vector<16xf32>,
      %get3A_827 = arith.index_cast %add3A_785 : i32 to index
      %get3A_828 = arith.constant 48 : index
      %get3A_829 = tpu.vector_load %arg14[%get3A_827, %get3A_828] {strides = array<i32>} : memref<128x128xf32, #tpu.memory_space<vmem>>, vector<16xf32>,
      %sub3A_830 = arith.subf %get3A_826, %get3A_829 : vector<16xf32>
      %mul3A_831 = arith.mulf %get3A_823, %sub3A_830 : vector<16xf32>
      %add3A_832 = arith.addf %add3A_820, %mul3A_831 : vector<16xf32>
      %swap3A_833 = arith.constant 144 : index
      %swap3A_834 = tpu.vector_load %arg17[%swap3A_833] {strides = array<i32>} : memref<256xf32, #tpu.memory_space<vmem>>, vector<16xf32>,
      tpu.vector_store %arg17[%swap3A_833], %add3A_832 {strides = array<i32>} : memref<256xf32, #tpu.memory_space<vmem>>, vector<16xf32>,
      %mul3A_835 = arith.constant 16 : i32
      %mul3A_836 = arith.muli %scan3A_307, %mul3A_835 : i32
      %add3A_837 = arith.constant 10 : i32
      %add3A_838 = arith.addi %mul3A_836, %add3A_837 : i32
      %get3A_839 = arith.index_cast %add3A_838 : i32 to index
      %get3A_840 = arith.constant 0 : index
      %get3A_841 = tpu.vector_load %arg12[%get3A_839, %get3A_840] {strides = array<i32>} : memref<128x128xf32, #tpu.memory_space<vmem>>, vector<16xf32>,
      %get3A_842 = arith.index_cast %add3A_838 : i32 to index
      %get3A_843 = arith.constant 0 : index
      %get3A_844 = tpu.vector_load %arg13[%get3A_842, %get3A_843] {strides = array<i32>} : memref<128x128xf32, #tpu.memory_space<vmem>>, vector<16xf32>,
      %get3A_845 = arith.index_cast %add3A_838 : i32 to index
      %get3A_846 = arith.constant 0 : index
      %get3A_847 = tpu.vector_load %arg14[%get3A_845, %get3A_846] {strides = array<i32>} : memref<128x128xf32, #tpu.memory_space<vmem>>, vector<16xf32>,
      %sub3A_848 = arith.subf %get3A_844, %get3A_847 : vector<16xf32>
      %mul3A_849 = arith.mulf %get3A_841, %sub3A_848 : vector<16xf32>
      %get3A_850 = arith.index_cast %add3A_838 : i32 to index
      %get3A_851 = arith.constant 16 : index
      %get3A_852 = tpu.vector_load %arg12[%get3A_850, %get3A_851] {strides = array<i32>} : memref<128x128xf32, #tpu.memory_space<vmem>>, vector<16xf32>,
      %get3A_853 = arith.index_cast %add3A_838 : i32 to index
      %get3A_854 = arith.constant 16 : index
      %get3A_855 = tpu.vector_load %arg13[%get3A_853, %get3A_854] {strides = array<i32>} : memref<128x128xf32, #tpu.memory_space<vmem>>, vector<16xf32>,
      %get3A_856 = arith.index_cast %add3A_838 : i32 to index
      %get3A_857 = arith.constant 16 : index
      %get3A_858 = tpu.vector_load %arg14[%get3A_856, %get3A_857] {strides = array<i32>} : memref<128x128xf32, #tpu.memory_space<vmem>>, vector<16xf32>,
      %sub3A_859 = arith.subf %get3A_855, %get3A_858 : vector<16xf32>
      %mul3A_860 = arith.mulf %get3A_852, %sub3A_859 : vector<16xf32>
      %add3A_861 = arith.addf %mul3A_849, %mul3A_860 : vector<16xf32>
      %get3A_862 = arith.index_cast %add3A_838 : i32 to index
      %get3A_863 = arith.constant 32 : index
      %get3A_864 = tpu.vector_load %arg12[%get3A_862, %get3A_863] {strides = array<i32>} : memref<128x128xf32, #tpu.memory_space<vmem>>, vector<16xf32>,
      %get3A_865 = arith.index_cast %add3A_838 : i32 to index
      %get3A_866 = arith.constant 32 : index
      %get3A_867 = tpu.vector_load %arg13[%get3A_865, %get3A_866] {strides = array<i32>} : memref<128x128xf32, #tpu.memory_space<vmem>>, vector<16xf32>,
      %get3A_868 = arith.index_cast %add3A_838 : i32 to index
      %get3A_869 = arith.constant 32 : index
      %get3A_870 = tpu.vector_load %arg14[%get3A_868, %get3A_869] {strides = array<i32>} : memref<128x128xf32, #tpu.memory_space<vmem>>, vector<16xf32>,
      %sub3A_871 = arith.subf %get3A_867, %get3A_870 : vector<16xf32>
      %mul3A_872 = arith.mulf %get3A_864, %sub3A_871 : vector<16xf32>
      %add3A_873 = arith.addf %add3A_861, %mul3A_872 : vector<16xf32>
      %get3A_874 = arith.index_cast %add3A_838 : i32 to index
      %get3A_875 = arith.constant 48 : index
      %get3A_876 = tpu.vector_load %arg12[%get3A_874, %get3A_875] {strides = array<i32>} : memref<128x128xf32, #tpu.memory_space<vmem>>, vector<16xf32>,
      %get3A_877 = arith.index_cast %add3A_838 : i32 to index
      %get3A_878 = arith.constant 48 : index
      %get3A_879 = tpu.vector_load %arg13[%get3A_877, %get3A_878] {strides = array<i32>} : memref<128x128xf32, #tpu.memory_space<vmem>>, vector<16xf32>,
      %get3A_880 = arith.index_cast %add3A_838 : i32 to index
      %get3A_881 = arith.constant 48 : index
      %get3A_882 = tpu.vector_load %arg14[%get3A_880, %get3A_881] {strides = array<i32>} : memref<128x128xf32, #tpu.memory_space<vmem>>, vector<16xf32>,
      %sub3A_883 = arith.subf %get3A_879, %get3A_882 : vector<16xf32>
      %mul3A_884 = arith.mulf %get3A_876, %sub3A_883 : vector<16xf32>
      %add3A_885 = arith.addf %add3A_873, %mul3A_884 : vector<16xf32>
      %swap3A_886 = arith.constant 160 : index
      %swap3A_887 = tpu.vector_load %arg17[%swap3A_886] {strides = array<i32>} : memref<256xf32, #tpu.memory_space<vmem>>, vector<16xf32>,
      tpu.vector_store %arg17[%swap3A_886], %add3A_885 {strides = array<i32>} : memref<256xf32, #tpu.memory_space<vmem>>, vector<16xf32>,
      %mul3A_888 = arith.constant 16 : i32
      %mul3A_889 = arith.muli %scan3A_307, %mul3A_888 : i32
      %add3A_890 = arith.constant 11 : i32
      %add3A_891 = arith.addi %mul3A_889, %add3A_890 : i32
      %get3A_892 = arith.index_cast %add3A_891 : i32 to index
      %get3A_893 = arith.constant 0 : index
      %get3A_894 = tpu.vector_load %arg12[%get3A_892, %get3A_893] {strides = array<i32>} : memref<128x128xf32, #tpu.memory_space<vmem>>, vector<16xf32>,
      %get3A_895 = arith.index_cast %add3A_891 : i32 to index
      %get3A_896 = arith.constant 0 : index
      %get3A_897 = tpu.vector_load %arg13[%get3A_895, %get3A_896] {strides = array<i32>} : memref<128x128xf32, #tpu.memory_space<vmem>>, vector<16xf32>,
      %get3A_898 = arith.index_cast %add3A_891 : i32 to index
      %get3A_899 = arith.constant 0 : index
      %get3A_900 = tpu.vector_load %arg14[%get3A_898, %get3A_899] {strides = array<i32>} : memref<128x128xf32, #tpu.memory_space<vmem>>, vector<16xf32>,
      %sub3A_901 = arith.subf %get3A_897, %get3A_900 : vector<16xf32>
      %mul3A_902 = arith.mulf %get3A_894, %sub3A_901 : vector<16xf32>
      %get3A_903 = arith.index_cast %add3A_891 : i32 to index
      %get3A_904 = arith.constant 16 : index
      %get3A_905 = tpu.vector_load %arg12[%get3A_903, %get3A_904] {strides = array<i32>} : memref<128x128xf32, #tpu.memory_space<vmem>>, vector<16xf32>,
      %get3A_906 = arith.index_cast %add3A_891 : i32 to index
      %get3A_907 = arith.constant 16 : index
      %get3A_908 = tpu.vector_load %arg13[%get3A_906, %get3A_907] {strides = array<i32>} : memref<128x128xf32, #tpu.memory_space<vmem>>, vector<16xf32>,
      %get3A_909 = arith.index_cast %add3A_891 : i32 to index
      %get3A_910 = arith.constant 16 : index
      %get3A_911 = tpu.vector_load %arg14[%get3A_909, %get3A_910] {strides = array<i32>} : memref<128x128xf32, #tpu.memory_space<vmem>>, vector<16xf32>,
      %sub3A_912 = arith.subf %get3A_908, %get3A_911 : vector<16xf32>
      %mul3A_913 = arith.mulf %get3A_905, %sub3A_912 : vector<16xf32>
      %add3A_914 = arith.addf %mul3A_902, %mul3A_913 : vector<16xf32>
      %get3A_915 = arith.index_cast %add3A_891 : i32 to index
      %get3A_916 = arith.constant 32 : index
      %get3A_917 = tpu.vector_load %arg12[%get3A_915, %get3A_916] {strides = array<i32>} : memref<128x128xf32, #tpu.memory_space<vmem>>, vector<16xf32>,
      %get3A_918 = arith.index_cast %add3A_891 : i32 to index
      %get3A_919 = arith.constant 32 : index
      %get3A_920 = tpu.vector_load %arg13[%get3A_918, %get3A_919] {strides = array<i32>} : memref<128x128xf32, #tpu.memory_space<vmem>>, vector<16xf32>,
      %get3A_921 = arith.index_cast %add3A_891 : i32 to index
      %get3A_922 = arith.constant 32 : index
      %get3A_923 = tpu.vector_load %arg14[%get3A_921, %get3A_922] {strides = array<i32>} : memref<128x128xf32, #tpu.memory_space<vmem>>, vector<16xf32>,
      %sub3A_924 = arith.subf %get3A_920, %get3A_923 : vector<16xf32>
      %mul3A_925 = arith.mulf %get3A_917, %sub3A_924 : vector<16xf32>
      %add3A_926 = arith.addf %add3A_914, %mul3A_925 : vector<16xf32>
      %get3A_927 = arith.index_cast %add3A_891 : i32 to index
      %get3A_928 = arith.constant 48 : index
      %get3A_929 = tpu.vector_load %arg12[%get3A_927, %get3A_928] {strides = array<i32>} : memref<128x128xf32, #tpu.memory_space<vmem>>, vector<16xf32>,
      %get3A_930 = arith.index_cast %add3A_891 : i32 to index
      %get3A_931 = arith.constant 48 : index
      %get3A_932 = tpu.vector_load %arg13[%get3A_930, %get3A_931] {strides = array<i32>} : memref<128x128xf32, #tpu.memory_space<vmem>>, vector<16xf32>,
      %get3A_933 = arith.index_cast %add3A_891 : i32 to index
      %get3A_934 = arith.constant 48 : index
      %get3A_935 = tpu.vector_load %arg14[%get3A_933, %get3A_934] {strides = array<i32>} : memref<128x128xf32, #tpu.memory_space<vmem>>, vector<16xf32>,
      %sub3A_936 = arith.subf %get3A_932, %get3A_935 : vector<16xf32>
      %mul3A_937 = arith.mulf %get3A_929, %sub3A_936 : vector<16xf32>
      %add3A_938 = arith.addf %add3A_926, %mul3A_937 : vector<16xf32>
      %swap3A_939 = arith.constant 176 : index
      %swap3A_940 = tpu.vector_load %arg17[%swap3A_939] {strides = array<i32>} : memref<256xf32, #tpu.memory_space<vmem>>, vector<16xf32>,
      tpu.vector_store %arg17[%swap3A_939], %add3A_938 {strides = array<i32>} : memref<256xf32, #tpu.memory_space<vmem>>, vector<16xf32>,
      %mul3A_941 = arith.constant 16 : i32
      %mul3A_942 = arith.muli %scan3A_307, %mul3A_941 : i32
      %add3A_943 = arith.constant 12 : i32
      %add3A_944 = arith.addi %mul3A_942, %add3A_943 : i32
      %get3A_945 = arith.index_cast %add3A_944 : i32 to index
      %get3A_946 = arith.constant 0 : index
      %get3A_947 = tpu.vector_load %arg12[%get3A_945, %get3A_946] {strides = array<i32>} : memref<128x128xf32, #tpu.memory_space<vmem>>, vector<16xf32>,
      %get3A_948 = arith.index_cast %add3A_944 : i32 to index
      %get3A_949 = arith.constant 0 : index
      %get3A_950 = tpu.vector_load %arg13[%get3A_948, %get3A_949] {strides = array<i32>} : memref<128x128xf32, #tpu.memory_space<vmem>>, vector<16xf32>,
      %get3A_951 = arith.index_cast %add3A_944 : i32 to index
      %get3A_952 = arith.constant 0 : index
      %get3A_953 = tpu.vector_load %arg14[%get3A_951, %get3A_952] {strides = array<i32>} : memref<128x128xf32, #tpu.memory_space<vmem>>, vector<16xf32>,
      %sub3A_954 = arith.subf %get3A_950, %get3A_953 : vector<16xf32>
      %mul3A_955 = arith.mulf %get3A_947, %sub3A_954 : vector<16xf32>
      %get3A_956 = arith.index_cast %add3A_944 : i32 to index
      %get3A_957 = arith.constant 16 : index
      %get3A_958 = tpu.vector_load %arg12[%get3A_956, %get3A_957] {strides = array<i32>} : memref<128x128xf32, #tpu.memory_space<vmem>>, vector<16xf32>,
      %get3A_959 = arith.index_cast %add3A_944 : i32 to index
      %get3A_960 = arith.constant 16 : index
      %get3A_961 = tpu.vector_load %arg13[%get3A_959, %get3A_960] {strides = array<i32>} : memref<128x128xf32, #tpu.memory_space<vmem>>, vector<16xf32>,
      %get3A_962 = arith.index_cast %add3A_944 : i32 to index
      %get3A_963 = arith.constant 16 : index
      %get3A_964 = tpu.vector_load %arg14[%get3A_962, %get3A_963] {strides = array<i32>} : memref<128x128xf32, #tpu.memory_space<vmem>>, vector<16xf32>,
      %sub3A_965 = arith.subf %get3A_961, %get3A_964 : vector<16xf32>
      %mul3A_966 = arith.mulf %get3A_958, %sub3A_965 : vector<16xf32>
      %add3A_967 = arith.addf %mul3A_955, %mul3A_966 : vector<16xf32>
      %get3A_968 = arith.index_cast %add3A_944 : i32 to index
      %get3A_969 = arith.constant 32 : index
      %get3A_970 = tpu.vector_load %arg12[%get3A_968, %get3A_969] {strides = array<i32>} : memref<128x128xf32, #tpu.memory_space<vmem>>, vector<16xf32>,
      %get3A_971 = arith.index_cast %add3A_944 : i32 to index
      %get3A_972 = arith.constant 32 : index
      %get3A_973 = tpu.vector_load %arg13[%get3A_971, %get3A_972] {strides = array<i32>} : memref<128x128xf32, #tpu.memory_space<vmem>>, vector<16xf32>,
      %get3A_974 = arith.index_cast %add3A_944 : i32 to index
      %get3A_975 = arith.constant 32 : index
      %get3A_976 = tpu.vector_load %arg14[%get3A_974, %get3A_975] {strides = array<i32>} : memref<128x128xf32, #tpu.memory_space<vmem>>, vector<16xf32>,
      %sub3A_977 = arith.subf %get3A_973, %get3A_976 : vector<16xf32>
      %mul3A_978 = arith.mulf %get3A_970, %sub3A_977 : vector<16xf32>
      %add3A_979 = arith.addf %add3A_967, %mul3A_978 : vector<16xf32>
      %get3A_980 = arith.index_cast %add3A_944 : i32 to index
      %get3A_981 = arith.constant 48 : index
      %get3A_982 = tpu.vector_load %arg12[%get3A_980, %get3A_981] {strides = array<i32>} : memref<128x128xf32, #tpu.memory_space<vmem>>, vector<16xf32>,
      %get3A_983 = arith.index_cast %add3A_944 : i32 to index
      %get3A_984 = arith.constant 48 : index
      %get3A_985 = tpu.vector_load %arg13[%get3A_983, %get3A_984] {strides = array<i32>} : memref<128x128xf32, #tpu.memory_space<vmem>>, vector<16xf32>,
      %get3A_986 = arith.index_cast %add3A_944 : i32 to index
      %get3A_987 = arith.constant 48 : index
      %get3A_988 = tpu.vector_load %arg14[%get3A_986, %get3A_987] {strides = array<i32>} : memref<128x128xf32, #tpu.memory_space<vmem>>, vector<16xf32>,
      %sub3A_989 = arith.subf %get3A_985, %get3A_988 : vector<16xf32>
      %mul3A_990 = arith.mulf %get3A_982, %sub3A_989 : vector<16xf32>
      %add3A_991 = arith.addf %add3A_979, %mul3A_990 : vector<16xf32>
      %swap3A_992 = arith.constant 192 : index
      %swap3A_993 = tpu.vector_load %arg17[%swap3A_992] {strides = array<i32>} : memref<256xf32, #tpu.memory_space<vmem>>, vector<16xf32>,
      tpu.vector_store %arg17[%swap3A_992], %add3A_991 {strides = array<i32>} : memref<256xf32, #tpu.memory_space<vmem>>, vector<16xf32>,
      %mul3A_994 = arith.constant 16 : i32
      %mul3A_995 = arith.muli %scan3A_307, %mul3A_994 : i32
      %add3A_996 = arith.constant 13 : i32
      %add3A_997 = arith.addi %mul3A_995, %add3A_996 : i32
      %get3A_998 = arith.index_cast %add3A_997 : i32 to index
      %get3A_999 = arith.constant 0 : index
      %get3A_1000 = tpu.vector_load %arg12[%get3A_998, %get3A_999] {strides = array<i32>} : memref<128x128xf32, #tpu.memory_space<vmem>>, vector<16xf32>,
      %get3A_1001 = arith.index_cast %add3A_997 : i32 to index
      %get3A_1002 = arith.constant 0 : index
      %get3A_1003 = tpu.vector_load %arg13[%get3A_1001, %get3A_1002] {strides = array<i32>} : memref<128x128xf32, #tpu.memory_space<vmem>>, vector<16xf32>,
      %get3A_1004 = arith.index_cast %add3A_997 : i32 to index
      %get3A_1005 = arith.constant 0 : index
      %get3A_1006 = tpu.vector_load %arg14[%get3A_1004, %get3A_1005] {strides = array<i32>} : memref<128x128xf32, #tpu.memory_space<vmem>>, vector<16xf32>,
      %sub3A_1007 = arith.subf %get3A_1003, %get3A_1006 : vector<16xf32>
      %mul3A_1008 = arith.mulf %get3A_1000, %sub3A_1007 : vector<16xf32>
      %get3A_1009 = arith.index_cast %add3A_997 : i32 to index
      %get3A_1010 = arith.constant 16 : index
      %get3A_1011 = tpu.vector_load %arg12[%get3A_1009, %get3A_1010] {strides = array<i32>} : memref<128x128xf32, #tpu.memory_space<vmem>>, vector<16xf32>,
      %get3A_1012 = arith.index_cast %add3A_997 : i32 to index
      %get3A_1013 = arith.constant 16 : index
      %get3A_1014 = tpu.vector_load %arg13[%get3A_1012, %get3A_1013] {strides = array<i32>} : memref<128x128xf32, #tpu.memory_space<vmem>>, vector<16xf32>,
      %get3A_1015 = arith.index_cast %add3A_997 : i32 to index
      %get3A_1016 = arith.constant 16 : index
      %get3A_1017 = tpu.vector_load %arg14[%get3A_1015, %get3A_1016] {strides = array<i32>} : memref<128x128xf32, #tpu.memory_space<vmem>>, vector<16xf32>,
      %sub3A_1018 = arith.subf %get3A_1014, %get3A_1017 : vector<16xf32>
      %mul3A_1019 = arith.mulf %get3A_1011, %sub3A_1018 : vector<16xf32>
      %add3A_1020 = arith.addf %mul3A_1008, %mul3A_1019 : vector<16xf32>
      %get3A_1021 = arith.index_cast %add3A_997 : i32 to index
      %get3A_1022 = arith.constant 32 : index
      %get3A_1023 = tpu.vector_load %arg12[%get3A_1021, %get3A_1022] {strides = array<i32>} : memref<128x128xf32, #tpu.memory_space<vmem>>, vector<16xf32>,
      %get3A_1024 = arith.index_cast %add3A_997 : i32 to index
      %get3A_1025 = arith.constant 32 : index
      %get3A_1026 = tpu.vector_load %arg13[%get3A_1024, %get3A_1025] {strides = array<i32>} : memref<128x128xf32, #tpu.memory_space<vmem>>, vector<16xf32>,
      %get3A_1027 = arith.index_cast %add3A_997 : i32 to index
      %get3A_1028 = arith.constant 32 : index
      %get3A_1029 = tpu.vector_load %arg14[%get3A_1027, %get3A_1028] {strides = array<i32>} : memref<128x128xf32, #tpu.memory_space<vmem>>, vector<16xf32>,
      %sub3A_1030 = arith.subf %get3A_1026, %get3A_1029 : vector<16xf32>
      %mul3A_1031 = arith.mulf %get3A_1023, %sub3A_1030 : vector<16xf32>
      %add3A_1032 = arith.addf %add3A_1020, %mul3A_1031 : vector<16xf32>
      %get3A_1033 = arith.index_cast %add3A_997 : i32 to index
      %get3A_1034 = arith.constant 48 : index
      %get3A_1035 = tpu.vector_load %arg12[%get3A_1033, %get3A_1034] {strides = array<i32>} : memref<128x128xf32, #tpu.memory_space<vmem>>, vector<16xf32>,
      %get3A_1036 = arith.index_cast %add3A_997 : i32 to index
      %get3A_1037 = arith.constant 48 : index
      %get3A_1038 = tpu.vector_load %arg13[%get3A_1036, %get3A_1037] {strides = array<i32>} : memref<128x128xf32, #tpu.memory_space<vmem>>, vector<16xf32>,
      %get3A_1039 = arith.index_cast %add3A_997 : i32 to index
      %get3A_1040 = arith.constant 48 : index
      %get3A_1041 = tpu.vector_load %arg14[%get3A_1039, %get3A_1040] {strides = array<i32>} : memref<128x128xf32, #tpu.memory_space<vmem>>, vector<16xf32>,
      %sub3A_1042 = arith.subf %get3A_1038, %get3A_1041 : vector<16xf32>
      %mul3A_1043 = arith.mulf %get3A_1035, %sub3A_1042 : vector<16xf32>
      %add3A_1044 = arith.addf %add3A_1032, %mul3A_1043 : vector<16xf32>
      %swap3A_1045 = arith.constant 208 : index
      %swap3A_1046 = tpu.vector_load %arg17[%swap3A_1045] {strides = array<i32>} : memref<256xf32, #tpu.memory_space<vmem>>, vector<16xf32>,
      tpu.vector_store %arg17[%swap3A_1045], %add3A_1044 {strides = array<i32>} : memref<256xf32, #tpu.memory_space<vmem>>, vector<16xf32>,
      %mul3A_1047 = arith.constant 16 : i32
      %mul3A_1048 = arith.muli %scan3A_307, %mul3A_1047 : i32
      %add3A_1049 = arith.constant 14 : i32
      %add3A_1050 = arith.addi %mul3A_1048, %add3A_1049 : i32
      %get3A_1051 = arith.index_cast %add3A_1050 : i32 to index
      %get3A_1052 = arith.constant 0 : index
      %get3A_1053 = tpu.vector_load %arg12[%get3A_1051, %get3A_1052] {strides = array<i32>} : memref<128x128xf32, #tpu.memory_space<vmem>>, vector<16xf32>,
      %get3A_1054 = arith.index_cast %add3A_1050 : i32 to index
      %get3A_1055 = arith.constant 0 : index
      %get3A_1056 = tpu.vector_load %arg13[%get3A_1054, %get3A_1055] {strides = array<i32>} : memref<128x128xf32, #tpu.memory_space<vmem>>, vector<16xf32>,
      %get3A_1057 = arith.index_cast %add3A_1050 : i32 to index
      %get3A_1058 = arith.constant 0 : index
      %get3A_1059 = tpu.vector_load %arg14[%get3A_1057, %get3A_1058] {strides = array<i32>} : memref<128x128xf32, #tpu.memory_space<vmem>>, vector<16xf32>,
      %sub3A_1060 = arith.subf %get3A_1056, %get3A_1059 : vector<16xf32>
      %mul3A_1061 = arith.mulf %get3A_1053, %sub3A_1060 : vector<16xf32>
      %get3A_1062 = arith.index_cast %add3A_1050 : i32 to index
      %get3A_1063 = arith.constant 16 : index
      %get3A_1064 = tpu.vector_load %arg12[%get3A_1062, %get3A_1063] {strides = array<i32>} : memref<128x128xf32, #tpu.memory_space<vmem>>, vector<16xf32>,
      %get3A_1065 = arith.index_cast %add3A_1050 : i32 to index
      %get3A_1066 = arith.constant 16 : index
      %get3A_1067 = tpu.vector_load %arg13[%get3A_1065, %get3A_1066] {strides = array<i32>} : memref<128x128xf32, #tpu.memory_space<vmem>>, vector<16xf32>,
      %get3A_1068 = arith.index_cast %add3A_1050 : i32 to index
      %get3A_1069 = arith.constant 16 : index
      %get3A_1070 = tpu.vector_load %arg14[%get3A_1068, %get3A_1069] {strides = array<i32>} : memref<128x128xf32, #tpu.memory_space<vmem>>, vector<16xf32>,
      %sub3A_1071 = arith.subf %get3A_1067, %get3A_1070 : vector<16xf32>
      %mul3A_1072 = arith.mulf %get3A_1064, %sub3A_1071 : vector<16xf32>
      %add3A_1073 = arith.addf %mul3A_1061, %mul3A_1072 : vector<16xf32>
      %get3A_1074 = arith.index_cast %add3A_1050 : i32 to index
      %get3A_1075 = arith.constant 32 : index
      %get3A_1076 = tpu.vector_load %arg12[%get3A_1074, %get3A_1075] {strides = array<i32>} : memref<128x128xf32, #tpu.memory_space<vmem>>, vector<16xf32>,
      %get3A_1077 = arith.index_cast %add3A_1050 : i32 to index
      %get3A_1078 = arith.constant 32 : index
      %get3A_1079 = tpu.vector_load %arg13[%get3A_1077, %get3A_1078] {strides = array<i32>} : memref<128x128xf32, #tpu.memory_space<vmem>>, vector<16xf32>,
      %get3A_1080 = arith.index_cast %add3A_1050 : i32 to index
      %get3A_1081 = arith.constant 32 : index
      %get3A_1082 = tpu.vector_load %arg14[%get3A_1080, %get3A_1081] {strides = array<i32>} : memref<128x128xf32, #tpu.memory_space<vmem>>, vector<16xf32>,
      %sub3A_1083 = arith.subf %get3A_1079, %get3A_1082 : vector<16xf32>
      %mul3A_1084 = arith.mulf %get3A_1076, %sub3A_1083 : vector<16xf32>
      %add3A_1085 = arith.addf %add3A_1073, %mul3A_1084 : vector<16xf32>
      %get3A_1086 = arith.index_cast %add3A_1050 : i32 to index
      %get3A_1087 = arith.constant 48 : index
      %get3A_1088 = tpu.vector_load %arg12[%get3A_1086, %get3A_1087] {strides = array<i32>} : memref<128x128xf32, #tpu.memory_space<vmem>>, vector<16xf32>,
      %get3A_1089 = arith.index_cast %add3A_1050 : i32 to index
      %get3A_1090 = arith.constant 48 : index
      %get3A_1091 = tpu.vector_load %arg13[%get3A_1089, %get3A_1090] {strides = array<i32>} : memref<128x128xf32, #tpu.memory_space<vmem>>, vector<16xf32>,
      %get3A_1092 = arith.index_cast %add3A_1050 : i32 to index
      %get3A_1093 = arith.constant 48 : index
      %get3A_1094 = tpu.vector_load %arg14[%get3A_1092, %get3A_1093] {strides = array<i32>} : memref<128x128xf32, #tpu.memory_space<vmem>>, vector<16xf32>,
      %sub3A_1095 = arith.subf %get3A_1091, %get3A_1094 : vector<16xf32>
      %mul3A_1096 = arith.mulf %get3A_1088, %sub3A_1095 : vector<16xf32>
      %add3A_1097 = arith.addf %add3A_1085, %mul3A_1096 : vector<16xf32>
      %swap3A_1098 = arith.constant 224 : index
      %swap3A_1099 = tpu.vector_load %arg17[%swap3A_1098] {strides = array<i32>} : memref<256xf32, #tpu.memory_space<vmem>>, vector<16xf32>,
      tpu.vector_store %arg17[%swap3A_1098], %add3A_1097 {strides = array<i32>} : memref<256xf32, #tpu.memory_space<vmem>>, vector<16xf32>,
      %mul3A_1100 = arith.constant 16 : i32
      %mul3A_1101 = arith.muli %scan3A_307, %mul3A_1100 : i32
      %add3A_1102 = arith.constant 15 : i32
      %add3A_1103 = arith.addi %mul3A_1101, %add3A_1102 : i32
      %get3A_1104 = arith.index_cast %add3A_1103 : i32 to index
      %get3A_1105 = arith.constant 0 : index
      %get3A_1106 = tpu.vector_load %arg12[%get3A_1104, %get3A_1105] {strides = array<i32>} : memref<128x128xf32, #tpu.memory_space<vmem>>, vector<16xf32>,
      %get3A_1107 = arith.index_cast %add3A_1103 : i32 to index
      %get3A_1108 = arith.constant 0 : index
      %get3A_1109 = tpu.vector_load %arg13[%get3A_1107, %get3A_1108] {strides = array<i32>} : memref<128x128xf32, #tpu.memory_space<vmem>>, vector<16xf32>,
      %get3A_1110 = arith.index_cast %add3A_1103 : i32 to index
      %get3A_1111 = arith.constant 0 : index
      %get3A_1112 = tpu.vector_load %arg14[%get3A_1110, %get3A_1111] {strides = array<i32>} : memref<128x128xf32, #tpu.memory_space<vmem>>, vector<16xf32>,
      %sub3A_1113 = arith.subf %get3A_1109, %get3A_1112 : vector<16xf32>
      %mul3A_1114 = arith.mulf %get3A_1106, %sub3A_1113 : vector<16xf32>
      %get3A_1115 = arith.index_cast %add3A_1103 : i32 to index
      %get3A_1116 = arith.constant 16 : index
      %get3A_1117 = tpu.vector_load %arg12[%get3A_1115, %get3A_1116] {strides = array<i32>} : memref<128x128xf32, #tpu.memory_space<vmem>>, vector<16xf32>,
      %get3A_1118 = arith.index_cast %add3A_1103 : i32 to index
      %get3A_1119 = arith.constant 16 : index
      %get3A_1120 = tpu.vector_load %arg13[%get3A_1118, %get3A_1119] {strides = array<i32>} : memref<128x128xf32, #tpu.memory_space<vmem>>, vector<16xf32>,
      %get3A_1121 = arith.index_cast %add3A_1103 : i32 to index
      %get3A_1122 = arith.constant 16 : index
      %get3A_1123 = tpu.vector_load %arg14[%get3A_1121, %get3A_1122] {strides = array<i32>} : memref<128x128xf32, #tpu.memory_space<vmem>>, vector<16xf32>,
      %sub3A_1124 = arith.subf %get3A_1120, %get3A_1123 : vector<16xf32>
      %mul3A_1125 = arith.mulf %get3A_1117, %sub3A_1124 : vector<16xf32>
      %add3A_1126 = arith.addf %mul3A_1114, %mul3A_1125 : vector<16xf32>
      %get3A_1127 = arith.index_cast %add3A_1103 : i32 to index
      %get3A_1128 = arith.constant 32 : index
      %get3A_1129 = tpu.vector_load %arg12[%get3A_1127, %get3A_1128] {strides = array<i32>} : memref<128x128xf32, #tpu.memory_space<vmem>>, vector<16xf32>,
      %get3A_1130 = arith.index_cast %add3A_1103 : i32 to index
      %get3A_1131 = arith.constant 32 : index
      %get3A_1132 = tpu.vector_load %arg13[%get3A_1130, %get3A_1131] {strides = array<i32>} : memref<128x128xf32, #tpu.memory_space<vmem>>, vector<16xf32>,
      %get3A_1133 = arith.index_cast %add3A_1103 : i32 to index
      %get3A_1134 = arith.constant 32 : index
      %get3A_1135 = tpu.vector_load %arg14[%get3A_1133, %get3A_1134] {strides = array<i32>} : memref<128x128xf32, #tpu.memory_space<vmem>>, vector<16xf32>,
      %sub3A_1136 = arith.subf %get3A_1132, %get3A_1135 : vector<16xf32>
      %mul3A_1137 = arith.mulf %get3A_1129, %sub3A_1136 : vector<16xf32>
      %add3A_1138 = arith.addf %add3A_1126, %mul3A_1137 : vector<16xf32>
      %get3A_1139 = arith.index_cast %add3A_1103 : i32 to index
      %get3A_1140 = arith.constant 48 : index
      %get3A_1141 = tpu.vector_load %arg12[%get3A_1139, %get3A_1140] {strides = array<i32>} : memref<128x128xf32, #tpu.memory_space<vmem>>, vector<16xf32>,
      %get3A_1142 = arith.index_cast %add3A_1103 : i32 to index
      %get3A_1143 = arith.constant 48 : index
      %get3A_1144 = tpu.vector_load %arg13[%get3A_1142, %get3A_1143] {strides = array<i32>} : memref<128x128xf32, #tpu.memory_space<vmem>>, vector<16xf32>,
      %get3A_1145 = arith.index_cast %add3A_1103 : i32 to index
      %get3A_1146 = arith.constant 48 : index
      %get3A_1147 = tpu.vector_load %arg14[%get3A_1145, %get3A_1146] {strides = array<i32>} : memref<128x128xf32, #tpu.memory_space<vmem>>, vector<16xf32>,
      %sub3A_1148 = arith.subf %get3A_1144, %get3A_1147 : vector<16xf32>
      %mul3A_1149 = arith.mulf %get3A_1141, %sub3A_1148 : vector<16xf32>
      %add3A_1150 = arith.addf %add3A_1138, %mul3A_1149 : vector<16xf32>
      %swap3A_1151 = arith.constant 240 : index
      %swap3A_1152 = tpu.vector_load %arg17[%swap3A_1151] {strides = array<i32>} : memref<256xf32, #tpu.memory_space<vmem>>, vector<16xf32>,
      tpu.vector_store %arg17[%swap3A_1151], %add3A_1150 {strides = array<i32>} : memref<256xf32, #tpu.memory_space<vmem>>, vector<16xf32>,
      %mul3A_1153 = arith.constant 16 : i32
      %mul3A_1154 = vector.broadcast %mul3A_1153 : i32 to vector<16xi32>
      %mul3A_1155 = arith.muli %iota3A, %mul3A_1154 : vector<16xi32>
      %gather3A = tpu.vector_load_idx %arg17[%mul3A_1155] : memref<256xf32, #tpu.memory_space<vmem>>[vector<16xi32>], vector<16xf32>,
      %add3A_1156 = arith.constant 1 : i32
      %add3A_1157 = vector.broadcast %add3A_1156 : i32 to vector<16xi32>
      %add3A_1158 = arith.addi %mul3A_1155, %add3A_1157 : vector<16xi32>
      %gather3A_1159 = tpu.vector_load_idx %arg17[%add3A_1158] : memref<256xf32, #tpu.memory_space<vmem>>[vector<16xi32>], vector<16xf32>,
      %add3A_1160 = arith.addf %gather3A, %gather3A_1159 : vector<16xf32>
      %add3A_1161 = arith.constant 2 : i32
      %add3A_1162 = vector.broadcast %add3A_1161 : i32 to vector<16xi32>
      %add3A_1163 = arith.addi %mul3A_1155, %add3A_1162 : vector<16xi32>
      %gather3A_1164 = tpu.vector_load_idx %arg17[%add3A_1163] : memref<256xf32, #tpu.memory_space<vmem>>[vector<16xi32>], vector<16xf32>,
      %add3A_1165 = arith.addf %add3A_1160, %gather3A_1164 : vector<16xf32>
      %add3A_1166 = arith.constant 3 : i32
      %add3A_1167 = vector.broadcast %add3A_1166 : i32 to vector<16xi32>
      %add3A_1168 = arith.addi %mul3A_1155, %add3A_1167 : vector<16xi32>
      %gather3A_1169 = tpu.vector_load_idx %arg17[%add3A_1168] : memref<256xf32, #tpu.memory_space<vmem>>[vector<16xi32>], vector<16xf32>,
      %add3A_1170 = arith.addf %add3A_1165, %gather3A_1169 : vector<16xf32>
      %add3A_1171 = arith.constant 4 : i32
      %add3A_1172 = vector.broadcast %add3A_1171 : i32 to vector<16xi32>
      %add3A_1173 = arith.addi %mul3A_1155, %add3A_1172 : vector<16xi32>
      %gather3A_1174 = tpu.vector_load_idx %arg17[%add3A_1173] : memref<256xf32, #tpu.memory_space<vmem>>[vector<16xi32>], vector<16xf32>,
      %add3A_1175 = arith.addf %add3A_1170, %gather3A_1174 : vector<16xf32>
      %add3A_1176 = arith.constant 5 : i32
      %add3A_1177 = vector.broadcast %add3A_1176 : i32 to vector<16xi32>
      %add3A_1178 = arith.addi %mul3A_1155, %add3A_1177 : vector<16xi32>
      %gather3A_1179 = tpu.vector_load_idx %arg17[%add3A_1178] : memref<256xf32, #tpu.memory_space<vmem>>[vector<16xi32>], vector<16xf32>,
      %add3A_1180 = arith.addf %add3A_1175, %gather3A_1179 : vector<16xf32>
      %add3A_1181 = arith.constant 6 : i32
      %add3A_1182 = vector.broadcast %add3A_1181 : i32 to vector<16xi32>
      %add3A_1183 = arith.addi %mul3A_1155, %add3A_1182 : vector<16xi32>
      %gather3A_1184 = tpu.vector_load_idx %arg17[%add3A_1183] : memref<256xf32, #tpu.memory_space<vmem>>[vector<16xi32>], vector<16xf32>,
      %add3A_1185 = arith.addf %add3A_1180, %gather3A_1184 : vector<16xf32>
      %add3A_1186 = arith.constant 7 : i32
      %add3A_1187 = vector.broadcast %add3A_1186 : i32 to vector<16xi32>
      %add3A_1188 = arith.addi %mul3A_1155, %add3A_1187 : vector<16xi32>
      %gather3A_1189 = tpu.vector_load_idx %arg17[%add3A_1188] : memref<256xf32, #tpu.memory_space<vmem>>[vector<16xi32>], vector<16xf32>,
      %add3A_1190 = arith.addf %add3A_1185, %gather3A_1189 : vector<16xf32>
      %add3A_1191 = arith.constant 8 : i32
      %add3A_1192 = vector.broadcast %add3A_1191 : i32 to vector<16xi32>
      %add3A_1193 = arith.addi %mul3A_1155, %add3A_1192 : vector<16xi32>
      %gather3A_1194 = tpu.vector_load_idx %arg17[%add3A_1193] : memref<256xf32, #tpu.memory_space<vmem>>[vector<16xi32>], vector<16xf32>,
      %add3A_1195 = arith.addf %add3A_1190, %gather3A_1194 : vector<16xf32>
      %add3A_1196 = arith.constant 9 : i32
      %add3A_1197 = vector.broadcast %add3A_1196 : i32 to vector<16xi32>
      %add3A_1198 = arith.addi %mul3A_1155, %add3A_1197 : vector<16xi32>
      %gather3A_1199 = tpu.vector_load_idx %arg17[%add3A_1198] : memref<256xf32, #tpu.memory_space<vmem>>[vector<16xi32>], vector<16xf32>,
      %add3A_1200 = arith.addf %add3A_1195, %gather3A_1199 : vector<16xf32>
      %add3A_1201 = arith.constant 10 : i32
      %add3A_1202 = vector.broadcast %add3A_1201 : i32 to vector<16xi32>
      %add3A_1203 = arith.addi %mul3A_1155, %add3A_1202 : vector<16xi32>
      %gather3A_1204 = tpu.vector_load_idx %arg17[%add3A_1203] : memref<256xf32, #tpu.memory_space<vmem>>[vector<16xi32>], vector<16xf32>,
      %add3A_1205 = arith.addf %add3A_1200, %gather3A_1204 : vector<16xf32>
      %add3A_1206 = arith.constant 11 : i32
      %add3A_1207 = vector.broadcast %add3A_1206 : i32 to vector<16xi32>
      %add3A_1208 = arith.addi %mul3A_1155, %add3A_1207 : vector<16xi32>
      %gather3A_1209 = tpu.vector_load_idx %arg17[%add3A_1208] : memref<256xf32, #tpu.memory_space<vmem>>[vector<16xi32>], vector<16xf32>,
      %add3A_1210 = arith.addf %add3A_1205, %gather3A_1209 : vector<16xf32>
      %add3A_1211 = arith.constant 12 : i32
      %add3A_1212 = vector.broadcast %add3A_1211 : i32 to vector<16xi32>
      %add3A_1213 = arith.addi %mul3A_1155, %add3A_1212 : vector<16xi32>
      %gather3A_1214 = tpu.vector_load_idx %arg17[%add3A_1213] : memref<256xf32, #tpu.memory_space<vmem>>[vector<16xi32>], vector<16xf32>,
      %add3A_1215 = arith.addf %add3A_1210, %gather3A_1214 : vector<16xf32>
      %add3A_1216 = arith.constant 13 : i32
      %add3A_1217 = vector.broadcast %add3A_1216 : i32 to vector<16xi32>
      %add3A_1218 = arith.addi %mul3A_1155, %add3A_1217 : vector<16xi32>
      %gather3A_1219 = tpu.vector_load_idx %arg17[%add3A_1218] : memref<256xf32, #tpu.memory_space<vmem>>[vector<16xi32>], vector<16xf32>,
      %add3A_1220 = arith.addf %add3A_1215, %gather3A_1219 : vector<16xf32>
      %add3A_1221 = arith.constant 14 : i32
      %add3A_1222 = vector.broadcast %add3A_1221 : i32 to vector<16xi32>
      %add3A_1223 = arith.addi %mul3A_1155, %add3A_1222 : vector<16xi32>
      %gather3A_1224 = tpu.vector_load_idx %arg17[%add3A_1223] : memref<256xf32, #tpu.memory_space<vmem>>[vector<16xi32>], vector<16xf32>,
      %add3A_1225 = arith.addf %add3A_1220, %gather3A_1224 : vector<16xf32>
      %add3A_1226 = arith.constant 15 : i32
      %add3A_1227 = vector.broadcast %add3A_1226 : i32 to vector<16xi32>
      %add3A_1228 = arith.addi %mul3A_1155, %add3A_1227 : vector<16xi32>
      %gather3A_1229 = tpu.vector_load_idx %arg17[%add3A_1228] : memref<256xf32, #tpu.memory_space<vmem>>[vector<16xi32>], vector<16xf32>,
      %add3A_1230 = arith.addf %add3A_1225, %gather3A_1229 : vector<16xf32>
      %mul3A_1231 = arith.constant 16 : i32
      %mul3A_1232 = arith.muli %scan3A_307, %mul3A_1231 : i32
      %get3A_1233 = arith.index_cast %mul3A_1232 : i32 to index
      %get3A_1234 = tpu.vector_load %arg15[%get3A_1233] {strides = array<i32>} : memref<128xf32, #tpu.memory_space<vmem>>, vector<16xf32>,
      %mul3A_1235 = arith.constant 16 : i32
      %mul3A_1236 = arith.muli %scan3A_307, %mul3A_1235 : i32
      %get3A_1237 = arith.index_cast %mul3A_1236 : i32 to index
      %get3A_1238 = tpu.vector_load %arg16[%get3A_1237] {strides = array<i32>} : memref<128xf32, #tpu.memory_space<vmem>>, vector<16xf32>,
      %add3A_1239 = arith.addf %add3A_1230, %get3A_1234 : vector<16xf32>
      %sub3A_1240 = arith.subf %add3A_1239, %get3A_1238 : vector<16xf32>
      %mul3A_1241 = arith.constant 16 : i32
      %mul3A_1242 = arith.muli %scan3A_307, %mul3A_1241 : i32
      %add3A_1243 = arith.constant 384 : i32
      %add3A_1244 = arith.addi %add3A_1243, %mul3A_1242 : i32
      %swap3A_1245 = arith.index_cast %add3A_1244 : i32 to index
      %swap3A_1246 = tpu.vector_load %arg18[%swap3A_1245] {strides = array<i32>} : memref<512xf32, #tpu.memory_space<vmem>>, vector<16xf32>,
      tpu.vector_store %arg18[%swap3A_1245], %sub3A_1240 {strides = array<i32>} : memref<512xf32, #tpu.memory_space<vmem>>, vector<16xf32>,
    }
    %scan3A_306 = arith.constant 8 : i32
    "tpu.region"() ({
      %run_scoped3A_307 = tpu.sem_alloc : memref<!tpu.dma_semaphore, #tpu.memory_space<semaphore_mem>>
      %dma_start3A_308 = tpu.memref_slice %arg8[%mul3A_2] : memref<16384xf32, #tpu.memory_space<hbm>> -> memref<512xf32, #tpu.memory_space<hbm>>
      %dma_start3A_309 = tpu.memref_slice %arg8[%mul3A_2] : memref<16384xf32, #tpu.memory_space<hbm>> -> memref<512xf32, #tpu.memory_space<hbm>>
      tpu.enqueue_dma source(%arg18 : memref<512xf32, #tpu.memory_space<vmem>>) target(%dma_start3A_309 : memref<512xf32, #tpu.memory_space<hbm>>) target_semaphore(%run_scoped3A_307 : memref<!tpu.dma_semaphore, #tpu.memory_space<semaphore_mem>>)
      %dma_wait3A_310 = tpu.memref_slice %arg8[%mul3A_2] : memref<16384xf32, #tpu.memory_space<hbm>> -> memref<512xf32, #tpu.memory_space<hbm>>
      %dma_wait3A_311 = tpu.memref_slice %arg8[%mul3A_2] : memref<16384xf32, #tpu.memory_space<hbm>> -> memref<512xf32, #tpu.memory_space<hbm>>
      tpu.wait_dma2 semaphore(%run_scoped3A_307 : memref<!tpu.dma_semaphore, #tpu.memory_space<semaphore_mem>>) src(%arg18 : memref<512xf32, #tpu.memory_space<vmem>>) dst(%dma_wait3A_311 : memref<512xf32, #tpu.memory_space<hbm>>)
      tpu.yield
    }) : () -> ()
    return
  }
}

</mosaic_0001>

<sc_bundles>
// kernel: kernel.3.cloned.1.call-start
scs
__scs_entry_jumppad:
0x0: {  	(pc) =	sbr.rel $0x88, $3  }
0x1: {  	(tag) =	ssettag $0x0;
	lr =	simm.s32 $0x1  }
0x2: {  	[smem:$0x3F9B] =	sst lr;
	_ =	strace $0xD0000000  }
0x3: {  	_ = 	snop  }
0x4: {  	_ = 	snop  }
0x5: {  	_ = 	snop  }
0x6: {  	_ = 	snop  }
0x7: {  	_ = 	snop  }
__scs_overlays_trampoline_lowered:
0x8: {  	[smem:$0x3FAA] =	sst s0  }
0x9: {  	[smem:$0x3FAB] =	sst s1  }
0xa: {  	[smem:$0x3FAC] =	sst s2  }
0xb: {  	[smem:$0x3FAD] =	sst s3  }
0xc: {  	[smem:$0x3FAE] =	sst s4  }
0xd: {  	[smem:$0x3FAF] =	sst s5  }
0xe: {  	[smem:$0x3FB0] =	sst s6  }
0xf: {  	[smem:$0x3FB1] =	sst s7  }
0x10: {  	[smem:$0x3FB2] =	sst s8  }
0x11: {  	[smem:$0x3FB3] =	sst s9;
	s0 =	simm.s32 @!p0 $0x0  }
0x12: {  	s1 =	sld [smem:$0x3F99];
	s0 =	simm.s32 @p0 $0x1  }
0x13: {  	[smem:$0x3FB4] =	sst s0;
	s0 =	simm.s32 @!p1 $0x0  }
0x14: {  	s2 =	sld [smem:$0x3F98];
	s0 =	simm.s32 @p1 $0x1  }
0x15: {  	[smem:$0x3FB5] =	sst s0;
	s0 =	simm.s32 @!p2 $0x0  }
0x16: {  	s3 =	sld [smem:$0x3FDB];
	s0 =	simm.s32 @p2 $0x1  }
0x17: {  	s4 =	simm.s32 $0x1BF5;
	[smem:$0x3FB7] =	sst s0  }
0x18: {  	s0 =	sld [smem:$0x3F9A];
	_ =	swait.ge [sflag:s4], $0x0  }
0x19: {  	s7 =	sld [smem:$0x3F9B]  }
0x1a: {  	s8 =	sadd.s32 $0xFFFFE003, lr  }
0x1b: {  	s9 =	sadd.s32 $0xFFFFFEF7, lr;
	s5 =	simm.s32 $0xFFFFFFFF;
	p2 =	slt.u32 s8, $0xFFFFF086  }
0x1c: {  	p1 =	slt.u32 s9, $0xF7A;
	s5 =	simm.s32 @!p2 $0x0  }
0x1d: {  	s5 =	simm.s32 @p1 $0x1;
	p0 =	seq.s32 s7, s2  }
0x1e: {  	s7 =	smul.u32 @!p0 $0xF7A, s2;
	p2 =	seq.s32 @!p0 s5, $0x0  }
0x1f: {  	s9 =	smul.u32 $0xF7A, s1;
	s8 =	simm.s32 @!p0 $0x1BF5;
	p2 =	por !p2, p0  }
0x20: {  	[sflag:s8] =	ssyncset.s32 @!p0 $0xFFFFF086;
	s6 =	sadd.s32 @!p0 s3, s7;
	s7 =	simm.s32 @!p0 $0x108  }
0x21: {  	s3 =	sadd.s32 s3, s9;
	s6 =	sadd.s32 @!p0 $0x88, s6;
	s7 =	simm.s32 @p2 $0x1082  }
0x22: {  	[simem:s7], [sflag:s8] =	dma.local @!p0 [hbm:s6], $0xF7A  }
0x23: {  	s9 =	sor.u32 $0xD0000000, s2;
	s6 =	simm.s32 $0x108;
	_ =	swait.ge @!p0 [sflag:s8], $0x0  }
0x24: {  	s3 =	sadd.s32 $0x88, s3;
	s6 =	simm.s32 @!p1 $0x1082;
	[sflag:s4] =	ssyncset.s32 $0xFFFFF086  }
0x25: {  	[simem:s6], [sflag:s4] =	dma.local [hbm:s3], $0xF7A  }
0x26: {  	[smem:$0x3F9B] =	sst s1;
	(tag) =	ssettag s2;
	_ =	strace s9  }
0x27: {  	s1 =	sld [smem:$0x3FAB]  }
0x28: {  	s2 =	sld [smem:$0x3FAC]  }
0x29: {  	s4 =	sld [smem:$0x3FAE]  }
0x2a: {  	p0 =	seq.s32 s5, $0x0;
	s5 =	sld [smem:$0x3FAF]  }
0x2b: {  	s6 =	sld [smem:$0x3FB0]  }
0x2c: {  	s7 =	sld [smem:$0x3FB1]  }
0x2d: {  	s3 =	simm.s32 $0x108;
	s8 =	sld [smem:$0x3FB2]  }
0x2e: {  	s3 =	simm.s32 @!p0 $0x1082;
	s9 =	sld [smem:$0x3FB3]  }
0x2f: {  	lr =	sadd.s32 s0, s3;
	s0 =	sld [smem:$0x3FAA]  }
0x30: {  	s3 =	sld [smem:$0x3FAD]  }
0x31: {  	[smem:$0x3FB6] =	sst s10  }
0x32: {  	s10 =	sld [smem:$0x3FB4];
	_ =	sdelay $0x3  }
0x33: {  	p0 =	seq.s32 s10, $0x1;
	s10 =	sld [smem:$0x3FB6];
	_ =	sdelay $0x3  }
0x34: {  	[smem:$0x3FB6] =	sst s10  }
0x35: {  	s10 =	sld [smem:$0x3FB5];
	_ =	sdelay $0x3  }
0x36: {  	p1 =	seq.s32 s10, $0x1;
	s10 =	sld [smem:$0x3FB6];
	_ =	sdelay $0x3  }
0x37: {  	[smem:$0x3FB6] =	sst s10  }
0x38: {  	s10 =	sld [smem:$0x3FB7]  }
0x39: {  	_ = 	snop;
	(pc) =	sbr.ind lr, $3  }
0x3a: {  	_ = 	snop  }
0x3b: {  	_ = 	snop  }
0x3c: {  	p2 =	seq.s32 s10, $0x1;
	s10 =	sld [smem:$0x3FB6]  }
0x3d: {  	_ =	shalt  }
0x3e: {  	_ =	shalt  }
0x3f: {  	_ =	shalt  }
0x40: {  	_ =	shalt  }
0x41: {  	_ =	shalt  }
0x42: {  	_ =	shalt  }
0x43: {  	_ =	shalt  }
0x44: {  	_ =	shalt  }
0x45: {  	_ =	shalt  }
0x46: {  	_ =	shalt  }
0x47: {  	_ =	shalt  }
0x48: {  	_ =	shalt  }
0x49: {  	_ =	shalt  }
0x4a: {  	_ =	shalt  }
0x4b: {  	_ =	shalt  }
0x4c: {  	_ =	shalt  }
0x4d: {  	_ =	shalt  }
0x4e: {  	_ =	shalt  }
0x4f: {  	_ =	shalt  }
0x50: {  	_ =	shalt  }
0x51: {  	_ =	shalt  }
0x52: {  	_ =	shalt  }
0x53: {  	_ =	shalt  }
0x54: {  	_ =	shalt  }
0x55: {  	_ =	shalt  }
0x56: {  	_ =	shalt  }
0x57: {  	_ =	shalt  }
0x58: {  	_ =	shalt  }
0x59: {  	_ =	shalt  }
0x5a: {  	_ =	shalt  }
0x5b: {  	_ =	shalt  }
0x5c: {  	_ =	shalt  }
0x5d: {  	_ =	shalt  }
0x5e: {  	_ =	shalt  }
0x5f: {  	_ =	shalt  }
0x60: {  	_ =	shalt  }
0x61: {  	_ =	shalt  }
0x62: {  	_ =	shalt  }
0x63: {  	_ =	shalt  }
0x64: {  	_ =	shalt  }
0x65: {  	_ =	shalt  }
0x66: {  	_ =	shalt  }
0x67: {  	_ =	shalt  }
0x68: {  	_ =	shalt  }
0x69: {  	_ =	shalt  }
0x6a: {  	_ =	shalt  }
0x6b: {  	_ =	shalt  }
0x6c: {  	_ =	shalt  }
0x6d: {  	_ =	shalt  }
0x6e: {  	_ =	shalt  }
0x6f: {  	_ =	shalt  }
0x70: {  	_ =	shalt  }
0x71: {  	_ =	shalt  }
0x72: {  	_ =	shalt  }
0x73: {  	_ =	shalt  }
0x74: {  	_ =	shalt  }
0x75: {  	_ =	shalt  }
0x76: {  	_ =	shalt  }
0x77: {  	_ =	shalt  }
0x78: {  	_ =	shalt  }
0x79: {  	_ =	shalt  }
0x7a: {  	_ =	shalt  }
0x7b: {  	_ =	shalt  }
0x7c: {  	_ =	shalt  }
0x7d: {  	_ =	shalt  }
0x7e: {  	_ =	shalt  }
0x7f: {  	_ =	shalt  }
0x80: {  	_ =	shalt  }
0x81: {  	_ =	shalt  }
0x82: {  	_ =	shalt  }
0x83: {  	_ =	shalt  }
0x84: {  	_ =	shalt  }
0x85: {  	_ =	shalt  }
0x86: {  	_ =	shalt  }
0x87: {  	_ =	shalt  }
.Lfunc_end0:
.L_simem_size_0:
called_computation_lowered:
.L_overlay_start_0:
0x88: {  	s2 =	sld [smem:$0x3FD9]  }
0x89: {  	s3 =	sld [smem:$0x3FFE];
	_ =	sdelay $0x1  }
0x8a: {  	s1 =	srdreg.scid  }
0x8b: {  	s0 =	sand.u32 $0x1, s1  }
0x8c: {  	s17 =	sshll.u32 s0, $0xA;
	s2 =	sadd.s32 s3, s2  }
0x8d: {  	s2 =	sadd.s32 s2, s17  }
0x8e: {  	[smem:$0x3FC2] =	sst s2  }
0x8f: {  	_ = 	snop  }
0x90: {  	s2 =	sld [smem:$0x3FC9]  }
0x91: {  	s18 =	sld [smem:$0x3FC8]  }
0x92: {  	s4 =	sld [smem:$0x3FC7]  }
0x93: {  	s5 =	sld [smem:$0x3FD0];
	(tm) =	ssettm $0x1  }
0x94: {  	s6 =	sld [smem:$0x3FFB];
	_ =	sdelay $0x3  }
0x95: {  	_ =	strace s6  }
0x96: {  	s6 =	sld [smem:$0x3FFC];
	_ =	sdelay $0x3  }
0x97: {  	_ =	strace s6  }
0x98: {  	s6 =	sld [smem:$0x3FFD];
	_ =	sdelay $0x3  }
0x99: {  	_ =	strace s6  }
0x9a: {  	_ =	strace $0x8FFFFFFF  }
0x9b: {  	s19 =	sld [smem:$0x3FDB];
	_ =	sdelay $0x1  }
0x9c: {  	s7 =	simm.s32 $_scs_section_size  }
0x9d: {  	s8 =	simm.s32 $_size__tile_overlayer_lowered;
	s9 =	simm.s32 $_tile_overlayer_lowered  }
0x9e: {  	s22 =	simm.s32 $0x1BFF;
	s21 =	sshll.u32 s9, $0x1;
	s6 =	sadd.s32 s7, s19  }
0x9f: {  	s10 =	simm.s32 $0x0;
	s20 =	sshll.u32 s8, $0x1;
	s8 =	sadd.s32 s21, s6  }
0xa0: {  	[timem:s10], [sflag:s22] =	dma.local [hbm:s8], s20  }
0xa1: {  	_ =	swait.ge [sflag:s22], s20  }
0xa2: {  	s7 =	ssub.s32 $0x0, s20;
	[sflag:s22] =	ssyncset.done $0x0  }
0xa3: {  	[sflag:s22] =	ssyncadd.s32 s7;
	_ =	sdelay $0x1  }
0xa4: {  	s23 =	simm.s32 $0x1B8B  }
0xa5: {  	_ =	swait.ge [sflag:s23], $0x1  }
0xa6: {  	[sflag:s23] =	ssyncset.done $0x0  }
0xa7: {  	s25 =	simm.s32 $0x1B8E;
	s24 =	sld [smem:$0x3FFE];
	[sflag:s23] =	ssyncadd.s32 $0xFFFFFFFF  }
0xa8: {  	s26 =	simm.s32 $execute0_lowered;
	[smem:$0x3FD2] =	sst s25  }
0xa9: {  	s8 =	sshll.u32 s26, $0x1;
	_ =	strace $0x80000046;
	[dreg:$0x1] =	wrdreg $0xFFFFFFFF  }
0xaa: {  	s28 =	simm.s32 $_size_execute0_lowered;
	s6 =	sadd.s32 s6, s8;
	[dreg:$0x0] =	wrdreg $0x0  }
0xab: {  	s8 =	sshll.u32 s28, $0x1;
	[dreg:$0x2] =	wrdreg s6  }
0xac: {  	[dreg:$0x3] =	wrdreg s8  }
0xad: {  	[dreg:$0x4] =	wrdreg $0xC0  }
0xae: {  	_ =	task [dreg:s10], $0x5FFFF  }
0xaf: {  	[dreg:$0x1] =	wrdreg $0xFFFFFFFF  }
0xb0: {  	[dreg:$0x0] =	wrdreg $0x60  }
0xb1: {  	[dreg:$0x2] =	wrdreg s2  }
0xb2: {  	[dreg:$0x3] =	wrdreg s18  }
0xb3: {  	[dreg:$0x4] =	wrdreg s4  }
0xb4: {  	[dreg:$0x5] =	wrdreg s24  }
0xb5: {  	[dreg:$0x6] =	wrdreg s5  }
0xb6: {  	[dreg:$0x7] =	wrdreg $0x9  }
0xb7: {  	_ =	task.clear_ibuf [dreg:s10], $0x8FFFF;
	_ =	strace $0x90000046  }
0xb8: {  	s29 =	simm.s32 $0x9;
	_ =	strace $0x80000048  }
0xb9: {  	_ =	swait.ge [sflag:s29], $0x1  }
0xba: {  	[sflag:s29] =	ssyncadd.s32 $0xFFFFFFFF  }
0xbb: {  	_ =	strace $0x90000048  }
0xbc: {  	_ =	sfence  }
0xbd: {  	s30 =	sld [smem:$0x0];
	_ =	sdelay $0x2  }
0xbe: {  	s31 =	sshll.u32 s1, $0xD;
	s1 =	sshrl.u32 s1, $0x2  }
0xbf: {  	s3 =	sand.u32 $0x4000, s31;
	s1 =	sadd.s32 s1, s30  }
0xc0: {  	s0 =	sor.u32 s3, s0;
	s1 =	sshll.u32 s1, $0x11  }
0xc1: {  	s0 =	sor.u32 s1, s0  }
0xc2: {  	s0 =	sadd.s32 $0x8F2B, s0  }
0xc3: {  	[sflag:s0] =	ssyncadd.remote.s32 $0x1  }
0xc4: {  	_ =	sfence.sel $0xFFFF  }
0xc5: {  	[dreg:$0x0] =	wrdreg $0xFFFFFFFF;
	(pc) =	sbr.abs _section_cstart, $3  }
0xc6: {  	[dreg:$0x1] =	wrdreg $0xFFFFFFFF  }
0xc7: {  	_ =	task.clear_ibuf [dreg:s10], $0x2FFFF;
	_ =	strace $0x9FFFFFFF  }
0xc8: {  	(tm) =	ssettm $0x7FFFFFFF  }
0xc9: {  	_ =	shalt  }
tec
execute0_lowered:
.L_overlay_start_1:
0x0: {  	(tag) =	ssettag $0x1  }
0x1: {  	s0 =	rddreg [dreg:$0x0]  }
0x2: {  	s2 =	rddreg [dreg:$0x1]  }
0x3: {  	s6 =	rddreg [dreg:$0x2]  }
0x4: {  	s5 =	rddreg [dreg:$0x3]  }
0x5: {  	s7 =	rddreg [dreg:$0x4]  }
0x6: {  	s1 =	simm.s32 $0x0;
	s8 =	srdreg.scid;
	s10 =	stileid.u32  }
0x7: {  	s28 =	simm.s32 $0x300;
	s29 =	simm.s32 $0x500;
	s31 =	simm.s32 $0x380  }
0x8: {  	s30 =	simm.s32 $0xC700;
	[smem:$0x7FF] =	sst s1;
	s3 =	sadd.s32 $0x1E84A00, s5  }
0x9: {  	s4 =	sadd.s32 $0x200, s5;
	s8 =	sand.u32 $0x1, s8;
	s10 =	sshll.u32 s10, $0x7  }
0xa: {  	s5 =	sadd.s32 $0xF42600, s5;
	s9 =	ssub.s32 $0x2, s8;
	s8 =	sshll.u32 s8, $0x6  }
0xb: {  	_ =	strace $0x80000047;
	s11 =	sshrl.u32 s9, $0x1;
	s8 =	sor.u32 s8, s10  }
0xc: {  	s9 =	ssub.s32 s9, s11;
	s10 =	sadd.s32 s0, s8;
	s18 =	sor.u32 $0x10, s8  }
0xd: {  	s19 =	sadd.s32 s2, s8;
	s20 =	sadd.s32 s6, s8;
	[dreg:$0x6] =	wrdreg s10  }
0xe: {  	s23 =	sor.u32 $0x20, s8;
	s26 =	sor.u32 $0x30, s8;
	[dreg:$0x7] =	wrdreg s19  }
0xf: {  	[dreg:$0x8] =	wrdreg s20;
	s21 =	sadd.s32 s0, s18;
	s22 =	sadd.s32 s2, s18  }
0x10: {  	s10 =	sadd.s32 s6, s18;
	s24 =	sadd.s32 s0, s23;
	s25 =	sadd.s32 s2, s23  }
0x11: {  	s0 =	sadd.s32 s0, s26;
	s16 =	sadd.s32 s2, s26;
	[dreg:$0x9] =	wrdreg s21  }
0x12: {  	v0 =	vlaneseq.u32;
	s17 =	sadd.s32 s6, s26;
	s18 =	sadd.s32 s7, s8;
	[dreg:$0xa] =	wrdreg s22  }
0x13: {  	v0 =	vmul.u32 $0x10, v0;
	s19 =	smax.u32 s9, $0x1;
	s20 =	simm.s32 $0x2;
	[dreg:$0xb] =	wrdreg s10  }
0x14: {  	s2 =	simm.s32 $0x600;
	s26 =	simm.s32 $0x4600;
	[dreg:$0xc] =	wrdreg s24  }
0x15: {  	v1 =	vor.u32 $0x1, v0;
	v2 =	vor.u32 $0x2, v0;
	v3 =	vor.u32 $0x3, v0;
	s7 =	simm.s32 $0xC600;
	s8 =	simm.s32 $0xC680;
	[dreg:$0xd] =	wrdreg s25  }
0x16: {  	v4 =	vor.u32 $0x4, v0;
	v5 =	vor.u32 $0x5, v0;
	v6 =	vor.u32 $0x6, v0;
	s9 =	simm.s32 $0x1;
	s10 =	sadd.s32 s6, s23;
	[dreg:$0xf] =	wrdreg s0  }
0x17: {  	v7 =	vor.u32 $0x7, v0;
	v8 =	vor.u32 $0x8, v0;
	v9 =	vor.u32 $0x9, v0;
	s21 =	simm.s32 $0x200;
	s22 =	simm.s32 $0x400;
	s23 =	simm.s32 $0x80  }
0x18: {  	v10 =	vor.u32 $0xA, v0;
	v11 =	vor.u32 $0xB, v0;
	v12 =	vor.u32 $0xC, v0;
	s24 =	simm.s32 $0x280;
	s25 =	simm.s32 $0x480;
	s0 =	simm.s32 $0x580  }
0x19: {  	v13 =	vor.u32 $0xD, v0;
	v14 =	vor.u32 $0xE, v0;
	v15 =	vor.u32 $0xF, v0;
	s6 =	simm.s32 $0x8600;
	[dreg:$0xe] =	wrdreg s10;
	s10 =	simm.s32 $0x0  }
.LBB2_1:
0x1a: {  	s11 =	rddreg [dreg:$0x6]  }
0x1b: {  	[tilespmem:s1], [sflag:$0x2] =	stream.linear.gather [hbm4b:s11+s1], $0x80, $0x38;
	[tilespmem:$0xCA00] =	vst v63  }
0x1c: {  	_ =	swait.ge [sflag:s20], $0x80  }
0x1d: {  	[sflag:s20] =	ssyncset.done $0x0  }
0x1e: {  	s14 =	rddreg [dreg:$0x7];
	[sflag:s20] =	ssyncadd.s32 $0xFFFFFF80  }
0x1f: {  	[tilespmem:s21], [sflag:$0x2] =	stream.linear.gather [hbm4b:s14+s1], $0x80, $0x38;
	[tilespmem:$0xCA00] =	vst v63  }
0x20: {  	_ =	swait.ge [sflag:s20], $0x80  }
0x21: {  	[sflag:s20] =	ssyncset.done $0x0  }
0x22: {  	s15 =	rddreg [dreg:$0x8];
	[sflag:s20] =	ssyncadd.s32 $0xFFFFFF80  }
0x23: {  	[tilespmem:s22], [sflag:$0x2] =	stream.linear.gather [hbm4b:s15+s1], $0x80, $0x38;
	[tilespmem:$0xCA00] =	vst v63  }
0x24: {  	_ =	swait.ge [sflag:s20], $0x80  }
0x25: {  	[sflag:s20] =	ssyncset.done $0x0  }
0x26: {  	s12 =	rddreg [dreg:$0x9];
	[sflag:s20] =	ssyncadd.s32 $0xFFFFFF80  }
0x27: {  	[tilespmem:s23], [sflag:$0x2] =	stream.linear.gather [hbm4b:s12+s1], $0x80, $0x38;
	[tilespmem:$0xCA00] =	vst v63  }
0x28: {  	_ =	swait.ge [sflag:s20], $0x80  }
0x29: {  	[sflag:s20] =	ssyncset.done $0x0  }
0x2a: {  	s13 =	rddreg [dreg:$0xa];
	[sflag:s20] =	ssyncadd.s32 $0xFFFFFF80  }
0x2b: {  	[tilespmem:s24], [sflag:$0x2] =	stream.linear.gather [hbm4b:s13+s1], $0x80, $0x38;
	[tilespmem:$0xCA00] =	vst v63  }
0x2c: {  	_ =	swait.ge [sflag:s20], $0x80  }
0x2d: {  	[sflag:s20] =	ssyncset.done $0x0  }
0x2e: {  	s14 =	rddreg [dreg:$0xb];
	[sflag:s20] =	ssyncadd.s32 $0xFFFFFF80  }
0x2f: {  	[tilespmem:s25], [sflag:$0x2] =	stream.linear.gather [hbm4b:s14+s1], $0x80, $0x38;
	[tilespmem:$0xCA00] =	vst v63  }
0x30: {  	_ =	swait.ge [sflag:s20], $0x80  }
0x31: {  	[sflag:s20] =	ssyncset.done $0x0  }
0x32: {  	s12 =	simm.s32 $0x100;
	s15 =	rddreg [dreg:$0xc];
	[sflag:s20] =	ssyncadd.s32 $0xFFFFFF80  }
0x33: {  	[tilespmem:s12], [sflag:$0x2] =	stream.linear.gather [hbm4b:s15+s1], $0x80, $0x38;
	[tilespmem:$0xCA00] =	vst v63  }
0x34: {  	_ =	swait.ge [sflag:s20], $0x80  }
0x35: {  	[sflag:s20] =	ssyncset.done $0x0  }
0x36: {  	s12 =	rddreg [dreg:$0xd];
	[sflag:s20] =	ssyncadd.s32 $0xFFFFFF80  }
0x37: {  	[tilespmem:s28], [sflag:$0x2] =	stream.linear.gather [hbm4b:s12+s1], $0x80, $0x38;
	[tilespmem:$0xCA00] =	vst v63  }
0x38: {  	_ =	swait.ge [sflag:s20], $0x80  }
0x39: {  	[sflag:s20] =	ssyncset.done $0x0  }
0x3a: {  	s13 =	rddreg [dreg:$0xe];
	[sflag:s20] =	ssyncadd.s32 $0xFFFFFF80  }
0x3b: {  	[tilespmem:s29], [sflag:$0x2] =	stream.linear.gather [hbm4b:s13+s1], $0x80, $0x38;
	[tilespmem:$0xCA00] =	vst v63  }
0x3c: {  	_ =	swait.ge [sflag:s20], $0x80  }
0x3d: {  	[sflag:s20] =	ssyncset.done $0x0  }
0x3e: {  	s15 =	simm.s32 $0x180;
	s14 =	rddreg [dreg:$0xf];
	[sflag:s20] =	ssyncadd.s32 $0xFFFFFF80  }
0x3f: {  	[tilespmem:s15], [sflag:$0x2] =	stream.linear.gather [hbm4b:s14+s1], $0x80, $0x38;
	[tilespmem:$0xCA00] =	vst v63  }
0x40: {  	_ =	swait.ge [sflag:s20], $0x80  }
0x41: {  	[sflag:s20] =	ssyncset.done $0x0  }
0x42: {  	[sflag:s20] =	ssyncadd.s32 $0xFFFFFF80  }
0x43: {  	[tilespmem:s31], [sflag:$0x2] =	stream.linear.gather [hbm4b:s16+s1], $0x80, $0x38;
	[tilespmem:$0xCA00] =	vst v63  }
0x44: {  	_ =	swait.ge [sflag:s20], $0x80  }
0x45: {  	[sflag:s20] =	ssyncset.done $0x0  }
0x46: {  	[sflag:s20] =	ssyncadd.s32 $0xFFFFFF80  }
0x47: {  	[tilespmem:s0], [sflag:$0x2] =	stream.linear.gather [hbm4b:s17+s1], $0x80, $0x38;
	[tilespmem:$0xCA00] =	vst v63  }
0x48: {  	_ =	swait.ge [sflag:s20], $0x80  }
0x49: {  	[sflag:s20] =	ssyncset.done $0x0  }
0x4a: {  	[sflag:s20] =	ssyncadd.s32 $0xFFFFFF80  }
0x4b: {  	[tilespmem:s2], [sflag:$0x1] =	stream.indirect.gather [hbm4b:s3+s23], $0x80, s1, s23, $0xb8;
	[tilespmem:$0xCA00] =	vst v63  }
0x4c: {  	_ = 	snop  }
0x4d: {  	[tilespmem:s26], [sflag:$0x1] =	stream.indirect.gather [hbm4b:s4+s23], $0x80, s21, s23, $0xb8;
	[tilespmem:$0xCA00] =	vst v63  }
0x4e: {  	_ = 	snop  }
0x4f: {  	[tilespmem:s6], [sflag:$0x1] =	stream.indirect.gather [hbm4b:s4+s23], $0x80, s22, s23, $0xb8;
	[tilespmem:$0xCA00] =	vst v63  }
0x50: {  	_ = 	snop  }
0x51: {  	[tilespmem:s7], [sflag:$0x1] =	stream.indirect.gather [hbm4b:s5+s23], $0x1, s21, s23, $0xb8;
	[tilespmem:$0xCA00] =	vst v63  }
0x52: {  	_ = 	snop  }
0x53: {  	[tilespmem:s8], [sflag:$0x1] =	stream.indirect.gather [hbm4b:s5+s23], $0x1, s22, s23, $0xb8;
	[tilespmem:$0xCA00] =	vst v63  }
0x54: {  	_ =	swait.ge [sflag:s9], $0x4000  }
0x55: {  	[sflag:s9] =	ssyncset.done $0x0  }
0x56: {  	[sflag:s9] =	ssyncadd.s32 $0xFFFFC000  }
0x57: {  	_ =	swait.ge [sflag:s9], $0x4000  }
0x58: {  	[sflag:s9] =	ssyncset.done $0x0  }
0x59: {  	[sflag:s9] =	ssyncadd.s32 $0xFFFFC000  }
0x5a: {  	_ =	swait.ge [sflag:s9], $0x4000  }
0x5b: {  	[sflag:s9] =	ssyncset.done $0x0  }
0x5c: {  	[sflag:s9] =	ssyncadd.s32 $0xFFFFC000  }
0x5d: {  	_ =	swait.ge [sflag:s9], $0x80  }
0x5e: {  	[sflag:s9] =	ssyncset.done $0x0  }
0x5f: {  	[sflag:s9] =	ssyncadd.s32 $0xFFFFFF80  }
0x60: {  	_ =	swait.ge [sflag:s9], $0x80  }
0x61: {  	s11 =	simm.s32 $0xA00;
	s12 =	simm.s32 $0x4A00;
	[sflag:s9] =	ssyncset.done $0x0  }
0x62: {  	s13 =	simm.s32 $0x8A00;
	s14 =	simm.s32 $0x0;
	[sflag:s9] =	ssyncadd.s32 $0xFFFFFF80  }
.LBB2_2:
0x63: {  	v16 =	vld [tilespmem:s11+$0xFFFFFC00]  }
0x64: {  	v17 =	vld [tilespmem:s12+$0xFFFFFC00]  }
0x65: {  	v18 =	vld [tilespmem:s13+$0xFFFFFC00]  }
0x66: {  	v19 =	vld [tilespmem:s11+$0xFFFFFC10]  }
0x67: {  	v20 =	vld [tilespmem:s12+$0xFFFFFC10]  }
0x68: {  	v21 =	vld [tilespmem:s13+$0xFFFFFC10]  }
0x69: {  	v22 =	vld [tilespmem:s11+$0xFFFFFC20]  }
0x6a: {  	v23 =	vld [tilespmem:s12+$0xFFFFFC20]  }
0x6b: {  	v24 =	vld [tilespmem:s13+$0xFFFFFC20]  }
0x6c: {  	v25 =	vld [tilespmem:s12+$0xFFFFFC30]  }
0x6d: {  	v26 =	vld [tilespmem:s13+$0xFFFFFC30]  }
0x6e: {  	v17 =	vsub.f32 v17, v18;
	v36 =	vsub.f32 v20, v21  }
0x6f: {  	v37 =	vld [tilespmem:s11+$0xFFFFFC30]  }
0x70: {  	v38 =	vsub.f32 v23, v24;
	v16 =	vmul.f32 v17, v16;
	v17 =	vmul.f32 v36, v19;
	_ =	sdelay $0x1  }
0x71: {  	v39 =	vsub.f32 v25, v26;
	v16 =	vadd.f32 v17, v16;
	v17 =	vmul.f32 v38, v22;
	_ =	sdelay $0x1  }
0x72: {  	v16 =	vadd.f32 v17, v16;
	v17 =	vmul.f32 v39, v37;
	_ =	sdelay $0x1  }
0x73: {  	v16 =	vadd.f32 v17, v16;
	_ =	sdelay $0x1  }
0x74: {  	[tilespmem:$0xC700] =	vst v16  }
0x75: {  	v16 =	vld [tilespmem:s11+$0xFFFFFC80]  }
0x76: {  	v17 =	vld [tilespmem:s12+$0xFFFFFC80]  }
0x77: {  	v40 =	vld [tilespmem:s13+$0xFFFFFC80]  }
0x78: {  	v41 =	vld [tilespmem:s11+$0xFFFFFC90]  }
0x79: {  	v42 =	vld [tilespmem:s12+$0xFFFFFC90]  }
0x7a: {  	v43 =	vld [tilespmem:s13+$0xFFFFFC90]  }
0x7b: {  	v44 =	vld [tilespmem:s11+$0xFFFFFCA0]  }
0x7c: {  	v45 =	vld [tilespmem:s12+$0xFFFFFCA0]  }
0x7d: {  	v46 =	vld [tilespmem:s13+$0xFFFFFCA0]  }
0x7e: {  	v47 =	vld [tilespmem:s12+$0xFFFFFCB0]  }
0x7f: {  	v48 =	vld [tilespmem:s13+$0xFFFFFCB0]  }
0x80: {  	v17 =	vsub.f32 v17, v40;
	v49 =	vsub.f32 v42, v43  }
0x81: {  	v50 =	vld [tilespmem:s11+$0xFFFFFCB0]  }
0x82: {  	v51 =	vsub.f32 v45, v46;
	v16 =	vmul.f32 v17, v16;
	v17 =	vmul.f32 v49, v41;
	_ =	sdelay $0x1  }
0x83: {  	v52 =	vsub.f32 v47, v48;
	v16 =	vadd.f32 v17, v16;
	v17 =	vmul.f32 v51, v44;
	_ =	sdelay $0x1  }
0x84: {  	v16 =	vadd.f32 v17, v16;
	v17 =	vmul.f32 v52, v50;
	_ =	sdelay $0x1  }
0x85: {  	v16 =	vadd.f32 v17, v16;
	_ =	sdelay $0x1  }
0x86: {  	[tilespmem:$0xC710] =	vst v16  }
0x87: {  	v16 =	vld [tilespmem:s11+$0xFFFFFD00]  }
0x88: {  	v17 =	vld [tilespmem:s12+$0xFFFFFD00]  }
0x89: {  	v53 =	vld [tilespmem:s13+$0xFFFFFD00]  }
0x8a: {  	v54 =	vld [tilespmem:s11+$0xFFFFFD10]  }
0x8b: {  	v55 =	vld [tilespmem:s12+$0xFFFFFD10]  }
0x8c: {  	v56 =	vld [tilespmem:s13+$0xFFFFFD10]  }
0x8d: {  	v57 =	vld [tilespmem:s11+$0xFFFFFD20]  }
0x8e: {  	v58 =	vld [tilespmem:s12+$0xFFFFFD20]  }
0x8f: {  	v59 =	vld [tilespmem:s13+$0xFFFFFD20]  }
0x90: {  	v60 =	vld [tilespmem:s12+$0xFFFFFD30]  }
0x91: {  	v61 =	vld [tilespmem:s13+$0xFFFFFD30]  }
0x92: {  	v17 =	vsub.f32 v17, v53;
	v62 =	vsub.f32 v55, v56  }
0x93: {  	v63 =	vld [tilespmem:s11+$0xFFFFFD30]  }
0x94: {  	v27 =	vsub.f32 v58, v59;
	v16 =	vmul.f32 v17, v16;
	v17 =	vmul.f32 v62, v54;
	_ =	sdelay $0x1  }
0x95: {  	v28 =	vsub.f32 v60, v61;
	v16 =	vadd.f32 v17, v16;
	v17 =	vmul.f32 v27, v57;
	_ =	sdelay $0x1  }
0x96: {  	v16 =	vadd.f32 v17, v16;
	v17 =	vmul.f32 v28, v63;
	_ =	sdelay $0x1  }
0x97: {  	v16 =	vadd.f32 v17, v16;
	_ =	sdelay $0x1  }
0x98: {  	[tilespmem:$0xC720] =	vst v16  }
0x99: {  	v16 =	vld [tilespmem:s11+$0xFFFFFD80]  }
0x9a: {  	v17 =	vld [tilespmem:s12+$0xFFFFFD80]  }
0x9b: {  	v29 =	vld [tilespmem:s13+$0xFFFFFD80]  }
0x9c: {  	v30 =	vld [tilespmem:s11+$0xFFFFFD90]  }
0x9d: {  	v31 =	vld [tilespmem:s12+$0xFFFFFD90]  }
0x9e: {  	v32 =	vld [tilespmem:s13+$0xFFFFFD90]  }
0x9f: {  	v33 =	vld [tilespmem:s11+$0xFFFFFDA0]  }
0xa0: {  	v34 =	vld [tilespmem:s12+$0xFFFFFDA0]  }
0xa1: {  	v35 =	vld [tilespmem:s13+$0xFFFFFDA0]  }
0xa2: {  	v36 =	vld [tilespmem:s12+$0xFFFFFDB0]  }
0xa3: {  	v37 =	vld [tilespmem:s13+$0xFFFFFDB0]  }
0xa4: {  	v17 =	vsub.f32 v17, v29;
	v38 =	vsub.f32 v31, v32  }
0xa5: {  	v39 =	vld [tilespmem:s11+$0xFFFFFDB0]  }
0xa6: {  	v40 =	vsub.f32 v34, v35;
	v16 =	vmul.f32 v17, v16;
	v17 =	vmul.f32 v38, v30;
	_ =	sdelay $0x1  }
0xa7: {  	v41 =	vsub.f32 v36, v37;
	v16 =	vadd.f32 v17, v16;
	v17 =	vmul.f32 v40, v33;
	_ =	sdelay $0x1  }
0xa8: {  	v16 =	vadd.f32 v17, v16;
	v17 =	vmul.f32 v41, v39;
	_ =	sdelay $0x1  }
0xa9: {  	v16 =	vadd.f32 v17, v16;
	_ =	sdelay $0x1  }
0xaa: {  	[tilespmem:$0xC730] =	vst v16  }
0xab: {  	v16 =	vld [tilespmem:s11+$0xFFFFFE00]  }
0xac: {  	v17 =	vld [tilespmem:s12+$0xFFFFFE00]  }
0xad: {  	v42 =	vld [tilespmem:s13+$0xFFFFFE00]  }
0xae: {  	v43 =	vld [tilespmem:s11+$0xFFFFFE10]  }
0xaf: {  	v44 =	vld [tilespmem:s12+$0xFFFFFE10]  }
0xb0: {  	v45 =	vld [tilespmem:s13+$0xFFFFFE10]  }
0xb1: {  	v46 =	vld [tilespmem:s11+$0xFFFFFE20]  }
0xb2: {  	v47 =	vld [tilespmem:s12+$0xFFFFFE20]  }
0xb3: {  	v48 =	vld [tilespmem:s13+$0xFFFFFE20]  }
0xb4: {  	v49 =	vld [tilespmem:s12+$0xFFFFFE30]  }
0xb5: {  	v50 =	vld [tilespmem:s13+$0xFFFFFE30]  }
0xb6: {  	v17 =	vsub.f32 v17, v42;
	v51 =	vsub.f32 v44, v45  }
0xb7: {  	v52 =	vld [tilespmem:s11+$0xFFFFFE30]  }
0xb8: {  	v53 =	vsub.f32 v47, v48;
	v16 =	vmul.f32 v17, v16;
	v17 =	vmul.f32 v51, v43;
	_ =	sdelay $0x1  }
0xb9: {  	v54 =	vsub.f32 v49, v50;
	v16 =	vadd.f32 v17, v16;
	v17 =	vmul.f32 v53, v46;
	_ =	sdelay $0x1  }
0xba: {  	v16 =	vadd.f32 v17, v16;
	v17 =	vmul.f32 v54, v52;
	_ =	sdelay $0x1  }
0xbb: {  	v16 =	vadd.f32 v17, v16;
	_ =	sdelay $0x1  }
0xbc: {  	[tilespmem:$0xC740] =	vst v16  }
0xbd: {  	v16 =	vld [tilespmem:s11+$0xFFFFFE80]  }
0xbe: {  	v17 =	vld [tilespmem:s12+$0xFFFFFE80]  }
0xbf: {  	v55 =	vld [tilespmem:s13+$0xFFFFFE80]  }
0xc0: {  	v56 =	vld [tilespmem:s11+$0xFFFFFE90]  }
0xc1: {  	v57 =	vld [tilespmem:s12+$0xFFFFFE90]  }
0xc2: {  	v58 =	vld [tilespmem:s13+$0xFFFFFE90]  }
0xc3: {  	v59 =	vld [tilespmem:s11+$0xFFFFFEA0]  }
0xc4: {  	v60 =	vld [tilespmem:s12+$0xFFFFFEA0]  }
0xc5: {  	v61 =	vld [tilespmem:s13+$0xFFFFFEA0]  }
0xc6: {  	v62 =	vld [tilespmem:s12+$0xFFFFFEB0]  }
0xc7: {  	v63 =	vld [tilespmem:s13+$0xFFFFFEB0]  }
0xc8: {  	v17 =	vsub.f32 v17, v55;
	v27 =	vsub.f32 v57, v58  }
0xc9: {  	v28 =	vld [tilespmem:s11+$0xFFFFFEB0]  }
0xca: {  	v29 =	vsub.f32 v60, v61;
	v16 =	vmul.f32 v17, v16;
	v17 =	vmul.f32 v27, v56;
	_ =	sdelay $0x1  }
0xcb: {  	v30 =	vsub.f32 v62, v63;
	v16 =	vadd.f32 v17, v16;
	v17 =	vmul.f32 v29, v59;
	_ =	sdelay $0x1  }
0xcc: {  	v16 =	vadd.f32 v17, v16;
	v17 =	vmul.f32 v30, v28;
	_ =	sdelay $0x1  }
0xcd: {  	v16 =	vadd.f32 v17, v16;
	_ =	sdelay $0x1  }
0xce: {  	[tilespmem:$0xC750] =	vst v16  }
0xcf: {  	v16 =	vld [tilespmem:s11+$0xFFFFFF00]  }
0xd0: {  	v17 =	vld [tilespmem:s12+$0xFFFFFF00]  }
0xd1: {  	v31 =	vld [tilespmem:s13+$0xFFFFFF00]  }
0xd2: {  	v32 =	vld [tilespmem:s11+$0xFFFFFF10]  }
0xd3: {  	v33 =	vld [tilespmem:s12+$0xFFFFFF10]  }
0xd4: {  	v34 =	vld [tilespmem:s13+$0xFFFFFF10]  }
0xd5: {  	v35 =	vld [tilespmem:s11+$0xFFFFFF20]  }
0xd6: {  	v36 =	vld [tilespmem:s12+$0xFFFFFF20]  }
0xd7: {  	v37 =	vld [tilespmem:s13+$0xFFFFFF20]  }
0xd8: {  	v38 =	vld [tilespmem:s12+$0xFFFFFF30]  }
0xd9: {  	v39 =	vld [tilespmem:s13+$0xFFFFFF30]  }
0xda: {  	v17 =	vsub.f32 v17, v31;
	v40 =	vsub.f32 v33, v34  }
0xdb: {  	v41 =	vld [tilespmem:s11+$0xFFFFFF30]  }
0xdc: {  	v42 =	vsub.f32 v36, v37;
	v16 =	vmul.f32 v17, v16;
	v17 =	vmul.f32 v40, v32;
	_ =	sdelay $0x1  }
0xdd: {  	v43 =	vsub.f32 v38, v39;
	v16 =	vadd.f32 v17, v16;
	v17 =	vmul.f32 v42, v35;
	_ =	sdelay $0x1  }
0xde: {  	v16 =	vadd.f32 v17, v16;
	v17 =	vmul.f32 v43, v41;
	_ =	sdelay $0x1  }
0xdf: {  	v16 =	vadd.f32 v17, v16;
	_ =	sdelay $0x1  }
0xe0: {  	[tilespmem:$0xC760] =	vst v16  }
0xe1: {  	v16 =	vld [tilespmem:s11+$0xFFFFFF80]  }
0xe2: {  	v17 =	vld [tilespmem:s12+$0xFFFFFF80]  }
0xe3: {  	v44 =	vld [tilespmem:s13+$0xFFFFFF80]  }
0xe4: {  	v45 =	vld [tilespmem:s11+$0xFFFFFF90]  }
0xe5: {  	v46 =	vld [tilespmem:s12+$0xFFFFFF90]  }
0xe6: {  	v47 =	vld [tilespmem:s13+$0xFFFFFF90]  }
0xe7: {  	v48 =	vld [tilespmem:s11+$0xFFFFFFA0]  }
0xe8: {  	v49 =	vld [tilespmem:s12+$0xFFFFFFA0]  }
0xe9: {  	v50 =	vld [tilespmem:s13+$0xFFFFFFA0]  }
0xea: {  	v51 =	vld [tilespmem:s12+$0xFFFFFFB0]  }
0xeb: {  	v52 =	vld [tilespmem:s13+$0xFFFFFFB0]  }
0xec: {  	v17 =	vsub.f32 v17, v44;
	v53 =	vsub.f32 v46, v47  }
0xed: {  	v54 =	vld [tilespmem:s11+$0xFFFFFFB0]  }
0xee: {  	v55 =	vsub.f32 v49, v50;
	v16 =	vmul.f32 v17, v16;
	v17 =	vmul.f32 v53, v45;
	_ =	sdelay $0x1  }
0xef: {  	v56 =	vsub.f32 v51, v52;
	v16 =	vadd.f32 v17, v16;
	v17 =	vmul.f32 v55, v48;
	_ =	sdelay $0x1  }
0xf0: {  	v16 =	vadd.f32 v17, v16;
	v17 =	vmul.f32 v56, v54;
	_ =	sdelay $0x1  }
0xf1: {  	v16 =	vadd.f32 v17, v16;
	_ =	sdelay $0x1  }
0xf2: {  	[tilespmem:$0xC770] =	vst v16  }
0xf3: {  	v16 =	vld [tilespmem:s11+$0x0]  }
0xf4: {  	v17 =	vld [tilespmem:s12+$0x0]  }
0xf5: {  	v57 =	vld [tilespmem:s13+$0x0]  }
0xf6: {  	v58 =	vld [tilespmem:s11+$0x10]  }
0xf7: {  	v59 =	vld [tilespmem:s12+$0x10]  }
0xf8: {  	v60 =	vld [tilespmem:s13+$0x10]  }
0xf9: {  	v61 =	vld [tilespmem:s11+$0x20]  }
0xfa: {  	v62 =	vld [tilespmem:s12+$0x20]  }
0xfb: {  	v63 =	vld [tilespmem:s13+$0x20]  }
0xfc: {  	v28 =	vld [tilespmem:s12+$0x30]  }
0xfd: {  	v29 =	vld [tilespmem:s13+$0x30]  }
0xfe: {  	v17 =	vsub.f32 v17, v57;
	v30 =	vsub.f32 v59, v60  }
0xff: {  	v31 =	vld [tilespmem:s11+$0x30]  }
0x100: {  	v32 =	vsub.f32 v62, v63;
	v16 =	vmul.f32 v17, v16;
	v17 =	vmul.f32 v30, v58;
	_ =	sdelay $0x1  }
0x101: {  	v33 =	vsub.f32 v28, v29;
	v16 =	vadd.f32 v17, v16;
	v17 =	vmul.f32 v32, v61;
	_ =	sdelay $0x1  }
0x102: {  	v16 =	vadd.f32 v17, v16;
	v17 =	vmul.f32 v33, v31;
	_ =	sdelay $0x1  }
0x103: {  	v16 =	vadd.f32 v17, v16;
	_ =	sdelay $0x1  }
0x104: {  	[tilespmem:$0xC780] =	vst v16  }
0x105: {  	v16 =	vld [tilespmem:s11+$0x80]  }
0x106: {  	v17 =	vld [tilespmem:s12+$0x80]  }
0x107: {  	v34 =	vld [tilespmem:s13+$0x80]  }
0x108: {  	v35 =	vld [tilespmem:s11+$0x90]  }
0x109: {  	v36 =	vld [tilespmem:s12+$0x90]  }
0x10a: {  	v37 =	vld [tilespmem:s13+$0x90]  }
0x10b: {  	v38 =	vld [tilespmem:s11+$0xA0]  }
0x10c: {  	v39 =	vld [tilespmem:s12+$0xA0]  }
0x10d: {  	v40 =	vld [tilespmem:s13+$0xA0]  }
0x10e: {  	v41 =	vld [tilespmem:s12+$0xB0]  }
0x10f: {  	v42 =	vld [tilespmem:s13+$0xB0]  }
0x110: {  	v17 =	vsub.f32 v17, v34;
	v43 =	vsub.f32 v36, v37  }
0x111: {  	v44 =	vld [tilespmem:s11+$0xB0]  }
0x112: {  	v45 =	vsub.f32 v39, v40;
	v16 =	vmul.f32 v17, v16;
	v17 =	vmul.f32 v43, v35;
	_ =	sdelay $0x1  }
0x113: {  	v46 =	vsub.f32 v41, v42;
	v16 =	vadd.f32 v17, v16;
	v17 =	vmul.f32 v45, v38;
	_ =	sdelay $0x1  }
0x114: {  	v16 =	vadd.f32 v17, v16;
	v17 =	vmul.f32 v46, v44;
	_ =	sdelay $0x1  }
0x115: {  	v16 =	vadd.f32 v17, v16;
	_ =	sdelay $0x1  }
0x116: {  	[tilespmem:$0xC790] =	vst v16  }
0x117: {  	v16 =	vld [tilespmem:s11+$0x100]  }
0x118: {  	v17 =	vld [tilespmem:s12+$0x100]  }
0x119: {  	v47 =	vld [tilespmem:s13+$0x100]  }
0x11a: {  	v48 =	vld [tilespmem:s11+$0x110]  }
0x11b: {  	v49 =	vld [tilespmem:s12+$0x110]  }
0x11c: {  	v50 =	vld [tilespmem:s13+$0x110]  }
0x11d: {  	v51 =	vld [tilespmem:s11+$0x120]  }
0x11e: {  	v52 =	vld [tilespmem:s12+$0x120]  }
0x11f: {  	v53 =	vld [tilespmem:s13+$0x120]  }
0x120: {  	v54 =	vld [tilespmem:s12+$0x130]  }
0x121: {  	v55 =	vld [tilespmem:s13+$0x130]  }
0x122: {  	v17 =	vsub.f32 v17, v47;
	v56 =	vsub.f32 v49, v50  }
0x123: {  	v57 =	vld [tilespmem:s11+$0x130]  }
0x124: {  	v58 =	vsub.f32 v52, v53;
	v16 =	vmul.f32 v17, v16;
	v17 =	vmul.f32 v56, v48;
	_ =	sdelay $0x1  }
0x125: {  	v59 =	vsub.f32 v54, v55;
	v16 =	vadd.f32 v17, v16;
	v17 =	vmul.f32 v58, v51;
	_ =	sdelay $0x1  }
0x126: {  	v16 =	vadd.f32 v17, v16;
	v17 =	vmul.f32 v59, v57;
	_ =	sdelay $0x1  }
0x127: {  	v16 =	vadd.f32 v17, v16;
	_ =	sdelay $0x1  }
0x128: {  	[tilespmem:$0xC7A0] =	vst v16  }
0x129: {  	v16 =	vld [tilespmem:s11+$0x180]  }
0x12a: {  	v17 =	vld [tilespmem:s12+$0x180]  }
0x12b: {  	v60 =	vld [tilespmem:s13+$0x180]  }
0x12c: {  	v61 =	vld [tilespmem:s11+$0x190]  }
0x12d: {  	v62 =	vld [tilespmem:s12+$0x190]  }
0x12e: {  	v63 =	vld [tilespmem:s13+$0x190]  }
0x12f: {  	v28 =	vld [tilespmem:s11+$0x1A0]  }
0x130: {  	v29 =	vld [tilespmem:s12+$0x1A0]  }
0x131: {  	v30 =	vld [tilespmem:s13+$0x1A0]  }
0x132: {  	v31 =	vld [tilespmem:s12+$0x1B0]  }
0x133: {  	v32 =	vld [tilespmem:s13+$0x1B0]  }
0x134: {  	v17 =	vsub.f32 v17, v60;
	v33 =	vsub.f32 v62, v63  }
0x135: {  	v34 =	vld [tilespmem:s11+$0x1B0]  }
0x136: {  	v35 =	vsub.f32 v29, v30;
	v16 =	vmul.f32 v17, v16;
	v17 =	vmul.f32 v33, v61;
	_ =	sdelay $0x1  }
0x137: {  	v36 =	vsub.f32 v31, v32;
	v16 =	vadd.f32 v17, v16;
	v17 =	vmul.f32 v35, v28;
	_ =	sdelay $0x1  }
0x138: {  	v16 =	vadd.f32 v17, v16;
	v17 =	vmul.f32 v36, v34;
	_ =	sdelay $0x1  }
0x139: {  	v16 =	vadd.f32 v17, v16;
	_ =	sdelay $0x1  }
0x13a: {  	[tilespmem:$0xC7B0] =	vst v16  }
0x13b: {  	v16 =	vld [tilespmem:s11+$0x200]  }
0x13c: {  	v17 =	vld [tilespmem:s12+$0x200]  }
0x13d: {  	v37 =	vld [tilespmem:s13+$0x200]  }
0x13e: {  	v38 =	vld [tilespmem:s11+$0x210]  }
0x13f: {  	v39 =	vld [tilespmem:s12+$0x210]  }
0x140: {  	v40 =	vld [tilespmem:s13+$0x210]  }
0x141: {  	v41 =	vld [tilespmem:s11+$0x220]  }
0x142: {  	v42 =	vld [tilespmem:s12+$0x220]  }
0x143: {  	v43 =	vld [tilespmem:s13+$0x220]  }
0x144: {  	v44 =	vld [tilespmem:s12+$0x230]  }
0x145: {  	v45 =	vld [tilespmem:s13+$0x230]  }
0x146: {  	v17 =	vsub.f32 v17, v37;
	v46 =	vsub.f32 v39, v40  }
0x147: {  	v47 =	vld [tilespmem:s11+$0x230]  }
0x148: {  	v48 =	vsub.f32 v42, v43;
	v16 =	vmul.f32 v17, v16;
	v17 =	vmul.f32 v46, v38;
	_ =	sdelay $0x1  }
0x149: {  	v49 =	vsub.f32 v44, v45;
	v16 =	vadd.f32 v17, v16;
	v17 =	vmul.f32 v48, v41;
	_ =	sdelay $0x1  }
0x14a: {  	v16 =	vadd.f32 v17, v16;
	v17 =	vmul.f32 v49, v47;
	_ =	sdelay $0x1  }
0x14b: {  	v16 =	vadd.f32 v17, v16;
	_ =	sdelay $0x1  }
0x14c: {  	[tilespmem:$0xC7C0] =	vst v16  }
0x14d: {  	v16 =	vld [tilespmem:s11+$0x280]  }
0x14e: {  	v17 =	vld [tilespmem:s12+$0x280]  }
0x14f: {  	v50 =	vld [tilespmem:s13+$0x280]  }
0x150: {  	v51 =	vld [tilespmem:s11+$0x290]  }
0x151: {  	v52 =	vld [tilespmem:s12+$0x290]  }
0x152: {  	v53 =	vld [tilespmem:s13+$0x290]  }
0x153: {  	v54 =	vld [tilespmem:s11+$0x2A0]  }
0x154: {  	v55 =	vld [tilespmem:s12+$0x2A0]  }
0x155: {  	v56 =	vld [tilespmem:s13+$0x2A0]  }
0x156: {  	v57 =	vld [tilespmem:s12+$0x2B0]  }
0x157: {  	v58 =	vld [tilespmem:s13+$0x2B0]  }
0x158: {  	v17 =	vsub.f32 v17, v50;
	v59 =	vsub.f32 v52, v53  }
0x159: {  	v60 =	vld [tilespmem:s11+$0x2B0]  }
0x15a: {  	v61 =	vsub.f32 v55, v56;
	v16 =	vmul.f32 v17, v16;
	v17 =	vmul.f32 v59, v51;
	_ =	sdelay $0x1  }
0x15b: {  	v62 =	vsub.f32 v57, v58;
	v16 =	vadd.f32 v17, v16;
	v17 =	vmul.f32 v61, v54;
	_ =	sdelay $0x1  }
0x15c: {  	v16 =	vadd.f32 v17, v16;
	v17 =	vmul.f32 v62, v60;
	_ =	sdelay $0x1  }
0x15d: {  	v16 =	vadd.f32 v17, v16;
	_ =	sdelay $0x1  }
0x15e: {  	[tilespmem:$0xC7D0] =	vst v16  }
0x15f: {  	v16 =	vld [tilespmem:s11+$0x300]  }
0x160: {  	v17 =	vld [tilespmem:s12+$0x300]  }
0x161: {  	v63 =	vld [tilespmem:s13+$0x300]  }
0x162: {  	v28 =	vld [tilespmem:s11+$0x310]  }
0x163: {  	v29 =	vld [tilespmem:s12+$0x310]  }
0x164: {  	v30 =	vld [tilespmem:s13+$0x310]  }
0x165: {  	v31 =	vld [tilespmem:s11+$0x320]  }
0x166: {  	v32 =	vld [tilespmem:s12+$0x320]  }
0x167: {  	v33 =	vld [tilespmem:s13+$0x320]  }
0x168: {  	v34 =	vld [tilespmem:s12+$0x330]  }
0x169: {  	v35 =	vld [tilespmem:s13+$0x330]  }
0x16a: {  	v17 =	vsub.f32 v17, v63;
	v36 =	vsub.f32 v29, v30  }
0x16b: {  	v37 =	vld [tilespmem:s11+$0x330]  }
0x16c: {  	v38 =	vsub.f32 v32, v33;
	v16 =	vmul.f32 v17, v16;
	v17 =	vmul.f32 v36, v28;
	_ =	sdelay $0x1  }
0x16d: {  	v39 =	vsub.f32 v34, v35;
	v16 =	vadd.f32 v17, v16;
	v17 =	vmul.f32 v38, v31;
	_ =	sdelay $0x1  }
0x16e: {  	v16 =	vadd.f32 v17, v16;
	v17 =	vmul.f32 v39, v37;
	_ =	sdelay $0x1  }
0x16f: {  	v16 =	vadd.f32 v17, v16;
	_ =	sdelay $0x1  }
0x170: {  	[tilespmem:$0xC7E0] =	vst v16  }
0x171: {  	v16 =	vld [tilespmem:s11+$0x380]  }
0x172: {  	v17 =	vld [tilespmem:s12+$0x380]  }
0x173: {  	v40 =	vld [tilespmem:s13+$0x380]  }
0x174: {  	v41 =	vld [tilespmem:s11+$0x390]  }
0x175: {  	v42 =	vld [tilespmem:s12+$0x390]  }
0x176: {  	v43 =	vld [tilespmem:s13+$0x390]  }
0x177: {  	v44 =	vld [tilespmem:s11+$0x3A0]  }
0x178: {  	v45 =	vld [tilespmem:s12+$0x3A0]  }
0x179: {  	v46 =	vld [tilespmem:s13+$0x3A0]  }
0x17a: {  	v47 =	vld [tilespmem:s12+$0x3B0]  }
0x17b: {  	v48 =	vld [tilespmem:s13+$0x3B0]  }
0x17c: {  	v17 =	vsub.f32 v17, v40;
	v49 =	vsub.f32 v42, v43  }
0x17d: {  	v50 =	vld [tilespmem:s11+$0x3B0]  }
0x17e: {  	v51 =	vsub.f32 v45, v46;
	v16 =	vmul.f32 v17, v16;
	v17 =	vmul.f32 v49, v41;
	_ =	sdelay $0x1  }
0x17f: {  	v52 =	vsub.f32 v47, v48;
	v16 =	vadd.f32 v17, v16;
	v17 =	vmul.f32 v51, v44;
	_ =	sdelay $0x1  }
0x180: {  	v16 =	vadd.f32 v17, v16;
	v17 =	vmul.f32 v52, v50;
	_ =	sdelay $0x1  }
0x181: {  	v16 =	vadd.f32 v17, v16;
	_ =	sdelay $0x1  }
0x182: {  	[tilespmem:$0xC7F0] =	vst v16  }
0x183: {  	v16 =	vld.idx.msk [tilespmem:v0+s30+$0x0], $0xffff  }
0x184: {  	v17 =	vld.idx.msk [tilespmem:v1+s30+$0x0], $0xffff;
	_ =	sdelay $0x1  }
0x185: {  	v53 =	vld.idx.msk [tilespmem:v2+s30+$0x0], $0xffff;
	_ =	sdelay $0x1  }
0x186: {  	v54 =	vld.idx.msk [tilespmem:v3+s30+$0x0], $0xffff  }
0x187: {  	v16 =	vadd.f32 v17, v16  }
0x188: {  	v17 =	vld.idx.msk [tilespmem:v4+s30+$0x0], $0xffff  }
0x189: {  	v16 =	vadd.f32 v53, v16  }
0x18a: {  	v55 =	vld.idx.msk [tilespmem:v5+s30+$0x0], $0xffff  }
0x18b: {  	v16 =	vadd.f32 v54, v16  }
0x18c: {  	v56 =	vld.idx.msk [tilespmem:v6+s30+$0x0], $0xffff  }
0x18d: {  	v16 =	vadd.f32 v17, v16  }
0x18e: {  	v17 =	vld.idx.msk [tilespmem:v7+s30+$0x0], $0xffff  }
0x18f: {  	v16 =	vadd.f32 v55, v16  }
0x190: {  	v57 =	vld.idx.msk [tilespmem:v8+s30+$0x0], $0xffff  }
0x191: {  	v16 =	vadd.f32 v56, v16  }
0x192: {  	v58 =	vld.idx.msk [tilespmem:v9+s30+$0x0], $0xffff  }
0x193: {  	v16 =	vadd.f32 v17, v16  }
0x194: {  	v17 =	vld.idx.msk [tilespmem:v10+s30+$0x0], $0xffff  }
0x195: {  	v16 =	vadd.f32 v57, v16  }
0x196: {  	v59 =	vld.idx.msk [tilespmem:v11+s30+$0x0], $0xffff  }
0x197: {  	v16 =	vadd.f32 v58, v16  }
0x198: {  	v60 =	vld.idx.msk [tilespmem:v12+s30+$0x0], $0xffff  }
0x199: {  	v16 =	vadd.f32 v17, v16  }
0x19a: {  	v17 =	vld.idx.msk [tilespmem:v13+s30+$0x0], $0xffff  }
0x19b: {  	v16 =	vadd.f32 v59, v16  }
0x19c: {  	v61 =	vld.idx.msk [tilespmem:v14+s30+$0x0], $0xffff  }
0x19d: {  	v16 =	vadd.f32 v60, v16  }
0x19e: {  	v62 =	vld.idx.msk [tilespmem:v15+s30+$0x0], $0xffff  }
0x19f: {  	s15 =	sshra.s32 s14, $0x2;
	v16 =	vadd.f32 v17, v16  }
0x1a0: {  	v17 =	vld [tilespmem:s15+$0xC600]  }
0x1a1: {  	v16 =	vadd.f32 v61, v16  }
0x1a2: {  	v63 =	vld [tilespmem:s15+$0xC680]  }
0x1a3: {  	v16 =	vadd.f32 v62, v16  }
0x1a4: {  	p0 =	sne.s32 s14, $0x1C0  }
.Ltmp0:
0x1a5: {  	v16 =	vadd.f32 v17, v16;
	(pc) =	sbr.rel @p0 .LBB2_2-.Ltmp0, $4  }
0x1a6: {  	_ = 	snop  }
0x1a7: {  	v16 =	vsub.f32 v16, v63  }
0x1a8: {  	s14 =	sadd.s32 $0x40, s14  }
0x1a9: {  	s11 =	sadd.s32 $0x800, s11;
	s12 =	sadd.s32 $0x800, s12;
	s13 =	sadd.s32 $0x800, s13;
	[tilespmem:s15+$0xC800] =	vst v16  }
0x1aa: {  	[tilespmem:s2], [sflag:$0x1] =	stream.indirect.gather [hbm4b:s3+s23], $0x80, s23, s23, $0xb8;
	[tilespmem:$0xCA00] =	vst v63  }
0x1ab: {  	_ = 	snop  }
0x1ac: {  	[tilespmem:s26], [sflag:$0x1] =	stream.indirect.gather [hbm4b:s4+s23], $0x80, s24, s23, $0xb8;
	[tilespmem:$0xCA00] =	vst v63  }
0x1ad: {  	_ = 	snop  }
0x1ae: {  	[tilespmem:s6], [sflag:$0x1] =	stream.indirect.gather [hbm4b:s4+s23], $0x80, s25, s23, $0xb8;
	[tilespmem:$0xCA00] =	vst v63  }
0x1af: {  	_ = 	snop  }
0x1b0: {  	[tilespmem:s7], [sflag:$0x1] =	stream.indirect.gather [hbm4b:s5+s23], $0x1, s24, s23, $0xb8;
	[tilespmem:$0xCA00] =	vst v63  }
0x1b1: {  	_ = 	snop  }
0x1b2: {  	[tilespmem:s8], [sflag:$0x1] =	stream.indirect.gather [hbm4b:s5+s23], $0x1, s25, s23, $0xb8;
	[tilespmem:$0xCA00] =	vst v63  }
0x1b3: {  	_ =	swait.ge [sflag:s9], $0x4000  }
0x1b4: {  	[sflag:s9] =	ssyncset.done $0x0  }
0x1b5: {  	[sflag:s9] =	ssyncadd.s32 $0xFFFFC000  }
0x1b6: {  	_ =	swait.ge [sflag:s9], $0x4000  }
0x1b7: {  	[sflag:s9] =	ssyncset.done $0x0  }
0x1b8: {  	[sflag:s9] =	ssyncadd.s32 $0xFFFFC000  }
0x1b9: {  	_ =	swait.ge [sflag:s9], $0x4000  }
0x1ba: {  	[sflag:s9] =	ssyncset.done $0x0  }
0x1bb: {  	[sflag:s9] =	ssyncadd.s32 $0xFFFFC000  }
0x1bc: {  	_ =	swait.ge [sflag:s9], $0x80  }
0x1bd: {  	[sflag:s9] =	ssyncset.done $0x0  }
0x1be: {  	[sflag:s9] =	ssyncadd.s32 $0xFFFFFF80  }
0x1bf: {  	_ =	swait.ge [sflag:s9], $0x80  }
0x1c0: {  	s11 =	simm.s32 $0x0;
	s12 =	simm.s32 $0xA00;
	[sflag:s9] =	ssyncset.done $0x0  }
0x1c1: {  	s13 =	simm.s32 $0x4A00;
	s14 =	simm.s32 $0x8A00;
	[sflag:s9] =	ssyncadd.s32 $0xFFFFFF80  }
.LBB2_4:
0x1c2: {  	v16 =	vld [tilespmem:s12+$0xFFFFFC00]  }
0x1c3: {  	v17 =	vld [tilespmem:s13+$0xFFFFFC00]  }
0x1c4: {  	v18 =	vld [tilespmem:s14+$0xFFFFFC00]  }
0x1c5: {  	v19 =	vld [tilespmem:s12+$0xFFFFFC10]  }
0x1c6: {  	v20 =	vld [tilespmem:s13+$0xFFFFFC10]  }
0x1c7: {  	v21 =	vld [tilespmem:s14+$0xFFFFFC10]  }
0x1c8: {  	v22 =	vld [tilespmem:s12+$0xFFFFFC20]  }
0x1c9: {  	v23 =	vld [tilespmem:s13+$0xFFFFFC20]  }
0x1ca: {  	v24 =	vld [tilespmem:s14+$0xFFFFFC20]  }
0x1cb: {  	v25 =	vld [tilespmem:s13+$0xFFFFFC30]  }
0x1cc: {  	v26 =	vld [tilespmem:s14+$0xFFFFFC30]  }
0x1cd: {  	v17 =	vsub.f32 v17, v18;
	v36 =	vsub.f32 v20, v21  }
0x1ce: {  	v37 =	vld [tilespmem:s12+$0xFFFFFC30]  }
0x1cf: {  	v38 =	vsub.f32 v23, v24;
	v16 =	vmul.f32 v17, v16;
	v17 =	vmul.f32 v36, v19;
	_ =	sdelay $0x1  }
0x1d0: {  	v39 =	vsub.f32 v25, v26;
	v16 =	vadd.f32 v17, v16;
	v17 =	vmul.f32 v38, v22;
	_ =	sdelay $0x1  }
0x1d1: {  	v16 =	vadd.f32 v17, v16;
	v17 =	vmul.f32 v39, v37;
	_ =	sdelay $0x1  }
0x1d2: {  	v16 =	vadd.f32 v17, v16;
	_ =	sdelay $0x1  }
0x1d3: {  	[tilespmem:$0xC700] =	vst v16  }
0x1d4: {  	v16 =	vld [tilespmem:s12+$0xFFFFFC80]  }
0x1d5: {  	v17 =	vld [tilespmem:s13+$0xFFFFFC80]  }
0x1d6: {  	v40 =	vld [tilespmem:s14+$0xFFFFFC80]  }
0x1d7: {  	v41 =	vld [tilespmem:s12+$0xFFFFFC90]  }
0x1d8: {  	v42 =	vld [tilespmem:s13+$0xFFFFFC90]  }
0x1d9: {  	v43 =	vld [tilespmem:s14+$0xFFFFFC90]  }
0x1da: {  	v44 =	vld [tilespmem:s12+$0xFFFFFCA0]  }
0x1db: {  	v45 =	vld [tilespmem:s13+$0xFFFFFCA0]  }
0x1dc: {  	v46 =	vld [tilespmem:s14+$0xFFFFFCA0]  }
0x1dd: {  	v47 =	vld [tilespmem:s13+$0xFFFFFCB0]  }
0x1de: {  	v48 =	vld [tilespmem:s14+$0xFFFFFCB0]  }
0x1df: {  	v17 =	vsub.f32 v17, v40;
	v49 =	vsub.f32 v42, v43  }
0x1e0: {  	v50 =	vld [tilespmem:s12+$0xFFFFFCB0]  }
0x1e1: {  	v51 =	vsub.f32 v45, v46;
	v16 =	vmul.f32 v17, v16;
	v17 =	vmul.f32 v49, v41;
	_ =	sdelay $0x1  }
0x1e2: {  	v52 =	vsub.f32 v47, v48;
	v16 =	vadd.f32 v17, v16;
	v17 =	vmul.f32 v51, v44;
	_ =	sdelay $0x1  }
0x1e3: {  	v16 =	vadd.f32 v17, v16;
	v17 =	vmul.f32 v52, v50;
	_ =	sdelay $0x1  }
0x1e4: {  	v16 =	vadd.f32 v17, v16;
	_ =	sdelay $0x1  }
0x1e5: {  	[tilespmem:$0xC710] =	vst v16  }
0x1e6: {  	v16 =	vld [tilespmem:s12+$0xFFFFFD00]  }
0x1e7: {  	v17 =	vld [tilespmem:s13+$0xFFFFFD00]  }
0x1e8: {  	v53 =	vld [tilespmem:s14+$0xFFFFFD00]  }
0x1e9: {  	v54 =	vld [tilespmem:s12+$0xFFFFFD10]  }
0x1ea: {  	v55 =	vld [tilespmem:s13+$0xFFFFFD10]  }
0x1eb: {  	v56 =	vld [tilespmem:s14+$0xFFFFFD10]  }
0x1ec: {  	v57 =	vld [tilespmem:s12+$0xFFFFFD20]  }
0x1ed: {  	v58 =	vld [tilespmem:s13+$0xFFFFFD20]  }
0x1ee: {  	v59 =	vld [tilespmem:s14+$0xFFFFFD20]  }
0x1ef: {  	v60 =	vld [tilespmem:s13+$0xFFFFFD30]  }
0x1f0: {  	v61 =	vld [tilespmem:s14+$0xFFFFFD30]  }
0x1f1: {  	v17 =	vsub.f32 v17, v53;
	v62 =	vsub.f32 v55, v56  }
0x1f2: {  	v63 =	vld [tilespmem:s12+$0xFFFFFD30]  }
0x1f3: {  	v27 =	vsub.f32 v58, v59;
	v16 =	vmul.f32 v17, v16;
	v17 =	vmul.f32 v62, v54;
	_ =	sdelay $0x1  }
0x1f4: {  	v28 =	vsub.f32 v60, v61;
	v16 =	vadd.f32 v17, v16;
	v17 =	vmul.f32 v27, v57;
	_ =	sdelay $0x1  }
0x1f5: {  	v16 =	vadd.f32 v17, v16;
	v17 =	vmul.f32 v28, v63;
	_ =	sdelay $0x1  }
0x1f6: {  	v16 =	vadd.f32 v17, v16;
	_ =	sdelay $0x1  }
0x1f7: {  	[tilespmem:$0xC720] =	vst v16  }
0x1f8: {  	v16 =	vld [tilespmem:s12+$0xFFFFFD80]  }
0x1f9: {  	v17 =	vld [tilespmem:s13+$0xFFFFFD80]  }
0x1fa: {  	v29 =	vld [tilespmem:s14+$0xFFFFFD80]  }
0x1fb: {  	v30 =	vld [tilespmem:s12+$0xFFFFFD90]  }
0x1fc: {  	v31 =	vld [tilespmem:s13+$0xFFFFFD90]  }
0x1fd: {  	v32 =	vld [tilespmem:s14+$0xFFFFFD90]  }
0x1fe: {  	v33 =	vld [tilespmem:s12+$0xFFFFFDA0]  }
0x1ff: {  	v34 =	vld [tilespmem:s13+$0xFFFFFDA0]  }
0x200: {  	v35 =	vld [tilespmem:s14+$0xFFFFFDA0]  }
0x201: {  	v36 =	vld [tilespmem:s13+$0xFFFFFDB0]  }
0x202: {  	v37 =	vld [tilespmem:s14+$0xFFFFFDB0]  }
0x203: {  	v17 =	vsub.f32 v17, v29;
	v38 =	vsub.f32 v31, v32  }
0x204: {  	v39 =	vld [tilespmem:s12+$0xFFFFFDB0]  }
0x205: {  	v40 =	vsub.f32 v34, v35;
	v16 =	vmul.f32 v17, v16;
	v17 =	vmul.f32 v38, v30;
	_ =	sdelay $0x1  }
0x206: {  	v41 =	vsub.f32 v36, v37;
	v16 =	vadd.f32 v17, v16;
	v17 =	vmul.f32 v40, v33;
	_ =	sdelay $0x1  }
0x207: {  	v16 =	vadd.f32 v17, v16;
	v17 =	vmul.f32 v41, v39;
	_ =	sdelay $0x1  }
0x208: {  	v16 =	vadd.f32 v17, v16;
	_ =	sdelay $0x1  }
0x209: {  	[tilespmem:$0xC730] =	vst v16  }
0x20a: {  	v16 =	vld [tilespmem:s12+$0xFFFFFE00]  }
0x20b: {  	v17 =	vld [tilespmem:s13+$0xFFFFFE00]  }
0x20c: {  	v42 =	vld [tilespmem:s14+$0xFFFFFE00]  }
0x20d: {  	v43 =	vld [tilespmem:s12+$0xFFFFFE10]  }
0x20e: {  	v44 =	vld [tilespmem:s13+$0xFFFFFE10]  }
0x20f: {  	v45 =	vld [tilespmem:s14+$0xFFFFFE10]  }
0x210: {  	v46 =	vld [tilespmem:s12+$0xFFFFFE20]  }
0x211: {  	v47 =	vld [tilespmem:s13+$0xFFFFFE20]  }
0x212: {  	v48 =	vld [tilespmem:s14+$0xFFFFFE20]  }
0x213: {  	v49 =	vld [tilespmem:s13+$0xFFFFFE30]  }
0x214: {  	v50 =	vld [tilespmem:s14+$0xFFFFFE30]  }
0x215: {  	v17 =	vsub.f32 v17, v42;
	v51 =	vsub.f32 v44, v45  }
0x216: {  	v52 =	vld [tilespmem:s12+$0xFFFFFE30]  }
0x217: {  	v53 =	vsub.f32 v47, v48;
	v16 =	vmul.f32 v17, v16;
	v17 =	vmul.f32 v51, v43;
	_ =	sdelay $0x1  }
0x218: {  	v54 =	vsub.f32 v49, v50;
	v16 =	vadd.f32 v17, v16;
	v17 =	vmul.f32 v53, v46;
	_ =	sdelay $0x1  }
0x219: {  	v16 =	vadd.f32 v17, v16;
	v17 =	vmul.f32 v54, v52;
	_ =	sdelay $0x1  }
0x21a: {  	v16 =	vadd.f32 v17, v16;
	_ =	sdelay $0x1  }
0x21b: {  	[tilespmem:$0xC740] =	vst v16  }
0x21c: {  	v16 =	vld [tilespmem:s12+$0xFFFFFE80]  }
0x21d: {  	v17 =	vld [tilespmem:s13+$0xFFFFFE80]  }
0x21e: {  	v55 =	vld [tilespmem:s14+$0xFFFFFE80]  }
0x21f: {  	v56 =	vld [tilespmem:s12+$0xFFFFFE90]  }
0x220: {  	v57 =	vld [tilespmem:s13+$0xFFFFFE90]  }
0x221: {  	v58 =	vld [tilespmem:s14+$0xFFFFFE90]  }
0x222: {  	v59 =	vld [tilespmem:s12+$0xFFFFFEA0]  }
0x223: {  	v60 =	vld [tilespmem:s13+$0xFFFFFEA0]  }
0x224: {  	v61 =	vld [tilespmem:s14+$0xFFFFFEA0]  }
0x225: {  	v62 =	vld [tilespmem:s13+$0xFFFFFEB0]  }
0x226: {  	v63 =	vld [tilespmem:s14+$0xFFFFFEB0]  }
0x227: {  	v17 =	vsub.f32 v17, v55;
	v27 =	vsub.f32 v57, v58  }
0x228: {  	v28 =	vld [tilespmem:s12+$0xFFFFFEB0]  }
0x229: {  	v29 =	vsub.f32 v60, v61;
	v16 =	vmul.f32 v17, v16;
	v17 =	vmul.f32 v27, v56;
	_ =	sdelay $0x1  }
0x22a: {  	v30 =	vsub.f32 v62, v63;
	v16 =	vadd.f32 v17, v16;
	v17 =	vmul.f32 v29, v59;
	_ =	sdelay $0x1  }
0x22b: {  	v16 =	vadd.f32 v17, v16;
	v17 =	vmul.f32 v30, v28;
	_ =	sdelay $0x1  }
0x22c: {  	v16 =	vadd.f32 v17, v16;
	_ =	sdelay $0x1  }
0x22d: {  	[tilespmem:$0xC750] =	vst v16  }
0x22e: {  	v16 =	vld [tilespmem:s12+$0xFFFFFF00]  }
0x22f: {  	v17 =	vld [tilespmem:s13+$0xFFFFFF00]  }
0x230: {  	v31 =	vld [tilespmem:s14+$0xFFFFFF00]  }
0x231: {  	v32 =	vld [tilespmem:s12+$0xFFFFFF10]  }
0x232: {  	v33 =	vld [tilespmem:s13+$0xFFFFFF10]  }
0x233: {  	v34 =	vld [tilespmem:s14+$0xFFFFFF10]  }
0x234: {  	v35 =	vld [tilespmem:s12+$0xFFFFFF20]  }
0x235: {  	v36 =	vld [tilespmem:s13+$0xFFFFFF20]  }
0x236: {  	v37 =	vld [tilespmem:s14+$0xFFFFFF20]  }
0x237: {  	v38 =	vld [tilespmem:s13+$0xFFFFFF30]  }
0x238: {  	v39 =	vld [tilespmem:s14+$0xFFFFFF30]  }
0x239: {  	v17 =	vsub.f32 v17, v31;
	v40 =	vsub.f32 v33, v34  }
0x23a: {  	v41 =	vld [tilespmem:s12+$0xFFFFFF30]  }
0x23b: {  	v42 =	vsub.f32 v36, v37;
	v16 =	vmul.f32 v17, v16;
	v17 =	vmul.f32 v40, v32;
	_ =	sdelay $0x1  }
0x23c: {  	v43 =	vsub.f32 v38, v39;
	v16 =	vadd.f32 v17, v16;
	v17 =	vmul.f32 v42, v35;
	_ =	sdelay $0x1  }
0x23d: {  	v16 =	vadd.f32 v17, v16;
	v17 =	vmul.f32 v43, v41;
	_ =	sdelay $0x1  }
0x23e: {  	v16 =	vadd.f32 v17, v16;
	_ =	sdelay $0x1  }
0x23f: {  	[tilespmem:$0xC760] =	vst v16  }
0x240: {  	v16 =	vld [tilespmem:s12+$0xFFFFFF80]  }
0x241: {  	v17 =	vld [tilespmem:s13+$0xFFFFFF80]  }
0x242: {  	v44 =	vld [tilespmem:s14+$0xFFFFFF80]  }
0x243: {  	v45 =	vld [tilespmem:s12+$0xFFFFFF90]  }
0x244: {  	v46 =	vld [tilespmem:s13+$0xFFFFFF90]  }
0x245: {  	v47 =	vld [tilespmem:s14+$0xFFFFFF90]  }
0x246: {  	v48 =	vld [tilespmem:s12+$0xFFFFFFA0]  }
0x247: {  	v49 =	vld [tilespmem:s13+$0xFFFFFFA0]  }
0x248: {  	v50 =	vld [tilespmem:s14+$0xFFFFFFA0]  }
0x249: {  	v51 =	vld [tilespmem:s13+$0xFFFFFFB0]  }
0x24a: {  	v52 =	vld [tilespmem:s14+$0xFFFFFFB0]  }
0x24b: {  	v17 =	vsub.f32 v17, v44;
	v53 =	vsub.f32 v46, v47  }
0x24c: {  	v54 =	vld [tilespmem:s12+$0xFFFFFFB0]  }
0x24d: {  	v55 =	vsub.f32 v49, v50;
	v16 =	vmul.f32 v17, v16;
	v17 =	vmul.f32 v53, v45;
	_ =	sdelay $0x1  }
0x24e: {  	v56 =	vsub.f32 v51, v52;
	v16 =	vadd.f32 v17, v16;
	v17 =	vmul.f32 v55, v48;
	_ =	sdelay $0x1  }
0x24f: {  	v16 =	vadd.f32 v17, v16;
	v17 =	vmul.f32 v56, v54;
	_ =	sdelay $0x1  }
0x250: {  	v16 =	vadd.f32 v17, v16;
	_ =	sdelay $0x1  }
0x251: {  	[tilespmem:$0xC770] =	vst v16  }
0x252: {  	v16 =	vld [tilespmem:s12+$0x0]  }
0x253: {  	v17 =	vld [tilespmem:s13+$0x0]  }
0x254: {  	v57 =	vld [tilespmem:s14+$0x0]  }
0x255: {  	v58 =	vld [tilespmem:s12+$0x10]  }
0x256: {  	v59 =	vld [tilespmem:s13+$0x10]  }
0x257: {  	v60 =	vld [tilespmem:s14+$0x10]  }
0x258: {  	v61 =	vld [tilespmem:s12+$0x20]  }
0x259: {  	v62 =	vld [tilespmem:s13+$0x20]  }
0x25a: {  	v63 =	vld [tilespmem:s14+$0x20]  }
0x25b: {  	v28 =	vld [tilespmem:s13+$0x30]  }
0x25c: {  	v29 =	vld [tilespmem:s14+$0x30]  }
0x25d: {  	v17 =	vsub.f32 v17, v57;
	v30 =	vsub.f32 v59, v60  }
0x25e: {  	v31 =	vld [tilespmem:s12+$0x30]  }
0x25f: {  	v32 =	vsub.f32 v62, v63;
	v16 =	vmul.f32 v17, v16;
	v17 =	vmul.f32 v30, v58;
	_ =	sdelay $0x1  }
0x260: {  	v33 =	vsub.f32 v28, v29;
	v16 =	vadd.f32 v17, v16;
	v17 =	vmul.f32 v32, v61;
	_ =	sdelay $0x1  }
0x261: {  	v16 =	vadd.f32 v17, v16;
	v17 =	vmul.f32 v33, v31;
	_ =	sdelay $0x1  }
0x262: {  	v16 =	vadd.f32 v17, v16;
	_ =	sdelay $0x1  }
0x263: {  	[tilespmem:$0xC780] =	vst v16  }
0x264: {  	v16 =	vld [tilespmem:s12+$0x80]  }
0x265: {  	v17 =	vld [tilespmem:s13+$0x80]  }
0x266: {  	v34 =	vld [tilespmem:s14+$0x80]  }
0x267: {  	v35 =	vld [tilespmem:s12+$0x90]  }
0x268: {  	v36 =	vld [tilespmem:s13+$0x90]  }
0x269: {  	v37 =	vld [tilespmem:s14+$0x90]  }
0x26a: {  	v38 =	vld [tilespmem:s12+$0xA0]  }
0x26b: {  	v39 =	vld [tilespmem:s13+$0xA0]  }
0x26c: {  	v40 =	vld [tilespmem:s14+$0xA0]  }
0x26d: {  	v41 =	vld [tilespmem:s13+$0xB0]  }
0x26e: {  	v42 =	vld [tilespmem:s14+$0xB0]  }
0x26f: {  	v17 =	vsub.f32 v17, v34;
	v43 =	vsub.f32 v36, v37  }
0x270: {  	v44 =	vld [tilespmem:s12+$0xB0]  }
0x271: {  	v45 =	vsub.f32 v39, v40;
	v16 =	vmul.f32 v17, v16;
	v17 =	vmul.f32 v43, v35;
	_ =	sdelay $0x1  }
0x272: {  	v46 =	vsub.f32 v41, v42;
	v16 =	vadd.f32 v17, v16;
	v17 =	vmul.f32 v45, v38;
	_ =	sdelay $0x1  }
0x273: {  	v16 =	vadd.f32 v17, v16;
	v17 =	vmul.f32 v46, v44;
	_ =	sdelay $0x1  }
0x274: {  	v16 =	vadd.f32 v17, v16;
	_ =	sdelay $0x1  }
0x275: {  	[tilespmem:$0xC790] =	vst v16  }
0x276: {  	v16 =	vld [tilespmem:s12+$0x100]  }
0x277: {  	v17 =	vld [tilespmem:s13+$0x100]  }
0x278: {  	v47 =	vld [tilespmem:s14+$0x100]  }
0x279: {  	v48 =	vld [tilespmem:s12+$0x110]  }
0x27a: {  	v49 =	vld [tilespmem:s13+$0x110]  }
0x27b: {  	v50 =	vld [tilespmem:s14+$0x110]  }
0x27c: {  	v51 =	vld [tilespmem:s12+$0x120]  }
0x27d: {  	v52 =	vld [tilespmem:s13+$0x120]  }
0x27e: {  	v53 =	vld [tilespmem:s14+$0x120]  }
0x27f: {  	v54 =	vld [tilespmem:s13+$0x130]  }
0x280: {  	v55 =	vld [tilespmem:s14+$0x130]  }
0x281: {  	v17 =	vsub.f32 v17, v47;
	v56 =	vsub.f32 v49, v50  }
0x282: {  	v57 =	vld [tilespmem:s12+$0x130]  }
0x283: {  	v58 =	vsub.f32 v52, v53;
	v16 =	vmul.f32 v17, v16;
	v17 =	vmul.f32 v56, v48;
	_ =	sdelay $0x1  }
0x284: {  	v59 =	vsub.f32 v54, v55;
	v16 =	vadd.f32 v17, v16;
	v17 =	vmul.f32 v58, v51;
	_ =	sdelay $0x1  }
0x285: {  	v16 =	vadd.f32 v17, v16;
	v17 =	vmul.f32 v59, v57;
	_ =	sdelay $0x1  }
0x286: {  	v16 =	vadd.f32 v17, v16;
	_ =	sdelay $0x1  }
0x287: {  	[tilespmem:$0xC7A0] =	vst v16  }
0x288: {  	v16 =	vld [tilespmem:s12+$0x180]  }
0x289: {  	v17 =	vld [tilespmem:s13+$0x180]  }
0x28a: {  	v60 =	vld [tilespmem:s14+$0x180]  }
0x28b: {  	v61 =	vld [tilespmem:s12+$0x190]  }
0x28c: {  	v62 =	vld [tilespmem:s13+$0x190]  }
0x28d: {  	v63 =	vld [tilespmem:s14+$0x190]  }
0x28e: {  	v28 =	vld [tilespmem:s12+$0x1A0]  }
0x28f: {  	v29 =	vld [tilespmem:s13+$0x1A0]  }
0x290: {  	v30 =	vld [tilespmem:s14+$0x1A0]  }
0x291: {  	v31 =	vld [tilespmem:s13+$0x1B0]  }
0x292: {  	v32 =	vld [tilespmem:s14+$0x1B0]  }
0x293: {  	v17 =	vsub.f32 v17, v60;
	v33 =	vsub.f32 v62, v63  }
0x294: {  	v34 =	vld [tilespmem:s12+$0x1B0]  }
0x295: {  	v35 =	vsub.f32 v29, v30;
	v16 =	vmul.f32 v17, v16;
	v17 =	vmul.f32 v33, v61;
	_ =	sdelay $0x1  }
0x296: {  	v36 =	vsub.f32 v31, v32;
	v16 =	vadd.f32 v17, v16;
	v17 =	vmul.f32 v35, v28;
	_ =	sdelay $0x1  }
0x297: {  	v16 =	vadd.f32 v17, v16;
	v17 =	vmul.f32 v36, v34;
	_ =	sdelay $0x1  }
0x298: {  	v16 =	vadd.f32 v17, v16;
	_ =	sdelay $0x1  }
0x299: {  	[tilespmem:$0xC7B0] =	vst v16  }
0x29a: {  	v16 =	vld [tilespmem:s12+$0x200]  }
0x29b: {  	v17 =	vld [tilespmem:s13+$0x200]  }
0x29c: {  	v37 =	vld [tilespmem:s14+$0x200]  }
0x29d: {  	v38 =	vld [tilespmem:s12+$0x210]  }
0x29e: {  	v39 =	vld [tilespmem:s13+$0x210]  }
0x29f: {  	v40 =	vld [tilespmem:s14+$0x210]  }
0x2a0: {  	v41 =	vld [tilespmem:s12+$0x220]  }
0x2a1: {  	v42 =	vld [tilespmem:s13+$0x220]  }
0x2a2: {  	v43 =	vld [tilespmem:s14+$0x220]  }
0x2a3: {  	v44 =	vld [tilespmem:s13+$0x230]  }
0x2a4: {  	v45 =	vld [tilespmem:s14+$0x230]  }
0x2a5: {  	v17 =	vsub.f32 v17, v37;
	v46 =	vsub.f32 v39, v40  }
0x2a6: {  	v47 =	vld [tilespmem:s12+$0x230]  }
0x2a7: {  	v48 =	vsub.f32 v42, v43;
	v16 =	vmul.f32 v17, v16;
	v17 =	vmul.f32 v46, v38;
	_ =	sdelay $0x1  }
0x2a8: {  	v49 =	vsub.f32 v44, v45;
	v16 =	vadd.f32 v17, v16;
	v17 =	vmul.f32 v48, v41;
	_ =	sdelay $0x1  }
0x2a9: {  	v16 =	vadd.f32 v17, v16;
	v17 =	vmul.f32 v49, v47;
	_ =	sdelay $0x1  }
0x2aa: {  	v16 =	vadd.f32 v17, v16;
	_ =	sdelay $0x1  }
0x2ab: {  	[tilespmem:$0xC7C0] =	vst v16  }
0x2ac: {  	v16 =	vld [tilespmem:s12+$0x280]  }
0x2ad: {  	v17 =	vld [tilespmem:s13+$0x280]  }
0x2ae: {  	v50 =	vld [tilespmem:s14+$0x280]  }
0x2af: {  	v51 =	vld [tilespmem:s12+$0x290]  }
0x2b0: {  	v52 =	vld [tilespmem:s13+$0x290]  }
0x2b1: {  	v53 =	vld [tilespmem:s14+$0x290]  }
0x2b2: {  	v54 =	vld [tilespmem:s12+$0x2A0]  }
0x2b3: {  	v55 =	vld [tilespmem:s13+$0x2A0]  }
0x2b4: {  	v56 =	vld [tilespmem:s14+$0x2A0]  }
0x2b5: {  	v57 =	vld [tilespmem:s13+$0x2B0]  }
0x2b6: {  	v58 =	vld [tilespmem:s14+$0x2B0]  }
0x2b7: {  	v17 =	vsub.f32 v17, v50;
	v59 =	vsub.f32 v52, v53  }
0x2b8: {  	v60 =	vld [tilespmem:s12+$0x2B0]  }
0x2b9: {  	v61 =	vsub.f32 v55, v56;
	v16 =	vmul.f32 v17, v16;
	v17 =	vmul.f32 v59, v51;
	_ =	sdelay $0x1  }
0x2ba: {  	v62 =	vsub.f32 v57, v58;
	v16 =	vadd.f32 v17, v16;
	v17 =	vmul.f32 v61, v54;
	_ =	sdelay $0x1  }
0x2bb: {  	v16 =	vadd.f32 v17, v16;
	v17 =	vmul.f32 v62, v60;
	_ =	sdelay $0x1  }
0x2bc: {  	v16 =	vadd.f32 v17, v16;
	_ =	sdelay $0x1  }
0x2bd: {  	[tilespmem:$0xC7D0] =	vst v16  }
0x2be: {  	v16 =	vld [tilespmem:s12+$0x300]  }
0x2bf: {  	v17 =	vld [tilespmem:s13+$0x300]  }
0x2c0: {  	v63 =	vld [tilespmem:s14+$0x300]  }
0x2c1: {  	v28 =	vld [tilespmem:s12+$0x310]  }
0x2c2: {  	v29 =	vld [tilespmem:s13+$0x310]  }
0x2c3: {  	v30 =	vld [tilespmem:s14+$0x310]  }
0x2c4: {  	v31 =	vld [tilespmem:s12+$0x320]  }
0x2c5: {  	v32 =	vld [tilespmem:s13+$0x320]  }
0x2c6: {  	v33 =	vld [tilespmem:s14+$0x320]  }
0x2c7: {  	v34 =	vld [tilespmem:s13+$0x330]  }
0x2c8: {  	v35 =	vld [tilespmem:s14+$0x330]  }
0x2c9: {  	v17 =	vsub.f32 v17, v63;
	v36 =	vsub.f32 v29, v30  }
0x2ca: {  	v37 =	vld [tilespmem:s12+$0x330]  }
0x2cb: {  	v38 =	vsub.f32 v32, v33;
	v16 =	vmul.f32 v17, v16;
	v17 =	vmul.f32 v36, v28;
	_ =	sdelay $0x1  }
0x2cc: {  	v39 =	vsub.f32 v34, v35;
	v16 =	vadd.f32 v17, v16;
	v17 =	vmul.f32 v38, v31;
	_ =	sdelay $0x1  }
0x2cd: {  	v16 =	vadd.f32 v17, v16;
	v17 =	vmul.f32 v39, v37;
	_ =	sdelay $0x1  }
0x2ce: {  	v16 =	vadd.f32 v17, v16;
	_ =	sdelay $0x1  }
0x2cf: {  	[tilespmem:$0xC7E0] =	vst v16  }
0x2d0: {  	v16 =	vld [tilespmem:s12+$0x380]  }
0x2d1: {  	v17 =	vld [tilespmem:s13+$0x380]  }
0x2d2: {  	v40 =	vld [tilespmem:s14+$0x380]  }
0x2d3: {  	v41 =	vld [tilespmem:s12+$0x390]  }
0x2d4: {  	v42 =	vld [tilespmem:s13+$0x390]  }
0x2d5: {  	v43 =	vld [tilespmem:s14+$0x390]  }
0x2d6: {  	v44 =	vld [tilespmem:s12+$0x3A0]  }
0x2d7: {  	v45 =	vld [tilespmem:s13+$0x3A0]  }
0x2d8: {  	v46 =	vld [tilespmem:s14+$0x3A0]  }
0x2d9: {  	v47 =	vld [tilespmem:s13+$0x3B0]  }
0x2da: {  	v48 =	vld [tilespmem:s14+$0x3B0]  }
0x2db: {  	v17 =	vsub.f32 v17, v40;
	v49 =	vsub.f32 v42, v43  }
0x2dc: {  	v50 =	vld [tilespmem:s12+$0x3B0]  }
0x2dd: {  	v51 =	vsub.f32 v45, v46;
	v16 =	vmul.f32 v17, v16;
	v17 =	vmul.f32 v49, v41;
	_ =	sdelay $0x1  }
0x2de: {  	v52 =	vsub.f32 v47, v48;
	v16 =	vadd.f32 v17, v16;
	v17 =	vmul.f32 v51, v44;
	_ =	sdelay $0x1  }
0x2df: {  	v16 =	vadd.f32 v17, v16;
	v17 =	vmul.f32 v52, v50;
	_ =	sdelay $0x1  }
0x2e0: {  	v16 =	vadd.f32 v17, v16;
	_ =	sdelay $0x1  }
0x2e1: {  	[tilespmem:$0xC7F0] =	vst v16  }
0x2e2: {  	v16 =	vld.idx.msk [tilespmem:v0+s30+$0x0], $0xffff  }
0x2e3: {  	v17 =	vld.idx.msk [tilespmem:v1+s30+$0x0], $0xffff;
	_ =	sdelay $0x1  }
0x2e4: {  	v53 =	vld.idx.msk [tilespmem:v2+s30+$0x0], $0xffff;
	_ =	sdelay $0x1  }
0x2e5: {  	v54 =	vld.idx.msk [tilespmem:v3+s30+$0x0], $0xffff  }
0x2e6: {  	v16 =	vadd.f32 v17, v16  }
0x2e7: {  	v17 =	vld.idx.msk [tilespmem:v4+s30+$0x0], $0xffff  }
0x2e8: {  	v16 =	vadd.f32 v53, v16  }
0x2e9: {  	v55 =	vld.idx.msk [tilespmem:v5+s30+$0x0], $0xffff  }
0x2ea: {  	v16 =	vadd.f32 v54, v16  }
0x2eb: {  	v56 =	vld.idx.msk [tilespmem:v6+s30+$0x0], $0xffff  }
0x2ec: {  	v16 =	vadd.f32 v17, v16  }
0x2ed: {  	v17 =	vld.idx.msk [tilespmem:v7+s30+$0x0], $0xffff  }
0x2ee: {  	v16 =	vadd.f32 v55, v16  }
0x2ef: {  	v57 =	vld.idx.msk [tilespmem:v8+s30+$0x0], $0xffff  }
0x2f0: {  	v16 =	vadd.f32 v56, v16  }
0x2f1: {  	v58 =	vld.idx.msk [tilespmem:v9+s30+$0x0], $0xffff  }
0x2f2: {  	v16 =	vadd.f32 v17, v16  }
0x2f3: {  	v17 =	vld.idx.msk [tilespmem:v10+s30+$0x0], $0xffff  }
0x2f4: {  	v16 =	vadd.f32 v57, v16  }
0x2f5: {  	v59 =	vld.idx.msk [tilespmem:v11+s30+$0x0], $0xffff  }
0x2f6: {  	v16 =	vadd.f32 v58, v16  }
0x2f7: {  	v60 =	vld.idx.msk [tilespmem:v12+s30+$0x0], $0xffff  }
0x2f8: {  	v16 =	vadd.f32 v17, v16  }
0x2f9: {  	v17 =	vld.idx.msk [tilespmem:v13+s30+$0x0], $0xffff  }
0x2fa: {  	v16 =	vadd.f32 v59, v16  }
0x2fb: {  	v61 =	vld.idx.msk [tilespmem:v14+s30+$0x0], $0xffff  }
0x2fc: {  	v16 =	vadd.f32 v60, v16  }
0x2fd: {  	v62 =	vld.idx.msk [tilespmem:v15+s30+$0x0], $0xffff  }
0x2fe: {  	s15 =	sshra.s32 s11, $0x2;
	v16 =	vadd.f32 v17, v16  }
0x2ff: {  	v17 =	vld [tilespmem:s15+$0xC600]  }
0x300: {  	v16 =	vadd.f32 v61, v16  }
0x301: {  	v63 =	vld [tilespmem:s15+$0xC680]  }
0x302: {  	v16 =	vadd.f32 v62, v16  }
0x303: {  	p0 =	sne.s32 s11, $0x1C0  }
.Ltmp1:
0x304: {  	v16 =	vadd.f32 v17, v16;
	(pc) =	sbr.rel @p0 .LBB2_4-.Ltmp1, $4  }
0x305: {  	_ = 	snop  }
0x306: {  	v16 =	vsub.f32 v16, v63  }
0x307: {  	s11 =	sadd.s32 $0x40, s11  }
0x308: {  	s12 =	sadd.s32 $0x800, s12;
	s13 =	sadd.s32 $0x800, s13;
	s14 =	sadd.s32 $0x800, s14;
	[tilespmem:s15+$0xC880] =	vst v16  }
0x309: {  	s11 =	simm.s32 $0x100  }
0x30a: {  	[tilespmem:s2], [sflag:$0x1] =	stream.indirect.gather [hbm4b:s3+s23], $0x80, s11, s23, $0xb8;
	[tilespmem:$0xCA00] =	vst v63  }
0x30b: {  	_ = 	snop  }
0x30c: {  	[tilespmem:s26], [sflag:$0x1] =	stream.indirect.gather [hbm4b:s4+s23], $0x80, s28, s23, $0xb8;
	[tilespmem:$0xCA00] =	vst v63  }
0x30d: {  	_ = 	snop  }
0x30e: {  	[tilespmem:s6], [sflag:$0x1] =	stream.indirect.gather [hbm4b:s4+s23], $0x80, s29, s23, $0xb8;
	[tilespmem:$0xCA00] =	vst v63  }
0x30f: {  	_ = 	snop  }
0x310: {  	[tilespmem:s7], [sflag:$0x1] =	stream.indirect.gather [hbm4b:s5+s23], $0x1, s28, s23, $0xb8;
	[tilespmem:$0xCA00] =	vst v63  }
0x311: {  	_ = 	snop  }
0x312: {  	[tilespmem:s8], [sflag:$0x1] =	stream.indirect.gather [hbm4b:s5+s23], $0x1, s29, s23, $0xb8;
	[tilespmem:$0xCA00] =	vst v63  }
0x313: {  	_ =	swait.ge [sflag:s9], $0x4000  }
0x314: {  	[sflag:s9] =	ssyncset.done $0x0  }
0x315: {  	[sflag:s9] =	ssyncadd.s32 $0xFFFFC000  }
0x316: {  	_ =	swait.ge [sflag:s9], $0x4000  }
0x317: {  	[sflag:s9] =	ssyncset.done $0x0  }
0x318: {  	[sflag:s9] =	ssyncadd.s32 $0xFFFFC000  }
0x319: {  	_ =	swait.ge [sflag:s9], $0x4000  }
0x31a: {  	[sflag:s9] =	ssyncset.done $0x0  }
0x31b: {  	[sflag:s9] =	ssyncadd.s32 $0xFFFFC000  }
0x31c: {  	_ =	swait.ge [sflag:s9], $0x80  }
0x31d: {  	[sflag:s9] =	ssyncset.done $0x0  }
0x31e: {  	[sflag:s9] =	ssyncadd.s32 $0xFFFFFF80  }
0x31f: {  	_ =	swait.ge [sflag:s9], $0x80  }
0x320: {  	s12 =	simm.s32 $0xA00;
	s13 =	simm.s32 $0x4A00;
	[sflag:s9] =	ssyncset.done $0x0  }
0x321: {  	s14 =	simm.s32 $0x8A00;
	s11 =	simm.s32 $0x0;
	[sflag:s9] =	ssyncadd.s32 $0xFFFFFF80  }
.LBB2_6:
0x322: {  	v16 =	vld [tilespmem:s12+$0xFFFFFC00]  }
0x323: {  	v17 =	vld [tilespmem:s13+$0xFFFFFC00]  }
0x324: {  	v18 =	vld [tilespmem:s14+$0xFFFFFC00]  }
0x325: {  	v19 =	vld [tilespmem:s12+$0xFFFFFC10]  }
0x326: {  	v20 =	vld [tilespmem:s13+$0xFFFFFC10]  }
0x327: {  	v21 =	vld [tilespmem:s14+$0xFFFFFC10]  }
0x328: {  	v22 =	vld [tilespmem:s12+$0xFFFFFC20]  }
0x329: {  	v23 =	vld [tilespmem:s13+$0xFFFFFC20]  }
0x32a: {  	v24 =	vld [tilespmem:s14+$0xFFFFFC20]  }
0x32b: {  	v25 =	vld [tilespmem:s13+$0xFFFFFC30]  }
0x32c: {  	v26 =	vld [tilespmem:s14+$0xFFFFFC30]  }
0x32d: {  	v17 =	vsub.f32 v17, v18;
	v36 =	vsub.f32 v20, v21  }
0x32e: {  	v37 =	vld [tilespmem:s12+$0xFFFFFC30]  }
0x32f: {  	v38 =	vsub.f32 v23, v24;
	v16 =	vmul.f32 v17, v16;
	v17 =	vmul.f32 v36, v19;
	_ =	sdelay $0x1  }
0x330: {  	v39 =	vsub.f32 v25, v26;
	v16 =	vadd.f32 v17, v16;
	v17 =	vmul.f32 v38, v22;
	_ =	sdelay $0x1  }
0x331: {  	v16 =	vadd.f32 v17, v16;
	v17 =	vmul.f32 v39, v37;
	_ =	sdelay $0x1  }
0x332: {  	v16 =	vadd.f32 v17, v16;
	_ =	sdelay $0x1  }
0x333: {  	[tilespmem:$0xC700] =	vst v16  }
0x334: {  	v16 =	vld [tilespmem:s12+$0xFFFFFC80]  }
0x335: {  	v17 =	vld [tilespmem:s13+$0xFFFFFC80]  }
0x336: {  	v40 =	vld [tilespmem:s14+$0xFFFFFC80]  }
0x337: {  	v41 =	vld [tilespmem:s12+$0xFFFFFC90]  }
0x338: {  	v42 =	vld [tilespmem:s13+$0xFFFFFC90]  }
0x339: {  	v43 =	vld [tilespmem:s14+$0xFFFFFC90]  }
0x33a: {  	v44 =	vld [tilespmem:s12+$0xFFFFFCA0]  }
0x33b: {  	v45 =	vld [tilespmem:s13+$0xFFFFFCA0]  }
0x33c: {  	v46 =	vld [tilespmem:s14+$0xFFFFFCA0]  }
0x33d: {  	v47 =	vld [tilespmem:s13+$0xFFFFFCB0]  }
0x33e: {  	v48 =	vld [tilespmem:s14+$0xFFFFFCB0]  }
0x33f: {  	v17 =	vsub.f32 v17, v40;
	v49 =	vsub.f32 v42, v43  }
0x340: {  	v50 =	vld [tilespmem:s12+$0xFFFFFCB0]  }
0x341: {  	v51 =	vsub.f32 v45, v46;
	v16 =	vmul.f32 v17, v16;
	v17 =	vmul.f32 v49, v41;
	_ =	sdelay $0x1  }
0x342: {  	v52 =	vsub.f32 v47, v48;
	v16 =	vadd.f32 v17, v16;
	v17 =	vmul.f32 v51, v44;
	_ =	sdelay $0x1  }
0x343: {  	v16 =	vadd.f32 v17, v16;
	v17 =	vmul.f32 v52, v50;
	_ =	sdelay $0x1  }
0x344: {  	v16 =	vadd.f32 v17, v16;
	_ =	sdelay $0x1  }
0x345: {  	[tilespmem:$0xC710] =	vst v16  }
0x346: {  	v16 =	vld [tilespmem:s12+$0xFFFFFD00]  }
0x347: {  	v17 =	vld [tilespmem:s13+$0xFFFFFD00]  }
0x348: {  	v53 =	vld [tilespmem:s14+$0xFFFFFD00]  }
0x349: {  	v54 =	vld [tilespmem:s12+$0xFFFFFD10]  }
0x34a: {  	v55 =	vld [tilespmem:s13+$0xFFFFFD10]  }
0x34b: {  	v56 =	vld [tilespmem:s14+$0xFFFFFD10]  }
0x34c: {  	v57 =	vld [tilespmem:s12+$0xFFFFFD20]  }
0x34d: {  	v58 =	vld [tilespmem:s13+$0xFFFFFD20]  }
0x34e: {  	v59 =	vld [tilespmem:s14+$0xFFFFFD20]  }
0x34f: {  	v60 =	vld [tilespmem:s13+$0xFFFFFD30]  }
0x350: {  	v61 =	vld [tilespmem:s14+$0xFFFFFD30]  }
0x351: {  	v17 =	vsub.f32 v17, v53;
	v62 =	vsub.f32 v55, v56  }
0x352: {  	v63 =	vld [tilespmem:s12+$0xFFFFFD30]  }
0x353: {  	v27 =	vsub.f32 v58, v59;
	v16 =	vmul.f32 v17, v16;
	v17 =	vmul.f32 v62, v54;
	_ =	sdelay $0x1  }
0x354: {  	v28 =	vsub.f32 v60, v61;
	v16 =	vadd.f32 v17, v16;
	v17 =	vmul.f32 v27, v57;
	_ =	sdelay $0x1  }
0x355: {  	v16 =	vadd.f32 v17, v16;
	v17 =	vmul.f32 v28, v63;
	_ =	sdelay $0x1  }
0x356: {  	v16 =	vadd.f32 v17, v16;
	_ =	sdelay $0x1  }
0x357: {  	[tilespmem:$0xC720] =	vst v16  }
0x358: {  	v16 =	vld [tilespmem:s12+$0xFFFFFD80]  }
0x359: {  	v17 =	vld [tilespmem:s13+$0xFFFFFD80]  }
0x35a: {  	v29 =	vld [tilespmem:s14+$0xFFFFFD80]  }
0x35b: {  	v30 =	vld [tilespmem:s12+$0xFFFFFD90]  }
0x35c: {  	v31 =	vld [tilespmem:s13+$0xFFFFFD90]  }
0x35d: {  	v32 =	vld [tilespmem:s14+$0xFFFFFD90]  }
0x35e: {  	v33 =	vld [tilespmem:s12+$0xFFFFFDA0]  }
0x35f: {  	v34 =	vld [tilespmem:s13+$0xFFFFFDA0]  }
0x360: {  	v35 =	vld [tilespmem:s14+$0xFFFFFDA0]  }
0x361: {  	v36 =	vld [tilespmem:s13+$0xFFFFFDB0]  }
0x362: {  	v37 =	vld [tilespmem:s14+$0xFFFFFDB0]  }
0x363: {  	v17 =	vsub.f32 v17, v29;
	v38 =	vsub.f32 v31, v32  }
0x364: {  	v39 =	vld [tilespmem:s12+$0xFFFFFDB0]  }
0x365: {  	v40 =	vsub.f32 v34, v35;
	v16 =	vmul.f32 v17, v16;
	v17 =	vmul.f32 v38, v30;
	_ =	sdelay $0x1  }
0x366: {  	v41 =	vsub.f32 v36, v37;
	v16 =	vadd.f32 v17, v16;
	v17 =	vmul.f32 v40, v33;
	_ =	sdelay $0x1  }
0x367: {  	v16 =	vadd.f32 v17, v16;
	v17 =	vmul.f32 v41, v39;
	_ =	sdelay $0x1  }
0x368: {  	v16 =	vadd.f32 v17, v16;
	_ =	sdelay $0x1  }
0x369: {  	[tilespmem:$0xC730] =	vst v16  }
0x36a: {  	v16 =	vld [tilespmem:s12+$0xFFFFFE00]  }
0x36b: {  	v17 =	vld [tilespmem:s13+$0xFFFFFE00]  }
0x36c: {  	v42 =	vld [tilespmem:s14+$0xFFFFFE00]  }
0x36d: {  	v43 =	vld [tilespmem:s12+$0xFFFFFE10]  }
0x36e: {  	v44 =	vld [tilespmem:s13+$0xFFFFFE10]  }
0x36f: {  	v45 =	vld [tilespmem:s14+$0xFFFFFE10]  }
0x370: {  	v46 =	vld [tilespmem:s12+$0xFFFFFE20]  }
0x371: {  	v47 =	vld [tilespmem:s13+$0xFFFFFE20]  }
0x372: {  	v48 =	vld [tilespmem:s14+$0xFFFFFE20]  }
0x373: {  	v49 =	vld [tilespmem:s13+$0xFFFFFE30]  }
0x374: {  	v50 =	vld [tilespmem:s14+$0xFFFFFE30]  }
0x375: {  	v17 =	vsub.f32 v17, v42;
	v51 =	vsub.f32 v44, v45  }
0x376: {  	v52 =	vld [tilespmem:s12+$0xFFFFFE30]  }
0x377: {  	v53 =	vsub.f32 v47, v48;
	v16 =	vmul.f32 v17, v16;
	v17 =	vmul.f32 v51, v43;
	_ =	sdelay $0x1  }
0x378: {  	v54 =	vsub.f32 v49, v50;
	v16 =	vadd.f32 v17, v16;
	v17 =	vmul.f32 v53, v46;
	_ =	sdelay $0x1  }
0x379: {  	v16 =	vadd.f32 v17, v16;
	v17 =	vmul.f32 v54, v52;
	_ =	sdelay $0x1  }
0x37a: {  	v16 =	vadd.f32 v17, v16;
	_ =	sdelay $0x1  }
0x37b: {  	[tilespmem:$0xC740] =	vst v16  }
0x37c: {  	v16 =	vld [tilespmem:s12+$0xFFFFFE80]  }
0x37d: {  	v17 =	vld [tilespmem:s13+$0xFFFFFE80]  }
0x37e: {  	v55 =	vld [tilespmem:s14+$0xFFFFFE80]  }
0x37f: {  	v56 =	vld [tilespmem:s12+$0xFFFFFE90]  }
0x380: {  	v57 =	vld [tilespmem:s13+$0xFFFFFE90]  }
0x381: {  	v58 =	vld [tilespmem:s14+$0xFFFFFE90]  }
0x382: {  	v59 =	vld [tilespmem:s12+$0xFFFFFEA0]  }
0x383: {  	v60 =	vld [tilespmem:s13+$0xFFFFFEA0]  }
0x384: {  	v61 =	vld [tilespmem:s14+$0xFFFFFEA0]  }
0x385: {  	v62 =	vld [tilespmem:s13+$0xFFFFFEB0]  }
0x386: {  	v63 =	vld [tilespmem:s14+$0xFFFFFEB0]  }
0x387: {  	v17 =	vsub.f32 v17, v55;
	v27 =	vsub.f32 v57, v58  }
0x388: {  	v28 =	vld [tilespmem:s12+$0xFFFFFEB0]  }
0x389: {  	v29 =	vsub.f32 v60, v61;
	v16 =	vmul.f32 v17, v16;
	v17 =	vmul.f32 v27, v56;
	_ =	sdelay $0x1  }
0x38a: {  	v30 =	vsub.f32 v62, v63;
	v16 =	vadd.f32 v17, v16;
	v17 =	vmul.f32 v29, v59;
	_ =	sdelay $0x1  }
0x38b: {  	v16 =	vadd.f32 v17, v16;
	v17 =	vmul.f32 v30, v28;
	_ =	sdelay $0x1  }
0x38c: {  	v16 =	vadd.f32 v17, v16;
	_ =	sdelay $0x1  }
0x38d: {  	[tilespmem:$0xC750] =	vst v16  }
0x38e: {  	v16 =	vld [tilespmem:s12+$0xFFFFFF00]  }
0x38f: {  	v17 =	vld [tilespmem:s13+$0xFFFFFF00]  }
0x390: {  	v31 =	vld [tilespmem:s14+$0xFFFFFF00]  }
0x391: {  	v32 =	vld [tilespmem:s12+$0xFFFFFF10]  }
0x392: {  	v33 =	vld [tilespmem:s13+$0xFFFFFF10]  }
0x393: {  	v34 =	vld [tilespmem:s14+$0xFFFFFF10]  }
0x394: {  	v35 =	vld [tilespmem:s12+$0xFFFFFF20]  }
0x395: {  	v36 =	vld [tilespmem:s13+$0xFFFFFF20]  }
0x396: {  	v37 =	vld [tilespmem:s14+$0xFFFFFF20]  }
0x397: {  	v38 =	vld [tilespmem:s13+$0xFFFFFF30]  }
0x398: {  	v39 =	vld [tilespmem:s14+$0xFFFFFF30]  }
0x399: {  	v17 =	vsub.f32 v17, v31;
	v40 =	vsub.f32 v33, v34  }
0x39a: {  	v41 =	vld [tilespmem:s12+$0xFFFFFF30]  }
0x39b: {  	v42 =	vsub.f32 v36, v37;
	v16 =	vmul.f32 v17, v16;
	v17 =	vmul.f32 v40, v32;
	_ =	sdelay $0x1  }
0x39c: {  	v43 =	vsub.f32 v38, v39;
	v16 =	vadd.f32 v17, v16;
	v17 =	vmul.f32 v42, v35;
	_ =	sdelay $0x1  }
0x39d: {  	v16 =	vadd.f32 v17, v16;
	v17 =	vmul.f32 v43, v41;
	_ =	sdelay $0x1  }
0x39e: {  	v16 =	vadd.f32 v17, v16;
	_ =	sdelay $0x1  }
0x39f: {  	[tilespmem:$0xC760] =	vst v16  }
0x3a0: {  	v16 =	vld [tilespmem:s12+$0xFFFFFF80]  }
0x3a1: {  	v17 =	vld [tilespmem:s13+$0xFFFFFF80]  }
0x3a2: {  	v44 =	vld [tilespmem:s14+$0xFFFFFF80]  }
0x3a3: {  	v45 =	vld [tilespmem:s12+$0xFFFFFF90]  }
0x3a4: {  	v46 =	vld [tilespmem:s13+$0xFFFFFF90]  }
0x3a5: {  	v47 =	vld [tilespmem:s14+$0xFFFFFF90]  }
0x3a6: {  	v48 =	vld [tilespmem:s12+$0xFFFFFFA0]  }
0x3a7: {  	v49 =	vld [tilespmem:s13+$0xFFFFFFA0]  }
0x3a8: {  	v50 =	vld [tilespmem:s14+$0xFFFFFFA0]  }
0x3a9: {  	v51 =	vld [tilespmem:s13+$0xFFFFFFB0]  }
0x3aa: {  	v52 =	vld [tilespmem:s14+$0xFFFFFFB0]  }
0x3ab: {  	v17 =	vsub.f32 v17, v44;
	v53 =	vsub.f32 v46, v47  }
0x3ac: {  	v54 =	vld [tilespmem:s12+$0xFFFFFFB0]  }
0x3ad: {  	v55 =	vsub.f32 v49, v50;
	v16 =	vmul.f32 v17, v16;
	v17 =	vmul.f32 v53, v45;
	_ =	sdelay $0x1  }
0x3ae: {  	v56 =	vsub.f32 v51, v52;
	v16 =	vadd.f32 v17, v16;
	v17 =	vmul.f32 v55, v48;
	_ =	sdelay $0x1  }
0x3af: {  	v16 =	vadd.f32 v17, v16;
	v17 =	vmul.f32 v56, v54;
	_ =	sdelay $0x1  }
0x3b0: {  	v16 =	vadd.f32 v17, v16;
	_ =	sdelay $0x1  }
0x3b1: {  	[tilespmem:$0xC770] =	vst v16  }
0x3b2: {  	v16 =	vld [tilespmem:s12+$0x0]  }
0x3b3: {  	v17 =	vld [tilespmem:s13+$0x0]  }
0x3b4: {  	v57 =	vld [tilespmem:s14+$0x0]  }
0x3b5: {  	v58 =	vld [tilespmem:s12+$0x10]  }
0x3b6: {  	v59 =	vld [tilespmem:s13+$0x10]  }
0x3b7: {  	v60 =	vld [tilespmem:s14+$0x10]  }
0x3b8: {  	v61 =	vld [tilespmem:s12+$0x20]  }
0x3b9: {  	v62 =	vld [tilespmem:s13+$0x20]  }
0x3ba: {  	v63 =	vld [tilespmem:s14+$0x20]  }
0x3bb: {  	v28 =	vld [tilespmem:s13+$0x30]  }
0x3bc: {  	v29 =	vld [tilespmem:s14+$0x30]  }
0x3bd: {  	v17 =	vsub.f32 v17, v57;
	v30 =	vsub.f32 v59, v60  }
0x3be: {  	v31 =	vld [tilespmem:s12+$0x30]  }
0x3bf: {  	v32 =	vsub.f32 v62, v63;
	v16 =	vmul.f32 v17, v16;
	v17 =	vmul.f32 v30, v58;
	_ =	sdelay $0x1  }
0x3c0: {  	v33 =	vsub.f32 v28, v29;
	v16 =	vadd.f32 v17, v16;
	v17 =	vmul.f32 v32, v61;
	_ =	sdelay $0x1  }
0x3c1: {  	v16 =	vadd.f32 v17, v16;
	v17 =	vmul.f32 v33, v31;
	_ =	sdelay $0x1  }
0x3c2: {  	v16 =	vadd.f32 v17, v16;
	_ =	sdelay $0x1  }
0x3c3: {  	[tilespmem:$0xC780] =	vst v16  }
0x3c4: {  	v16 =	vld [tilespmem:s12+$0x80]  }
0x3c5: {  	v17 =	vld [tilespmem:s13+$0x80]  }
0x3c6: {  	v34 =	vld [tilespmem:s14+$0x80]  }
0x3c7: {  	v35 =	vld [tilespmem:s12+$0x90]  }
0x3c8: {  	v36 =	vld [tilespmem:s13+$0x90]  }
0x3c9: {  	v37 =	vld [tilespmem:s14+$0x90]  }
0x3ca: {  	v38 =	vld [tilespmem:s12+$0xA0]  }
0x3cb: {  	v39 =	vld [tilespmem:s13+$0xA0]  }
0x3cc: {  	v40 =	vld [tilespmem:s14+$0xA0]  }
0x3cd: {  	v41 =	vld [tilespmem:s13+$0xB0]  }
0x3ce: {  	v42 =	vld [tilespmem:s14+$0xB0]  }
0x3cf: {  	v17 =	vsub.f32 v17, v34;
	v43 =	vsub.f32 v36, v37  }
0x3d0: {  	v44 =	vld [tilespmem:s12+$0xB0]  }
0x3d1: {  	v45 =	vsub.f32 v39, v40;
	v16 =	vmul.f32 v17, v16;
	v17 =	vmul.f32 v43, v35;
	_ =	sdelay $0x1  }
0x3d2: {  	v46 =	vsub.f32 v41, v42;
	v16 =	vadd.f32 v17, v16;
	v17 =	vmul.f32 v45, v38;
	_ =	sdelay $0x1  }
0x3d3: {  	v16 =	vadd.f32 v17, v16;
	v17 =	vmul.f32 v46, v44;
	_ =	sdelay $0x1  }
0x3d4: {  	v16 =	vadd.f32 v17, v16;
	_ =	sdelay $0x1  }
0x3d5: {  	[tilespmem:$0xC790] =	vst v16  }
0x3d6: {  	v16 =	vld [tilespmem:s12+$0x100]  }
0x3d7: {  	v17 =	vld [tilespmem:s13+$0x100]  }
0x3d8: {  	v47 =	vld [tilespmem:s14+$0x100]  }
0x3d9: {  	v48 =	vld [tilespmem:s12+$0x110]  }
0x3da: {  	v49 =	vld [tilespmem:s13+$0x110]  }
0x3db: {  	v50 =	vld [tilespmem:s14+$0x110]  }
0x3dc: {  	v51 =	vld [tilespmem:s12+$0x120]  }
0x3dd: {  	v52 =	vld [tilespmem:s13+$0x120]  }
0x3de: {  	v53 =	vld [tilespmem:s14+$0x120]  }
0x3df: {  	v54 =	vld [tilespmem:s13+$0x130]  }
0x3e0: {  	v55 =	vld [tilespmem:s14+$0x130]  }
0x3e1: {  	v17 =	vsub.f32 v17, v47;
	v56 =	vsub.f32 v49, v50  }
0x3e2: {  	v57 =	vld [tilespmem:s12+$0x130]  }
0x3e3: {  	v58 =	vsub.f32 v52, v53;
	v16 =	vmul.f32 v17, v16;
	v17 =	vmul.f32 v56, v48;
	_ =	sdelay $0x1  }
0x3e4: {  	v59 =	vsub.f32 v54, v55;
	v16 =	vadd.f32 v17, v16;
	v17 =	vmul.f32 v58, v51;
	_ =	sdelay $0x1  }
0x3e5: {  	v16 =	vadd.f32 v17, v16;
	v17 =	vmul.f32 v59, v57;
	_ =	sdelay $0x1  }
0x3e6: {  	v16 =	vadd.f32 v17, v16;
	_ =	sdelay $0x1  }
0x3e7: {  	[tilespmem:$0xC7A0] =	vst v16  }
0x3e8: {  	v16 =	vld [tilespmem:s12+$0x180]  }
0x3e9: {  	v17 =	vld [tilespmem:s13+$0x180]  }
0x3ea: {  	v60 =	vld [tilespmem:s14+$0x180]  }
0x3eb: {  	v61 =	vld [tilespmem:s12+$0x190]  }
0x3ec: {  	v62 =	vld [tilespmem:s13+$0x190]  }
0x3ed: {  	v63 =	vld [tilespmem:s14+$0x190]  }
0x3ee: {  	v28 =	vld [tilespmem:s12+$0x1A0]  }
0x3ef: {  	v29 =	vld [tilespmem:s13+$0x1A0]  }
0x3f0: {  	v30 =	vld [tilespmem:s14+$0x1A0]  }
0x3f1: {  	v31 =	vld [tilespmem:s13+$0x1B0]  }
0x3f2: {  	v32 =	vld [tilespmem:s14+$0x1B0]  }
0x3f3: {  	v17 =	vsub.f32 v17, v60;
	v33 =	vsub.f32 v62, v63  }
0x3f4: {  	v34 =	vld [tilespmem:s12+$0x1B0]  }
0x3f5: {  	v35 =	vsub.f32 v29, v30;
	v16 =	vmul.f32 v17, v16;
	v17 =	vmul.f32 v33, v61;
	_ =	sdelay $0x1  }
0x3f6: {  	v36 =	vsub.f32 v31, v32;
	v16 =	vadd.f32 v17, v16;
	v17 =	vmul.f32 v35, v28;
	_ =	sdelay $0x1  }
0x3f7: {  	v16 =	vadd.f32 v17, v16;
	v17 =	vmul.f32 v36, v34;
	_ =	sdelay $0x1  }
0x3f8: {  	v16 =	vadd.f32 v17, v16;
	_ =	sdelay $0x1  }
0x3f9: {  	[tilespmem:$0xC7B0] =	vst v16  }
0x3fa: {  	v16 =	vld [tilespmem:s12+$0x200]  }
0x3fb: {  	v17 =	vld [tilespmem:s13+$0x200]  }
0x3fc: {  	v37 =	vld [tilespmem:s14+$0x200]  }
0x3fd: {  	v38 =	vld [tilespmem:s12+$0x210]  }
0x3fe: {  	v39 =	vld [tilespmem:s13+$0x210]  }
0x3ff: {  	v40 =	vld [tilespmem:s14+$0x210]  }
0x400: {  	v41 =	vld [tilespmem:s12+$0x220]  }
0x401: {  	v42 =	vld [tilespmem:s13+$0x220]  }
0x402: {  	v43 =	vld [tilespmem:s14+$0x220]  }
0x403: {  	v44 =	vld [tilespmem:s13+$0x230]  }
0x404: {  	v45 =	vld [tilespmem:s14+$0x230]  }
0x405: {  	v17 =	vsub.f32 v17, v37;
	v46 =	vsub.f32 v39, v40  }
0x406: {  	v47 =	vld [tilespmem:s12+$0x230]  }
0x407: {  	v48 =	vsub.f32 v42, v43;
	v16 =	vmul.f32 v17, v16;
	v17 =	vmul.f32 v46, v38;
	_ =	sdelay $0x1  }
0x408: {  	v49 =	vsub.f32 v44, v45;
	v16 =	vadd.f32 v17, v16;
	v17 =	vmul.f32 v48, v41;
	_ =	sdelay $0x1  }
0x409: {  	v16 =	vadd.f32 v17, v16;
	v17 =	vmul.f32 v49, v47;
	_ =	sdelay $0x1  }
0x40a: {  	v16 =	vadd.f32 v17, v16;
	_ =	sdelay $0x1  }
0x40b: {  	[tilespmem:$0xC7C0] =	vst v16  }
0x40c: {  	v16 =	vld [tilespmem:s12+$0x280]  }
0x40d: {  	v17 =	vld [tilespmem:s13+$0x280]  }
0x40e: {  	v50 =	vld [tilespmem:s14+$0x280]  }
0x40f: {  	v51 =	vld [tilespmem:s12+$0x290]  }
0x410: {  	v52 =	vld [tilespmem:s13+$0x290]  }
0x411: {  	v53 =	vld [tilespmem:s14+$0x290]  }
0x412: {  	v54 =	vld [tilespmem:s12+$0x2A0]  }
0x413: {  	v55 =	vld [tilespmem:s13+$0x2A0]  }
0x414: {  	v56 =	vld [tilespmem:s14+$0x2A0]  }
0x415: {  	v57 =	vld [tilespmem:s13+$0x2B0]  }
0x416: {  	v58 =	vld [tilespmem:s14+$0x2B0]  }
0x417: {  	v17 =	vsub.f32 v17, v50;
	v59 =	vsub.f32 v52, v53  }
0x418: {  	v60 =	vld [tilespmem:s12+$0x2B0]  }
0x419: {  	v61 =	vsub.f32 v55, v56;
	v16 =	vmul.f32 v17, v16;
	v17 =	vmul.f32 v59, v51;
	_ =	sdelay $0x1  }
0x41a: {  	v62 =	vsub.f32 v57, v58;
	v16 =	vadd.f32 v17, v16;
	v17 =	vmul.f32 v61, v54;
	_ =	sdelay $0x1  }
0x41b: {  	v16 =	vadd.f32 v17, v16;
	v17 =	vmul.f32 v62, v60;
	_ =	sdelay $0x1  }
0x41c: {  	v16 =	vadd.f32 v17, v16;
	_ =	sdelay $0x1  }
0x41d: {  	[tilespmem:$0xC7D0] =	vst v16  }
0x41e: {  	v16 =	vld [tilespmem:s12+$0x300]  }
0x41f: {  	v17 =	vld [tilespmem:s13+$0x300]  }
0x420: {  	v63 =	vld [tilespmem:s14+$0x300]  }
0x421: {  	v28 =	vld [tilespmem:s12+$0x310]  }
0x422: {  	v29 =	vld [tilespmem:s13+$0x310]  }
0x423: {  	v30 =	vld [tilespmem:s14+$0x310]  }
0x424: {  	v31 =	vld [tilespmem:s12+$0x320]  }
0x425: {  	v32 =	vld [tilespmem:s13+$0x320]  }
0x426: {  	v33 =	vld [tilespmem:s14+$0x320]  }
0x427: {  	v34 =	vld [tilespmem:s13+$0x330]  }
0x428: {  	v35 =	vld [tilespmem:s14+$0x330]  }
0x429: {  	v17 =	vsub.f32 v17, v63;
	v36 =	vsub.f32 v29, v30  }
0x42a: {  	v37 =	vld [tilespmem:s12+$0x330]  }
0x42b: {  	v38 =	vsub.f32 v32, v33;
	v16 =	vmul.f32 v17, v16;
	v17 =	vmul.f32 v36, v28;
	_ =	sdelay $0x1  }
0x42c: {  	v39 =	vsub.f32 v34, v35;
	v16 =	vadd.f32 v17, v16;
	v17 =	vmul.f32 v38, v31;
	_ =	sdelay $0x1  }
0x42d: {  	v16 =	vadd.f32 v17, v16;
	v17 =	vmul.f32 v39, v37;
	_ =	sdelay $0x1  }
0x42e: {  	v16 =	vadd.f32 v17, v16;
	_ =	sdelay $0x1  }
0x42f: {  	[tilespmem:$0xC7E0] =	vst v16  }
0x430: {  	v16 =	vld [tilespmem:s12+$0x380]  }
0x431: {  	v17 =	vld [tilespmem:s13+$0x380]  }
0x432: {  	v40 =	vld [tilespmem:s14+$0x380]  }
0x433: {  	v41 =	vld [tilespmem:s12+$0x390]  }
0x434: {  	v42 =	vld [tilespmem:s13+$0x390]  }
0x435: {  	v43 =	vld [tilespmem:s14+$0x390]  }
0x436: {  	v44 =	vld [tilespmem:s12+$0x3A0]  }
0x437: {  	v45 =	vld [tilespmem:s13+$0x3A0]  }
0x438: {  	v46 =	vld [tilespmem:s14+$0x3A0]  }
0x439: {  	v47 =	vld [tilespmem:s13+$0x3B0]  }
0x43a: {  	v48 =	vld [tilespmem:s14+$0x3B0]  }
0x43b: {  	v17 =	vsub.f32 v17, v40;
	v49 =	vsub.f32 v42, v43  }
0x43c: {  	v50 =	vld [tilespmem:s12+$0x3B0]  }
0x43d: {  	v51 =	vsub.f32 v45, v46;
	v16 =	vmul.f32 v17, v16;
	v17 =	vmul.f32 v49, v41;
	_ =	sdelay $0x1  }
0x43e: {  	v52 =	vsub.f32 v47, v48;
	v16 =	vadd.f32 v17, v16;
	v17 =	vmul.f32 v51, v44;
	_ =	sdelay $0x1  }
0x43f: {  	v16 =	vadd.f32 v17, v16;
	v17 =	vmul.f32 v52, v50;
	_ =	sdelay $0x1  }
0x440: {  	v16 =	vadd.f32 v17, v16;
	_ =	sdelay $0x1  }
0x441: {  	[tilespmem:$0xC7F0] =	vst v16  }
0x442: {  	v16 =	vld.idx.msk [tilespmem:v0+s30+$0x0], $0xffff  }
0x443: {  	v17 =	vld.idx.msk [tilespmem:v1+s30+$0x0], $0xffff;
	_ =	sdelay $0x1  }
0x444: {  	v53 =	vld.idx.msk [tilespmem:v2+s30+$0x0], $0xffff;
	_ =	sdelay $0x1  }
0x445: {  	v54 =	vld.idx.msk [tilespmem:v3+s30+$0x0], $0xffff  }
0x446: {  	v16 =	vadd.f32 v17, v16  }
0x447: {  	v17 =	vld.idx.msk [tilespmem:v4+s30+$0x0], $0xffff  }
0x448: {  	v16 =	vadd.f32 v53, v16  }
0x449: {  	v55 =	vld.idx.msk [tilespmem:v5+s30+$0x0], $0xffff  }
0x44a: {  	v16 =	vadd.f32 v54, v16  }
0x44b: {  	v56 =	vld.idx.msk [tilespmem:v6+s30+$0x0], $0xffff  }
0x44c: {  	v16 =	vadd.f32 v17, v16  }
0x44d: {  	v17 =	vld.idx.msk [tilespmem:v7+s30+$0x0], $0xffff  }
0x44e: {  	v16 =	vadd.f32 v55, v16  }
0x44f: {  	v57 =	vld.idx.msk [tilespmem:v8+s30+$0x0], $0xffff  }
0x450: {  	v16 =	vadd.f32 v56, v16  }
0x451: {  	v58 =	vld.idx.msk [tilespmem:v9+s30+$0x0], $0xffff  }
0x452: {  	v16 =	vadd.f32 v17, v16  }
0x453: {  	v17 =	vld.idx.msk [tilespmem:v10+s30+$0x0], $0xffff  }
0x454: {  	v16 =	vadd.f32 v57, v16  }
0x455: {  	v59 =	vld.idx.msk [tilespmem:v11+s30+$0x0], $0xffff  }
0x456: {  	v16 =	vadd.f32 v58, v16  }
0x457: {  	v60 =	vld.idx.msk [tilespmem:v12+s30+$0x0], $0xffff  }
0x458: {  	v16 =	vadd.f32 v17, v16  }
0x459: {  	v17 =	vld.idx.msk [tilespmem:v13+s30+$0x0], $0xffff  }
0x45a: {  	v16 =	vadd.f32 v59, v16  }
0x45b: {  	v61 =	vld.idx.msk [tilespmem:v14+s30+$0x0], $0xffff  }
0x45c: {  	v16 =	vadd.f32 v60, v16  }
0x45d: {  	v62 =	vld.idx.msk [tilespmem:v15+s30+$0x0], $0xffff  }
0x45e: {  	s15 =	sshra.s32 s11, $0x2;
	v16 =	vadd.f32 v17, v16  }
0x45f: {  	v17 =	vld [tilespmem:s15+$0xC600]  }
0x460: {  	v16 =	vadd.f32 v61, v16  }
0x461: {  	v63 =	vld [tilespmem:s15+$0xC680]  }
0x462: {  	v16 =	vadd.f32 v62, v16  }
0x463: {  	p0 =	sne.s32 s11, $0x1C0  }
.Ltmp2:
0x464: {  	v16 =	vadd.f32 v17, v16;
	(pc) =	sbr.rel @p0 .LBB2_6-.Ltmp2, $4  }
0x465: {  	_ = 	snop  }
0x466: {  	v16 =	vsub.f32 v16, v63  }
0x467: {  	s11 =	sadd.s32 $0x40, s11  }
0x468: {  	s12 =	sadd.s32 $0x800, s12;
	s13 =	sadd.s32 $0x800, s13;
	s14 =	sadd.s32 $0x800, s14;
	[tilespmem:s15+$0xC900] =	vst v16  }
0x469: {  	s11 =	simm.s32 $0x180  }
0x46a: {  	[tilespmem:s2], [sflag:$0x1] =	stream.indirect.gather [hbm4b:s3+s23], $0x80, s11, s23, $0xb8;
	[tilespmem:$0xCA00] =	vst v63  }
0x46b: {  	_ = 	snop  }
0x46c: {  	[tilespmem:s26], [sflag:$0x1] =	stream.indirect.gather [hbm4b:s4+s23], $0x80, s31, s23, $0xb8;
	[tilespmem:$0xCA00] =	vst v63  }
0x46d: {  	_ = 	snop  }
0x46e: {  	[tilespmem:s6], [sflag:$0x1] =	stream.indirect.gather [hbm4b:s4+s23], $0x80, s0, s23, $0xb8;
	[tilespmem:$0xCA00] =	vst v63  }
0x46f: {  	_ = 	snop  }
0x470: {  	[tilespmem:s7], [sflag:$0x1] =	stream.indirect.gather [hbm4b:s5+s23], $0x1, s31, s23, $0xb8;
	[tilespmem:$0xCA00] =	vst v63  }
0x471: {  	_ = 	snop  }
0x472: {  	[tilespmem:s8], [sflag:$0x1] =	stream.indirect.gather [hbm4b:s5+s23], $0x1, s0, s23, $0xb8;
	[tilespmem:$0xCA00] =	vst v63  }
0x473: {  	_ =	swait.ge [sflag:s9], $0x4000  }
0x474: {  	[sflag:s9] =	ssyncset.done $0x0  }
0x475: {  	[sflag:s9] =	ssyncadd.s32 $0xFFFFC000  }
0x476: {  	_ =	swait.ge [sflag:s9], $0x4000  }
0x477: {  	[sflag:s9] =	ssyncset.done $0x0  }
0x478: {  	[sflag:s9] =	ssyncadd.s32 $0xFFFFC000  }
0x479: {  	_ =	swait.ge [sflag:s9], $0x4000  }
0x47a: {  	[sflag:s9] =	ssyncset.done $0x0  }
0x47b: {  	[sflag:s9] =	ssyncadd.s32 $0xFFFFC000  }
0x47c: {  	_ =	swait.ge [sflag:s9], $0x80  }
0x47d: {  	[sflag:s9] =	ssyncset.done $0x0  }
0x47e: {  	[sflag:s9] =	ssyncadd.s32 $0xFFFFFF80  }
0x47f: {  	_ =	swait.ge [sflag:s9], $0x80  }
0x480: {  	s12 =	simm.s32 $0xA00;
	s13 =	simm.s32 $0x4A00;
	[sflag:s9] =	ssyncset.done $0x0  }
0x481: {  	s14 =	simm.s32 $0x8A00;
	s11 =	simm.s32 $0x0;
	[sflag:s9] =	ssyncadd.s32 $0xFFFFFF80  }
.LBB2_8:
0x482: {  	v16 =	vld [tilespmem:s12+$0xFFFFFC00]  }
0x483: {  	v17 =	vld [tilespmem:s13+$0xFFFFFC00]  }
0x484: {  	v18 =	vld [tilespmem:s14+$0xFFFFFC00]  }
0x485: {  	v19 =	vld [tilespmem:s12+$0xFFFFFC10]  }
0x486: {  	v20 =	vld [tilespmem:s13+$0xFFFFFC10]  }
0x487: {  	v21 =	vld [tilespmem:s14+$0xFFFFFC10]  }
0x488: {  	v22 =	vld [tilespmem:s12+$0xFFFFFC20]  }
0x489: {  	v23 =	vld [tilespmem:s13+$0xFFFFFC20]  }
0x48a: {  	v24 =	vld [tilespmem:s14+$0xFFFFFC20]  }
0x48b: {  	v25 =	vld [tilespmem:s13+$0xFFFFFC30]  }
0x48c: {  	v26 =	vld [tilespmem:s14+$0xFFFFFC30]  }
0x48d: {  	v17 =	vsub.f32 v17, v18;
	v36 =	vsub.f32 v20, v21  }
0x48e: {  	v37 =	vld [tilespmem:s12+$0xFFFFFC30]  }
0x48f: {  	v38 =	vsub.f32 v23, v24;
	v16 =	vmul.f32 v17, v16;
	v17 =	vmul.f32 v36, v19;
	_ =	sdelay $0x1  }
0x490: {  	v39 =	vsub.f32 v25, v26;
	v16 =	vadd.f32 v17, v16;
	v17 =	vmul.f32 v38, v22;
	_ =	sdelay $0x1  }
0x491: {  	v16 =	vadd.f32 v17, v16;
	v17 =	vmul.f32 v39, v37;
	_ =	sdelay $0x1  }
0x492: {  	v16 =	vadd.f32 v17, v16;
	_ =	sdelay $0x1  }
0x493: {  	[tilespmem:$0xC700] =	vst v16  }
0x494: {  	v16 =	vld [tilespmem:s12+$0xFFFFFC80]  }
0x495: {  	v17 =	vld [tilespmem:s13+$0xFFFFFC80]  }
0x496: {  	v40 =	vld [tilespmem:s14+$0xFFFFFC80]  }
0x497: {  	v41 =	vld [tilespmem:s12+$0xFFFFFC90]  }
0x498: {  	v42 =	vld [tilespmem:s13+$0xFFFFFC90]  }
0x499: {  	v43 =	vld [tilespmem:s14+$0xFFFFFC90]  }
0x49a: {  	v44 =	vld [tilespmem:s12+$0xFFFFFCA0]  }
0x49b: {  	v45 =	vld [tilespmem:s13+$0xFFFFFCA0]  }
0x49c: {  	v46 =	vld [tilespmem:s14+$0xFFFFFCA0]  }
0x49d: {  	v47 =	vld [tilespmem:s13+$0xFFFFFCB0]  }
0x49e: {  	v48 =	vld [tilespmem:s14+$0xFFFFFCB0]  }
0x49f: {  	v17 =	vsub.f32 v17, v40;
	v49 =	vsub.f32 v42, v43  }
0x4a0: {  	v50 =	vld [tilespmem:s12+$0xFFFFFCB0]  }
0x4a1: {  	v51 =	vsub.f32 v45, v46;
	v16 =	vmul.f32 v17, v16;
	v17 =	vmul.f32 v49, v41;
	_ =	sdelay $0x1  }
0x4a2: {  	v52 =	vsub.f32 v47, v48;
	v16 =	vadd.f32 v17, v16;
	v17 =	vmul.f32 v51, v44;
	_ =	sdelay $0x1  }
0x4a3: {  	v16 =	vadd.f32 v17, v16;
	v17 =	vmul.f32 v52, v50;
	_ =	sdelay $0x1  }
0x4a4: {  	v16 =	vadd.f32 v17, v16;
	_ =	sdelay $0x1  }
0x4a5: {  	[tilespmem:$0xC710] =	vst v16  }
0x4a6: {  	v16 =	vld [tilespmem:s12+$0xFFFFFD00]  }
0x4a7: {  	v17 =	vld [tilespmem:s13+$0xFFFFFD00]  }
0x4a8: {  	v53 =	vld [tilespmem:s14+$0xFFFFFD00]  }
0x4a9: {  	v54 =	vld [tilespmem:s12+$0xFFFFFD10]  }
0x4aa: {  	v55 =	vld [tilespmem:s13+$0xFFFFFD10]  }
0x4ab: {  	v56 =	vld [tilespmem:s14+$0xFFFFFD10]  }
0x4ac: {  	v57 =	vld [tilespmem:s12+$0xFFFFFD20]  }
0x4ad: {  	v58 =	vld [tilespmem:s13+$0xFFFFFD20]  }
0x4ae: {  	v59 =	vld [tilespmem:s14+$0xFFFFFD20]  }
0x4af: {  	v60 =	vld [tilespmem:s13+$0xFFFFFD30]  }
0x4b0: {  	v61 =	vld [tilespmem:s14+$0xFFFFFD30]  }
0x4b1: {  	v17 =	vsub.f32 v17, v53;
	v62 =	vsub.f32 v55, v56  }
0x4b2: {  	v63 =	vld [tilespmem:s12+$0xFFFFFD30]  }
0x4b3: {  	v27 =	vsub.f32 v58, v59;
	v16 =	vmul.f32 v17, v16;
	v17 =	vmul.f32 v62, v54;
	_ =	sdelay $0x1  }
0x4b4: {  	v28 =	vsub.f32 v60, v61;
	v16 =	vadd.f32 v17, v16;
	v17 =	vmul.f32 v27, v57;
	_ =	sdelay $0x1  }
0x4b5: {  	v16 =	vadd.f32 v17, v16;
	v17 =	vmul.f32 v28, v63;
	_ =	sdelay $0x1  }
0x4b6: {  	v16 =	vadd.f32 v17, v16;
	_ =	sdelay $0x1  }
0x4b7: {  	[tilespmem:$0xC720] =	vst v16  }
0x4b8: {  	v16 =	vld [tilespmem:s12+$0xFFFFFD80]  }
0x4b9: {  	v17 =	vld [tilespmem:s13+$0xFFFFFD80]  }
0x4ba: {  	v29 =	vld [tilespmem:s14+$0xFFFFFD80]  }
0x4bb: {  	v30 =	vld [tilespmem:s12+$0xFFFFFD90]  }
0x4bc: {  	v31 =	vld [tilespmem:s13+$0xFFFFFD90]  }
0x4bd: {  	v32 =	vld [tilespmem:s14+$0xFFFFFD90]  }
0x4be: {  	v33 =	vld [tilespmem:s12+$0xFFFFFDA0]  }
0x4bf: {  	v34 =	vld [tilespmem:s13+$0xFFFFFDA0]  }
0x4c0: {  	v35 =	vld [tilespmem:s14+$0xFFFFFDA0]  }
0x4c1: {  	v36 =	vld [tilespmem:s13+$0xFFFFFDB0]  }
0x4c2: {  	v37 =	vld [tilespmem:s14+$0xFFFFFDB0]  }
0x4c3: {  	v17 =	vsub.f32 v17, v29;
	v38 =	vsub.f32 v31, v32  }
0x4c4: {  	v39 =	vld [tilespmem:s12+$0xFFFFFDB0]  }
0x4c5: {  	v40 =	vsub.f32 v34, v35;
	v16 =	vmul.f32 v17, v16;
	v17 =	vmul.f32 v38, v30;
	_ =	sdelay $0x1  }
0x4c6: {  	v41 =	vsub.f32 v36, v37;
	v16 =	vadd.f32 v17, v16;
	v17 =	vmul.f32 v40, v33;
	_ =	sdelay $0x1  }
0x4c7: {  	v16 =	vadd.f32 v17, v16;
	v17 =	vmul.f32 v41, v39;
	_ =	sdelay $0x1  }
0x4c8: {  	v16 =	vadd.f32 v17, v16;
	_ =	sdelay $0x1  }
0x4c9: {  	[tilespmem:$0xC730] =	vst v16  }
0x4ca: {  	v16 =	vld [tilespmem:s12+$0xFFFFFE00]  }
0x4cb: {  	v17 =	vld [tilespmem:s13+$0xFFFFFE00]  }
0x4cc: {  	v42 =	vld [tilespmem:s14+$0xFFFFFE00]  }
0x4cd: {  	v43 =	vld [tilespmem:s12+$0xFFFFFE10]  }
0x4ce: {  	v44 =	vld [tilespmem:s13+$0xFFFFFE10]  }
0x4cf: {  	v45 =	vld [tilespmem:s14+$0xFFFFFE10]  }
0x4d0: {  	v46 =	vld [tilespmem:s12+$0xFFFFFE20]  }
0x4d1: {  	v47 =	vld [tilespmem:s13+$0xFFFFFE20]  }
0x4d2: {  	v48 =	vld [tilespmem:s14+$0xFFFFFE20]  }
0x4d3: {  	v49 =	vld [tilespmem:s13+$0xFFFFFE30]  }
0x4d4: {  	v50 =	vld [tilespmem:s14+$0xFFFFFE30]  }
0x4d5: {  	v17 =	vsub.f32 v17, v42;
	v51 =	vsub.f32 v44, v45  }
0x4d6: {  	v52 =	vld [tilespmem:s12+$0xFFFFFE30]  }
0x4d7: {  	v53 =	vsub.f32 v47, v48;
	v16 =	vmul.f32 v17, v16;
	v17 =	vmul.f32 v51, v43;
	_ =	sdelay $0x1  }
0x4d8: {  	v54 =	vsub.f32 v49, v50;
	v16 =	vadd.f32 v17, v16;
	v17 =	vmul.f32 v53, v46;
	_ =	sdelay $0x1  }
0x4d9: {  	v16 =	vadd.f32 v17, v16;
	v17 =	vmul.f32 v54, v52;
	_ =	sdelay $0x1  }
0x4da: {  	v16 =	vadd.f32 v17, v16;
	_ =	sdelay $0x1  }
0x4db: {  	[tilespmem:$0xC740] =	vst v16  }
0x4dc: {  	v16 =	vld [tilespmem:s12+$0xFFFFFE80]  }
0x4dd: {  	v17 =	vld [tilespmem:s13+$0xFFFFFE80]  }
0x4de: {  	v55 =	vld [tilespmem:s14+$0xFFFFFE80]  }
0x4df: {  	v56 =	vld [tilespmem:s12+$0xFFFFFE90]  }
0x4e0: {  	v57 =	vld [tilespmem:s13+$0xFFFFFE90]  }
0x4e1: {  	v58 =	vld [tilespmem:s14+$0xFFFFFE90]  }
0x4e2: {  	v59 =	vld [tilespmem:s12+$0xFFFFFEA0]  }
0x4e3: {  	v60 =	vld [tilespmem:s13+$0xFFFFFEA0]  }
0x4e4: {  	v61 =	vld [tilespmem:s14+$0xFFFFFEA0]  }
0x4e5: {  	v62 =	vld [tilespmem:s13+$0xFFFFFEB0]  }
0x4e6: {  	v63 =	vld [tilespmem:s14+$0xFFFFFEB0]  }
0x4e7: {  	v17 =	vsub.f32 v17, v55;
	v27 =	vsub.f32 v57, v58  }
0x4e8: {  	v28 =	vld [tilespmem:s12+$0xFFFFFEB0]  }
0x4e9: {  	v29 =	vsub.f32 v60, v61;
	v16 =	vmul.f32 v17, v16;
	v17 =	vmul.f32 v27, v56;
	_ =	sdelay $0x1  }
0x4ea: {  	v30 =	vsub.f32 v62, v63;
	v16 =	vadd.f32 v17, v16;
	v17 =	vmul.f32 v29, v59;
	_ =	sdelay $0x1  }
0x4eb: {  	v16 =	vadd.f32 v17, v16;
	v17 =	vmul.f32 v30, v28;
	_ =	sdelay $0x1  }
0x4ec: {  	v16 =	vadd.f32 v17, v16;
	_ =	sdelay $0x1  }
0x4ed: {  	[tilespmem:$0xC750] =	vst v16  }
0x4ee: {  	v16 =	vld [tilespmem:s12+$0xFFFFFF00]  }
0x4ef: {  	v17 =	vld [tilespmem:s13+$0xFFFFFF00]  }
0x4f0: {  	v31 =	vld [tilespmem:s14+$0xFFFFFF00]  }
0x4f1: {  	v32 =	vld [tilespmem:s12+$0xFFFFFF10]  }
0x4f2: {  	v33 =	vld [tilespmem:s13+$0xFFFFFF10]  }
0x4f3: {  	v34 =	vld [tilespmem:s14+$0xFFFFFF10]  }
0x4f4: {  	v35 =	vld [tilespmem:s12+$0xFFFFFF20]  }
0x4f5: {  	v36 =	vld [tilespmem:s13+$0xFFFFFF20]  }
0x4f6: {  	v37 =	vld [tilespmem:s14+$0xFFFFFF20]  }
0x4f7: {  	v38 =	vld [tilespmem:s13+$0xFFFFFF30]  }
0x4f8: {  	v39 =	vld [tilespmem:s14+$0xFFFFFF30]  }
0x4f9: {  	v17 =	vsub.f32 v17, v31;
	v40 =	vsub.f32 v33, v34  }
0x4fa: {  	v41 =	vld [tilespmem:s12+$0xFFFFFF30]  }
0x4fb: {  	v42 =	vsub.f32 v36, v37;
	v16 =	vmul.f32 v17, v16;
	v17 =	vmul.f32 v40, v32;
	_ =	sdelay $0x1  }
0x4fc: {  	v43 =	vsub.f32 v38, v39;
	v16 =	vadd.f32 v17, v16;
	v17 =	vmul.f32 v42, v35;
	_ =	sdelay $0x1  }
0x4fd: {  	v16 =	vadd.f32 v17, v16;
	v17 =	vmul.f32 v43, v41;
	_ =	sdelay $0x1  }
0x4fe: {  	v16 =	vadd.f32 v17, v16;
	_ =	sdelay $0x1  }
0x4ff: {  	[tilespmem:$0xC760] =	vst v16  }
0x500: {  	v16 =	vld [tilespmem:s12+$0xFFFFFF80]  }
0x501: {  	v17 =	vld [tilespmem:s13+$0xFFFFFF80]  }
0x502: {  	v44 =	vld [tilespmem:s14+$0xFFFFFF80]  }
0x503: {  	v45 =	vld [tilespmem:s12+$0xFFFFFF90]  }
0x504: {  	v46 =	vld [tilespmem:s13+$0xFFFFFF90]  }
0x505: {  	v47 =	vld [tilespmem:s14+$0xFFFFFF90]  }
0x506: {  	v48 =	vld [tilespmem:s12+$0xFFFFFFA0]  }
0x507: {  	v49 =	vld [tilespmem:s13+$0xFFFFFFA0]  }
0x508: {  	v50 =	vld [tilespmem:s14+$0xFFFFFFA0]  }
0x509: {  	v51 =	vld [tilespmem:s13+$0xFFFFFFB0]  }
0x50a: {  	v52 =	vld [tilespmem:s14+$0xFFFFFFB0]  }
0x50b: {  	v17 =	vsub.f32 v17, v44;
	v53 =	vsub.f32 v46, v47  }
0x50c: {  	v54 =	vld [tilespmem:s12+$0xFFFFFFB0]  }
0x50d: {  	v55 =	vsub.f32 v49, v50;
	v16 =	vmul.f32 v17, v16;
	v17 =	vmul.f32 v53, v45;
	_ =	sdelay $0x1  }
0x50e: {  	v56 =	vsub.f32 v51, v52;
	v16 =	vadd.f32 v17, v16;
	v17 =	vmul.f32 v55, v48;
	_ =	sdelay $0x1  }
0x50f: {  	v16 =	vadd.f32 v17, v16;
	v17 =	vmul.f32 v56, v54;
	_ =	sdelay $0x1  }
0x510: {  	v16 =	vadd.f32 v17, v16;
	_ =	sdelay $0x1  }
0x511: {  	[tilespmem:$0xC770] =	vst v16  }
0x512: {  	v16 =	vld [tilespmem:s12+$0x0]  }
0x513: {  	v17 =	vld [tilespmem:s13+$0x0]  }
0x514: {  	v57 =	vld [tilespmem:s14+$0x0]  }
0x515: {  	v58 =	vld [tilespmem:s12+$0x10]  }
0x516: {  	v59 =	vld [tilespmem:s13+$0x10]  }
0x517: {  	v60 =	vld [tilespmem:s14+$0x10]  }
0x518: {  	v61 =	vld [tilespmem:s12+$0x20]  }
0x519: {  	v62 =	vld [tilespmem:s13+$0x20]  }
0x51a: {  	v63 =	vld [tilespmem:s14+$0x20]  }
0x51b: {  	v28 =	vld [tilespmem:s13+$0x30]  }
0x51c: {  	v29 =	vld [tilespmem:s14+$0x30]  }
0x51d: {  	v17 =	vsub.f32 v17, v57;
	v30 =	vsub.f32 v59, v60  }
0x51e: {  	v31 =	vld [tilespmem:s12+$0x30]  }
0x51f: {  	v32 =	vsub.f32 v62, v63;
	v16 =	vmul.f32 v17, v16;
	v17 =	vmul.f32 v30, v58;
	_ =	sdelay $0x1  }
0x520: {  	v33 =	vsub.f32 v28, v29;
	v16 =	vadd.f32 v17, v16;
	v17 =	vmul.f32 v32, v61;
	_ =	sdelay $0x1  }
0x521: {  	v16 =	vadd.f32 v17, v16;
	v17 =	vmul.f32 v33, v31;
	_ =	sdelay $0x1  }
0x522: {  	v16 =	vadd.f32 v17, v16;
	_ =	sdelay $0x1  }
0x523: {  	[tilespmem:$0xC780] =	vst v16  }
0x524: {  	v16 =	vld [tilespmem:s12+$0x80]  }
0x525: {  	v17 =	vld [tilespmem:s13+$0x80]  }
0x526: {  	v34 =	vld [tilespmem:s14+$0x80]  }
0x527: {  	v35 =	vld [tilespmem:s12+$0x90]  }
0x528: {  	v36 =	vld [tilespmem:s13+$0x90]  }
0x529: {  	v37 =	vld [tilespmem:s14+$0x90]  }
0x52a: {  	v38 =	vld [tilespmem:s12+$0xA0]  }
0x52b: {  	v39 =	vld [tilespmem:s13+$0xA0]  }
0x52c: {  	v40 =	vld [tilespmem:s14+$0xA0]  }
0x52d: {  	v41 =	vld [tilespmem:s13+$0xB0]  }
0x52e: {  	v42 =	vld [tilespmem:s14+$0xB0]  }
0x52f: {  	v17 =	vsub.f32 v17, v34;
	v43 =	vsub.f32 v36, v37  }
0x530: {  	v44 =	vld [tilespmem:s12+$0xB0]  }
0x531: {  	v45 =	vsub.f32 v39, v40;
	v16 =	vmul.f32 v17, v16;
	v17 =	vmul.f32 v43, v35;
	_ =	sdelay $0x1  }
0x532: {  	v46 =	vsub.f32 v41, v42;
	v16 =	vadd.f32 v17, v16;
	v17 =	vmul.f32 v45, v38;
	_ =	sdelay $0x1  }
0x533: {  	v16 =	vadd.f32 v17, v16;
	v17 =	vmul.f32 v46, v44;
	_ =	sdelay $0x1  }
0x534: {  	v16 =	vadd.f32 v17, v16;
	_ =	sdelay $0x1  }
0x535: {  	[tilespmem:$0xC790] =	vst v16  }
0x536: {  	v16 =	vld [tilespmem:s12+$0x100]  }
0x537: {  	v17 =	vld [tilespmem:s13+$0x100]  }
0x538: {  	v47 =	vld [tilespmem:s14+$0x100]  }
0x539: {  	v48 =	vld [tilespmem:s12+$0x110]  }
0x53a: {  	v49 =	vld [tilespmem:s13+$0x110]  }
0x53b: {  	v50 =	vld [tilespmem:s14+$0x110]  }
0x53c: {  	v51 =	vld [tilespmem:s12+$0x120]  }
0x53d: {  	v52 =	vld [tilespmem:s13+$0x120]  }
0x53e: {  	v53 =	vld [tilespmem:s14+$0x120]  }
0x53f: {  	v54 =	vld [tilespmem:s13+$0x130]  }
0x540: {  	v55 =	vld [tilespmem:s14+$0x130]  }
0x541: {  	v17 =	vsub.f32 v17, v47;
	v56 =	vsub.f32 v49, v50  }
0x542: {  	v57 =	vld [tilespmem:s12+$0x130]  }
0x543: {  	v58 =	vsub.f32 v52, v53;
	v16 =	vmul.f32 v17, v16;
	v17 =	vmul.f32 v56, v48;
	_ =	sdelay $0x1  }
0x544: {  	v59 =	vsub.f32 v54, v55;
	v16 =	vadd.f32 v17, v16;
	v17 =	vmul.f32 v58, v51;
	_ =	sdelay $0x1  }
0x545: {  	v16 =	vadd.f32 v17, v16;
	v17 =	vmul.f32 v59, v57;
	_ =	sdelay $0x1  }
0x546: {  	v16 =	vadd.f32 v17, v16;
	_ =	sdelay $0x1  }
0x547: {  	[tilespmem:$0xC7A0] =	vst v16  }
0x548: {  	v16 =	vld [tilespmem:s12+$0x180]  }
0x549: {  	v17 =	vld [tilespmem:s13+$0x180]  }
0x54a: {  	v60 =	vld [tilespmem:s14+$0x180]  }
0x54b: {  	v61 =	vld [tilespmem:s12+$0x190]  }
0x54c: {  	v62 =	vld [tilespmem:s13+$0x190]  }
0x54d: {  	v63 =	vld [tilespmem:s14+$0x190]  }
0x54e: {  	v28 =	vld [tilespmem:s12+$0x1A0]  }
0x54f: {  	v29 =	vld [tilespmem:s13+$0x1A0]  }
0x550: {  	v30 =	vld [tilespmem:s14+$0x1A0]  }
0x551: {  	v31 =	vld [tilespmem:s13+$0x1B0]  }
0x552: {  	v32 =	vld [tilespmem:s14+$0x1B0]  }
0x553: {  	v17 =	vsub.f32 v17, v60;
	v33 =	vsub.f32 v62, v63  }
0x554: {  	v34 =	vld [tilespmem:s12+$0x1B0]  }
0x555: {  	v35 =	vsub.f32 v29, v30;
	v16 =	vmul.f32 v17, v16;
	v17 =	vmul.f32 v33, v61;
	_ =	sdelay $0x1  }
0x556: {  	v36 =	vsub.f32 v31, v32;
	v16 =	vadd.f32 v17, v16;
	v17 =	vmul.f32 v35, v28;
	_ =	sdelay $0x1  }
0x557: {  	v16 =	vadd.f32 v17, v16;
	v17 =	vmul.f32 v36, v34;
	_ =	sdelay $0x1  }
0x558: {  	v16 =	vadd.f32 v17, v16;
	_ =	sdelay $0x1  }
0x559: {  	[tilespmem:$0xC7B0] =	vst v16  }
0x55a: {  	v16 =	vld [tilespmem:s12+$0x200]  }
0x55b: {  	v17 =	vld [tilespmem:s13+$0x200]  }
0x55c: {  	v37 =	vld [tilespmem:s14+$0x200]  }
0x55d: {  	v38 =	vld [tilespmem:s12+$0x210]  }
0x55e: {  	v39 =	vld [tilespmem:s13+$0x210]  }
0x55f: {  	v40 =	vld [tilespmem:s14+$0x210]  }
0x560: {  	v41 =	vld [tilespmem:s12+$0x220]  }
0x561: {  	v42 =	vld [tilespmem:s13+$0x220]  }
0x562: {  	v43 =	vld [tilespmem:s14+$0x220]  }
0x563: {  	v44 =	vld [tilespmem:s13+$0x230]  }
0x564: {  	v45 =	vld [tilespmem:s14+$0x230]  }
0x565: {  	v17 =	vsub.f32 v17, v37;
	v46 =	vsub.f32 v39, v40  }
0x566: {  	v47 =	vld [tilespmem:s12+$0x230]  }
0x567: {  	v48 =	vsub.f32 v42, v43;
	v16 =	vmul.f32 v17, v16;
	v17 =	vmul.f32 v46, v38;
	_ =	sdelay $0x1  }
0x568: {  	v49 =	vsub.f32 v44, v45;
	v16 =	vadd.f32 v17, v16;
	v17 =	vmul.f32 v48, v41;
	_ =	sdelay $0x1  }
0x569: {  	v16 =	vadd.f32 v17, v16;
	v17 =	vmul.f32 v49, v47;
	_ =	sdelay $0x1  }
0x56a: {  	v16 =	vadd.f32 v17, v16;
	_ =	sdelay $0x1  }
0x56b: {  	[tilespmem:$0xC7C0] =	vst v16  }
0x56c: {  	v16 =	vld [tilespmem:s12+$0x280]  }
0x56d: {  	v17 =	vld [tilespmem:s13+$0x280]  }
0x56e: {  	v50 =	vld [tilespmem:s14+$0x280]  }
0x56f: {  	v51 =	vld [tilespmem:s12+$0x290]  }
0x570: {  	v52 =	vld [tilespmem:s13+$0x290]  }
0x571: {  	v53 =	vld [tilespmem:s14+$0x290]  }
0x572: {  	v54 =	vld [tilespmem:s12+$0x2A0]  }
0x573: {  	v55 =	vld [tilespmem:s13+$0x2A0]  }
0x574: {  	v56 =	vld [tilespmem:s14+$0x2A0]  }
0x575: {  	v57 =	vld [tilespmem:s13+$0x2B0]  }
0x576: {  	v58 =	vld [tilespmem:s14+$0x2B0]  }
0x577: {  	v17 =	vsub.f32 v17, v50;
	v59 =	vsub.f32 v52, v53  }
0x578: {  	v60 =	vld [tilespmem:s12+$0x2B0]  }
0x579: {  	v61 =	vsub.f32 v55, v56;
	v16 =	vmul.f32 v17, v16;
	v17 =	vmul.f32 v59, v51;
	_ =	sdelay $0x1  }
0x57a: {  	v62 =	vsub.f32 v57, v58;
	v16 =	vadd.f32 v17, v16;
	v17 =	vmul.f32 v61, v54;
	_ =	sdelay $0x1  }
0x57b: {  	v16 =	vadd.f32 v17, v16;
	v17 =	vmul.f32 v62, v60;
	_ =	sdelay $0x1  }
0x57c: {  	v16 =	vadd.f32 v17, v16;
	_ =	sdelay $0x1  }
0x57d: {  	[tilespmem:$0xC7D0] =	vst v16  }
0x57e: {  	v16 =	vld [tilespmem:s12+$0x300]  }
0x57f: {  	v17 =	vld [tilespmem:s13+$0x300]  }
0x580: {  	v63 =	vld [tilespmem:s14+$0x300]  }
0x581: {  	v28 =	vld [tilespmem:s12+$0x310]  }
0x582: {  	v29 =	vld [tilespmem:s13+$0x310]  }
0x583: {  	v30 =	vld [tilespmem:s14+$0x310]  }
0x584: {  	v31 =	vld [tilespmem:s12+$0x320]  }
0x585: {  	v32 =	vld [tilespmem:s13+$0x320]  }
0x586: {  	v33 =	vld [tilespmem:s14+$0x320]  }
0x587: {  	v34 =	vld [tilespmem:s13+$0x330]  }
0x588: {  	v35 =	vld [tilespmem:s14+$0x330]  }
0x589: {  	v17 =	vsub.f32 v17, v63;
	v36 =	vsub.f32 v29, v30  }
0x58a: {  	v37 =	vld [tilespmem:s12+$0x330]  }
0x58b: {  	v38 =	vsub.f32 v32, v33;
	v16 =	vmul.f32 v17, v16;
	v17 =	vmul.f32 v36, v28;
	_ =	sdelay $0x1  }
0x58c: {  	v39 =	vsub.f32 v34, v35;
	v16 =	vadd.f32 v17, v16;
	v17 =	vmul.f32 v38, v31;
	_ =	sdelay $0x1  }
0x58d: {  	v16 =	vadd.f32 v17, v16;
	v17 =	vmul.f32 v39, v37;
	_ =	sdelay $0x1  }
0x58e: {  	v16 =	vadd.f32 v17, v16;
	_ =	sdelay $0x1  }
0x58f: {  	[tilespmem:$0xC7E0] =	vst v16  }
0x590: {  	v16 =	vld [tilespmem:s12+$0x380]  }
0x591: {  	v17 =	vld [tilespmem:s13+$0x380]  }
0x592: {  	v40 =	vld [tilespmem:s14+$0x380]  }
0x593: {  	v41 =	vld [tilespmem:s12+$0x390]  }
0x594: {  	v42 =	vld [tilespmem:s13+$0x390]  }
0x595: {  	v43 =	vld [tilespmem:s14+$0x390]  }
0x596: {  	v44 =	vld [tilespmem:s12+$0x3A0]  }
0x597: {  	v45 =	vld [tilespmem:s13+$0x3A0]  }
0x598: {  	v46 =	vld [tilespmem:s14+$0x3A0]  }
0x599: {  	v47 =	vld [tilespmem:s13+$0x3B0]  }
0x59a: {  	v48 =	vld [tilespmem:s14+$0x3B0]  }
0x59b: {  	v17 =	vsub.f32 v17, v40;
	v49 =	vsub.f32 v42, v43  }
0x59c: {  	v50 =	vld [tilespmem:s12+$0x3B0]  }
0x59d: {  	v51 =	vsub.f32 v45, v46;
	v16 =	vmul.f32 v17, v16;
	v17 =	vmul.f32 v49, v41;
	_ =	sdelay $0x1  }
0x59e: {  	v52 =	vsub.f32 v47, v48;
	v16 =	vadd.f32 v17, v16;
	v17 =	vmul.f32 v51, v44;
	_ =	sdelay $0x1  }
0x59f: {  	v16 =	vadd.f32 v17, v16;
	v17 =	vmul.f32 v52, v50;
	_ =	sdelay $0x1  }
0x5a0: {  	v16 =	vadd.f32 v17, v16;
	_ =	sdelay $0x1  }
0x5a1: {  	[tilespmem:$0xC7F0] =	vst v16  }
0x5a2: {  	v16 =	vld.idx.msk [tilespmem:v0+s30+$0x0], $0xffff  }
0x5a3: {  	v17 =	vld.idx.msk [tilespmem:v1+s30+$0x0], $0xffff;
	_ =	sdelay $0x1  }
0x5a4: {  	v53 =	vld.idx.msk [tilespmem:v2+s30+$0x0], $0xffff;
	_ =	sdelay $0x1  }
0x5a5: {  	v54 =	vld.idx.msk [tilespmem:v3+s30+$0x0], $0xffff  }
0x5a6: {  	v16 =	vadd.f32 v17, v16  }
0x5a7: {  	v17 =	vld.idx.msk [tilespmem:v4+s30+$0x0], $0xffff  }
0x5a8: {  	v16 =	vadd.f32 v53, v16  }
0x5a9: {  	v55 =	vld.idx.msk [tilespmem:v5+s30+$0x0], $0xffff  }
0x5aa: {  	v16 =	vadd.f32 v54, v16  }
0x5ab: {  	v56 =	vld.idx.msk [tilespmem:v6+s30+$0x0], $0xffff  }
0x5ac: {  	v16 =	vadd.f32 v17, v16  }
0x5ad: {  	v17 =	vld.idx.msk [tilespmem:v7+s30+$0x0], $0xffff  }
0x5ae: {  	v16 =	vadd.f32 v55, v16  }
0x5af: {  	v57 =	vld.idx.msk [tilespmem:v8+s30+$0x0], $0xffff  }
0x5b0: {  	v16 =	vadd.f32 v56, v16  }
0x5b1: {  	v58 =	vld.idx.msk [tilespmem:v9+s30+$0x0], $0xffff  }
0x5b2: {  	v16 =	vadd.f32 v17, v16  }
0x5b3: {  	v17 =	vld.idx.msk [tilespmem:v10+s30+$0x0], $0xffff  }
0x5b4: {  	v16 =	vadd.f32 v57, v16  }
0x5b5: {  	v59 =	vld.idx.msk [tilespmem:v11+s30+$0x0], $0xffff  }
0x5b6: {  	v16 =	vadd.f32 v58, v16  }
0x5b7: {  	v60 =	vld.idx.msk [tilespmem:v12+s30+$0x0], $0xffff  }
0x5b8: {  	v16 =	vadd.f32 v17, v16  }
0x5b9: {  	v17 =	vld.idx.msk [tilespmem:v13+s30+$0x0], $0xffff  }
0x5ba: {  	v16 =	vadd.f32 v59, v16  }
0x5bb: {  	v61 =	vld.idx.msk [tilespmem:v14+s30+$0x0], $0xffff  }
0x5bc: {  	v16 =	vadd.f32 v60, v16  }
0x5bd: {  	v62 =	vld.idx.msk [tilespmem:v15+s30+$0x0], $0xffff  }
0x5be: {  	s15 =	sshra.s32 s11, $0x2;
	v16 =	vadd.f32 v17, v16  }
0x5bf: {  	v17 =	vld [tilespmem:s15+$0xC600]  }
0x5c0: {  	v16 =	vadd.f32 v61, v16  }
0x5c1: {  	v63 =	vld [tilespmem:s15+$0xC680]  }
0x5c2: {  	v16 =	vadd.f32 v62, v16  }
0x5c3: {  	p0 =	sne.s32 s11, $0x1C0  }
.Ltmp3:
0x5c4: {  	v16 =	vadd.f32 v17, v16;
	(pc) =	sbr.rel @p0 .LBB2_8-.Ltmp3, $4  }
0x5c5: {  	_ = 	snop  }
0x5c6: {  	v16 =	vsub.f32 v16, v63  }
0x5c7: {  	s11 =	sadd.s32 $0x40, s11  }
0x5c8: {  	s12 =	sadd.s32 $0x800, s12;
	s13 =	sadd.s32 $0x800, s13;
	s14 =	sadd.s32 $0x800, s14;
	[tilespmem:s15+$0xC980] =	vst v16  }
0x5c9: {  	s10 =	sadd.s32 $0x1, s10  }
0x5ca: {  	p0 =	sne.s32 s10, s19  }
.Ltmp4:
0x5cb: {  	s11 =	simm.s32 $0xC800;
	(pc) =	sbr.rel @p0 .LBB2_1-.Ltmp4, $4  }
0x5cc: {  	[hbm4b:s18+s1] =	stream.linear.scatter [tilespmem:s11], [sflag:$0x2], $0x200, $0x38;
	[tilespmem:$0xCA00] =	vst v63  }
0x5cd: {  	_ =	swait.ge [sflag:s20], $0x200  }
0x5ce: {  	[sflag:s20] =	ssyncset.done $0x0  }
0x5cf: {  	[sflag:s20] =	ssyncadd.s32 $0xFFFFFE00  }
0x5d0: {  	_ =	sfence.sel $0x180000  }
0x5d1: {  	[bflag:$0x0] =	sbarrier.arrive $0xFFFF  }
0x5d2: {  	_ =	strace $0x90000047  }
0x5d3: {  	s0 =	stileid.u32;
	[bflag:$0x2] =	sbarrier.arrive $0xFFFF  }
0x5d4: {  	p0 =	sne.s32 s0, $0x0;
	s0 =	rddreg [dreg:$0x5]  }
0x5d5: {  	s0 =	sadd.s32 @!p0 $0x100000, s0  }
0x5d6: {  	[sflag:s0] =	ssyncadd.tile.s32 @!p0 $0x1;
	_ =	shalt  }
.Lfunc_end2:
_tile_overlayer_lowered:
.L_overlay_start_2:
0x5d7: {  	(tag) =	ssettag $0x2  }
0x5d8: {  	s0 =	rddreg [dreg:$0x0];
	s2 =	stileid.u32  }
0x5d9: {  	s1 =	rddreg [dreg:$0x1];
	p0 =	sne.s32 s2, $0x0  }
0x5da: {  	s3 =	rddreg [dreg:$0x2];
	[bflag:$0x3] =	sbarrier.arrive $0xFFFF;
	s2 =	simm.s32 @!p0 $0x1C02  }
0x5db: {  	[timem:s3], [sflag:s2] =	dma.local @!p0 [hbm:s0], s1  }
0x5dc: {  	s0 =	simm.s32 @!p0 $0x2  }
0x5dd: {  	_ =	swait.ge @!p0 [sflag:s0], s1  }
0x5de: {  	s1 =	ssub.s32 @!p0 $0x0, s1;
	[sflag:s0] =	ssyncset.done @!p0 $0x0  }
0x5df: {  	[sflag:s0] =	ssyncadd.s32 @!p0 s1  }
0x5e0: {  	[bflag:$0x3] =	sbarrier.arrive $0xFFFF  }
0x5e1: {  	_ =	shalt  }

</sc_bundles>
